<compile_context>
chip_gen: v7x
topology: tpu7x:2x2x1
jax: 0.10.2.dev20260603
libtpu: 0.0.44.dev20260713+nightly
codegen_flags: <defaults>
</compile_context>

<pallas_src>
import functools

import jax
import jax.numpy as jnp
from jax import lax
from jax.experimental import pallas as pl
from jax.experimental.pallas import tpu as pltpu
from jax.experimental.pallas import tpu_sc as plsc

N_N = 10000
N_PAD = 10240
D = 128
DE = 16
DEA = 32
NC = 2
NS = 16
NW = NC * NS
CHUNK = 64
ROWS_SUB = N_PAD // NS


def _sc_aggregate(num_chunks):
    assert num_chunks % 4 == 0
    mesh = plsc.VectorSubcoreMesh(core_axis_name="c", subcore_axis_name="s")
    DEPTH = 4

    def body(x_hbm, src_hbm, dst_hbm, zx_hbm, out_s, *rest):
        srcb = rest[0:DEPTH]
        dstb = rest[DEPTH:2 * DEPTH]
        xb = rest[2 * DEPTH:3 * DEPTH]
        acc_x = rest[3 * DEPTH]
        semg = rest[3 * DEPTH + 1:3 * DEPTH + 1 + DEPTH]
        sems = rest[3 * DEPTH + 1 + DEPTH:]
        c = lax.axis_index("c")
        s = lax.axis_index("s")
        w = s * NC + c
        base = s * ROWS_SUB
        j0 = w * num_chunks

        pltpu.sync_copy(zx_hbm, acc_x.at[pl.ds(base, ROWS_SUB)])
        plsc.subcore_barrier()

        def stage_and_gather(j, b):
            pltpu.sync_copy(src_hbm.at[j0 + j], srcb[b])
            pltpu.sync_copy(dst_hbm.at[j0 + j], dstb[b])
            pltpu.async_copy(x_hbm.at[srcb[b]], xb[b], semg[b])

        def wait_gather(b):
            pltpu.make_async_copy(x_hbm.at[srcb[b]], xb[b], semg[b]).wait()

        def issue_scatter(b):
            pltpu.async_copy(xb[b], acc_x.at[dstb[b]], sems[b], add=True)

        def wait_scatter(b):
            pltpu.make_async_copy(xb[b], acc_x.at[dstb[b]], sems[b]).wait()

        stage_and_gather(0, 0)
        stage_and_gather(1, 1)
        for q in range(DEPTH):
            wait_gather(q)
            issue_scatter(q)
            if q >= 2:
                wait_scatter(q - 2)
            stage_and_gather(q + 2, (q + 2) % DEPTH)

        nblk = num_chunks // DEPTH

        @pl.loop(1, nblk - 1)
        def blk_body(t):
            j = DEPTH * t
            for q in range(DEPTH):
                b = q
                wait_gather(b)
                issue_scatter(b)
                wait_scatter((q + 2) % DEPTH)
                stage_and_gather(j + q + 2, (q + 2) % DEPTH)

        for q in range(DEPTH):
            j = num_chunks - DEPTH + q
            wait_gather(q)
            issue_scatter(q)
            wait_scatter((q + 2) % DEPTH)
            if q < 2:
                stage_and_gather(j + 2, (q + 2) % DEPTH)
        wait_scatter(2)
        wait_scatter(3)

        plsc.subcore_barrier()
        pltpu.sync_copy(acc_x.at[pl.ds(base, ROWS_SUB)], out_s.at[c * NS + s])

    return functools.partial(
        pl.kernel,
        out_type=jax.ShapeDtypeStruct((NC * NS, ROWS_SUB, D), jnp.float32),
        mesh=mesh,
        scratch_types=(
            [pltpu.VMEM((CHUNK,), jnp.int32)] * DEPTH
            + [pltpu.VMEM((CHUNK,), jnp.int32)] * DEPTH
            + [pltpu.VMEM((CHUNK, D), jnp.float32)] * DEPTH
            + [pltpu.VMEM_SHARED((N_PAD, D), jnp.float32)]
            + [pltpu.SemaphoreType.DMA] * (2 * DEPTH)
        ))(body)


def _sc_edge_aggregate(num_chunks):
    mesh = plsc.VectorSubcoreMesh(core_axis_name="c", subcore_axis_name="s")

    def body(ef_hbm, dst_hbm, zx_hbm, out_e, dst_c, ebuf, wbuf, acc_e):
        c = lax.axis_index("c")
        s = lax.axis_index("s")
        w = s * NC + c
        base = s * ROWS_SUB

        pltpu.sync_copy(zx_hbm, acc_e.at[pl.ds(base, ROWS_SUB)])
        pltpu.sync_copy(zx_hbm.at[pl.ds(0, CHUNK)], wbuf)
        plsc.subcore_barrier()

        @pl.loop(0, num_chunks)
        def chunk_body(j):
            jj = w * num_chunks + j
            pltpu.sync_copy(dst_hbm.at[jj], dst_c)
            pltpu.sync_copy(ef_hbm.at[pl.ds(jj * CHUNK, CHUNK)], ebuf)
            for i in range(CHUNK):
                wbuf[i, pl.ds(0, 16)] = ebuf[i, pl.ds(0, 16)]
                wbuf[i, pl.ds(16, 16)] = ebuf[i, pl.ds(16, 16)]
            pltpu.sync_copy(wbuf, acc_e.at[dst_c], add=True)

        plsc.subcore_barrier()
        pltpu.sync_copy(acc_e.at[pl.ds(base, ROWS_SUB)], out_e.at[c * NS + s])

    return functools.partial(
        pl.kernel,
        out_type=jax.ShapeDtypeStruct((NC * NS, ROWS_SUB, D), jnp.float32),
        mesh=mesh,
        scratch_types=[
            pltpu.VMEM((CHUNK,), jnp.int32),
            pltpu.VMEM((CHUNK, DEA), jnp.float32),
            pltpu.VMEM((CHUNK, D), jnp.float32),
            pltpu.VMEM_SHARED((N_PAD, D), jnp.float32),
        ])(body)


BLK = 512
GRID = N_PAD // BLK


def _dense_layer(relu):

    def body(x_ref, s_ref, e_ref, ws_ref, bs_ref, wx_ref, we_ref,
             bm_ref, g_ref, b_ref, o_ref):
        x = x_ref[...]
        sm = s_ref[0] + s_ref[1]
        ea = e_ref[0] + e_ref[1]
        em = ea[:, :DE]
        deg = ea[:, DE]
        agg = jnp.dot(sm, wx_ref[...], preferred_element_type=jnp.float32)
        agg = agg + jnp.dot(em, we_ref[...], preferred_element_type=jnp.float32)
        agg = agg + deg[:, None] * bm_ref[...]
        agg = agg / jnp.maximum(deg, 1.0)[:, None]
        comb = jnp.dot(x, ws_ref[...], preferred_element_type=jnp.float32)
        comb = comb + bs_ref[...] + agg
        mu = jnp.mean(comb, axis=-1, keepdims=True)
        var = jnp.mean((comb - mu) ** 2, axis=-1, keepdims=True)
        out = (comb - mu) * lax.rsqrt(var + 1e-5) * g_ref[...] + b_ref[...]
        if relu:
            out = jnp.maximum(out, 0.0)
        o_ref[...] = out

    return pl.pallas_call(
        body,
        grid=(GRID,),
        in_specs=[
            pl.BlockSpec((BLK, D), lambda i: (i, 0)),
            pl.BlockSpec((NC, BLK, D), lambda i: (0, i, 0)),
            pl.BlockSpec((NC, BLK, D), lambda i: (0, i, 0)),
            pl.BlockSpec((D, D), lambda i: (0, 0)),
            pl.BlockSpec((1, D), lambda i: (0, 0)),
            pl.BlockSpec((D, D), lambda i: (0, 0)),
            pl.BlockSpec((DE, D), lambda i: (0, 0)),
            pl.BlockSpec((1, D), lambda i: (0, 0)),
            pl.BlockSpec((1, D), lambda i: (0, 0)),
            pl.BlockSpec((1, D), lambda i: (0, 0)),
        ],
        out_specs=pl.BlockSpec((BLK, D), lambda i: (i, 0)),
        out_shape=jax.ShapeDtypeStruct((N_PAD, D), jnp.float32),
    )


def kernel(node_features, edge_index, edge_features,
           W_self1, b_self1, W_msg1, b_msg1, ln_g1, ln_b1,
           W_self2, b_self2, W_msg2, b_msg2, ln_g2, ln_b2):
    n_edges = edge_index.shape[1]
    e_pad = -(-n_edges // (NW * CHUNK * 4)) * (NW * CHUNK * 4)
    num_chunks = e_pad // (NW * CHUNK)

    src = edge_index[0].astype(jnp.int32)
    dst = edge_index[1].astype(jnp.int32)
    pad = e_pad - n_edges
    src_p = jnp.concatenate(
        [src, jnp.zeros((pad,), jnp.int32)]).reshape(NW * num_chunks, CHUNK)
    dst_p = jnp.concatenate(
        [dst, jnp.full((pad,), N_N, jnp.int32)]).reshape(NW * num_chunks,
                                                         CHUNK)
    ef_p = jnp.concatenate(
        [jnp.concatenate(
            [edge_features,
             jnp.ones((n_edges, 1), jnp.float32),
             jnp.zeros((n_edges, DEA - DE - 1), jnp.float32)], axis=1),
         jnp.zeros((pad, DEA), jnp.float32)], axis=0)

    zx = jnp.zeros((ROWS_SUB, D), jnp.float32)
    x_pad = jnp.pad(node_features, ((0, N_PAD - N_N), (0, 0)))

    ep = _sc_edge_aggregate(num_chunks)(ef_p, dst_p, zx)
    ep = ep.reshape(NC, N_PAD, D)

    s1p = _sc_aggregate(num_chunks)(node_features, src_p, dst_p, zx)
    s1p = s1p.reshape(NC, N_PAD, D)

    h1 = _dense_layer(relu=True)(
        x_pad, s1p, ep,
        W_self1, b_self1.reshape(1, D), W_msg1[:D], W_msg1[D:],
        b_msg1.reshape(1, D), ln_g1.reshape(1, D), ln_b1.reshape(1, D))

    s2p = _sc_aggregate(num_chunks)(h1, src_p, dst_p, zx)
    s2p = s2p.reshape(NC, N_PAD, D)

    h2 = _dense_layer(relu=False)(
        h1, s2p, ep,
        W_self2, b_self2.reshape(1, D), W_msg2[:D], W_msg2[D:],
        b_msg2.reshape(1, D), ln_g2.reshape(1, D), ln_b2.reshape(1, D))
    return h2[:N_N]

# --- scband reference (transcript-rebuilt; emitter-appended) ---
"""Pipeline reference for scband-graph-encoder-3693671874956 (READ-ONLY COPY).

The authoritative reference and input builder live on the scoring server;
editing this copy changes nothing except your own understanding.
"""

import jax, jax.numpy as jnp
import numpy as np

N_NODES = 10000
N_EDGES = 320000
D_NODE = 128
D_EDGE = 16
D_HID = 128
D_LAT = 128


def _sage_layer(x, edge_feat, src, dst, W_self, b_self, W_msg, b_msg, ln_g, ln_b, activate):
    # messages: gather source node features, concat edge features, project
    msgs = jnp.concatenate([x[src], edge_feat], axis=-1) @ W_msg + b_msg
    num_nodes = x.shape[0]
    agg = jax.ops.segment_sum(msgs, dst, num_segments=num_nodes)
    deg = jax.ops.segment_sum(jnp.ones((src.shape[0],), dtype=x.dtype), dst, num_segments=num_nodes)
    agg = agg / jnp.clip(deg, 1.0, None)[:, None]
    combined = x @ W_self + b_self + agg
    # LayerNorm (eps=1e-5)
    mu = combined.mean(axis=-1, keepdims=True)
    var = combined.var(axis=-1, keepdims=True)
    combined = (combined - mu) / jnp.sqrt(var + 1e-5) * ln_g + ln_b
    if activate:
        combined = jax.nn.relu(combined)
    return combined


def setup_inputs(seed: int = 0) -> dict:
    key = jax.random.key(seed)
    ks = jax.random.split(key, 12)
    node_features = jax.random.normal(ks[0], (N_NODES, D_NODE), dtype=jnp.float32)
    edge_index = jax.random.randint(ks[1], (2, N_EDGES), 0, N_NODES, dtype=jnp.int64)
    edge_features = jax.random.normal(ks[2], (N_EDGES, D_EDGE), dtype=jnp.float32)
    # layer 1 params: in=D_NODE, out=D_HID, message in=D_NODE+D_EDGE
    W_self1 = jax.random.normal(ks[3], (D_NODE, D_HID), dtype=jnp.float32) * 0.05
    b_self1 = jnp.zeros((D_HID,), dtype=jnp.float32)
    W_msg1 = jax.random.normal(ks[4], (D_NODE + D_EDGE, D_HID), dtype=jnp.float32) * 0.05
    b_msg1 = jnp.zeros((D_HID,), dtype=jnp.float32)
    ln_g1 = jnp.ones((D_HID,), dtype=jnp.float32)
    ln_b1 = jnp.zeros((D_HID,), dtype=jnp.float32)
    # layer 2 params: in=D_HID, out=D_LAT, message in=D_HID+D_EDGE
    W_self2 = jax.random.normal(ks[5], (D_HID, D_LAT), dtype=jnp.float32) * 0.05
    b_self2 = jnp.zeros((D_LAT,), dtype=jnp.float32)
    W_msg2 = jax.random.normal(ks[6], (D_HID + D_EDGE, D_LAT), dtype=jnp.float32) * 0.05
    b_msg2 = jnp.zeros((D_LAT,), dtype=jnp.float32)
    ln_g2 = jnp.ones((D_LAT,), dtype=jnp.float32)
    ln_b2 = jnp.zeros((D_LAT,), dtype=jnp.float32)
    return {
        "node_features": node_features,
        "edge_index": edge_index,
        "edge_features": edge_features,
        "W_self1": W_self1, "b_self1": b_self1, "W_msg1": W_msg1, "b_msg1": b_msg1,
        "ln_g1": ln_g1, "ln_b1": ln_b1,
        "W_self2": W_self2, "b_self2": b_self2, "W_msg2": W_msg2, "b_msg2": b_msg2,
        "ln_g2": ln_g2, "ln_b2": ln_b2,
    }


def reference(node_features, edge_index, edge_features,
              W_self1, b_self1, W_msg1, b_msg1, ln_g1, ln_b1,
              W_self2, b_self2, W_msg2, b_msg2, ln_g2, ln_b2):
    src = edge_index[0]
    dst = edge_index[1]
    h = _sage_layer(node_features, edge_features, src, dst,
                    W_self1, b_self1, W_msg1, b_msg1, ln_g1, ln_b1, activate=True)
    h = _sage_layer(h, edge_features, src, dst,
                    W_self2, b_self2, W_msg2, b_msg2, ln_g2, ln_b2, activate=False)
    return h

if __name__ == "__main__":
    import jax
    _d = setup_inputs()
    print(jax.jit(kernel)(*tuple(_d.values())))

</pallas_src>

<mosaic_0001>
#map = affine_map<(d0, d1) -> (0, 0)>
#map1 = affine_map<(d0, d1) -> (0, 0, 0)>
module attributes {stable_mosaic.version = 14 : i64} {
  func.func @body(%arg0: i32, %arg1: i32, %arg2: memref<10000x128xf32, #tpu.memory_space<hbm>>, %arg3: memref<5120x64xi32, #tpu.memory_space<hbm>>, %arg4: memref<5120x64xi32, #tpu.memory_space<hbm>>, %arg5: memref<640x128xf32, #tpu.memory_space<hbm>>, %arg6: memref<32x640x128xf32, #tpu.memory_space<hbm>>, %arg7: memref<64xi32, #tpu.memory_space<vmem>>, %arg8: memref<64xi32, #tpu.memory_space<vmem>>, %arg9: memref<64xi32, #tpu.memory_space<vmem>>, %arg10: memref<64xi32, #tpu.memory_space<vmem>>, %arg11: memref<64xi32, #tpu.memory_space<vmem>>, %arg12: memref<64xi32, #tpu.memory_space<vmem>>, %arg13: memref<64xi32, #tpu.memory_space<vmem>>, %arg14: memref<64xi32, #tpu.memory_space<vmem>>, %arg15: memref<64x128xf32, #tpu.memory_space<vmem>>, %arg16: memref<64x128xf32, #tpu.memory_space<vmem>>, %arg17: memref<64x128xf32, #tpu.memory_space<vmem>>, %arg18: memref<64x128xf32, #tpu.memory_space<vmem>>, %arg19: memref<10240x128xf32, #tpu.memory_space<vmem_shared>>, %arg20: memref<!tpu.dma_semaphore, #tpu.memory_space<semaphore_mem>>, %arg21: memref<!tpu.dma_semaphore, #tpu.memory_space<semaphore_mem>>, %arg22: memref<!tpu.dma_semaphore, #tpu.memory_space<semaphore_mem>>, %arg23: memref<!tpu.dma_semaphore, #tpu.memory_space<semaphore_mem>>, %arg24: memref<!tpu.dma_semaphore, #tpu.memory_space<semaphore_mem>>, %arg25: memref<!tpu.dma_semaphore, #tpu.memory_space<semaphore_mem>>, %arg26: memref<!tpu.dma_semaphore, #tpu.memory_space<semaphore_mem>>, %arg27: memref<!tpu.dma_semaphore, #tpu.memory_space<semaphore_mem>>) attributes {dimension_semantics = [#tpu.dimension_semantics<core_parallel>, #tpu.dimension_semantics<subcore_parallel>], iteration_bounds = array<i64: 2, 16>, scalar_prefetch = 0 : i64, scratch_operands = 21 : i64, tpu.core_type = #tpu.core_type<sc_vector_subcore>, window_params = [{transform_indices = #map}, {transform_indices = #map}, {transform_indices = #map}, {transform_indices = #map}, {transform_indices = #map1}]} {
    %mul3A = arith.constant 2 : i32
    %mul3A_0 = arith.muli %arg1, %mul3A : i32
    %add3A = arith.addi %mul3A_0, %arg0 : i32
    %mul3A_1 = arith.constant 640 : i32
    %mul3A_2 = arith.muli %arg1, %mul3A_1 : i32
    %mul3A_3 = arith.constant 160 : i32
    %mul3A_4 = arith.muli %add3A, %mul3A_3 : i32
    "tpu.region"() ({
      %run_scoped3A = tpu.sem_alloc : memref<!tpu.dma_semaphore, #tpu.memory_space<semaphore_mem>>
      %dma_start3A_139 = arith.constant 0 : i32
      %dma_start3A_140 = tpu.memref_slice %arg19[%mul3A_2, %dma_start3A_139] : memref<10240x128xf32, #tpu.memory_space<vmem_shared>> -> memref<640x128xf32, #tpu.memory_space<vmem_shared>>
      tpu.enqueue_dma source(%arg5 : memref<640x128xf32, #tpu.memory_space<hbm>>) target(%dma_start3A_140 : memref<640x128xf32, #tpu.memory_space<vmem_shared>>) target_semaphore(%run_scoped3A : memref<!tpu.dma_semaphore, #tpu.memory_space<semaphore_mem>>)
      %dma_wait3A_141 = arith.constant 0 : i32
      %dma_wait3A_142 = tpu.memref_slice %arg19[%mul3A_2, %dma_wait3A_141] : memref<10240x128xf32, #tpu.memory_space<vmem_shared>> -> memref<640x128xf32, #tpu.memory_space<vmem_shared>>
      tpu.wait_dma2 semaphore(%run_scoped3A : memref<!tpu.dma_semaphore, #tpu.memory_space<semaphore_mem>>) src(%arg5 : memref<640x128xf32, #tpu.memory_space<hbm>>) dst(%dma_wait3A_142 : memref<640x128xf32, #tpu.memory_space<vmem_shared>>)
      tpu.yield
    }) : () -> ()
    %barrier3A = arith.constant 0 : index
    tpu.barrier barrier_id(%barrier3A)
    %add3A_5 = arith.constant 0 : i32
    %add3A_6 = arith.addi %mul3A_4, %add3A_5 : i32
    "tpu.region"() ({
      %run_scoped3A = tpu.sem_alloc : memref<!tpu.dma_semaphore, #tpu.memory_space<semaphore_mem>>
      %dma_start3A_139 = arith.constant 0 : i32
      %dma_start3A_140 = tpu.memref_slice %arg3[%add3A_6, %dma_start3A_139] : memref<5120x64xi32, #tpu.memory_space<hbm>> -> memref<1x64xi32, #tpu.memory_space<hbm>>
      %dma_start3A_141 = tpu.memref_squeeze %dma_start3A_140 : memref<1x64xi32, #tpu.memory_space<hbm>> -> memref<64xi32, #tpu.memory_space<hbm>>
      %dma_start3A_142 = arith.constant 0 : i32
      %dma_start3A_143 = tpu.memref_slice %arg3[%add3A_6, %dma_start3A_142] : memref<5120x64xi32, #tpu.memory_space<hbm>> -> memref<1x64xi32, #tpu.memory_space<hbm>>
      %dma_start3A_144 = tpu.memref_squeeze %dma_start3A_143 : memref<1x64xi32, #tpu.memory_space<hbm>> -> memref<64xi32, #tpu.memory_space<hbm>>
      tpu.enqueue_dma source(%dma_start3A_144 : memref<64xi32, #tpu.memory_space<hbm>>) target(%arg7 : memref<64xi32, #tpu.memory_space<vmem>>) target_semaphore(%run_scoped3A : memref<!tpu.dma_semaphore, #tpu.memory_space<semaphore_mem>>)
      %dma_wait3A_145 = arith.constant 0 : i32
      %dma_wait3A_146 = tpu.memref_slice %arg3[%add3A_6, %dma_wait3A_145] : memref<5120x64xi32, #tpu.memory_space<hbm>> -> memref<1x64xi32, #tpu.memory_space<hbm>>
      %dma_wait3A_147 = tpu.memref_squeeze %dma_wait3A_146 : memref<1x64xi32, #tpu.memory_space<hbm>> -> memref<64xi32, #tpu.memory_space<hbm>>
      %dma_wait3A_148 = arith.constant 0 : i32
      %dma_wait3A_149 = tpu.memref_slice %arg3[%add3A_6, %dma_wait3A_148] : memref<5120x64xi32, #tpu.memory_space<hbm>> -> memref<1x64xi32, #tpu.memory_space<hbm>>
      %dma_wait3A_150 = tpu.memref_squeeze %dma_wait3A_149 : memref<1x64xi32, #tpu.memory_space<hbm>> -> memref<64xi32, #tpu.memory_space<hbm>>
      tpu.wait_dma2 semaphore(%run_scoped3A : memref<!tpu.dma_semaphore, #tpu.memory_space<semaphore_mem>>) src(%dma_wait3A_150 : memref<64xi32, #tpu.memory_space<hbm>>) dst(%arg7 : memref<64xi32, #tpu.memory_space<vmem>>)
      tpu.yield
    }) : () -> ()
    %add3A_7 = arith.constant 0 : i32
    %add3A_8 = arith.addi %mul3A_4, %add3A_7 : i32
    "tpu.region"() ({
      %run_scoped3A = tpu.sem_alloc : memref<!tpu.dma_semaphore, #tpu.memory_space<semaphore_mem>>
      %dma_start3A_139 = arith.constant 0 : i32
      %dma_start3A_140 = tpu.memref_slice %arg4[%add3A_8, %dma_start3A_139] : memref<5120x64xi32, #tpu.memory_space<hbm>> -> memref<1x64xi32, #tpu.memory_space<hbm>>
      %dma_start3A_141 = tpu.memref_squeeze %dma_start3A_140 : memref<1x64xi32, #tpu.memory_space<hbm>> -> memref<64xi32, #tpu.memory_space<hbm>>
      %dma_start3A_142 = arith.constant 0 : i32
      %dma_start3A_143 = tpu.memref_slice %arg4[%add3A_8, %dma_start3A_142] : memref<5120x64xi32, #tpu.memory_space<hbm>> -> memref<1x64xi32, #tpu.memory_space<hbm>>
      %dma_start3A_144 = tpu.memref_squeeze %dma_start3A_143 : memref<1x64xi32, #tpu.memory_space<hbm>> -> memref<64xi32, #tpu.memory_space<hbm>>
      tpu.enqueue_dma source(%dma_start3A_144 : memref<64xi32, #tpu.memory_space<hbm>>) target(%arg11 : memref<64xi32, #tpu.memory_space<vmem>>) target_semaphore(%run_scoped3A : memref<!tpu.dma_semaphore, #tpu.memory_space<semaphore_mem>>)
      %dma_wait3A_145 = arith.constant 0 : i32
      %dma_wait3A_146 = tpu.memref_slice %arg4[%add3A_8, %dma_wait3A_145] : memref<5120x64xi32, #tpu.memory_space<hbm>> -> memref<1x64xi32, #tpu.memory_space<hbm>>
      %dma_wait3A_147 = tpu.memref_squeeze %dma_wait3A_146 : memref<1x64xi32, #tpu.memory_space<hbm>> -> memref<64xi32, #tpu.memory_space<hbm>>
      %dma_wait3A_148 = arith.constant 0 : i32
      %dma_wait3A_149 = tpu.memref_slice %arg4[%add3A_8, %dma_wait3A_148] : memref<5120x64xi32, #tpu.memory_space<hbm>> -> memref<1x64xi32, #tpu.memory_space<hbm>>
      %dma_wait3A_150 = tpu.memref_squeeze %dma_wait3A_149 : memref<1x64xi32, #tpu.memory_space<hbm>> -> memref<64xi32, #tpu.memory_space<hbm>>
      tpu.wait_dma2 semaphore(%run_scoped3A : memref<!tpu.dma_semaphore, #tpu.memory_space<semaphore_mem>>) src(%dma_wait3A_150 : memref<64xi32, #tpu.memory_space<hbm>>) dst(%arg11 : memref<64xi32, #tpu.memory_space<vmem>>)
      tpu.yield
    }) : () -> ()
    %dma_start3A = arith.constant 0 : i32
    %dma_start3A_9 = arith.constant 0 : i32
    %dma_start3A_10 = tpu.memref_slice %arg2[%dma_start3A, %dma_start3A_9] : memref<10000x128xf32, #tpu.memory_space<hbm>> -> memref<10000x128xf32, #tpu.memory_space<hbm>>
    tpu.enqueue_indirect_dma source(%dma_start3A_10 : memref<10000x128xf32, #tpu.memory_space<hbm>>) target(%arg15 : memref<64x128xf32, #tpu.memory_space<vmem>>) offsets(%arg7 : memref<64xi32, #tpu.memory_space<vmem>>) semaphore(%arg20 : memref<!tpu.dma_semaphore, #tpu.memory_space<semaphore_mem>>)
    %add3A_11 = arith.constant 1 : i32
    %add3A_12 = arith.addi %mul3A_4, %add3A_11 : i32
    "tpu.region"() ({
      %run_scoped3A = tpu.sem_alloc : memref<!tpu.dma_semaphore, #tpu.memory_space<semaphore_mem>>
      %dma_start3A_139 = arith.constant 0 : i32
      %dma_start3A_140 = tpu.memref_slice %arg3[%add3A_12, %dma_start3A_139] : memref<5120x64xi32, #tpu.memory_space<hbm>> -> memref<1x64xi32, #tpu.memory_space<hbm>>
      %dma_start3A_141 = tpu.memref_squeeze %dma_start3A_140 : memref<1x64xi32, #tpu.memory_space<hbm>> -> memref<64xi32, #tpu.memory_space<hbm>>
      %dma_start3A_142 = arith.constant 0 : i32
      %dma_start3A_143 = tpu.memref_slice %arg3[%add3A_12, %dma_start3A_142] : memref<5120x64xi32, #tpu.memory_space<hbm>> -> memref<1x64xi32, #tpu.memory_space<hbm>>
      %dma_start3A_144 = tpu.memref_squeeze %dma_start3A_143 : memref<1x64xi32, #tpu.memory_space<hbm>> -> memref<64xi32, #tpu.memory_space<hbm>>
      tpu.enqueue_dma source(%dma_start3A_144 : memref<64xi32, #tpu.memory_space<hbm>>) target(%arg8 : memref<64xi32, #tpu.memory_space<vmem>>) target_semaphore(%run_scoped3A : memref<!tpu.dma_semaphore, #tpu.memory_space<semaphore_mem>>)
      %dma_wait3A_145 = arith.constant 0 : i32
      %dma_wait3A_146 = tpu.memref_slice %arg3[%add3A_12, %dma_wait3A_145] : memref<5120x64xi32, #tpu.memory_space<hbm>> -> memref<1x64xi32, #tpu.memory_space<hbm>>
      %dma_wait3A_147 = tpu.memref_squeeze %dma_wait3A_146 : memref<1x64xi32, #tpu.memory_space<hbm>> -> memref<64xi32, #tpu.memory_space<hbm>>
      %dma_wait3A_148 = arith.constant 0 : i32
      %dma_wait3A_149 = tpu.memref_slice %arg3[%add3A_12, %dma_wait3A_148] : memref<5120x64xi32, #tpu.memory_space<hbm>> -> memref<1x64xi32, #tpu.memory_space<hbm>>
      %dma_wait3A_150 = tpu.memref_squeeze %dma_wait3A_149 : memref<1x64xi32, #tpu.memory_space<hbm>> -> memref<64xi32, #tpu.memory_space<hbm>>
      tpu.wait_dma2 semaphore(%run_scoped3A : memref<!tpu.dma_semaphore, #tpu.memory_space<semaphore_mem>>) src(%dma_wait3A_150 : memref<64xi32, #tpu.memory_space<hbm>>) dst(%arg8 : memref<64xi32, #tpu.memory_space<vmem>>)
      tpu.yield
    }) : () -> ()
    %add3A_13 = arith.constant 1 : i32
    %add3A_14 = arith.addi %mul3A_4, %add3A_13 : i32
    "tpu.region"() ({
      %run_scoped3A = tpu.sem_alloc : memref<!tpu.dma_semaphore, #tpu.memory_space<semaphore_mem>>
      %dma_start3A_139 = arith.constant 0 : i32
      %dma_start3A_140 = tpu.memref_slice %arg4[%add3A_14, %dma_start3A_139] : memref<5120x64xi32, #tpu.memory_space<hbm>> -> memref<1x64xi32, #tpu.memory_space<hbm>>
      %dma_start3A_141 = tpu.memref_squeeze %dma_start3A_140 : memref<1x64xi32, #tpu.memory_space<hbm>> -> memref<64xi32, #tpu.memory_space<hbm>>
      %dma_start3A_142 = arith.constant 0 : i32
      %dma_start3A_143 = tpu.memref_slice %arg4[%add3A_14, %dma_start3A_142] : memref<5120x64xi32, #tpu.memory_space<hbm>> -> memref<1x64xi32, #tpu.memory_space<hbm>>
      %dma_start3A_144 = tpu.memref_squeeze %dma_start3A_143 : memref<1x64xi32, #tpu.memory_space<hbm>> -> memref<64xi32, #tpu.memory_space<hbm>>
      tpu.enqueue_dma source(%dma_start3A_144 : memref<64xi32, #tpu.memory_space<hbm>>) target(%arg12 : memref<64xi32, #tpu.memory_space<vmem>>) target_semaphore(%run_scoped3A : memref<!tpu.dma_semaphore, #tpu.memory_space<semaphore_mem>>)
      %dma_wait3A_145 = arith.constant 0 : i32
      %dma_wait3A_146 = tpu.memref_slice %arg4[%add3A_14, %dma_wait3A_145] : memref<5120x64xi32, #tpu.memory_space<hbm>> -> memref<1x64xi32, #tpu.memory_space<hbm>>
      %dma_wait3A_147 = tpu.memref_squeeze %dma_wait3A_146 : memref<1x64xi32, #tpu.memory_space<hbm>> -> memref<64xi32, #tpu.memory_space<hbm>>
      %dma_wait3A_148 = arith.constant 0 : i32
      %dma_wait3A_149 = tpu.memref_slice %arg4[%add3A_14, %dma_wait3A_148] : memref<5120x64xi32, #tpu.memory_space<hbm>> -> memref<1x64xi32, #tpu.memory_space<hbm>>
      %dma_wait3A_150 = tpu.memref_squeeze %dma_wait3A_149 : memref<1x64xi32, #tpu.memory_space<hbm>> -> memref<64xi32, #tpu.memory_space<hbm>>
      tpu.wait_dma2 semaphore(%run_scoped3A : memref<!tpu.dma_semaphore, #tpu.memory_space<semaphore_mem>>) src(%dma_wait3A_150 : memref<64xi32, #tpu.memory_space<hbm>>) dst(%arg12 : memref<64xi32, #tpu.memory_space<vmem>>)
      tpu.yield
    }) : () -> ()
    %dma_start3A_15 = arith.constant 0 : i32
    %dma_start3A_16 = arith.constant 0 : i32
    %dma_start3A_17 = tpu.memref_slice %arg2[%dma_start3A_15, %dma_start3A_16] : memref<10000x128xf32, #tpu.memory_space<hbm>> -> memref<10000x128xf32, #tpu.memory_space<hbm>>
    tpu.enqueue_indirect_dma source(%dma_start3A_17 : memref<10000x128xf32, #tpu.memory_space<hbm>>) target(%arg16 : memref<64x128xf32, #tpu.memory_space<vmem>>) offsets(%arg8 : memref<64xi32, #tpu.memory_space<vmem>>) semaphore(%arg21 : memref<!tpu.dma_semaphore, #tpu.memory_space<semaphore_mem>>)
    %dma_wait3A = arith.constant 0 : i32
    %dma_wait3A_18 = arith.constant 0 : i32
    %dma_wait3A_19 = tpu.memref_slice %arg2[%dma_wait3A, %dma_wait3A_18] : memref<10000x128xf32, #tpu.memory_space<hbm>> -> memref<10000x128xf32, #tpu.memory_space<hbm>>
    tpu.wait_indirect_dma semaphore(%arg20 : memref<!tpu.dma_semaphore, #tpu.memory_space<semaphore_mem>>) src(%dma_wait3A_19 : memref<10000x128xf32, #tpu.memory_space<hbm>>) dst(%arg15 : memref<64x128xf32, #tpu.memory_space<vmem>>)
    %dma_start3A_20 = arith.constant 0 : i32
    %dma_start3A_21 = arith.constant 0 : i32
    %dma_start3A_22 = tpu.memref_slice %arg19[%dma_start3A_20, %dma_start3A_21] : memref<10240x128xf32, #tpu.memory_space<vmem_shared>> -> memref<10240x128xf32, #tpu.memory_space<vmem_shared>>
    tpu.enqueue_indirect_dma source(%arg15 : memref<64x128xf32, #tpu.memory_space<vmem>>) target(%dma_start3A_22 : memref<10240x128xf32, #tpu.memory_space<vmem_shared>>) offsets(%arg11 : memref<64xi32, #tpu.memory_space<vmem>>) semaphore(%arg24 : memref<!tpu.dma_semaphore, #tpu.memory_space<semaphore_mem>>) {add = true}
    %add3A_23 = arith.constant 2 : i32
    %add3A_24 = arith.addi %mul3A_4, %add3A_23 : i32
    "tpu.region"() ({
      %run_scoped3A = tpu.sem_alloc : memref<!tpu.dma_semaphore, #tpu.memory_space<semaphore_mem>>
      %dma_start3A_139 = arith.constant 0 : i32
      %dma_start3A_140 = tpu.memref_slice %arg3[%add3A_24, %dma_start3A_139] : memref<5120x64xi32, #tpu.memory_space<hbm>> -> memref<1x64xi32, #tpu.memory_space<hbm>>
      %dma_start3A_141 = tpu.memref_squeeze %dma_start3A_140 : memref<1x64xi32, #tpu.memory_space<hbm>> -> memref<64xi32, #tpu.memory_space<hbm>>
      %dma_start3A_142 = arith.constant 0 : i32
      %dma_start3A_143 = tpu.memref_slice %arg3[%add3A_24, %dma_start3A_142] : memref<5120x64xi32, #tpu.memory_space<hbm>> -> memref<1x64xi32, #tpu.memory_space<hbm>>
      %dma_start3A_144 = tpu.memref_squeeze %dma_start3A_143 : memref<1x64xi32, #tpu.memory_space<hbm>> -> memref<64xi32, #tpu.memory_space<hbm>>
      tpu.enqueue_dma source(%dma_start3A_144 : memref<64xi32, #tpu.memory_space<hbm>>) target(%arg9 : memref<64xi32, #tpu.memory_space<vmem>>) target_semaphore(%run_scoped3A : memref<!tpu.dma_semaphore, #tpu.memory_space<semaphore_mem>>)
      %dma_wait3A_145 = arith.constant 0 : i32
      %dma_wait3A_146 = tpu.memref_slice %arg3[%add3A_24, %dma_wait3A_145] : memref<5120x64xi32, #tpu.memory_space<hbm>> -> memref<1x64xi32, #tpu.memory_space<hbm>>
      %dma_wait3A_147 = tpu.memref_squeeze %dma_wait3A_146 : memref<1x64xi32, #tpu.memory_space<hbm>> -> memref<64xi32, #tpu.memory_space<hbm>>
      %dma_wait3A_148 = arith.constant 0 : i32
      %dma_wait3A_149 = tpu.memref_slice %arg3[%add3A_24, %dma_wait3A_148] : memref<5120x64xi32, #tpu.memory_space<hbm>> -> memref<1x64xi32, #tpu.memory_space<hbm>>
      %dma_wait3A_150 = tpu.memref_squeeze %dma_wait3A_149 : memref<1x64xi32, #tpu.memory_space<hbm>> -> memref<64xi32, #tpu.memory_space<hbm>>
      tpu.wait_dma2 semaphore(%run_scoped3A : memref<!tpu.dma_semaphore, #tpu.memory_space<semaphore_mem>>) src(%dma_wait3A_150 : memref<64xi32, #tpu.memory_space<hbm>>) dst(%arg9 : memref<64xi32, #tpu.memory_space<vmem>>)
      tpu.yield
    }) : () -> ()
    %add3A_25 = arith.constant 2 : i32
    %add3A_26 = arith.addi %mul3A_4, %add3A_25 : i32
    "tpu.region"() ({
      %run_scoped3A = tpu.sem_alloc : memref<!tpu.dma_semaphore, #tpu.memory_space<semaphore_mem>>
      %dma_start3A_139 = arith.constant 0 : i32
      %dma_start3A_140 = tpu.memref_slice %arg4[%add3A_26, %dma_start3A_139] : memref<5120x64xi32, #tpu.memory_space<hbm>> -> memref<1x64xi32, #tpu.memory_space<hbm>>
      %dma_start3A_141 = tpu.memref_squeeze %dma_start3A_140 : memref<1x64xi32, #tpu.memory_space<hbm>> -> memref<64xi32, #tpu.memory_space<hbm>>
      %dma_start3A_142 = arith.constant 0 : i32
      %dma_start3A_143 = tpu.memref_slice %arg4[%add3A_26, %dma_start3A_142] : memref<5120x64xi32, #tpu.memory_space<hbm>> -> memref<1x64xi32, #tpu.memory_space<hbm>>
      %dma_start3A_144 = tpu.memref_squeeze %dma_start3A_143 : memref<1x64xi32, #tpu.memory_space<hbm>> -> memref<64xi32, #tpu.memory_space<hbm>>
      tpu.enqueue_dma source(%dma_start3A_144 : memref<64xi32, #tpu.memory_space<hbm>>) target(%arg13 : memref<64xi32, #tpu.memory_space<vmem>>) target_semaphore(%run_scoped3A : memref<!tpu.dma_semaphore, #tpu.memory_space<semaphore_mem>>)
      %dma_wait3A_145 = arith.constant 0 : i32
      %dma_wait3A_146 = tpu.memref_slice %arg4[%add3A_26, %dma_wait3A_145] : memref<5120x64xi32, #tpu.memory_space<hbm>> -> memref<1x64xi32, #tpu.memory_space<hbm>>
      %dma_wait3A_147 = tpu.memref_squeeze %dma_wait3A_146 : memref<1x64xi32, #tpu.memory_space<hbm>> -> memref<64xi32, #tpu.memory_space<hbm>>
      %dma_wait3A_148 = arith.constant 0 : i32
      %dma_wait3A_149 = tpu.memref_slice %arg4[%add3A_26, %dma_wait3A_148] : memref<5120x64xi32, #tpu.memory_space<hbm>> -> memref<1x64xi32, #tpu.memory_space<hbm>>
      %dma_wait3A_150 = tpu.memref_squeeze %dma_wait3A_149 : memref<1x64xi32, #tpu.memory_space<hbm>> -> memref<64xi32, #tpu.memory_space<hbm>>
      tpu.wait_dma2 semaphore(%run_scoped3A : memref<!tpu.dma_semaphore, #tpu.memory_space<semaphore_mem>>) src(%dma_wait3A_150 : memref<64xi32, #tpu.memory_space<hbm>>) dst(%arg13 : memref<64xi32, #tpu.memory_space<vmem>>)
      tpu.yield
    }) : () -> ()
    %dma_start3A_27 = arith.constant 0 : i32
    %dma_start3A_28 = arith.constant 0 : i32
    %dma_start3A_29 = tpu.memref_slice %arg2[%dma_start3A_27, %dma_start3A_28] : memref<10000x128xf32, #tpu.memory_space<hbm>> -> memref<10000x128xf32, #tpu.memory_space<hbm>>
    tpu.enqueue_indirect_dma source(%dma_start3A_29 : memref<10000x128xf32, #tpu.memory_space<hbm>>) target(%arg17 : memref<64x128xf32, #tpu.memory_space<vmem>>) offsets(%arg9 : memref<64xi32, #tpu.memory_space<vmem>>) semaphore(%arg22 : memref<!tpu.dma_semaphore, #tpu.memory_space<semaphore_mem>>)
    %dma_wait3A_30 = arith.constant 0 : i32
    %dma_wait3A_31 = arith.constant 0 : i32
    %dma_wait3A_32 = tpu.memref_slice %arg2[%dma_wait3A_30, %dma_wait3A_31] : memref<10000x128xf32, #tpu.memory_space<hbm>> -> memref<10000x128xf32, #tpu.memory_space<hbm>>
    tpu.wait_indirect_dma semaphore(%arg21 : memref<!tpu.dma_semaphore, #tpu.memory_space<semaphore_mem>>) src(%dma_wait3A_32 : memref<10000x128xf32, #tpu.memory_space<hbm>>) dst(%arg16 : memref<64x128xf32, #tpu.memory_space<vmem>>)
    %dma_start3A_33 = arith.constant 0 : i32
    %dma_start3A_34 = arith.constant 0 : i32
    %dma_start3A_35 = tpu.memref_slice %arg19[%dma_start3A_33, %dma_start3A_34] : memref<10240x128xf32, #tpu.memory_space<vmem_shared>> -> memref<10240x128xf32, #tpu.memory_space<vmem_shared>>
    tpu.enqueue_indirect_dma source(%arg16 : memref<64x128xf32, #tpu.memory_space<vmem>>) target(%dma_start3A_35 : memref<10240x128xf32, #tpu.memory_space<vmem_shared>>) offsets(%arg12 : memref<64xi32, #tpu.memory_space<vmem>>) semaphore(%arg25 : memref<!tpu.dma_semaphore, #tpu.memory_space<semaphore_mem>>) {add = true}
    %add3A_36 = arith.constant 3 : i32
    %add3A_37 = arith.addi %mul3A_4, %add3A_36 : i32
    "tpu.region"() ({
      %run_scoped3A = tpu.sem_alloc : memref<!tpu.dma_semaphore, #tpu.memory_space<semaphore_mem>>
      %dma_start3A_139 = arith.constant 0 : i32
      %dma_start3A_140 = tpu.memref_slice %arg3[%add3A_37, %dma_start3A_139] : memref<5120x64xi32, #tpu.memory_space<hbm>> -> memref<1x64xi32, #tpu.memory_space<hbm>>
      %dma_start3A_141 = tpu.memref_squeeze %dma_start3A_140 : memref<1x64xi32, #tpu.memory_space<hbm>> -> memref<64xi32, #tpu.memory_space<hbm>>
      %dma_start3A_142 = arith.constant 0 : i32
      %dma_start3A_143 = tpu.memref_slice %arg3[%add3A_37, %dma_start3A_142] : memref<5120x64xi32, #tpu.memory_space<hbm>> -> memref<1x64xi32, #tpu.memory_space<hbm>>
      %dma_start3A_144 = tpu.memref_squeeze %dma_start3A_143 : memref<1x64xi32, #tpu.memory_space<hbm>> -> memref<64xi32, #tpu.memory_space<hbm>>
      tpu.enqueue_dma source(%dma_start3A_144 : memref<64xi32, #tpu.memory_space<hbm>>) target(%arg10 : memref<64xi32, #tpu.memory_space<vmem>>) target_semaphore(%run_scoped3A : memref<!tpu.dma_semaphore, #tpu.memory_space<semaphore_mem>>)
      %dma_wait3A_145 = arith.constant 0 : i32
      %dma_wait3A_146 = tpu.memref_slice %arg3[%add3A_37, %dma_wait3A_145] : memref<5120x64xi32, #tpu.memory_space<hbm>> -> memref<1x64xi32, #tpu.memory_space<hbm>>
      %dma_wait3A_147 = tpu.memref_squeeze %dma_wait3A_146 : memref<1x64xi32, #tpu.memory_space<hbm>> -> memref<64xi32, #tpu.memory_space<hbm>>
      %dma_wait3A_148 = arith.constant 0 : i32
      %dma_wait3A_149 = tpu.memref_slice %arg3[%add3A_37, %dma_wait3A_148] : memref<5120x64xi32, #tpu.memory_space<hbm>> -> memref<1x64xi32, #tpu.memory_space<hbm>>
      %dma_wait3A_150 = tpu.memref_squeeze %dma_wait3A_149 : memref<1x64xi32, #tpu.memory_space<hbm>> -> memref<64xi32, #tpu.memory_space<hbm>>
      tpu.wait_dma2 semaphore(%run_scoped3A : memref<!tpu.dma_semaphore, #tpu.memory_space<semaphore_mem>>) src(%dma_wait3A_150 : memref<64xi32, #tpu.memory_space<hbm>>) dst(%arg10 : memref<64xi32, #tpu.memory_space<vmem>>)
      tpu.yield
    }) : () -> ()
    %add3A_38 = arith.constant 3 : i32
    %add3A_39 = arith.addi %mul3A_4, %add3A_38 : i32
    "tpu.region"() ({
      %run_scoped3A = tpu.sem_alloc : memref<!tpu.dma_semaphore, #tpu.memory_space<semaphore_mem>>
      %dma_start3A_139 = arith.constant 0 : i32
      %dma_start3A_140 = tpu.memref_slice %arg4[%add3A_39, %dma_start3A_139] : memref<5120x64xi32, #tpu.memory_space<hbm>> -> memref<1x64xi32, #tpu.memory_space<hbm>>
      %dma_start3A_141 = tpu.memref_squeeze %dma_start3A_140 : memref<1x64xi32, #tpu.memory_space<hbm>> -> memref<64xi32, #tpu.memory_space<hbm>>
      %dma_start3A_142 = arith.constant 0 : i32
      %dma_start3A_143 = tpu.memref_slice %arg4[%add3A_39, %dma_start3A_142] : memref<5120x64xi32, #tpu.memory_space<hbm>> -> memref<1x64xi32, #tpu.memory_space<hbm>>
      %dma_start3A_144 = tpu.memref_squeeze %dma_start3A_143 : memref<1x64xi32, #tpu.memory_space<hbm>> -> memref<64xi32, #tpu.memory_space<hbm>>
      tpu.enqueue_dma source(%dma_start3A_144 : memref<64xi32, #tpu.memory_space<hbm>>) target(%arg14 : memref<64xi32, #tpu.memory_space<vmem>>) target_semaphore(%run_scoped3A : memref<!tpu.dma_semaphore, #tpu.memory_space<semaphore_mem>>)
      %dma_wait3A_145 = arith.constant 0 : i32
      %dma_wait3A_146 = tpu.memref_slice %arg4[%add3A_39, %dma_wait3A_145] : memref<5120x64xi32, #tpu.memory_space<hbm>> -> memref<1x64xi32, #tpu.memory_space<hbm>>
      %dma_wait3A_147 = tpu.memref_squeeze %dma_wait3A_146 : memref<1x64xi32, #tpu.memory_space<hbm>> -> memref<64xi32, #tpu.memory_space<hbm>>
      %dma_wait3A_148 = arith.constant 0 : i32
      %dma_wait3A_149 = tpu.memref_slice %arg4[%add3A_39, %dma_wait3A_148] : memref<5120x64xi32, #tpu.memory_space<hbm>> -> memref<1x64xi32, #tpu.memory_space<hbm>>
      %dma_wait3A_150 = tpu.memref_squeeze %dma_wait3A_149 : memref<1x64xi32, #tpu.memory_space<hbm>> -> memref<64xi32, #tpu.memory_space<hbm>>
      tpu.wait_dma2 semaphore(%run_scoped3A : memref<!tpu.dma_semaphore, #tpu.memory_space<semaphore_mem>>) src(%dma_wait3A_150 : memref<64xi32, #tpu.memory_space<hbm>>) dst(%arg14 : memref<64xi32, #tpu.memory_space<vmem>>)
      tpu.yield
    }) : () -> ()
    %dma_start3A_40 = arith.constant 0 : i32
    %dma_start3A_41 = arith.constant 0 : i32
    %dma_start3A_42 = tpu.memref_slice %arg2[%dma_start3A_40, %dma_start3A_41] : memref<10000x128xf32, #tpu.memory_space<hbm>> -> memref<10000x128xf32, #tpu.memory_space<hbm>>
    tpu.enqueue_indirect_dma source(%dma_start3A_42 : memref<10000x128xf32, #tpu.memory_space<hbm>>) target(%arg18 : memref<64x128xf32, #tpu.memory_space<vmem>>) offsets(%arg10 : memref<64xi32, #tpu.memory_space<vmem>>) semaphore(%arg23 : memref<!tpu.dma_semaphore, #tpu.memory_space<semaphore_mem>>)
    %dma_wait3A_43 = arith.constant 0 : i32
    %dma_wait3A_44 = arith.constant 0 : i32
    %dma_wait3A_45 = tpu.memref_slice %arg2[%dma_wait3A_43, %dma_wait3A_44] : memref<10000x128xf32, #tpu.memory_space<hbm>> -> memref<10000x128xf32, #tpu.memory_space<hbm>>
    tpu.wait_indirect_dma semaphore(%arg22 : memref<!tpu.dma_semaphore, #tpu.memory_space<semaphore_mem>>) src(%dma_wait3A_45 : memref<10000x128xf32, #tpu.memory_space<hbm>>) dst(%arg17 : memref<64x128xf32, #tpu.memory_space<vmem>>)
    %dma_start3A_46 = arith.constant 0 : i32
    %dma_start3A_47 = arith.constant 0 : i32
    %dma_start3A_48 = tpu.memref_slice %arg19[%dma_start3A_46, %dma_start3A_47] : memref<10240x128xf32, #tpu.memory_space<vmem_shared>> -> memref<10240x128xf32, #tpu.memory_space<vmem_shared>>
    tpu.enqueue_indirect_dma source(%arg17 : memref<64x128xf32, #tpu.memory_space<vmem>>) target(%dma_start3A_48 : memref<10240x128xf32, #tpu.memory_space<vmem_shared>>) offsets(%arg13 : memref<64xi32, #tpu.memory_space<vmem>>) semaphore(%arg26 : memref<!tpu.dma_semaphore, #tpu.memory_space<semaphore_mem>>) {add = true}
    %dma_wait3A_49 = arith.constant 0 : i32
    %dma_wait3A_50 = arith.constant 0 : i32
    %dma_wait3A_51 = tpu.memref_slice %arg19[%dma_wait3A_49, %dma_wait3A_50] : memref<10240x128xf32, #tpu.memory_space<vmem_shared>> -> memref<10240x128xf32, #tpu.memory_space<vmem_shared>>
    tpu.wait_indirect_dma semaphore(%arg24 : memref<!tpu.dma_semaphore, #tpu.memory_space<semaphore_mem>>) src(%arg15 : memref<64x128xf32, #tpu.memory_space<vmem>>) dst(%dma_wait3A_51 : memref<10240x128xf32, #tpu.memory_space<vmem_shared>>)
    %add3A_52 = arith.constant 4 : i32
    %add3A_53 = arith.addi %mul3A_4, %add3A_52 : i32
    "tpu.region"() ({
      %run_scoped3A = tpu.sem_alloc : memref<!tpu.dma_semaphore, #tpu.memory_space<semaphore_mem>>
      %dma_start3A_139 = arith.constant 0 : i32
      %dma_start3A_140 = tpu.memref_slice %arg3[%add3A_53, %dma_start3A_139] : memref<5120x64xi32, #tpu.memory_space<hbm>> -> memref<1x64xi32, #tpu.memory_space<hbm>>
      %dma_start3A_141 = tpu.memref_squeeze %dma_start3A_140 : memref<1x64xi32, #tpu.memory_space<hbm>> -> memref<64xi32, #tpu.memory_space<hbm>>
      %dma_start3A_142 = arith.constant 0 : i32
      %dma_start3A_143 = tpu.memref_slice %arg3[%add3A_53, %dma_start3A_142] : memref<5120x64xi32, #tpu.memory_space<hbm>> -> memref<1x64xi32, #tpu.memory_space<hbm>>
      %dma_start3A_144 = tpu.memref_squeeze %dma_start3A_143 : memref<1x64xi32, #tpu.memory_space<hbm>> -> memref<64xi32, #tpu.memory_space<hbm>>
      tpu.enqueue_dma source(%dma_start3A_144 : memref<64xi32, #tpu.memory_space<hbm>>) target(%arg7 : memref<64xi32, #tpu.memory_space<vmem>>) target_semaphore(%run_scoped3A : memref<!tpu.dma_semaphore, #tpu.memory_space<semaphore_mem>>)
      %dma_wait3A_145 = arith.constant 0 : i32
      %dma_wait3A_146 = tpu.memref_slice %arg3[%add3A_53, %dma_wait3A_145] : memref<5120x64xi32, #tpu.memory_space<hbm>> -> memref<1x64xi32, #tpu.memory_space<hbm>>
      %dma_wait3A_147 = tpu.memref_squeeze %dma_wait3A_146 : memref<1x64xi32, #tpu.memory_space<hbm>> -> memref<64xi32, #tpu.memory_space<hbm>>
      %dma_wait3A_148 = arith.constant 0 : i32
      %dma_wait3A_149 = tpu.memref_slice %arg3[%add3A_53, %dma_wait3A_148] : memref<5120x64xi32, #tpu.memory_space<hbm>> -> memref<1x64xi32, #tpu.memory_space<hbm>>
      %dma_wait3A_150 = tpu.memref_squeeze %dma_wait3A_149 : memref<1x64xi32, #tpu.memory_space<hbm>> -> memref<64xi32, #tpu.memory_space<hbm>>
      tpu.wait_dma2 semaphore(%run_scoped3A : memref<!tpu.dma_semaphore, #tpu.memory_space<semaphore_mem>>) src(%dma_wait3A_150 : memref<64xi32, #tpu.memory_space<hbm>>) dst(%arg7 : memref<64xi32, #tpu.memory_space<vmem>>)
      tpu.yield
    }) : () -> ()
    %add3A_54 = arith.constant 4 : i32
    %add3A_55 = arith.addi %mul3A_4, %add3A_54 : i32
    "tpu.region"() ({
      %run_scoped3A = tpu.sem_alloc : memref<!tpu.dma_semaphore, #tpu.memory_space<semaphore_mem>>
      %dma_start3A_139 = arith.constant 0 : i32
      %dma_start3A_140 = tpu.memref_slice %arg4[%add3A_55, %dma_start3A_139] : memref<5120x64xi32, #tpu.memory_space<hbm>> -> memref<1x64xi32, #tpu.memory_space<hbm>>
      %dma_start3A_141 = tpu.memref_squeeze %dma_start3A_140 : memref<1x64xi32, #tpu.memory_space<hbm>> -> memref<64xi32, #tpu.memory_space<hbm>>
      %dma_start3A_142 = arith.constant 0 : i32
      %dma_start3A_143 = tpu.memref_slice %arg4[%add3A_55, %dma_start3A_142] : memref<5120x64xi32, #tpu.memory_space<hbm>> -> memref<1x64xi32, #tpu.memory_space<hbm>>
      %dma_start3A_144 = tpu.memref_squeeze %dma_start3A_143 : memref<1x64xi32, #tpu.memory_space<hbm>> -> memref<64xi32, #tpu.memory_space<hbm>>
      tpu.enqueue_dma source(%dma_start3A_144 : memref<64xi32, #tpu.memory_space<hbm>>) target(%arg11 : memref<64xi32, #tpu.memory_space<vmem>>) target_semaphore(%run_scoped3A : memref<!tpu.dma_semaphore, #tpu.memory_space<semaphore_mem>>)
      %dma_wait3A_145 = arith.constant 0 : i32
      %dma_wait3A_146 = tpu.memref_slice %arg4[%add3A_55, %dma_wait3A_145] : memref<5120x64xi32, #tpu.memory_space<hbm>> -> memref<1x64xi32, #tpu.memory_space<hbm>>
      %dma_wait3A_147 = tpu.memref_squeeze %dma_wait3A_146 : memref<1x64xi32, #tpu.memory_space<hbm>> -> memref<64xi32, #tpu.memory_space<hbm>>
      %dma_wait3A_148 = arith.constant 0 : i32
      %dma_wait3A_149 = tpu.memref_slice %arg4[%add3A_55, %dma_wait3A_148] : memref<5120x64xi32, #tpu.memory_space<hbm>> -> memref<1x64xi32, #tpu.memory_space<hbm>>
      %dma_wait3A_150 = tpu.memref_squeeze %dma_wait3A_149 : memref<1x64xi32, #tpu.memory_space<hbm>> -> memref<64xi32, #tpu.memory_space<hbm>>
      tpu.wait_dma2 semaphore(%run_scoped3A : memref<!tpu.dma_semaphore, #tpu.memory_space<semaphore_mem>>) src(%dma_wait3A_150 : memref<64xi32, #tpu.memory_space<hbm>>) dst(%arg11 : memref<64xi32, #tpu.memory_space<vmem>>)
      tpu.yield
    }) : () -> ()
    %dma_start3A_56 = arith.constant 0 : i32
    %dma_start3A_57 = arith.constant 0 : i32
    %dma_start3A_58 = tpu.memref_slice %arg2[%dma_start3A_56, %dma_start3A_57] : memref<10000x128xf32, #tpu.memory_space<hbm>> -> memref<10000x128xf32, #tpu.memory_space<hbm>>
    tpu.enqueue_indirect_dma source(%dma_start3A_58 : memref<10000x128xf32, #tpu.memory_space<hbm>>) target(%arg15 : memref<64x128xf32, #tpu.memory_space<vmem>>) offsets(%arg7 : memref<64xi32, #tpu.memory_space<vmem>>) semaphore(%arg20 : memref<!tpu.dma_semaphore, #tpu.memory_space<semaphore_mem>>)
    %dma_wait3A_59 = arith.constant 0 : i32
    %dma_wait3A_60 = arith.constant 0 : i32
    %dma_wait3A_61 = tpu.memref_slice %arg2[%dma_wait3A_59, %dma_wait3A_60] : memref<10000x128xf32, #tpu.memory_space<hbm>> -> memref<10000x128xf32, #tpu.memory_space<hbm>>
    tpu.wait_indirect_dma semaphore(%arg23 : memref<!tpu.dma_semaphore, #tpu.memory_space<semaphore_mem>>) src(%dma_wait3A_61 : memref<10000x128xf32, #tpu.memory_space<hbm>>) dst(%arg18 : memref<64x128xf32, #tpu.memory_space<vmem>>)
    %dma_start3A_62 = arith.constant 0 : i32
    %dma_start3A_63 = arith.constant 0 : i32
    %dma_start3A_64 = tpu.memref_slice %arg19[%dma_start3A_62, %dma_start3A_63] : memref<10240x128xf32, #tpu.memory_space<vmem_shared>> -> memref<10240x128xf32, #tpu.memory_space<vmem_shared>>
    tpu.enqueue_indirect_dma source(%arg18 : memref<64x128xf32, #tpu.memory_space<vmem>>) target(%dma_start3A_64 : memref<10240x128xf32, #tpu.memory_space<vmem_shared>>) offsets(%arg14 : memref<64xi32, #tpu.memory_space<vmem>>) semaphore(%arg27 : memref<!tpu.dma_semaphore, #tpu.memory_space<semaphore_mem>>) {add = true}
    %dma_wait3A_65 = arith.constant 0 : i32
    %dma_wait3A_66 = arith.constant 0 : i32
    %dma_wait3A_67 = tpu.memref_slice %arg19[%dma_wait3A_65, %dma_wait3A_66] : memref<10240x128xf32, #tpu.memory_space<vmem_shared>> -> memref<10240x128xf32, #tpu.memory_space<vmem_shared>>
    tpu.wait_indirect_dma semaphore(%arg25 : memref<!tpu.dma_semaphore, #tpu.memory_space<semaphore_mem>>) src(%arg16 : memref<64x128xf32, #tpu.memory_space<vmem>>) dst(%dma_wait3A_67 : memref<10240x128xf32, #tpu.memory_space<vmem_shared>>)
    %add3A_68 = arith.constant 5 : i32
    %add3A_69 = arith.addi %mul3A_4, %add3A_68 : i32
    "tpu.region"() ({
      %run_scoped3A = tpu.sem_alloc : memref<!tpu.dma_semaphore, #tpu.memory_space<semaphore_mem>>
      %dma_start3A_139 = arith.constant 0 : i32
      %dma_start3A_140 = tpu.memref_slice %arg3[%add3A_69, %dma_start3A_139] : memref<5120x64xi32, #tpu.memory_space<hbm>> -> memref<1x64xi32, #tpu.memory_space<hbm>>
      %dma_start3A_141 = tpu.memref_squeeze %dma_start3A_140 : memref<1x64xi32, #tpu.memory_space<hbm>> -> memref<64xi32, #tpu.memory_space<hbm>>
      %dma_start3A_142 = arith.constant 0 : i32
      %dma_start3A_143 = tpu.memref_slice %arg3[%add3A_69, %dma_start3A_142] : memref<5120x64xi32, #tpu.memory_space<hbm>> -> memref<1x64xi32, #tpu.memory_space<hbm>>
      %dma_start3A_144 = tpu.memref_squeeze %dma_start3A_143 : memref<1x64xi32, #tpu.memory_space<hbm>> -> memref<64xi32, #tpu.memory_space<hbm>>
      tpu.enqueue_dma source(%dma_start3A_144 : memref<64xi32, #tpu.memory_space<hbm>>) target(%arg8 : memref<64xi32, #tpu.memory_space<vmem>>) target_semaphore(%run_scoped3A : memref<!tpu.dma_semaphore, #tpu.memory_space<semaphore_mem>>)
      %dma_wait3A_145 = arith.constant 0 : i32
      %dma_wait3A_146 = tpu.memref_slice %arg3[%add3A_69, %dma_wait3A_145] : memref<5120x64xi32, #tpu.memory_space<hbm>> -> memref<1x64xi32, #tpu.memory_space<hbm>>
      %dma_wait3A_147 = tpu.memref_squeeze %dma_wait3A_146 : memref<1x64xi32, #tpu.memory_space<hbm>> -> memref<64xi32, #tpu.memory_space<hbm>>
      %dma_wait3A_148 = arith.constant 0 : i32
      %dma_wait3A_149 = tpu.memref_slice %arg3[%add3A_69, %dma_wait3A_148] : memref<5120x64xi32, #tpu.memory_space<hbm>> -> memref<1x64xi32, #tpu.memory_space<hbm>>
      %dma_wait3A_150 = tpu.memref_squeeze %dma_wait3A_149 : memref<1x64xi32, #tpu.memory_space<hbm>> -> memref<64xi32, #tpu.memory_space<hbm>>
      tpu.wait_dma2 semaphore(%run_scoped3A : memref<!tpu.dma_semaphore, #tpu.memory_space<semaphore_mem>>) src(%dma_wait3A_150 : memref<64xi32, #tpu.memory_space<hbm>>) dst(%arg8 : memref<64xi32, #tpu.memory_space<vmem>>)
      tpu.yield
    }) : () -> ()
    %add3A_70 = arith.constant 5 : i32
    %add3A_71 = arith.addi %mul3A_4, %add3A_70 : i32
    "tpu.region"() ({
      %run_scoped3A = tpu.sem_alloc : memref<!tpu.dma_semaphore, #tpu.memory_space<semaphore_mem>>
      %dma_start3A_139 = arith.constant 0 : i32
      %dma_start3A_140 = tpu.memref_slice %arg4[%add3A_71, %dma_start3A_139] : memref<5120x64xi32, #tpu.memory_space<hbm>> -> memref<1x64xi32, #tpu.memory_space<hbm>>
      %dma_start3A_141 = tpu.memref_squeeze %dma_start3A_140 : memref<1x64xi32, #tpu.memory_space<hbm>> -> memref<64xi32, #tpu.memory_space<hbm>>
      %dma_start3A_142 = arith.constant 0 : i32
      %dma_start3A_143 = tpu.memref_slice %arg4[%add3A_71, %dma_start3A_142] : memref<5120x64xi32, #tpu.memory_space<hbm>> -> memref<1x64xi32, #tpu.memory_space<hbm>>
      %dma_start3A_144 = tpu.memref_squeeze %dma_start3A_143 : memref<1x64xi32, #tpu.memory_space<hbm>> -> memref<64xi32, #tpu.memory_space<hbm>>
      tpu.enqueue_dma source(%dma_start3A_144 : memref<64xi32, #tpu.memory_space<hbm>>) target(%arg12 : memref<64xi32, #tpu.memory_space<vmem>>) target_semaphore(%run_scoped3A : memref<!tpu.dma_semaphore, #tpu.memory_space<semaphore_mem>>)
      %dma_wait3A_145 = arith.constant 0 : i32
      %dma_wait3A_146 = tpu.memref_slice %arg4[%add3A_71, %dma_wait3A_145] : memref<5120x64xi32, #tpu.memory_space<hbm>> -> memref<1x64xi32, #tpu.memory_space<hbm>>
      %dma_wait3A_147 = tpu.memref_squeeze %dma_wait3A_146 : memref<1x64xi32, #tpu.memory_space<hbm>> -> memref<64xi32, #tpu.memory_space<hbm>>
      %dma_wait3A_148 = arith.constant 0 : i32
      %dma_wait3A_149 = tpu.memref_slice %arg4[%add3A_71, %dma_wait3A_148] : memref<5120x64xi32, #tpu.memory_space<hbm>> -> memref<1x64xi32, #tpu.memory_space<hbm>>
      %dma_wait3A_150 = tpu.memref_squeeze %dma_wait3A_149 : memref<1x64xi32, #tpu.memory_space<hbm>> -> memref<64xi32, #tpu.memory_space<hbm>>
      tpu.wait_dma2 semaphore(%run_scoped3A : memref<!tpu.dma_semaphore, #tpu.memory_space<semaphore_mem>>) src(%dma_wait3A_150 : memref<64xi32, #tpu.memory_space<hbm>>) dst(%arg12 : memref<64xi32, #tpu.memory_space<vmem>>)
      tpu.yield
    }) : () -> ()
    %dma_start3A_72 = arith.constant 0 : i32
    %dma_start3A_73 = arith.constant 0 : i32
    %dma_start3A_74 = tpu.memref_slice %arg2[%dma_start3A_72, %dma_start3A_73] : memref<10000x128xf32, #tpu.memory_space<hbm>> -> memref<10000x128xf32, #tpu.memory_space<hbm>>
    tpu.enqueue_indirect_dma source(%dma_start3A_74 : memref<10000x128xf32, #tpu.memory_space<hbm>>) target(%arg16 : memref<64x128xf32, #tpu.memory_space<vmem>>) offsets(%arg8 : memref<64xi32, #tpu.memory_space<vmem>>) semaphore(%arg21 : memref<!tpu.dma_semaphore, #tpu.memory_space<semaphore_mem>>)
    %scan3A = arith.constant 0 : i32
    %scan3A_75 = arith.constant 38 : i32
    %scan3A_76 = arith.addi %scan3A, %scan3A_75 : i32
    %scan3A_77 = arith.constant 1 : i32
    scf.for %scan3A_139 = %scan3A to %scan3A_76 step %scan3A_77  : i32 {
      %mul3A_140 = arith.constant 1 : i32
      %mul3A_141 = arith.muli %scan3A_139, %mul3A_140 : i32
      %add3A_142 = arith.constant 1 : i32
      %add3A_143 = arith.addi %add3A_142, %mul3A_141 : i32
      %mul3A_144 = arith.constant 4 : i32
      %mul3A_145 = arith.muli %mul3A_144, %add3A_143 : i32
      %dma_wait3A_146 = arith.constant 0 : i32
      %dma_wait3A_147 = arith.constant 0 : i32
      %dma_wait3A_148 = tpu.memref_slice %arg2[%dma_wait3A_146, %dma_wait3A_147] : memref<10000x128xf32, #tpu.memory_space<hbm>> -> memref<10000x128xf32, #tpu.memory_space<hbm>>
      tpu.wait_indirect_dma semaphore(%arg20 : memref<!tpu.dma_semaphore, #tpu.memory_space<semaphore_mem>>) src(%dma_wait3A_148 : memref<10000x128xf32, #tpu.memory_space<hbm>>) dst(%arg15 : memref<64x128xf32, #tpu.memory_space<vmem>>)
      %dma_start3A_149 = arith.constant 0 : i32
      %dma_start3A_150 = arith.constant 0 : i32
      %dma_start3A_151 = tpu.memref_slice %arg19[%dma_start3A_149, %dma_start3A_150] : memref<10240x128xf32, #tpu.memory_space<vmem_shared>> -> memref<10240x128xf32, #tpu.memory_space<vmem_shared>>
      tpu.enqueue_indirect_dma source(%arg15 : memref<64x128xf32, #tpu.memory_space<vmem>>) target(%dma_start3A_151 : memref<10240x128xf32, #tpu.memory_space<vmem_shared>>) offsets(%arg11 : memref<64xi32, #tpu.memory_space<vmem>>) semaphore(%arg24 : memref<!tpu.dma_semaphore, #tpu.memory_space<semaphore_mem>>) {add = true}
      %dma_wait3A_152 = arith.constant 0 : i32
      %dma_wait3A_153 = arith.constant 0 : i32
      %dma_wait3A_154 = tpu.memref_slice %arg19[%dma_wait3A_152, %dma_wait3A_153] : memref<10240x128xf32, #tpu.memory_space<vmem_shared>> -> memref<10240x128xf32, #tpu.memory_space<vmem_shared>>
      tpu.wait_indirect_dma semaphore(%arg26 : memref<!tpu.dma_semaphore, #tpu.memory_space<semaphore_mem>>) src(%arg17 : memref<64x128xf32, #tpu.memory_space<vmem>>) dst(%dma_wait3A_154 : memref<10240x128xf32, #tpu.memory_space<vmem_shared>>)
      %add3A_155 = arith.constant 0 : i32
      %add3A_156 = arith.addi %mul3A_145, %add3A_155 : i32
      %add3A_157 = arith.constant 2 : i32
      %add3A_158 = arith.addi %add3A_156, %add3A_157 : i32
      %add3A_159 = arith.addi %mul3A_4, %add3A_158 : i32
      "tpu.region"() ({
        %run_scoped3A = tpu.sem_alloc : memref<!tpu.dma_semaphore, #tpu.memory_space<semaphore_mem>>
        %dma_start3A_218 = arith.constant 0 : i32
        %dma_start3A_219 = tpu.memref_slice %arg3[%add3A_159, %dma_start3A_218] : memref<5120x64xi32, #tpu.memory_space<hbm>> -> memref<1x64xi32, #tpu.memory_space<hbm>>
        %dma_start3A_220 = tpu.memref_squeeze %dma_start3A_219 : memref<1x64xi32, #tpu.memory_space<hbm>> -> memref<64xi32, #tpu.memory_space<hbm>>
        %dma_start3A_221 = arith.constant 0 : i32
        %dma_start3A_222 = tpu.memref_slice %arg3[%add3A_159, %dma_start3A_221] : memref<5120x64xi32, #tpu.memory_space<hbm>> -> memref<1x64xi32, #tpu.memory_space<hbm>>
        %dma_start3A_223 = tpu.memref_squeeze %dma_start3A_222 : memref<1x64xi32, #tpu.memory_space<hbm>> -> memref<64xi32, #tpu.memory_space<hbm>>
        tpu.enqueue_dma source(%dma_start3A_223 : memref<64xi32, #tpu.memory_space<hbm>>) target(%arg9 : memref<64xi32, #tpu.memory_space<vmem>>) target_semaphore(%run_scoped3A : memref<!tpu.dma_semaphore, #tpu.memory_space<semaphore_mem>>)
        %dma_wait3A_224 = arith.constant 0 : i32
        %dma_wait3A_225 = tpu.memref_slice %arg3[%add3A_159, %dma_wait3A_224] : memref<5120x64xi32, #tpu.memory_space<hbm>> -> memref<1x64xi32, #tpu.memory_space<hbm>>
        %dma_wait3A_226 = tpu.memref_squeeze %dma_wait3A_225 : memref<1x64xi32, #tpu.memory_space<hbm>> -> memref<64xi32, #tpu.memory_space<hbm>>
        %dma_wait3A_227 = arith.constant 0 : i32
        %dma_wait3A_228 = tpu.memref_slice %arg3[%add3A_159, %dma_wait3A_227] : memref<5120x64xi32, #tpu.memory_space<hbm>> -> memref<1x64xi32, #tpu.memory_space<hbm>>
        %dma_wait3A_229 = tpu.memref_squeeze %dma_wait3A_228 : memref<1x64xi32, #tpu.memory_space<hbm>> -> memref<64xi32, #tpu.memory_space<hbm>>
        tpu.wait_dma2 semaphore(%run_scoped3A : memref<!tpu.dma_semaphore, #tpu.memory_space<semaphore_mem>>) src(%dma_wait3A_229 : memref<64xi32, #tpu.memory_space<hbm>>) dst(%arg9 : memref<64xi32, #tpu.memory_space<vmem>>)
        tpu.yield
      }) : () -> ()
      %add3A_160 = arith.addi %mul3A_4, %add3A_158 : i32
      "tpu.region"() ({
        %run_scoped3A = tpu.sem_alloc : memref<!tpu.dma_semaphore, #tpu.memory_space<semaphore_mem>>
        %dma_start3A_218 = arith.constant 0 : i32
        %dma_start3A_219 = tpu.memref_slice %arg4[%add3A_160, %dma_start3A_218] : memref<5120x64xi32, #tpu.memory_space<hbm>> -> memref<1x64xi32, #tpu.memory_space<hbm>>
        %dma_start3A_220 = tpu.memref_squeeze %dma_start3A_219 : memref<1x64xi32, #tpu.memory_space<hbm>> -> memref<64xi32, #tpu.memory_space<hbm>>
        %dma_start3A_221 = arith.constant 0 : i32
        %dma_start3A_222 = tpu.memref_slice %arg4[%add3A_160, %dma_start3A_221] : memref<5120x64xi32, #tpu.memory_space<hbm>> -> memref<1x64xi32, #tpu.memory_space<hbm>>
        %dma_start3A_223 = tpu.memref_squeeze %dma_start3A_222 : memref<1x64xi32, #tpu.memory_space<hbm>> -> memref<64xi32, #tpu.memory_space<hbm>>
        tpu.enqueue_dma source(%dma_start3A_223 : memref<64xi32, #tpu.memory_space<hbm>>) target(%arg13 : memref<64xi32, #tpu.memory_space<vmem>>) target_semaphore(%run_scoped3A : memref<!tpu.dma_semaphore, #tpu.memory_space<semaphore_mem>>)
        %dma_wait3A_224 = arith.constant 0 : i32
        %dma_wait3A_225 = tpu.memref_slice %arg4[%add3A_160, %dma_wait3A_224] : memref<5120x64xi32, #tpu.memory_space<hbm>> -> memref<1x64xi32, #tpu.memory_space<hbm>>
        %dma_wait3A_226 = tpu.memref_squeeze %dma_wait3A_225 : memref<1x64xi32, #tpu.memory_space<hbm>> -> memref<64xi32, #tpu.memory_space<hbm>>
        %dma_wait3A_227 = arith.constant 0 : i32
        %dma_wait3A_228 = tpu.memref_slice %arg4[%add3A_160, %dma_wait3A_227] : memref<5120x64xi32, #tpu.memory_space<hbm>> -> memref<1x64xi32, #tpu.memory_space<hbm>>
        %dma_wait3A_229 = tpu.memref_squeeze %dma_wait3A_228 : memref<1x64xi32, #tpu.memory_space<hbm>> -> memref<64xi32, #tpu.memory_space<hbm>>
        tpu.wait_dma2 semaphore(%run_scoped3A : memref<!tpu.dma_semaphore, #tpu.memory_space<semaphore_mem>>) src(%dma_wait3A_229 : memref<64xi32, #tpu.memory_space<hbm>>) dst(%arg13 : memref<64xi32, #tpu.memory_space<vmem>>)
        tpu.yield
      }) : () -> ()
      %dma_start3A_161 = arith.constant 0 : i32
      %dma_start3A_162 = arith.constant 0 : i32
      %dma_start3A_163 = tpu.memref_slice %arg2[%dma_start3A_161, %dma_start3A_162] : memref<10000x128xf32, #tpu.memory_space<hbm>> -> memref<10000x128xf32, #tpu.memory_space<hbm>>
      tpu.enqueue_indirect_dma source(%dma_start3A_163 : memref<10000x128xf32, #tpu.memory_space<hbm>>) target(%arg17 : memref<64x128xf32, #tpu.memory_space<vmem>>) offsets(%arg9 : memref<64xi32, #tpu.memory_space<vmem>>) semaphore(%arg22 : memref<!tpu.dma_semaphore, #tpu.memory_space<semaphore_mem>>)
      %dma_wait3A_164 = arith.constant 0 : i32
      %dma_wait3A_165 = arith.constant 0 : i32
      %dma_wait3A_166 = tpu.memref_slice %arg2[%dma_wait3A_164, %dma_wait3A_165] : memref<10000x128xf32, #tpu.memory_space<hbm>> -> memref<10000x128xf32, #tpu.memory_space<hbm>>
      tpu.wait_indirect_dma semaphore(%arg21 : memref<!tpu.dma_semaphore, #tpu.memory_space<semaphore_mem>>) src(%dma_wait3A_166 : memref<10000x128xf32, #tpu.memory_space<hbm>>) dst(%arg16 : memref<64x128xf32, #tpu.memory_space<vmem>>)
      %dma_start3A_167 = arith.constant 0 : i32
      %dma_start3A_168 = arith.constant 0 : i32
      %dma_start3A_169 = tpu.memref_slice %arg19[%dma_start3A_167, %dma_start3A_168] : memref<10240x128xf32, #tpu.memory_space<vmem_shared>> -> memref<10240x128xf32, #tpu.memory_space<vmem_shared>>
      tpu.enqueue_indirect_dma source(%arg16 : memref<64x128xf32, #tpu.memory_space<vmem>>) target(%dma_start3A_169 : memref<10240x128xf32, #tpu.memory_space<vmem_shared>>) offsets(%arg12 : memref<64xi32, #tpu.memory_space<vmem>>) semaphore(%arg25 : memref<!tpu.dma_semaphore, #tpu.memory_space<semaphore_mem>>) {add = true}
      %dma_wait3A_170 = arith.constant 0 : i32
      %dma_wait3A_171 = arith.constant 0 : i32
      %dma_wait3A_172 = tpu.memref_slice %arg19[%dma_wait3A_170, %dma_wait3A_171] : memref<10240x128xf32, #tpu.memory_space<vmem_shared>> -> memref<10240x128xf32, #tpu.memory_space<vmem_shared>>
      tpu.wait_indirect_dma semaphore(%arg27 : memref<!tpu.dma_semaphore, #tpu.memory_space<semaphore_mem>>) src(%arg18 : memref<64x128xf32, #tpu.memory_space<vmem>>) dst(%dma_wait3A_172 : memref<10240x128xf32, #tpu.memory_space<vmem_shared>>)
      %add3A_173 = arith.constant 1 : i32
      %add3A_174 = arith.addi %mul3A_145, %add3A_173 : i32
      %add3A_175 = arith.constant 2 : i32
      %add3A_176 = arith.addi %add3A_174, %add3A_175 : i32
      %add3A_177 = arith.addi %mul3A_4, %add3A_176 : i32
      "tpu.region"() ({
        %run_scoped3A = tpu.sem_alloc : memref<!tpu.dma_semaphore, #tpu.memory_space<semaphore_mem>>
        %dma_start3A_218 = arith.constant 0 : i32
        %dma_start3A_219 = tpu.memref_slice %arg3[%add3A_177, %dma_start3A_218] : memref<5120x64xi32, #tpu.memory_space<hbm>> -> memref<1x64xi32, #tpu.memory_space<hbm>>
        %dma_start3A_220 = tpu.memref_squeeze %dma_start3A_219 : memref<1x64xi32, #tpu.memory_space<hbm>> -> memref<64xi32, #tpu.memory_space<hbm>>
        %dma_start3A_221 = arith.constant 0 : i32
        %dma_start3A_222 = tpu.memref_slice %arg3[%add3A_177, %dma_start3A_221] : memref<5120x64xi32, #tpu.memory_space<hbm>> -> memref<1x64xi32, #tpu.memory_space<hbm>>
        %dma_start3A_223 = tpu.memref_squeeze %dma_start3A_222 : memref<1x64xi32, #tpu.memory_space<hbm>> -> memref<64xi32, #tpu.memory_space<hbm>>
        tpu.enqueue_dma source(%dma_start3A_223 : memref<64xi32, #tpu.memory_space<hbm>>) target(%arg10 : memref<64xi32, #tpu.memory_space<vmem>>) target_semaphore(%run_scoped3A : memref<!tpu.dma_semaphore, #tpu.memory_space<semaphore_mem>>)
        %dma_wait3A_224 = arith.constant 0 : i32
        %dma_wait3A_225 = tpu.memref_slice %arg3[%add3A_177, %dma_wait3A_224] : memref<5120x64xi32, #tpu.memory_space<hbm>> -> memref<1x64xi32, #tpu.memory_space<hbm>>
        %dma_wait3A_226 = tpu.memref_squeeze %dma_wait3A_225 : memref<1x64xi32, #tpu.memory_space<hbm>> -> memref<64xi32, #tpu.memory_space<hbm>>
        %dma_wait3A_227 = arith.constant 0 : i32
        %dma_wait3A_228 = tpu.memref_slice %arg3[%add3A_177, %dma_wait3A_227] : memref<5120x64xi32, #tpu.memory_space<hbm>> -> memref<1x64xi32, #tpu.memory_space<hbm>>
        %dma_wait3A_229 = tpu.memref_squeeze %dma_wait3A_228 : memref<1x64xi32, #tpu.memory_space<hbm>> -> memref<64xi32, #tpu.memory_space<hbm>>
        tpu.wait_dma2 semaphore(%run_scoped3A : memref<!tpu.dma_semaphore, #tpu.memory_space<semaphore_mem>>) src(%dma_wait3A_229 : memref<64xi32, #tpu.memory_space<hbm>>) dst(%arg10 : memref<64xi32, #tpu.memory_space<vmem>>)
        tpu.yield
      }) : () -> ()
      %add3A_178 = arith.addi %mul3A_4, %add3A_176 : i32
      "tpu.region"() ({
        %run_scoped3A = tpu.sem_alloc : memref<!tpu.dma_semaphore, #tpu.memory_space<semaphore_mem>>
        %dma_start3A_218 = arith.constant 0 : i32
        %dma_start3A_219 = tpu.memref_slice %arg4[%add3A_178, %dma_start3A_218] : memref<5120x64xi32, #tpu.memory_space<hbm>> -> memref<1x64xi32, #tpu.memory_space<hbm>>
        %dma_start3A_220 = tpu.memref_squeeze %dma_start3A_219 : memref<1x64xi32, #tpu.memory_space<hbm>> -> memref<64xi32, #tpu.memory_space<hbm>>
        %dma_start3A_221 = arith.constant 0 : i32
        %dma_start3A_222 = tpu.memref_slice %arg4[%add3A_178, %dma_start3A_221] : memref<5120x64xi32, #tpu.memory_space<hbm>> -> memref<1x64xi32, #tpu.memory_space<hbm>>
        %dma_start3A_223 = tpu.memref_squeeze %dma_start3A_222 : memref<1x64xi32, #tpu.memory_space<hbm>> -> memref<64xi32, #tpu.memory_space<hbm>>
        tpu.enqueue_dma source(%dma_start3A_223 : memref<64xi32, #tpu.memory_space<hbm>>) target(%arg14 : memref<64xi32, #tpu.memory_space<vmem>>) target_semaphore(%run_scoped3A : memref<!tpu.dma_semaphore, #tpu.memory_space<semaphore_mem>>)
        %dma_wait3A_224 = arith.constant 0 : i32
        %dma_wait3A_225 = tpu.memref_slice %arg4[%add3A_178, %dma_wait3A_224] : memref<5120x64xi32, #tpu.memory_space<hbm>> -> memref<1x64xi32, #tpu.memory_space<hbm>>
        %dma_wait3A_226 = tpu.memref_squeeze %dma_wait3A_225 : memref<1x64xi32, #tpu.memory_space<hbm>> -> memref<64xi32, #tpu.memory_space<hbm>>
        %dma_wait3A_227 = arith.constant 0 : i32
        %dma_wait3A_228 = tpu.memref_slice %arg4[%add3A_178, %dma_wait3A_227] : memref<5120x64xi32, #tpu.memory_space<hbm>> -> memref<1x64xi32, #tpu.memory_space<hbm>>
        %dma_wait3A_229 = tpu.memref_squeeze %dma_wait3A_228 : memref<1x64xi32, #tpu.memory_space<hbm>> -> memref<64xi32, #tpu.memory_space<hbm>>
        tpu.wait_dma2 semaphore(%run_scoped3A : memref<!tpu.dma_semaphore, #tpu.memory_space<semaphore_mem>>) src(%dma_wait3A_229 : memref<64xi32, #tpu.memory_space<hbm>>) dst(%arg14 : memref<64xi32, #tpu.memory_space<vmem>>)
        tpu.yield
      }) : () -> ()
      %dma_start3A_179 = arith.constant 0 : i32
      %dma_start3A_180 = arith.constant 0 : i32
      %dma_start3A_181 = tpu.memref_slice %arg2[%dma_start3A_179, %dma_start3A_180] : memref<10000x128xf32, #tpu.memory_space<hbm>> -> memref<10000x128xf32, #tpu.memory_space<hbm>>
      tpu.enqueue_indirect_dma source(%dma_start3A_181 : memref<10000x128xf32, #tpu.memory_space<hbm>>) target(%arg18 : memref<64x128xf32, #tpu.memory_space<vmem>>) offsets(%arg10 : memref<64xi32, #tpu.memory_space<vmem>>) semaphore(%arg23 : memref<!tpu.dma_semaphore, #tpu.memory_space<semaphore_mem>>)
      %dma_wait3A_182 = arith.constant 0 : i32
      %dma_wait3A_183 = arith.constant 0 : i32
      %dma_wait3A_184 = tpu.memref_slice %arg2[%dma_wait3A_182, %dma_wait3A_183] : memref<10000x128xf32, #tpu.memory_space<hbm>> -> memref<10000x128xf32, #tpu.memory_space<hbm>>
      tpu.wait_indirect_dma semaphore(%arg22 : memref<!tpu.dma_semaphore, #tpu.memory_space<semaphore_mem>>) src(%dma_wait3A_184 : memref<10000x128xf32, #tpu.memory_space<hbm>>) dst(%arg17 : memref<64x128xf32, #tpu.memory_space<vmem>>)
      %dma_start3A_185 = arith.constant 0 : i32
      %dma_start3A_186 = arith.constant 0 : i32
      %dma_start3A_187 = tpu.memref_slice %arg19[%dma_start3A_185, %dma_start3A_186] : memref<10240x128xf32, #tpu.memory_space<vmem_shared>> -> memref<10240x128xf32, #tpu.memory_space<vmem_shared>>
      tpu.enqueue_indirect_dma source(%arg17 : memref<64x128xf32, #tpu.memory_space<vmem>>) target(%dma_start3A_187 : memref<10240x128xf32, #tpu.memory_space<vmem_shared>>) offsets(%arg13 : memref<64xi32, #tpu.memory_space<vmem>>) semaphore(%arg26 : memref<!tpu.dma_semaphore, #tpu.memory_space<semaphore_mem>>) {add = true}
      %dma_wait3A_188 = arith.constant 0 : i32
      %dma_wait3A_189 = arith.constant 0 : i32
      %dma_wait3A_190 = tpu.memref_slice %arg19[%dma_wait3A_188, %dma_wait3A_189] : memref<10240x128xf32, #tpu.memory_space<vmem_shared>> -> memref<10240x128xf32, #tpu.memory_space<vmem_shared>>
      tpu.wait_indirect_dma semaphore(%arg24 : memref<!tpu.dma_semaphore, #tpu.memory_space<semaphore_mem>>) src(%arg15 : memref<64x128xf32, #tpu.memory_space<vmem>>) dst(%dma_wait3A_190 : memref<10240x128xf32, #tpu.memory_space<vmem_shared>>)
      %add3A_191 = arith.constant 2 : i32
      %add3A_192 = arith.addi %mul3A_145, %add3A_191 : i32
      %add3A_193 = arith.constant 2 : i32
      %add3A_194 = arith.addi %add3A_192, %add3A_193 : i32
      %add3A_195 = arith.addi %mul3A_4, %add3A_194 : i32
      "tpu.region"() ({
        %run_scoped3A = tpu.sem_alloc : memref<!tpu.dma_semaphore, #tpu.memory_space<semaphore_mem>>
        %dma_start3A_218 = arith.constant 0 : i32
        %dma_start3A_219 = tpu.memref_slice %arg3[%add3A_195, %dma_start3A_218] : memref<5120x64xi32, #tpu.memory_space<hbm>> -> memref<1x64xi32, #tpu.memory_space<hbm>>
        %dma_start3A_220 = tpu.memref_squeeze %dma_start3A_219 : memref<1x64xi32, #tpu.memory_space<hbm>> -> memref<64xi32, #tpu.memory_space<hbm>>
        %dma_start3A_221 = arith.constant 0 : i32
        %dma_start3A_222 = tpu.memref_slice %arg3[%add3A_195, %dma_start3A_221] : memref<5120x64xi32, #tpu.memory_space<hbm>> -> memref<1x64xi32, #tpu.memory_space<hbm>>
        %dma_start3A_223 = tpu.memref_squeeze %dma_start3A_222 : memref<1x64xi32, #tpu.memory_space<hbm>> -> memref<64xi32, #tpu.memory_space<hbm>>
        tpu.enqueue_dma source(%dma_start3A_223 : memref<64xi32, #tpu.memory_space<hbm>>) target(%arg7 : memref<64xi32, #tpu.memory_space<vmem>>) target_semaphore(%run_scoped3A : memref<!tpu.dma_semaphore, #tpu.memory_space<semaphore_mem>>)
        %dma_wait3A_224 = arith.constant 0 : i32
        %dma_wait3A_225 = tpu.memref_slice %arg3[%add3A_195, %dma_wait3A_224] : memref<5120x64xi32, #tpu.memory_space<hbm>> -> memref<1x64xi32, #tpu.memory_space<hbm>>
        %dma_wait3A_226 = tpu.memref_squeeze %dma_wait3A_225 : memref<1x64xi32, #tpu.memory_space<hbm>> -> memref<64xi32, #tpu.memory_space<hbm>>
        %dma_wait3A_227 = arith.constant 0 : i32
        %dma_wait3A_228 = tpu.memref_slice %arg3[%add3A_195, %dma_wait3A_227] : memref<5120x64xi32, #tpu.memory_space<hbm>> -> memref<1x64xi32, #tpu.memory_space<hbm>>
        %dma_wait3A_229 = tpu.memref_squeeze %dma_wait3A_228 : memref<1x64xi32, #tpu.memory_space<hbm>> -> memref<64xi32, #tpu.memory_space<hbm>>
        tpu.wait_dma2 semaphore(%run_scoped3A : memref<!tpu.dma_semaphore, #tpu.memory_space<semaphore_mem>>) src(%dma_wait3A_229 : memref<64xi32, #tpu.memory_space<hbm>>) dst(%arg7 : memref<64xi32, #tpu.memory_space<vmem>>)
        tpu.yield
      }) : () -> ()
      %add3A_196 = arith.addi %mul3A_4, %add3A_194 : i32
      "tpu.region"() ({
        %run_scoped3A = tpu.sem_alloc : memref<!tpu.dma_semaphore, #tpu.memory_space<semaphore_mem>>
        %dma_start3A_218 = arith.constant 0 : i32
        %dma_start3A_219 = tpu.memref_slice %arg4[%add3A_196, %dma_start3A_218] : memref<5120x64xi32, #tpu.memory_space<hbm>> -> memref<1x64xi32, #tpu.memory_space<hbm>>
        %dma_start3A_220 = tpu.memref_squeeze %dma_start3A_219 : memref<1x64xi32, #tpu.memory_space<hbm>> -> memref<64xi32, #tpu.memory_space<hbm>>
        %dma_start3A_221 = arith.constant 0 : i32
        %dma_start3A_222 = tpu.memref_slice %arg4[%add3A_196, %dma_start3A_221] : memref<5120x64xi32, #tpu.memory_space<hbm>> -> memref<1x64xi32, #tpu.memory_space<hbm>>
        %dma_start3A_223 = tpu.memref_squeeze %dma_start3A_222 : memref<1x64xi32, #tpu.memory_space<hbm>> -> memref<64xi32, #tpu.memory_space<hbm>>
        tpu.enqueue_dma source(%dma_start3A_223 : memref<64xi32, #tpu.memory_space<hbm>>) target(%arg11 : memref<64xi32, #tpu.memory_space<vmem>>) target_semaphore(%run_scoped3A : memref<!tpu.dma_semaphore, #tpu.memory_space<semaphore_mem>>)
        %dma_wait3A_224 = arith.constant 0 : i32
        %dma_wait3A_225 = tpu.memref_slice %arg4[%add3A_196, %dma_wait3A_224] : memref<5120x64xi32, #tpu.memory_space<hbm>> -> memref<1x64xi32, #tpu.memory_space<hbm>>
        %dma_wait3A_226 = tpu.memref_squeeze %dma_wait3A_225 : memref<1x64xi32, #tpu.memory_space<hbm>> -> memref<64xi32, #tpu.memory_space<hbm>>
        %dma_wait3A_227 = arith.constant 0 : i32
        %dma_wait3A_228 = tpu.memref_slice %arg4[%add3A_196, %dma_wait3A_227] : memref<5120x64xi32, #tpu.memory_space<hbm>> -> memref<1x64xi32, #tpu.memory_space<hbm>>
        %dma_wait3A_229 = tpu.memref_squeeze %dma_wait3A_228 : memref<1x64xi32, #tpu.memory_space<hbm>> -> memref<64xi32, #tpu.memory_space<hbm>>
        tpu.wait_dma2 semaphore(%run_scoped3A : memref<!tpu.dma_semaphore, #tpu.memory_space<semaphore_mem>>) src(%dma_wait3A_229 : memref<64xi32, #tpu.memory_space<hbm>>) dst(%arg11 : memref<64xi32, #tpu.memory_space<vmem>>)
        tpu.yield
      }) : () -> ()
      %dma_start3A_197 = arith.constant 0 : i32
      %dma_start3A_198 = arith.constant 0 : i32
      %dma_start3A_199 = tpu.memref_slice %arg2[%dma_start3A_197, %dma_start3A_198] : memref<10000x128xf32, #tpu.memory_space<hbm>> -> memref<10000x128xf32, #tpu.memory_space<hbm>>
      tpu.enqueue_indirect_dma source(%dma_start3A_199 : memref<10000x128xf32, #tpu.memory_space<hbm>>) target(%arg15 : memref<64x128xf32, #tpu.memory_space<vmem>>) offsets(%arg7 : memref<64xi32, #tpu.memory_space<vmem>>) semaphore(%arg20 : memref<!tpu.dma_semaphore, #tpu.memory_space<semaphore_mem>>)
      %dma_wait3A_200 = arith.constant 0 : i32
      %dma_wait3A_201 = arith.constant 0 : i32
      %dma_wait3A_202 = tpu.memref_slice %arg2[%dma_wait3A_200, %dma_wait3A_201] : memref<10000x128xf32, #tpu.memory_space<hbm>> -> memref<10000x128xf32, #tpu.memory_space<hbm>>
      tpu.wait_indirect_dma semaphore(%arg23 : memref<!tpu.dma_semaphore, #tpu.memory_space<semaphore_mem>>) src(%dma_wait3A_202 : memref<10000x128xf32, #tpu.memory_space<hbm>>) dst(%arg18 : memref<64x128xf32, #tpu.memory_space<vmem>>)
      %dma_start3A_203 = arith.constant 0 : i32
      %dma_start3A_204 = arith.constant 0 : i32
      %dma_start3A_205 = tpu.memref_slice %arg19[%dma_start3A_203, %dma_start3A_204] : memref<10240x128xf32, #tpu.memory_space<vmem_shared>> -> memref<10240x128xf32, #tpu.memory_space<vmem_shared>>
      tpu.enqueue_indirect_dma source(%arg18 : memref<64x128xf32, #tpu.memory_space<vmem>>) target(%dma_start3A_205 : memref<10240x128xf32, #tpu.memory_space<vmem_shared>>) offsets(%arg14 : memref<64xi32, #tpu.memory_space<vmem>>) semaphore(%arg27 : memref<!tpu.dma_semaphore, #tpu.memory_space<semaphore_mem>>) {add = true}
      %dma_wait3A_206 = arith.constant 0 : i32
      %dma_wait3A_207 = arith.constant 0 : i32
      %dma_wait3A_208 = tpu.memref_slice %arg19[%dma_wait3A_206, %dma_wait3A_207] : memref<10240x128xf32, #tpu.memory_space<vmem_shared>> -> memref<10240x128xf32, #tpu.memory_space<vmem_shared>>
      tpu.wait_indirect_dma semaphore(%arg25 : memref<!tpu.dma_semaphore, #tpu.memory_space<semaphore_mem>>) src(%arg16 : memref<64x128xf32, #tpu.memory_space<vmem>>) dst(%dma_wait3A_208 : memref<10240x128xf32, #tpu.memory_space<vmem_shared>>)
      %add3A_209 = arith.constant 3 : i32
      %add3A_210 = arith.addi %mul3A_145, %add3A_209 : i32
      %add3A_211 = arith.constant 2 : i32
      %add3A_212 = arith.addi %add3A_210, %add3A_211 : i32
      %add3A_213 = arith.addi %mul3A_4, %add3A_212 : i32
      "tpu.region"() ({
        %run_scoped3A = tpu.sem_alloc : memref<!tpu.dma_semaphore, #tpu.memory_space<semaphore_mem>>
        %dma_start3A_218 = arith.constant 0 : i32
        %dma_start3A_219 = tpu.memref_slice %arg3[%add3A_213, %dma_start3A_218] : memref<5120x64xi32, #tpu.memory_space<hbm>> -> memref<1x64xi32, #tpu.memory_space<hbm>>
        %dma_start3A_220 = tpu.memref_squeeze %dma_start3A_219 : memref<1x64xi32, #tpu.memory_space<hbm>> -> memref<64xi32, #tpu.memory_space<hbm>>
        %dma_start3A_221 = arith.constant 0 : i32
        %dma_start3A_222 = tpu.memref_slice %arg3[%add3A_213, %dma_start3A_221] : memref<5120x64xi32, #tpu.memory_space<hbm>> -> memref<1x64xi32, #tpu.memory_space<hbm>>
        %dma_start3A_223 = tpu.memref_squeeze %dma_start3A_222 : memref<1x64xi32, #tpu.memory_space<hbm>> -> memref<64xi32, #tpu.memory_space<hbm>>
        tpu.enqueue_dma source(%dma_start3A_223 : memref<64xi32, #tpu.memory_space<hbm>>) target(%arg8 : memref<64xi32, #tpu.memory_space<vmem>>) target_semaphore(%run_scoped3A : memref<!tpu.dma_semaphore, #tpu.memory_space<semaphore_mem>>)
        %dma_wait3A_224 = arith.constant 0 : i32
        %dma_wait3A_225 = tpu.memref_slice %arg3[%add3A_213, %dma_wait3A_224] : memref<5120x64xi32, #tpu.memory_space<hbm>> -> memref<1x64xi32, #tpu.memory_space<hbm>>
        %dma_wait3A_226 = tpu.memref_squeeze %dma_wait3A_225 : memref<1x64xi32, #tpu.memory_space<hbm>> -> memref<64xi32, #tpu.memory_space<hbm>>
        %dma_wait3A_227 = arith.constant 0 : i32
        %dma_wait3A_228 = tpu.memref_slice %arg3[%add3A_213, %dma_wait3A_227] : memref<5120x64xi32, #tpu.memory_space<hbm>> -> memref<1x64xi32, #tpu.memory_space<hbm>>
        %dma_wait3A_229 = tpu.memref_squeeze %dma_wait3A_228 : memref<1x64xi32, #tpu.memory_space<hbm>> -> memref<64xi32, #tpu.memory_space<hbm>>
        tpu.wait_dma2 semaphore(%run_scoped3A : memref<!tpu.dma_semaphore, #tpu.memory_space<semaphore_mem>>) src(%dma_wait3A_229 : memref<64xi32, #tpu.memory_space<hbm>>) dst(%arg8 : memref<64xi32, #tpu.memory_space<vmem>>)
        tpu.yield
      }) : () -> ()
      %add3A_214 = arith.addi %mul3A_4, %add3A_212 : i32
      "tpu.region"() ({
        %run_scoped3A = tpu.sem_alloc : memref<!tpu.dma_semaphore, #tpu.memory_space<semaphore_mem>>
        %dma_start3A_218 = arith.constant 0 : i32
        %dma_start3A_219 = tpu.memref_slice %arg4[%add3A_214, %dma_start3A_218] : memref<5120x64xi32, #tpu.memory_space<hbm>> -> memref<1x64xi32, #tpu.memory_space<hbm>>
        %dma_start3A_220 = tpu.memref_squeeze %dma_start3A_219 : memref<1x64xi32, #tpu.memory_space<hbm>> -> memref<64xi32, #tpu.memory_space<hbm>>
        %dma_start3A_221 = arith.constant 0 : i32
        %dma_start3A_222 = tpu.memref_slice %arg4[%add3A_214, %dma_start3A_221] : memref<5120x64xi32, #tpu.memory_space<hbm>> -> memref<1x64xi32, #tpu.memory_space<hbm>>
        %dma_start3A_223 = tpu.memref_squeeze %dma_start3A_222 : memref<1x64xi32, #tpu.memory_space<hbm>> -> memref<64xi32, #tpu.memory_space<hbm>>
        tpu.enqueue_dma source(%dma_start3A_223 : memref<64xi32, #tpu.memory_space<hbm>>) target(%arg12 : memref<64xi32, #tpu.memory_space<vmem>>) target_semaphore(%run_scoped3A : memref<!tpu.dma_semaphore, #tpu.memory_space<semaphore_mem>>)
        %dma_wait3A_224 = arith.constant 0 : i32
        %dma_wait3A_225 = tpu.memref_slice %arg4[%add3A_214, %dma_wait3A_224] : memref<5120x64xi32, #tpu.memory_space<hbm>> -> memref<1x64xi32, #tpu.memory_space<hbm>>
        %dma_wait3A_226 = tpu.memref_squeeze %dma_wait3A_225 : memref<1x64xi32, #tpu.memory_space<hbm>> -> memref<64xi32, #tpu.memory_space<hbm>>
        %dma_wait3A_227 = arith.constant 0 : i32
        %dma_wait3A_228 = tpu.memref_slice %arg4[%add3A_214, %dma_wait3A_227] : memref<5120x64xi32, #tpu.memory_space<hbm>> -> memref<1x64xi32, #tpu.memory_space<hbm>>
        %dma_wait3A_229 = tpu.memref_squeeze %dma_wait3A_228 : memref<1x64xi32, #tpu.memory_space<hbm>> -> memref<64xi32, #tpu.memory_space<hbm>>
        tpu.wait_dma2 semaphore(%run_scoped3A : memref<!tpu.dma_semaphore, #tpu.memory_space<semaphore_mem>>) src(%dma_wait3A_229 : memref<64xi32, #tpu.memory_space<hbm>>) dst(%arg12 : memref<64xi32, #tpu.memory_space<vmem>>)
        tpu.yield
      }) : () -> ()
      %dma_start3A_215 = arith.constant 0 : i32
      %dma_start3A_216 = arith.constant 0 : i32
      %dma_start3A_217 = tpu.memref_slice %arg2[%dma_start3A_215, %dma_start3A_216] : memref<10000x128xf32, #tpu.memory_space<hbm>> -> memref<10000x128xf32, #tpu.memory_space<hbm>>
      tpu.enqueue_indirect_dma source(%dma_start3A_217 : memref<10000x128xf32, #tpu.memory_space<hbm>>) target(%arg16 : memref<64x128xf32, #tpu.memory_space<vmem>>) offsets(%arg8 : memref<64xi32, #tpu.memory_space<vmem>>) semaphore(%arg21 : memref<!tpu.dma_semaphore, #tpu.memory_space<semaphore_mem>>)
    }
    %scan3A_78 = arith.constant 38 : i32
    %dma_wait3A_79 = arith.constant 0 : i32
    %dma_wait3A_80 = arith.constant 0 : i32
    %dma_wait3A_81 = tpu.memref_slice %arg2[%dma_wait3A_79, %dma_wait3A_80] : memref<10000x128xf32, #tpu.memory_space<hbm>> -> memref<10000x128xf32, #tpu.memory_space<hbm>>
    tpu.wait_indirect_dma semaphore(%arg20 : memref<!tpu.dma_semaphore, #tpu.memory_space<semaphore_mem>>) src(%dma_wait3A_81 : memref<10000x128xf32, #tpu.memory_space<hbm>>) dst(%arg15 : memref<64x128xf32, #tpu.memory_space<vmem>>)
    %dma_start3A_82 = arith.constant 0 : i32
    %dma_start3A_83 = arith.constant 0 : i32
    %dma_start3A_84 = tpu.memref_slice %arg19[%dma_start3A_82, %dma_start3A_83] : memref<10240x128xf32, #tpu.memory_space<vmem_shared>> -> memref<10240x128xf32, #tpu.memory_space<vmem_shared>>
    tpu.enqueue_indirect_dma source(%arg15 : memref<64x128xf32, #tpu.memory_space<vmem>>) target(%dma_start3A_84 : memref<10240x128xf32, #tpu.memory_space<vmem_shared>>) offsets(%arg11 : memref<64xi32, #tpu.memory_space<vmem>>) semaphore(%arg24 : memref<!tpu.dma_semaphore, #tpu.memory_space<semaphore_mem>>) {add = true}
    %dma_wait3A_85 = arith.constant 0 : i32
    %dma_wait3A_86 = arith.constant 0 : i32
    %dma_wait3A_87 = tpu.memref_slice %arg19[%dma_wait3A_85, %dma_wait3A_86] : memref<10240x128xf32, #tpu.memory_space<vmem_shared>> -> memref<10240x128xf32, #tpu.memory_space<vmem_shared>>
    tpu.wait_indirect_dma semaphore(%arg26 : memref<!tpu.dma_semaphore, #tpu.memory_space<semaphore_mem>>) src(%arg17 : memref<64x128xf32, #tpu.memory_space<vmem>>) dst(%dma_wait3A_87 : memref<10240x128xf32, #tpu.memory_space<vmem_shared>>)
    %add3A_88 = arith.constant 158 : i32
    %add3A_89 = arith.addi %mul3A_4, %add3A_88 : i32
    "tpu.region"() ({
      %run_scoped3A = tpu.sem_alloc : memref<!tpu.dma_semaphore, #tpu.memory_space<semaphore_mem>>
      %dma_start3A_139 = arith.constant 0 : i32
      %dma_start3A_140 = tpu.memref_slice %arg3[%add3A_89, %dma_start3A_139] : memref<5120x64xi32, #tpu.memory_space<hbm>> -> memref<1x64xi32, #tpu.memory_space<hbm>>
      %dma_start3A_141 = tpu.memref_squeeze %dma_start3A_140 : memref<1x64xi32, #tpu.memory_space<hbm>> -> memref<64xi32, #tpu.memory_space<hbm>>
      %dma_start3A_142 = arith.constant 0 : i32
      %dma_start3A_143 = tpu.memref_slice %arg3[%add3A_89, %dma_start3A_142] : memref<5120x64xi32, #tpu.memory_space<hbm>> -> memref<1x64xi32, #tpu.memory_space<hbm>>
      %dma_start3A_144 = tpu.memref_squeeze %dma_start3A_143 : memref<1x64xi32, #tpu.memory_space<hbm>> -> memref<64xi32, #tpu.memory_space<hbm>>
      tpu.enqueue_dma source(%dma_start3A_144 : memref<64xi32, #tpu.memory_space<hbm>>) target(%arg9 : memref<64xi32, #tpu.memory_space<vmem>>) target_semaphore(%run_scoped3A : memref<!tpu.dma_semaphore, #tpu.memory_space<semaphore_mem>>)
      %dma_wait3A_145 = arith.constant 0 : i32
      %dma_wait3A_146 = tpu.memref_slice %arg3[%add3A_89, %dma_wait3A_145] : memref<5120x64xi32, #tpu.memory_space<hbm>> -> memref<1x64xi32, #tpu.memory_space<hbm>>
      %dma_wait3A_147 = tpu.memref_squeeze %dma_wait3A_146 : memref<1x64xi32, #tpu.memory_space<hbm>> -> memref<64xi32, #tpu.memory_space<hbm>>
      %dma_wait3A_148 = arith.constant 0 : i32
      %dma_wait3A_149 = tpu.memref_slice %arg3[%add3A_89, %dma_wait3A_148] : memref<5120x64xi32, #tpu.memory_space<hbm>> -> memref<1x64xi32, #tpu.memory_space<hbm>>
      %dma_wait3A_150 = tpu.memref_squeeze %dma_wait3A_149 : memref<1x64xi32, #tpu.memory_space<hbm>> -> memref<64xi32, #tpu.memory_space<hbm>>
      tpu.wait_dma2 semaphore(%run_scoped3A : memref<!tpu.dma_semaphore, #tpu.memory_space<semaphore_mem>>) src(%dma_wait3A_150 : memref<64xi32, #tpu.memory_space<hbm>>) dst(%arg9 : memref<64xi32, #tpu.memory_space<vmem>>)
      tpu.yield
    }) : () -> ()
    %add3A_90 = arith.constant 158 : i32
    %add3A_91 = arith.addi %mul3A_4, %add3A_90 : i32
    "tpu.region"() ({
      %run_scoped3A = tpu.sem_alloc : memref<!tpu.dma_semaphore, #tpu.memory_space<semaphore_mem>>
      %dma_start3A_139 = arith.constant 0 : i32
      %dma_start3A_140 = tpu.memref_slice %arg4[%add3A_91, %dma_start3A_139] : memref<5120x64xi32, #tpu.memory_space<hbm>> -> memref<1x64xi32, #tpu.memory_space<hbm>>
      %dma_start3A_141 = tpu.memref_squeeze %dma_start3A_140 : memref<1x64xi32, #tpu.memory_space<hbm>> -> memref<64xi32, #tpu.memory_space<hbm>>
      %dma_start3A_142 = arith.constant 0 : i32
      %dma_start3A_143 = tpu.memref_slice %arg4[%add3A_91, %dma_start3A_142] : memref<5120x64xi32, #tpu.memory_space<hbm>> -> memref<1x64xi32, #tpu.memory_space<hbm>>
      %dma_start3A_144 = tpu.memref_squeeze %dma_start3A_143 : memref<1x64xi32, #tpu.memory_space<hbm>> -> memref<64xi32, #tpu.memory_space<hbm>>
      tpu.enqueue_dma source(%dma_start3A_144 : memref<64xi32, #tpu.memory_space<hbm>>) target(%arg13 : memref<64xi32, #tpu.memory_space<vmem>>) target_semaphore(%run_scoped3A : memref<!tpu.dma_semaphore, #tpu.memory_space<semaphore_mem>>)
      %dma_wait3A_145 = arith.constant 0 : i32
      %dma_wait3A_146 = tpu.memref_slice %arg4[%add3A_91, %dma_wait3A_145] : memref<5120x64xi32, #tpu.memory_space<hbm>> -> memref<1x64xi32, #tpu.memory_space<hbm>>
      %dma_wait3A_147 = tpu.memref_squeeze %dma_wait3A_146 : memref<1x64xi32, #tpu.memory_space<hbm>> -> memref<64xi32, #tpu.memory_space<hbm>>
      %dma_wait3A_148 = arith.constant 0 : i32
      %dma_wait3A_149 = tpu.memref_slice %arg4[%add3A_91, %dma_wait3A_148] : memref<5120x64xi32, #tpu.memory_space<hbm>> -> memref<1x64xi32, #tpu.memory_space<hbm>>
      %dma_wait3A_150 = tpu.memref_squeeze %dma_wait3A_149 : memref<1x64xi32, #tpu.memory_space<hbm>> -> memref<64xi32, #tpu.memory_space<hbm>>
      tpu.wait_dma2 semaphore(%run_scoped3A : memref<!tpu.dma_semaphore, #tpu.memory_space<semaphore_mem>>) src(%dma_wait3A_150 : memref<64xi32, #tpu.memory_space<hbm>>) dst(%arg13 : memref<64xi32, #tpu.memory_space<vmem>>)
      tpu.yield
    }) : () -> ()
    %dma_start3A_92 = arith.constant 0 : i32
    %dma_start3A_93 = arith.constant 0 : i32
    %dma_start3A_94 = tpu.memref_slice %arg2[%dma_start3A_92, %dma_start3A_93] : memref<10000x128xf32, #tpu.memory_space<hbm>> -> memref<10000x128xf32, #tpu.memory_space<hbm>>
    tpu.enqueue_indirect_dma source(%dma_start3A_94 : memref<10000x128xf32, #tpu.memory_space<hbm>>) target(%arg17 : memref<64x128xf32, #tpu.memory_space<vmem>>) offsets(%arg9 : memref<64xi32, #tpu.memory_space<vmem>>) semaphore(%arg22 : memref<!tpu.dma_semaphore, #tpu.memory_space<semaphore_mem>>)
    %dma_wait3A_95 = arith.constant 0 : i32
    %dma_wait3A_96 = arith.constant 0 : i32
    %dma_wait3A_97 = tpu.memref_slice %arg2[%dma_wait3A_95, %dma_wait3A_96] : memref<10000x128xf32, #tpu.memory_space<hbm>> -> memref<10000x128xf32, #tpu.memory_space<hbm>>
    tpu.wait_indirect_dma semaphore(%arg21 : memref<!tpu.dma_semaphore, #tpu.memory_space<semaphore_mem>>) src(%dma_wait3A_97 : memref<10000x128xf32, #tpu.memory_space<hbm>>) dst(%arg16 : memref<64x128xf32, #tpu.memory_space<vmem>>)
    %dma_start3A_98 = arith.constant 0 : i32
    %dma_start3A_99 = arith.constant 0 : i32
    %dma_start3A_100 = tpu.memref_slice %arg19[%dma_start3A_98, %dma_start3A_99] : memref<10240x128xf32, #tpu.memory_space<vmem_shared>> -> memref<10240x128xf32, #tpu.memory_space<vmem_shared>>
    tpu.enqueue_indirect_dma source(%arg16 : memref<64x128xf32, #tpu.memory_space<vmem>>) target(%dma_start3A_100 : memref<10240x128xf32, #tpu.memory_space<vmem_shared>>) offsets(%arg12 : memref<64xi32, #tpu.memory_space<vmem>>) semaphore(%arg25 : memref<!tpu.dma_semaphore, #tpu.memory_space<semaphore_mem>>) {add = true}
    %dma_wait3A_101 = arith.constant 0 : i32
    %dma_wait3A_102 = arith.constant 0 : i32
    %dma_wait3A_103 = tpu.memref_slice %arg19[%dma_wait3A_101, %dma_wait3A_102] : memref<10240x128xf32, #tpu.memory_space<vmem_shared>> -> memref<10240x128xf32, #tpu.memory_space<vmem_shared>>
    tpu.wait_indirect_dma semaphore(%arg27 : memref<!tpu.dma_semaphore, #tpu.memory_space<semaphore_mem>>) src(%arg18 : memref<64x128xf32, #tpu.memory_space<vmem>>) dst(%dma_wait3A_103 : memref<10240x128xf32, #tpu.memory_space<vmem_shared>>)
    %add3A_104 = arith.constant 159 : i32
    %add3A_105 = arith.addi %mul3A_4, %add3A_104 : i32
    "tpu.region"() ({
      %run_scoped3A = tpu.sem_alloc : memref<!tpu.dma_semaphore, #tpu.memory_space<semaphore_mem>>
      %dma_start3A_139 = arith.constant 0 : i32
      %dma_start3A_140 = tpu.memref_slice %arg3[%add3A_105, %dma_start3A_139] : memref<5120x64xi32, #tpu.memory_space<hbm>> -> memref<1x64xi32, #tpu.memory_space<hbm>>
      %dma_start3A_141 = tpu.memref_squeeze %dma_start3A_140 : memref<1x64xi32, #tpu.memory_space<hbm>> -> memref<64xi32, #tpu.memory_space<hbm>>
      %dma_start3A_142 = arith.constant 0 : i32
      %dma_start3A_143 = tpu.memref_slice %arg3[%add3A_105, %dma_start3A_142] : memref<5120x64xi32, #tpu.memory_space<hbm>> -> memref<1x64xi32, #tpu.memory_space<hbm>>
      %dma_start3A_144 = tpu.memref_squeeze %dma_start3A_143 : memref<1x64xi32, #tpu.memory_space<hbm>> -> memref<64xi32, #tpu.memory_space<hbm>>
      tpu.enqueue_dma source(%dma_start3A_144 : memref<64xi32, #tpu.memory_space<hbm>>) target(%arg10 : memref<64xi32, #tpu.memory_space<vmem>>) target_semaphore(%run_scoped3A : memref<!tpu.dma_semaphore, #tpu.memory_space<semaphore_mem>>)
      %dma_wait3A_145 = arith.constant 0 : i32
      %dma_wait3A_146 = tpu.memref_slice %arg3[%add3A_105, %dma_wait3A_145] : memref<5120x64xi32, #tpu.memory_space<hbm>> -> memref<1x64xi32, #tpu.memory_space<hbm>>
      %dma_wait3A_147 = tpu.memref_squeeze %dma_wait3A_146 : memref<1x64xi32, #tpu.memory_space<hbm>> -> memref<64xi32, #tpu.memory_space<hbm>>
      %dma_wait3A_148 = arith.constant 0 : i32
      %dma_wait3A_149 = tpu.memref_slice %arg3[%add3A_105, %dma_wait3A_148] : memref<5120x64xi32, #tpu.memory_space<hbm>> -> memref<1x64xi32, #tpu.memory_space<hbm>>
      %dma_wait3A_150 = tpu.memref_squeeze %dma_wait3A_149 : memref<1x64xi32, #tpu.memory_space<hbm>> -> memref<64xi32, #tpu.memory_space<hbm>>
      tpu.wait_dma2 semaphore(%run_scoped3A : memref<!tpu.dma_semaphore, #tpu.memory_space<semaphore_mem>>) src(%dma_wait3A_150 : memref<64xi32, #tpu.memory_space<hbm>>) dst(%arg10 : memref<64xi32, #tpu.memory_space<vmem>>)
      tpu.yield
    }) : () -> ()
    %add3A_106 = arith.constant 159 : i32
    %add3A_107 = arith.addi %mul3A_4, %add3A_106 : i32
    "tpu.region"() ({
      %run_scoped3A = tpu.sem_alloc : memref<!tpu.dma_semaphore, #tpu.memory_space<semaphore_mem>>
      %dma_start3A_139 = arith.constant 0 : i32
      %dma_start3A_140 = tpu.memref_slice %arg4[%add3A_107, %dma_start3A_139] : memref<5120x64xi32, #tpu.memory_space<hbm>> -> memref<1x64xi32, #tpu.memory_space<hbm>>
      %dma_start3A_141 = tpu.memref_squeeze %dma_start3A_140 : memref<1x64xi32, #tpu.memory_space<hbm>> -> memref<64xi32, #tpu.memory_space<hbm>>
      %dma_start3A_142 = arith.constant 0 : i32
      %dma_start3A_143 = tpu.memref_slice %arg4[%add3A_107, %dma_start3A_142] : memref<5120x64xi32, #tpu.memory_space<hbm>> -> memref<1x64xi32, #tpu.memory_space<hbm>>
      %dma_start3A_144 = tpu.memref_squeeze %dma_start3A_143 : memref<1x64xi32, #tpu.memory_space<hbm>> -> memref<64xi32, #tpu.memory_space<hbm>>
      tpu.enqueue_dma source(%dma_start3A_144 : memref<64xi32, #tpu.memory_space<hbm>>) target(%arg14 : memref<64xi32, #tpu.memory_space<vmem>>) target_semaphore(%run_scoped3A : memref<!tpu.dma_semaphore, #tpu.memory_space<semaphore_mem>>)
      %dma_wait3A_145 = arith.constant 0 : i32
      %dma_wait3A_146 = tpu.memref_slice %arg4[%add3A_107, %dma_wait3A_145] : memref<5120x64xi32, #tpu.memory_space<hbm>> -> memref<1x64xi32, #tpu.memory_space<hbm>>
      %dma_wait3A_147 = tpu.memref_squeeze %dma_wait3A_146 : memref<1x64xi32, #tpu.memory_space<hbm>> -> memref<64xi32, #tpu.memory_space<hbm>>
      %dma_wait3A_148 = arith.constant 0 : i32
      %dma_wait3A_149 = tpu.memref_slice %arg4[%add3A_107, %dma_wait3A_148] : memref<5120x64xi32, #tpu.memory_space<hbm>> -> memref<1x64xi32, #tpu.memory_space<hbm>>
      %dma_wait3A_150 = tpu.memref_squeeze %dma_wait3A_149 : memref<1x64xi32, #tpu.memory_space<hbm>> -> memref<64xi32, #tpu.memory_space<hbm>>
      tpu.wait_dma2 semaphore(%run_scoped3A : memref<!tpu.dma_semaphore, #tpu.memory_space<semaphore_mem>>) src(%dma_wait3A_150 : memref<64xi32, #tpu.memory_space<hbm>>) dst(%arg14 : memref<64xi32, #tpu.memory_space<vmem>>)
      tpu.yield
    }) : () -> ()
    %dma_start3A_108 = arith.constant 0 : i32
    %dma_start3A_109 = arith.constant 0 : i32
    %dma_start3A_110 = tpu.memref_slice %arg2[%dma_start3A_108, %dma_start3A_109] : memref<10000x128xf32, #tpu.memory_space<hbm>> -> memref<10000x128xf32, #tpu.memory_space<hbm>>
    tpu.enqueue_indirect_dma source(%dma_start3A_110 : memref<10000x128xf32, #tpu.memory_space<hbm>>) target(%arg18 : memref<64x128xf32, #tpu.memory_space<vmem>>) offsets(%arg10 : memref<64xi32, #tpu.memory_space<vmem>>) semaphore(%arg23 : memref<!tpu.dma_semaphore, #tpu.memory_space<semaphore_mem>>)
    %dma_wait3A_111 = arith.constant 0 : i32
    %dma_wait3A_112 = arith.constant 0 : i32
    %dma_wait3A_113 = tpu.memref_slice %arg2[%dma_wait3A_111, %dma_wait3A_112] : memref<10000x128xf32, #tpu.memory_space<hbm>> -> memref<10000x128xf32, #tpu.memory_space<hbm>>
    tpu.wait_indirect_dma semaphore(%arg22 : memref<!tpu.dma_semaphore, #tpu.memory_space<semaphore_mem>>) src(%dma_wait3A_113 : memref<10000x128xf32, #tpu.memory_space<hbm>>) dst(%arg17 : memref<64x128xf32, #tpu.memory_space<vmem>>)
    %dma_start3A_114 = arith.constant 0 : i32
    %dma_start3A_115 = arith.constant 0 : i32
    %dma_start3A_116 = tpu.memref_slice %arg19[%dma_start3A_114, %dma_start3A_115] : memref<10240x128xf32, #tpu.memory_space<vmem_shared>> -> memref<10240x128xf32, #tpu.memory_space<vmem_shared>>
    tpu.enqueue_indirect_dma source(%arg17 : memref<64x128xf32, #tpu.memory_space<vmem>>) target(%dma_start3A_116 : memref<10240x128xf32, #tpu.memory_space<vmem_shared>>) offsets(%arg13 : memref<64xi32, #tpu.memory_space<vmem>>) semaphore(%arg26 : memref<!tpu.dma_semaphore, #tpu.memory_space<semaphore_mem>>) {add = true}
    %dma_wait3A_117 = arith.constant 0 : i32
    %dma_wait3A_118 = arith.constant 0 : i32
    %dma_wait3A_119 = tpu.memref_slice %arg19[%dma_wait3A_117, %dma_wait3A_118] : memref<10240x128xf32, #tpu.memory_space<vmem_shared>> -> memref<10240x128xf32, #tpu.memory_space<vmem_shared>>
    tpu.wait_indirect_dma semaphore(%arg24 : memref<!tpu.dma_semaphore, #tpu.memory_space<semaphore_mem>>) src(%arg15 : memref<64x128xf32, #tpu.memory_space<vmem>>) dst(%dma_wait3A_119 : memref<10240x128xf32, #tpu.memory_space<vmem_shared>>)
    %dma_wait3A_120 = arith.constant 0 : i32
    %dma_wait3A_121 = arith.constant 0 : i32
    %dma_wait3A_122 = tpu.memref_slice %arg2[%dma_wait3A_120, %dma_wait3A_121] : memref<10000x128xf32, #tpu.memory_space<hbm>> -> memref<10000x128xf32, #tpu.memory_space<hbm>>
    tpu.wait_indirect_dma semaphore(%arg23 : memref<!tpu.dma_semaphore, #tpu.memory_space<semaphore_mem>>) src(%dma_wait3A_122 : memref<10000x128xf32, #tpu.memory_space<hbm>>) dst(%arg18 : memref<64x128xf32, #tpu.memory_space<vmem>>)
    %dma_start3A_123 = arith.constant 0 : i32
    %dma_start3A_124 = arith.constant 0 : i32
    %dma_start3A_125 = tpu.memref_slice %arg19[%dma_start3A_123, %dma_start3A_124] : memref<10240x128xf32, #tpu.memory_space<vmem_shared>> -> memref<10240x128xf32, #tpu.memory_space<vmem_shared>>
    tpu.enqueue_indirect_dma source(%arg18 : memref<64x128xf32, #tpu.memory_space<vmem>>) target(%dma_start3A_125 : memref<10240x128xf32, #tpu.memory_space<vmem_shared>>) offsets(%arg14 : memref<64xi32, #tpu.memory_space<vmem>>) semaphore(%arg27 : memref<!tpu.dma_semaphore, #tpu.memory_space<semaphore_mem>>) {add = true}
    %dma_wait3A_126 = arith.constant 0 : i32
    %dma_wait3A_127 = arith.constant 0 : i32
    %dma_wait3A_128 = tpu.memref_slice %arg19[%dma_wait3A_126, %dma_wait3A_127] : memref<10240x128xf32, #tpu.memory_space<vmem_shared>> -> memref<10240x128xf32, #tpu.memory_space<vmem_shared>>
    tpu.wait_indirect_dma semaphore(%arg25 : memref<!tpu.dma_semaphore, #tpu.memory_space<semaphore_mem>>) src(%arg16 : memref<64x128xf32, #tpu.memory_space<vmem>>) dst(%dma_wait3A_128 : memref<10240x128xf32, #tpu.memory_space<vmem_shared>>)
    %dma_wait3A_129 = arith.constant 0 : i32
    %dma_wait3A_130 = arith.constant 0 : i32
    %dma_wait3A_131 = tpu.memref_slice %arg19[%dma_wait3A_129, %dma_wait3A_130] : memref<10240x128xf32, #tpu.memory_space<vmem_shared>> -> memref<10240x128xf32, #tpu.memory_space<vmem_shared>>
    tpu.wait_indirect_dma semaphore(%arg26 : memref<!tpu.dma_semaphore, #tpu.memory_space<semaphore_mem>>) src(%arg17 : memref<64x128xf32, #tpu.memory_space<vmem>>) dst(%dma_wait3A_131 : memref<10240x128xf32, #tpu.memory_space<vmem_shared>>)
    %dma_wait3A_132 = arith.constant 0 : i32
    %dma_wait3A_133 = arith.constant 0 : i32
    %dma_wait3A_134 = tpu.memref_slice %arg19[%dma_wait3A_132, %dma_wait3A_133] : memref<10240x128xf32, #tpu.memory_space<vmem_shared>> -> memref<10240x128xf32, #tpu.memory_space<vmem_shared>>
    tpu.wait_indirect_dma semaphore(%arg27 : memref<!tpu.dma_semaphore, #tpu.memory_space<semaphore_mem>>) src(%arg18 : memref<64x128xf32, #tpu.memory_space<vmem>>) dst(%dma_wait3A_134 : memref<10240x128xf32, #tpu.memory_space<vmem_shared>>)
    %barrier3A_135 = arith.constant 0 : index
    tpu.barrier barrier_id(%barrier3A_135)
    %mul3A_136 = arith.constant 16 : i32
    %mul3A_137 = arith.muli %arg0, %mul3A_136 : i32
    %add3A_138 = arith.addi %mul3A_137, %arg1 : i32
    "tpu.region"() ({
      %run_scoped3A = tpu.sem_alloc : memref<!tpu.dma_semaphore, #tpu.memory_space<semaphore_mem>>
      %dma_start3A_139 = arith.constant 0 : i32
      %dma_start3A_140 = arith.constant 0 : i32
      %dma_start3A_141 = tpu.memref_slice %arg6[%add3A_138, %dma_start3A_139, %dma_start3A_140] : memref<32x640x128xf32, #tpu.memory_space<hbm>> -> memref<1x640x128xf32, #tpu.memory_space<hbm>>
      %dma_start3A_142 = tpu.memref_squeeze %dma_start3A_141 : memref<1x640x128xf32, #tpu.memory_space<hbm>> -> memref<640x128xf32, #tpu.memory_space<hbm>>
      %dma_start3A_143 = arith.constant 0 : i32
      %dma_start3A_144 = tpu.memref_slice %arg19[%mul3A_2, %dma_start3A_143] : memref<10240x128xf32, #tpu.memory_space<vmem_shared>> -> memref<640x128xf32, #tpu.memory_space<vmem_shared>>
      tpu.enqueue_dma source(%dma_start3A_144 : memref<640x128xf32, #tpu.memory_space<vmem_shared>>) target(%dma_start3A_142 : memref<640x128xf32, #tpu.memory_space<hbm>>) target_semaphore(%run_scoped3A : memref<!tpu.dma_semaphore, #tpu.memory_space<semaphore_mem>>)
      %dma_wait3A_145 = arith.constant 0 : i32
      %dma_wait3A_146 = arith.constant 0 : i32
      %dma_wait3A_147 = tpu.memref_slice %arg6[%add3A_138, %dma_wait3A_145, %dma_wait3A_146] : memref<32x640x128xf32, #tpu.memory_space<hbm>> -> memref<1x640x128xf32, #tpu.memory_space<hbm>>
      %dma_wait3A_148 = tpu.memref_squeeze %dma_wait3A_147 : memref<1x640x128xf32, #tpu.memory_space<hbm>> -> memref<640x128xf32, #tpu.memory_space<hbm>>
      %dma_wait3A_149 = arith.constant 0 : i32
      %dma_wait3A_150 = tpu.memref_slice %arg19[%mul3A_2, %dma_wait3A_149] : memref<10240x128xf32, #tpu.memory_space<vmem_shared>> -> memref<640x128xf32, #tpu.memory_space<vmem_shared>>
      tpu.wait_dma2 semaphore(%run_scoped3A : memref<!tpu.dma_semaphore, #tpu.memory_space<semaphore_mem>>) src(%dma_wait3A_150 : memref<640x128xf32, #tpu.memory_space<vmem_shared>>) dst(%dma_wait3A_148 : memref<640x128xf32, #tpu.memory_space<hbm>>)
      tpu.yield
    }) : () -> ()
    return
  }
}

#map = affine_map<(d0, d1) -> (0, 0)>
#map1 = affine_map<(d0, d1) -> (0, 0, 0)>
module attributes {stable_mosaic.version = 14 : i64} {
  func.func @body(%arg0: i32, %arg1: i32, %arg2: memref<10240x128xf32, #tpu.memory_space<hbm>>, %arg3: memref<5120x64xi32, #tpu.memory_space<hbm>>, %arg4: memref<5120x64xi32, #tpu.memory_space<hbm>>, %arg5: memref<640x128xf32, #tpu.memory_space<hbm>>, %arg6: memref<32x640x128xf32, #tpu.memory_space<hbm>>, %arg7: memref<64xi32, #tpu.memory_space<vmem>>, %arg8: memref<64xi32, #tpu.memory_space<vmem>>, %arg9: memref<64xi32, #tpu.memory_space<vmem>>, %arg10: memref<64xi32, #tpu.memory_space<vmem>>, %arg11: memref<64xi32, #tpu.memory_space<vmem>>, %arg12: memref<64xi32, #tpu.memory_space<vmem>>, %arg13: memref<64xi32, #tpu.memory_space<vmem>>, %arg14: memref<64xi32, #tpu.memory_space<vmem>>, %arg15: memref<64x128xf32, #tpu.memory_space<vmem>>, %arg16: memref<64x128xf32, #tpu.memory_space<vmem>>, %arg17: memref<64x128xf32, #tpu.memory_space<vmem>>, %arg18: memref<64x128xf32, #tpu.memory_space<vmem>>, %arg19: memref<10240x128xf32, #tpu.memory_space<vmem_shared>>, %arg20: memref<!tpu.dma_semaphore, #tpu.memory_space<semaphore_mem>>, %arg21: memref<!tpu.dma_semaphore, #tpu.memory_space<semaphore_mem>>, %arg22: memref<!tpu.dma_semaphore, #tpu.memory_space<semaphore_mem>>, %arg23: memref<!tpu.dma_semaphore, #tpu.memory_space<semaphore_mem>>, %arg24: memref<!tpu.dma_semaphore, #tpu.memory_space<semaphore_mem>>, %arg25: memref<!tpu.dma_semaphore, #tpu.memory_space<semaphore_mem>>, %arg26: memref<!tpu.dma_semaphore, #tpu.memory_space<semaphore_mem>>, %arg27: memref<!tpu.dma_semaphore, #tpu.memory_space<semaphore_mem>>) attributes {dimension_semantics = [#tpu.dimension_semantics<core_parallel>, #tpu.dimension_semantics<subcore_parallel>], iteration_bounds = array<i64: 2, 16>, scalar_prefetch = 0 : i64, scratch_operands = 21 : i64, tpu.core_type = #tpu.core_type<sc_vector_subcore>, window_params = [{transform_indices = #map}, {transform_indices = #map}, {transform_indices = #map}, {transform_indices = #map}, {transform_indices = #map1}]} {
    %mul3A = arith.constant 2 : i32
    %mul3A_0 = arith.muli %arg1, %mul3A : i32
    %add3A = arith.addi %mul3A_0, %arg0 : i32
    %mul3A_1 = arith.constant 640 : i32
    %mul3A_2 = arith.muli %arg1, %mul3A_1 : i32
    %mul3A_3 = arith.constant 160 : i32
    %mul3A_4 = arith.muli %add3A, %mul3A_3 : i32
    "tpu.region"() ({
      %run_scoped3A = tpu.sem_alloc : memref<!tpu.dma_semaphore, #tpu.memory_space<semaphore_mem>>
      %dma_start3A_139 = arith.constant 0 : i32
      %dma_start3A_140 = tpu.memref_slice %arg19[%mul3A_2, %dma_start3A_139] : memref<10240x128xf32, #tpu.memory_space<vmem_shared>> -> memref<640x128xf32, #tpu.memory_space<vmem_shared>>
      tpu.enqueue_dma source(%arg5 : memref<640x128xf32, #tpu.memory_space<hbm>>) target(%dma_start3A_140 : memref<640x128xf32, #tpu.memory_space<vmem_shared>>) target_semaphore(%run_scoped3A : memref<!tpu.dma_semaphore, #tpu.memory_space<semaphore_mem>>)
      %dma_wait3A_141 = arith.constant 0 : i32
      %dma_wait3A_142 = tpu.memref_slice %arg19[%mul3A_2, %dma_wait3A_141] : memref<10240x128xf32, #tpu.memory_space<vmem_shared>> -> memref<640x128xf32, #tpu.memory_space<vmem_shared>>
      tpu.wait_dma2 semaphore(%run_scoped3A : memref<!tpu.dma_semaphore, #tpu.memory_space<semaphore_mem>>) src(%arg5 : memref<640x128xf32, #tpu.memory_space<hbm>>) dst(%dma_wait3A_142 : memref<640x128xf32, #tpu.memory_space<vmem_shared>>)
      tpu.yield
    }) : () -> ()
    %barrier3A = arith.constant 0 : index
    tpu.barrier barrier_id(%barrier3A)
    %add3A_5 = arith.constant 0 : i32
    %add3A_6 = arith.addi %mul3A_4, %add3A_5 : i32
    "tpu.region"() ({
      %run_scoped3A = tpu.sem_alloc : memref<!tpu.dma_semaphore, #tpu.memory_space<semaphore_mem>>
      %dma_start3A_139 = arith.constant 0 : i32
      %dma_start3A_140 = tpu.memref_slice %arg3[%add3A_6, %dma_start3A_139] : memref<5120x64xi32, #tpu.memory_space<hbm>> -> memref<1x64xi32, #tpu.memory_space<hbm>>
      %dma_start3A_141 = tpu.memref_squeeze %dma_start3A_140 : memref<1x64xi32, #tpu.memory_space<hbm>> -> memref<64xi32, #tpu.memory_space<hbm>>
      %dma_start3A_142 = arith.constant 0 : i32
      %dma_start3A_143 = tpu.memref_slice %arg3[%add3A_6, %dma_start3A_142] : memref<5120x64xi32, #tpu.memory_space<hbm>> -> memref<1x64xi32, #tpu.memory_space<hbm>>
      %dma_start3A_144 = tpu.memref_squeeze %dma_start3A_143 : memref<1x64xi32, #tpu.memory_space<hbm>> -> memref<64xi32, #tpu.memory_space<hbm>>
      tpu.enqueue_dma source(%dma_start3A_144 : memref<64xi32, #tpu.memory_space<hbm>>) target(%arg7 : memref<64xi32, #tpu.memory_space<vmem>>) target_semaphore(%run_scoped3A : memref<!tpu.dma_semaphore, #tpu.memory_space<semaphore_mem>>)
      %dma_wait3A_145 = arith.constant 0 : i32
      %dma_wait3A_146 = tpu.memref_slice %arg3[%add3A_6, %dma_wait3A_145] : memref<5120x64xi32, #tpu.memory_space<hbm>> -> memref<1x64xi32, #tpu.memory_space<hbm>>
      %dma_wait3A_147 = tpu.memref_squeeze %dma_wait3A_146 : memref<1x64xi32, #tpu.memory_space<hbm>> -> memref<64xi32, #tpu.memory_space<hbm>>
      %dma_wait3A_148 = arith.constant 0 : i32
      %dma_wait3A_149 = tpu.memref_slice %arg3[%add3A_6, %dma_wait3A_148] : memref<5120x64xi32, #tpu.memory_space<hbm>> -> memref<1x64xi32, #tpu.memory_space<hbm>>
      %dma_wait3A_150 = tpu.memref_squeeze %dma_wait3A_149 : memref<1x64xi32, #tpu.memory_space<hbm>> -> memref<64xi32, #tpu.memory_space<hbm>>
      tpu.wait_dma2 semaphore(%run_scoped3A : memref<!tpu.dma_semaphore, #tpu.memory_space<semaphore_mem>>) src(%dma_wait3A_150 : memref<64xi32, #tpu.memory_space<hbm>>) dst(%arg7 : memref<64xi32, #tpu.memory_space<vmem>>)
      tpu.yield
    }) : () -> ()
    %add3A_7 = arith.constant 0 : i32
    %add3A_8 = arith.addi %mul3A_4, %add3A_7 : i32
    "tpu.region"() ({
      %run_scoped3A = tpu.sem_alloc : memref<!tpu.dma_semaphore, #tpu.memory_space<semaphore_mem>>
      %dma_start3A_139 = arith.constant 0 : i32
      %dma_start3A_140 = tpu.memref_slice %arg4[%add3A_8, %dma_start3A_139] : memref<5120x64xi32, #tpu.memory_space<hbm>> -> memref<1x64xi32, #tpu.memory_space<hbm>>
      %dma_start3A_141 = tpu.memref_squeeze %dma_start3A_140 : memref<1x64xi32, #tpu.memory_space<hbm>> -> memref<64xi32, #tpu.memory_space<hbm>>
      %dma_start3A_142 = arith.constant 0 : i32
      %dma_start3A_143 = tpu.memref_slice %arg4[%add3A_8, %dma_start3A_142] : memref<5120x64xi32, #tpu.memory_space<hbm>> -> memref<1x64xi32, #tpu.memory_space<hbm>>
      %dma_start3A_144 = tpu.memref_squeeze %dma_start3A_143 : memref<1x64xi32, #tpu.memory_space<hbm>> -> memref<64xi32, #tpu.memory_space<hbm>>
      tpu.enqueue_dma source(%dma_start3A_144 : memref<64xi32, #tpu.memory_space<hbm>>) target(%arg11 : memref<64xi32, #tpu.memory_space<vmem>>) target_semaphore(%run_scoped3A : memref<!tpu.dma_semaphore, #tpu.memory_space<semaphore_mem>>)
      %dma_wait3A_145 = arith.constant 0 : i32
      %dma_wait3A_146 = tpu.memref_slice %arg4[%add3A_8, %dma_wait3A_145] : memref<5120x64xi32, #tpu.memory_space<hbm>> -> memref<1x64xi32, #tpu.memory_space<hbm>>
      %dma_wait3A_147 = tpu.memref_squeeze %dma_wait3A_146 : memref<1x64xi32, #tpu.memory_space<hbm>> -> memref<64xi32, #tpu.memory_space<hbm>>
      %dma_wait3A_148 = arith.constant 0 : i32
      %dma_wait3A_149 = tpu.memref_slice %arg4[%add3A_8, %dma_wait3A_148] : memref<5120x64xi32, #tpu.memory_space<hbm>> -> memref<1x64xi32, #tpu.memory_space<hbm>>
      %dma_wait3A_150 = tpu.memref_squeeze %dma_wait3A_149 : memref<1x64xi32, #tpu.memory_space<hbm>> -> memref<64xi32, #tpu.memory_space<hbm>>
      tpu.wait_dma2 semaphore(%run_scoped3A : memref<!tpu.dma_semaphore, #tpu.memory_space<semaphore_mem>>) src(%dma_wait3A_150 : memref<64xi32, #tpu.memory_space<hbm>>) dst(%arg11 : memref<64xi32, #tpu.memory_space<vmem>>)
      tpu.yield
    }) : () -> ()
    %dma_start3A = arith.constant 0 : i32
    %dma_start3A_9 = arith.constant 0 : i32
    %dma_start3A_10 = tpu.memref_slice %arg2[%dma_start3A, %dma_start3A_9] : memref<10240x128xf32, #tpu.memory_space<hbm>> -> memref<10240x128xf32, #tpu.memory_space<hbm>>
    tpu.enqueue_indirect_dma source(%dma_start3A_10 : memref<10240x128xf32, #tpu.memory_space<hbm>>) target(%arg15 : memref<64x128xf32, #tpu.memory_space<vmem>>) offsets(%arg7 : memref<64xi32, #tpu.memory_space<vmem>>) semaphore(%arg20 : memref<!tpu.dma_semaphore, #tpu.memory_space<semaphore_mem>>)
    %add3A_11 = arith.constant 1 : i32
    %add3A_12 = arith.addi %mul3A_4, %add3A_11 : i32
    "tpu.region"() ({
      %run_scoped3A = tpu.sem_alloc : memref<!tpu.dma_semaphore, #tpu.memory_space<semaphore_mem>>
      %dma_start3A_139 = arith.constant 0 : i32
      %dma_start3A_140 = tpu.memref_slice %arg3[%add3A_12, %dma_start3A_139] : memref<5120x64xi32, #tpu.memory_space<hbm>> -> memref<1x64xi32, #tpu.memory_space<hbm>>
      %dma_start3A_141 = tpu.memref_squeeze %dma_start3A_140 : memref<1x64xi32, #tpu.memory_space<hbm>> -> memref<64xi32, #tpu.memory_space<hbm>>
      %dma_start3A_142 = arith.constant 0 : i32
      %dma_start3A_143 = tpu.memref_slice %arg3[%add3A_12, %dma_start3A_142] : memref<5120x64xi32, #tpu.memory_space<hbm>> -> memref<1x64xi32, #tpu.memory_space<hbm>>
      %dma_start3A_144 = tpu.memref_squeeze %dma_start3A_143 : memref<1x64xi32, #tpu.memory_space<hbm>> -> memref<64xi32, #tpu.memory_space<hbm>>
      tpu.enqueue_dma source(%dma_start3A_144 : memref<64xi32, #tpu.memory_space<hbm>>) target(%arg8 : memref<64xi32, #tpu.memory_space<vmem>>) target_semaphore(%run_scoped3A : memref<!tpu.dma_semaphore, #tpu.memory_space<semaphore_mem>>)
      %dma_wait3A_145 = arith.constant 0 : i32
      %dma_wait3A_146 = tpu.memref_slice %arg3[%add3A_12, %dma_wait3A_145] : memref<5120x64xi32, #tpu.memory_space<hbm>> -> memref<1x64xi32, #tpu.memory_space<hbm>>
      %dma_wait3A_147 = tpu.memref_squeeze %dma_wait3A_146 : memref<1x64xi32, #tpu.memory_space<hbm>> -> memref<64xi32, #tpu.memory_space<hbm>>
      %dma_wait3A_148 = arith.constant 0 : i32
      %dma_wait3A_149 = tpu.memref_slice %arg3[%add3A_12, %dma_wait3A_148] : memref<5120x64xi32, #tpu.memory_space<hbm>> -> memref<1x64xi32, #tpu.memory_space<hbm>>
      %dma_wait3A_150 = tpu.memref_squeeze %dma_wait3A_149 : memref<1x64xi32, #tpu.memory_space<hbm>> -> memref<64xi32, #tpu.memory_space<hbm>>
      tpu.wait_dma2 semaphore(%run_scoped3A : memref<!tpu.dma_semaphore, #tpu.memory_space<semaphore_mem>>) src(%dma_wait3A_150 : memref<64xi32, #tpu.memory_space<hbm>>) dst(%arg8 : memref<64xi32, #tpu.memory_space<vmem>>)
      tpu.yield
    }) : () -> ()
    %add3A_13 = arith.constant 1 : i32
    %add3A_14 = arith.addi %mul3A_4, %add3A_13 : i32
    "tpu.region"() ({
      %run_scoped3A = tpu.sem_alloc : memref<!tpu.dma_semaphore, #tpu.memory_space<semaphore_mem>>
      %dma_start3A_139 = arith.constant 0 : i32
      %dma_start3A_140 = tpu.memref_slice %arg4[%add3A_14, %dma_start3A_139] : memref<5120x64xi32, #tpu.memory_space<hbm>> -> memref<1x64xi32, #tpu.memory_space<hbm>>
      %dma_start3A_141 = tpu.memref_squeeze %dma_start3A_140 : memref<1x64xi32, #tpu.memory_space<hbm>> -> memref<64xi32, #tpu.memory_space<hbm>>
      %dma_start3A_142 = arith.constant 0 : i32
      %dma_start3A_143 = tpu.memref_slice %arg4[%add3A_14, %dma_start3A_142] : memref<5120x64xi32, #tpu.memory_space<hbm>> -> memref<1x64xi32, #tpu.memory_space<hbm>>
      %dma_start3A_144 = tpu.memref_squeeze %dma_start3A_143 : memref<1x64xi32, #tpu.memory_space<hbm>> -> memref<64xi32, #tpu.memory_space<hbm>>
      tpu.enqueue_dma source(%dma_start3A_144 : memref<64xi32, #tpu.memory_space<hbm>>) target(%arg12 : memref<64xi32, #tpu.memory_space<vmem>>) target_semaphore(%run_scoped3A : memref<!tpu.dma_semaphore, #tpu.memory_space<semaphore_mem>>)
      %dma_wait3A_145 = arith.constant 0 : i32
      %dma_wait3A_146 = tpu.memref_slice %arg4[%add3A_14, %dma_wait3A_145] : memref<5120x64xi32, #tpu.memory_space<hbm>> -> memref<1x64xi32, #tpu.memory_space<hbm>>
      %dma_wait3A_147 = tpu.memref_squeeze %dma_wait3A_146 : memref<1x64xi32, #tpu.memory_space<hbm>> -> memref<64xi32, #tpu.memory_space<hbm>>
      %dma_wait3A_148 = arith.constant 0 : i32
      %dma_wait3A_149 = tpu.memref_slice %arg4[%add3A_14, %dma_wait3A_148] : memref<5120x64xi32, #tpu.memory_space<hbm>> -> memref<1x64xi32, #tpu.memory_space<hbm>>
      %dma_wait3A_150 = tpu.memref_squeeze %dma_wait3A_149 : memref<1x64xi32, #tpu.memory_space<hbm>> -> memref<64xi32, #tpu.memory_space<hbm>>
      tpu.wait_dma2 semaphore(%run_scoped3A : memref<!tpu.dma_semaphore, #tpu.memory_space<semaphore_mem>>) src(%dma_wait3A_150 : memref<64xi32, #tpu.memory_space<hbm>>) dst(%arg12 : memref<64xi32, #tpu.memory_space<vmem>>)
      tpu.yield
    }) : () -> ()
    %dma_start3A_15 = arith.constant 0 : i32
    %dma_start3A_16 = arith.constant 0 : i32
    %dma_start3A_17 = tpu.memref_slice %arg2[%dma_start3A_15, %dma_start3A_16] : memref<10240x128xf32, #tpu.memory_space<hbm>> -> memref<10240x128xf32, #tpu.memory_space<hbm>>
    tpu.enqueue_indirect_dma source(%dma_start3A_17 : memref<10240x128xf32, #tpu.memory_space<hbm>>) target(%arg16 : memref<64x128xf32, #tpu.memory_space<vmem>>) offsets(%arg8 : memref<64xi32, #tpu.memory_space<vmem>>) semaphore(%arg21 : memref<!tpu.dma_semaphore, #tpu.memory_space<semaphore_mem>>)
    %dma_wait3A = arith.constant 0 : i32
    %dma_wait3A_18 = arith.constant 0 : i32
    %dma_wait3A_19 = tpu.memref_slice %arg2[%dma_wait3A, %dma_wait3A_18] : memref<10240x128xf32, #tpu.memory_space<hbm>> -> memref<10240x128xf32, #tpu.memory_space<hbm>>
    tpu.wait_indirect_dma semaphore(%arg20 : memref<!tpu.dma_semaphore, #tpu.memory_space<semaphore_mem>>) src(%dma_wait3A_19 : memref<10240x128xf32, #tpu.memory_space<hbm>>) dst(%arg15 : memref<64x128xf32, #tpu.memory_space<vmem>>)
    %dma_start3A_20 = arith.constant 0 : i32
    %dma_start3A_21 = arith.constant 0 : i32
    %dma_start3A_22 = tpu.memref_slice %arg19[%dma_start3A_20, %dma_start3A_21] : memref<10240x128xf32, #tpu.memory_space<vmem_shared>> -> memref<10240x128xf32, #tpu.memory_space<vmem_shared>>
    tpu.enqueue_indirect_dma source(%arg15 : memref<64x128xf32, #tpu.memory_space<vmem>>) target(%dma_start3A_22 : memref<10240x128xf32, #tpu.memory_space<vmem_shared>>) offsets(%arg11 : memref<64xi32, #tpu.memory_space<vmem>>) semaphore(%arg24 : memref<!tpu.dma_semaphore, #tpu.memory_space<semaphore_mem>>) {add = true}
    %add3A_23 = arith.constant 2 : i32
    %add3A_24 = arith.addi %mul3A_4, %add3A_23 : i32
    "tpu.region"() ({
      %run_scoped3A = tpu.sem_alloc : memref<!tpu.dma_semaphore, #tpu.memory_space<semaphore_mem>>
      %dma_start3A_139 = arith.constant 0 : i32
      %dma_start3A_140 = tpu.memref_slice %arg3[%add3A_24, %dma_start3A_139] : memref<5120x64xi32, #tpu.memory_space<hbm>> -> memref<1x64xi32, #tpu.memory_space<hbm>>
      %dma_start3A_141 = tpu.memref_squeeze %dma_start3A_140 : memref<1x64xi32, #tpu.memory_space<hbm>> -> memref<64xi32, #tpu.memory_space<hbm>>
      %dma_start3A_142 = arith.constant 0 : i32
      %dma_start3A_143 = tpu.memref_slice %arg3[%add3A_24, %dma_start3A_142] : memref<5120x64xi32, #tpu.memory_space<hbm>> -> memref<1x64xi32, #tpu.memory_space<hbm>>
      %dma_start3A_144 = tpu.memref_squeeze %dma_start3A_143 : memref<1x64xi32, #tpu.memory_space<hbm>> -> memref<64xi32, #tpu.memory_space<hbm>>
      tpu.enqueue_dma source(%dma_start3A_144 : memref<64xi32, #tpu.memory_space<hbm>>) target(%arg9 : memref<64xi32, #tpu.memory_space<vmem>>) target_semaphore(%run_scoped3A : memref<!tpu.dma_semaphore, #tpu.memory_space<semaphore_mem>>)
      %dma_wait3A_145 = arith.constant 0 : i32
      %dma_wait3A_146 = tpu.memref_slice %arg3[%add3A_24, %dma_wait3A_145] : memref<5120x64xi32, #tpu.memory_space<hbm>> -> memref<1x64xi32, #tpu.memory_space<hbm>>
      %dma_wait3A_147 = tpu.memref_squeeze %dma_wait3A_146 : memref<1x64xi32, #tpu.memory_space<hbm>> -> memref<64xi32, #tpu.memory_space<hbm>>
      %dma_wait3A_148 = arith.constant 0 : i32
      %dma_wait3A_149 = tpu.memref_slice %arg3[%add3A_24, %dma_wait3A_148] : memref<5120x64xi32, #tpu.memory_space<hbm>> -> memref<1x64xi32, #tpu.memory_space<hbm>>
      %dma_wait3A_150 = tpu.memref_squeeze %dma_wait3A_149 : memref<1x64xi32, #tpu.memory_space<hbm>> -> memref<64xi32, #tpu.memory_space<hbm>>
      tpu.wait_dma2 semaphore(%run_scoped3A : memref<!tpu.dma_semaphore, #tpu.memory_space<semaphore_mem>>) src(%dma_wait3A_150 : memref<64xi32, #tpu.memory_space<hbm>>) dst(%arg9 : memref<64xi32, #tpu.memory_space<vmem>>)
      tpu.yield
    }) : () -> ()
    %add3A_25 = arith.constant 2 : i32
    %add3A_26 = arith.addi %mul3A_4, %add3A_25 : i32
    "tpu.region"() ({
      %run_scoped3A = tpu.sem_alloc : memref<!tpu.dma_semaphore, #tpu.memory_space<semaphore_mem>>
      %dma_start3A_139 = arith.constant 0 : i32
      %dma_start3A_140 = tpu.memref_slice %arg4[%add3A_26, %dma_start3A_139] : memref<5120x64xi32, #tpu.memory_space<hbm>> -> memref<1x64xi32, #tpu.memory_space<hbm>>
      %dma_start3A_141 = tpu.memref_squeeze %dma_start3A_140 : memref<1x64xi32, #tpu.memory_space<hbm>> -> memref<64xi32, #tpu.memory_space<hbm>>
      %dma_start3A_142 = arith.constant 0 : i32
      %dma_start3A_143 = tpu.memref_slice %arg4[%add3A_26, %dma_start3A_142] : memref<5120x64xi32, #tpu.memory_space<hbm>> -> memref<1x64xi32, #tpu.memory_space<hbm>>
      %dma_start3A_144 = tpu.memref_squeeze %dma_start3A_143 : memref<1x64xi32, #tpu.memory_space<hbm>> -> memref<64xi32, #tpu.memory_space<hbm>>
      tpu.enqueue_dma source(%dma_start3A_144 : memref<64xi32, #tpu.memory_space<hbm>>) target(%arg13 : memref<64xi32, #tpu.memory_space<vmem>>) target_semaphore(%run_scoped3A : memref<!tpu.dma_semaphore, #tpu.memory_space<semaphore_mem>>)
      %dma_wait3A_145 = arith.constant 0 : i32
      %dma_wait3A_146 = tpu.memref_slice %arg4[%add3A_26, %dma_wait3A_145] : memref<5120x64xi32, #tpu.memory_space<hbm>> -> memref<1x64xi32, #tpu.memory_space<hbm>>
      %dma_wait3A_147 = tpu.memref_squeeze %dma_wait3A_146 : memref<1x64xi32, #tpu.memory_space<hbm>> -> memref<64xi32, #tpu.memory_space<hbm>>
      %dma_wait3A_148 = arith.constant 0 : i32
      %dma_wait3A_149 = tpu.memref_slice %arg4[%add3A_26, %dma_wait3A_148] : memref<5120x64xi32, #tpu.memory_space<hbm>> -> memref<1x64xi32, #tpu.memory_space<hbm>>
      %dma_wait3A_150 = tpu.memref_squeeze %dma_wait3A_149 : memref<1x64xi32, #tpu.memory_space<hbm>> -> memref<64xi32, #tpu.memory_space<hbm>>
      tpu.wait_dma2 semaphore(%run_scoped3A : memref<!tpu.dma_semaphore, #tpu.memory_space<semaphore_mem>>) src(%dma_wait3A_150 : memref<64xi32, #tpu.memory_space<hbm>>) dst(%arg13 : memref<64xi32, #tpu.memory_space<vmem>>)
      tpu.yield
    }) : () -> ()
    %dma_start3A_27 = arith.constant 0 : i32
    %dma_start3A_28 = arith.constant 0 : i32
    %dma_start3A_29 = tpu.memref_slice %arg2[%dma_start3A_27, %dma_start3A_28] : memref<10240x128xf32, #tpu.memory_space<hbm>> -> memref<10240x128xf32, #tpu.memory_space<hbm>>
    tpu.enqueue_indirect_dma source(%dma_start3A_29 : memref<10240x128xf32, #tpu.memory_space<hbm>>) target(%arg17 : memref<64x128xf32, #tpu.memory_space<vmem>>) offsets(%arg9 : memref<64xi32, #tpu.memory_space<vmem>>) semaphore(%arg22 : memref<!tpu.dma_semaphore, #tpu.memory_space<semaphore_mem>>)
    %dma_wait3A_30 = arith.constant 0 : i32
    %dma_wait3A_31 = arith.constant 0 : i32
    %dma_wait3A_32 = tpu.memref_slice %arg2[%dma_wait3A_30, %dma_wait3A_31] : memref<10240x128xf32, #tpu.memory_space<hbm>> -> memref<10240x128xf32, #tpu.memory_space<hbm>>
    tpu.wait_indirect_dma semaphore(%arg21 : memref<!tpu.dma_semaphore, #tpu.memory_space<semaphore_mem>>) src(%dma_wait3A_32 : memref<10240x128xf32, #tpu.memory_space<hbm>>) dst(%arg16 : memref<64x128xf32, #tpu.memory_space<vmem>>)
    %dma_start3A_33 = arith.constant 0 : i32
    %dma_start3A_34 = arith.constant 0 : i32
    %dma_start3A_35 = tpu.memref_slice %arg19[%dma_start3A_33, %dma_start3A_34] : memref<10240x128xf32, #tpu.memory_space<vmem_shared>> -> memref<10240x128xf32, #tpu.memory_space<vmem_shared>>
    tpu.enqueue_indirect_dma source(%arg16 : memref<64x128xf32, #tpu.memory_space<vmem>>) target(%dma_start3A_35 : memref<10240x128xf32, #tpu.memory_space<vmem_shared>>) offsets(%arg12 : memref<64xi32, #tpu.memory_space<vmem>>) semaphore(%arg25 : memref<!tpu.dma_semaphore, #tpu.memory_space<semaphore_mem>>) {add = true}
    %add3A_36 = arith.constant 3 : i32
    %add3A_37 = arith.addi %mul3A_4, %add3A_36 : i32
    "tpu.region"() ({
      %run_scoped3A = tpu.sem_alloc : memref<!tpu.dma_semaphore, #tpu.memory_space<semaphore_mem>>
      %dma_start3A_139 = arith.constant 0 : i32
      %dma_start3A_140 = tpu.memref_slice %arg3[%add3A_37, %dma_start3A_139] : memref<5120x64xi32, #tpu.memory_space<hbm>> -> memref<1x64xi32, #tpu.memory_space<hbm>>
      %dma_start3A_141 = tpu.memref_squeeze %dma_start3A_140 : memref<1x64xi32, #tpu.memory_space<hbm>> -> memref<64xi32, #tpu.memory_space<hbm>>
      %dma_start3A_142 = arith.constant 0 : i32
      %dma_start3A_143 = tpu.memref_slice %arg3[%add3A_37, %dma_start3A_142] : memref<5120x64xi32, #tpu.memory_space<hbm>> -> memref<1x64xi32, #tpu.memory_space<hbm>>
      %dma_start3A_144 = tpu.memref_squeeze %dma_start3A_143 : memref<1x64xi32, #tpu.memory_space<hbm>> -> memref<64xi32, #tpu.memory_space<hbm>>
      tpu.enqueue_dma source(%dma_start3A_144 : memref<64xi32, #tpu.memory_space<hbm>>) target(%arg10 : memref<64xi32, #tpu.memory_space<vmem>>) target_semaphore(%run_scoped3A : memref<!tpu.dma_semaphore, #tpu.memory_space<semaphore_mem>>)
      %dma_wait3A_145 = arith.constant 0 : i32
      %dma_wait3A_146 = tpu.memref_slice %arg3[%add3A_37, %dma_wait3A_145] : memref<5120x64xi32, #tpu.memory_space<hbm>> -> memref<1x64xi32, #tpu.memory_space<hbm>>
      %dma_wait3A_147 = tpu.memref_squeeze %dma_wait3A_146 : memref<1x64xi32, #tpu.memory_space<hbm>> -> memref<64xi32, #tpu.memory_space<hbm>>
      %dma_wait3A_148 = arith.constant 0 : i32
      %dma_wait3A_149 = tpu.memref_slice %arg3[%add3A_37, %dma_wait3A_148] : memref<5120x64xi32, #tpu.memory_space<hbm>> -> memref<1x64xi32, #tpu.memory_space<hbm>>
      %dma_wait3A_150 = tpu.memref_squeeze %dma_wait3A_149 : memref<1x64xi32, #tpu.memory_space<hbm>> -> memref<64xi32, #tpu.memory_space<hbm>>
      tpu.wait_dma2 semaphore(%run_scoped3A : memref<!tpu.dma_semaphore, #tpu.memory_space<semaphore_mem>>) src(%dma_wait3A_150 : memref<64xi32, #tpu.memory_space<hbm>>) dst(%arg10 : memref<64xi32, #tpu.memory_space<vmem>>)
      tpu.yield
    }) : () -> ()
    %add3A_38 = arith.constant 3 : i32
    %add3A_39 = arith.addi %mul3A_4, %add3A_38 : i32
    "tpu.region"() ({
      %run_scoped3A = tpu.sem_alloc : memref<!tpu.dma_semaphore, #tpu.memory_space<semaphore_mem>>
      %dma_start3A_139 = arith.constant 0 : i32
      %dma_start3A_140 = tpu.memref_slice %arg4[%add3A_39, %dma_start3A_139] : memref<5120x64xi32, #tpu.memory_space<hbm>> -> memref<1x64xi32, #tpu.memory_space<hbm>>
      %dma_start3A_141 = tpu.memref_squeeze %dma_start3A_140 : memref<1x64xi32, #tpu.memory_space<hbm>> -> memref<64xi32, #tpu.memory_space<hbm>>
      %dma_start3A_142 = arith.constant 0 : i32
      %dma_start3A_143 = tpu.memref_slice %arg4[%add3A_39, %dma_start3A_142] : memref<5120x64xi32, #tpu.memory_space<hbm>> -> memref<1x64xi32, #tpu.memory_space<hbm>>
      %dma_start3A_144 = tpu.memref_squeeze %dma_start3A_143 : memref<1x64xi32, #tpu.memory_space<hbm>> -> memref<64xi32, #tpu.memory_space<hbm>>
      tpu.enqueue_dma source(%dma_start3A_144 : memref<64xi32, #tpu.memory_space<hbm>>) target(%arg14 : memref<64xi32, #tpu.memory_space<vmem>>) target_semaphore(%run_scoped3A : memref<!tpu.dma_semaphore, #tpu.memory_space<semaphore_mem>>)
      %dma_wait3A_145 = arith.constant 0 : i32
      %dma_wait3A_146 = tpu.memref_slice %arg4[%add3A_39, %dma_wait3A_145] : memref<5120x64xi32, #tpu.memory_space<hbm>> -> memref<1x64xi32, #tpu.memory_space<hbm>>
      %dma_wait3A_147 = tpu.memref_squeeze %dma_wait3A_146 : memref<1x64xi32, #tpu.memory_space<hbm>> -> memref<64xi32, #tpu.memory_space<hbm>>
      %dma_wait3A_148 = arith.constant 0 : i32
      %dma_wait3A_149 = tpu.memref_slice %arg4[%add3A_39, %dma_wait3A_148] : memref<5120x64xi32, #tpu.memory_space<hbm>> -> memref<1x64xi32, #tpu.memory_space<hbm>>
      %dma_wait3A_150 = tpu.memref_squeeze %dma_wait3A_149 : memref<1x64xi32, #tpu.memory_space<hbm>> -> memref<64xi32, #tpu.memory_space<hbm>>
      tpu.wait_dma2 semaphore(%run_scoped3A : memref<!tpu.dma_semaphore, #tpu.memory_space<semaphore_mem>>) src(%dma_wait3A_150 : memref<64xi32, #tpu.memory_space<hbm>>) dst(%arg14 : memref<64xi32, #tpu.memory_space<vmem>>)
      tpu.yield
    }) : () -> ()
    %dma_start3A_40 = arith.constant 0 : i32
    %dma_start3A_41 = arith.constant 0 : i32
    %dma_start3A_42 = tpu.memref_slice %arg2[%dma_start3A_40, %dma_start3A_41] : memref<10240x128xf32, #tpu.memory_space<hbm>> -> memref<10240x128xf32, #tpu.memory_space<hbm>>
    tpu.enqueue_indirect_dma source(%dma_start3A_42 : memref<10240x128xf32, #tpu.memory_space<hbm>>) target(%arg18 : memref<64x128xf32, #tpu.memory_space<vmem>>) offsets(%arg10 : memref<64xi32, #tpu.memory_space<vmem>>) semaphore(%arg23 : memref<!tpu.dma_semaphore, #tpu.memory_space<semaphore_mem>>)
    %dma_wait3A_43 = arith.constant 0 : i32
    %dma_wait3A_44 = arith.constant 0 : i32
    %dma_wait3A_45 = tpu.memref_slice %arg2[%dma_wait3A_43, %dma_wait3A_44] : memref<10240x128xf32, #tpu.memory_space<hbm>> -> memref<10240x128xf32, #tpu.memory_space<hbm>>
    tpu.wait_indirect_dma semaphore(%arg22 : memref<!tpu.dma_semaphore, #tpu.memory_space<semaphore_mem>>) src(%dma_wait3A_45 : memref<10240x128xf32, #tpu.memory_space<hbm>>) dst(%arg17 : memref<64x128xf32, #tpu.memory_space<vmem>>)
    %dma_start3A_46 = arith.constant 0 : i32
    %dma_start3A_47 = arith.constant 0 : i32
    %dma_start3A_48 = tpu.memref_slice %arg19[%dma_start3A_46, %dma_start3A_47] : memref<10240x128xf32, #tpu.memory_space<vmem_shared>> -> memref<10240x128xf32, #tpu.memory_space<vmem_shared>>
    tpu.enqueue_indirect_dma source(%arg17 : memref<64x128xf32, #tpu.memory_space<vmem>>) target(%dma_start3A_48 : memref<10240x128xf32, #tpu.memory_space<vmem_shared>>) offsets(%arg13 : memref<64xi32, #tpu.memory_space<vmem>>) semaphore(%arg26 : memref<!tpu.dma_semaphore, #tpu.memory_space<semaphore_mem>>) {add = true}
    %dma_wait3A_49 = arith.constant 0 : i32
    %dma_wait3A_50 = arith.constant 0 : i32
    %dma_wait3A_51 = tpu.memref_slice %arg19[%dma_wait3A_49, %dma_wait3A_50] : memref<10240x128xf32, #tpu.memory_space<vmem_shared>> -> memref<10240x128xf32, #tpu.memory_space<vmem_shared>>
    tpu.wait_indirect_dma semaphore(%arg24 : memref<!tpu.dma_semaphore, #tpu.memory_space<semaphore_mem>>) src(%arg15 : memref<64x128xf32, #tpu.memory_space<vmem>>) dst(%dma_wait3A_51 : memref<10240x128xf32, #tpu.memory_space<vmem_shared>>)
    %add3A_52 = arith.constant 4 : i32
    %add3A_53 = arith.addi %mul3A_4, %add3A_52 : i32
    "tpu.region"() ({
      %run_scoped3A = tpu.sem_alloc : memref<!tpu.dma_semaphore, #tpu.memory_space<semaphore_mem>>
      %dma_start3A_139 = arith.constant 0 : i32
      %dma_start3A_140 = tpu.memref_slice %arg3[%add3A_53, %dma_start3A_139] : memref<5120x64xi32, #tpu.memory_space<hbm>> -> memref<1x64xi32, #tpu.memory_space<hbm>>
      %dma_start3A_141 = tpu.memref_squeeze %dma_start3A_140 : memref<1x64xi32, #tpu.memory_space<hbm>> -> memref<64xi32, #tpu.memory_space<hbm>>
      %dma_start3A_142 = arith.constant 0 : i32
      %dma_start3A_143 = tpu.memref_slice %arg3[%add3A_53, %dma_start3A_142] : memref<5120x64xi32, #tpu.memory_space<hbm>> -> memref<1x64xi32, #tpu.memory_space<hbm>>
      %dma_start3A_144 = tpu.memref_squeeze %dma_start3A_143 : memref<1x64xi32, #tpu.memory_space<hbm>> -> memref<64xi32, #tpu.memory_space<hbm>>
      tpu.enqueue_dma source(%dma_start3A_144 : memref<64xi32, #tpu.memory_space<hbm>>) target(%arg7 : memref<64xi32, #tpu.memory_space<vmem>>) target_semaphore(%run_scoped3A : memref<!tpu.dma_semaphore, #tpu.memory_space<semaphore_mem>>)
      %dma_wait3A_145 = arith.constant 0 : i32
      %dma_wait3A_146 = tpu.memref_slice %arg3[%add3A_53, %dma_wait3A_145] : memref<5120x64xi32, #tpu.memory_space<hbm>> -> memref<1x64xi32, #tpu.memory_space<hbm>>
      %dma_wait3A_147 = tpu.memref_squeeze %dma_wait3A_146 : memref<1x64xi32, #tpu.memory_space<hbm>> -> memref<64xi32, #tpu.memory_space<hbm>>
      %dma_wait3A_148 = arith.constant 0 : i32
      %dma_wait3A_149 = tpu.memref_slice %arg3[%add3A_53, %dma_wait3A_148] : memref<5120x64xi32, #tpu.memory_space<hbm>> -> memref<1x64xi32, #tpu.memory_space<hbm>>
      %dma_wait3A_150 = tpu.memref_squeeze %dma_wait3A_149 : memref<1x64xi32, #tpu.memory_space<hbm>> -> memref<64xi32, #tpu.memory_space<hbm>>
      tpu.wait_dma2 semaphore(%run_scoped3A : memref<!tpu.dma_semaphore, #tpu.memory_space<semaphore_mem>>) src(%dma_wait3A_150 : memref<64xi32, #tpu.memory_space<hbm>>) dst(%arg7 : memref<64xi32, #tpu.memory_space<vmem>>)
      tpu.yield
    }) : () -> ()
    %add3A_54 = arith.constant 4 : i32
    %add3A_55 = arith.addi %mul3A_4, %add3A_54 : i32
    "tpu.region"() ({
      %run_scoped3A = tpu.sem_alloc : memref<!tpu.dma_semaphore, #tpu.memory_space<semaphore_mem>>
      %dma_start3A_139 = arith.constant 0 : i32
      %dma_start3A_140 = tpu.memref_slice %arg4[%add3A_55, %dma_start3A_139] : memref<5120x64xi32, #tpu.memory_space<hbm>> -> memref<1x64xi32, #tpu.memory_space<hbm>>
      %dma_start3A_141 = tpu.memref_squeeze %dma_start3A_140 : memref<1x64xi32, #tpu.memory_space<hbm>> -> memref<64xi32, #tpu.memory_space<hbm>>
      %dma_start3A_142 = arith.constant 0 : i32
      %dma_start3A_143 = tpu.memref_slice %arg4[%add3A_55, %dma_start3A_142] : memref<5120x64xi32, #tpu.memory_space<hbm>> -> memref<1x64xi32, #tpu.memory_space<hbm>>
      %dma_start3A_144 = tpu.memref_squeeze %dma_start3A_143 : memref<1x64xi32, #tpu.memory_space<hbm>> -> memref<64xi32, #tpu.memory_space<hbm>>
      tpu.enqueue_dma source(%dma_start3A_144 : memref<64xi32, #tpu.memory_space<hbm>>) target(%arg11 : memref<64xi32, #tpu.memory_space<vmem>>) target_semaphore(%run_scoped3A : memref<!tpu.dma_semaphore, #tpu.memory_space<semaphore_mem>>)
      %dma_wait3A_145 = arith.constant 0 : i32
      %dma_wait3A_146 = tpu.memref_slice %arg4[%add3A_55, %dma_wait3A_145] : memref<5120x64xi32, #tpu.memory_space<hbm>> -> memref<1x64xi32, #tpu.memory_space<hbm>>
      %dma_wait3A_147 = tpu.memref_squeeze %dma_wait3A_146 : memref<1x64xi32, #tpu.memory_space<hbm>> -> memref<64xi32, #tpu.memory_space<hbm>>
      %dma_wait3A_148 = arith.constant 0 : i32
      %dma_wait3A_149 = tpu.memref_slice %arg4[%add3A_55, %dma_wait3A_148] : memref<5120x64xi32, #tpu.memory_space<hbm>> -> memref<1x64xi32, #tpu.memory_space<hbm>>
      %dma_wait3A_150 = tpu.memref_squeeze %dma_wait3A_149 : memref<1x64xi32, #tpu.memory_space<hbm>> -> memref<64xi32, #tpu.memory_space<hbm>>
      tpu.wait_dma2 semaphore(%run_scoped3A : memref<!tpu.dma_semaphore, #tpu.memory_space<semaphore_mem>>) src(%dma_wait3A_150 : memref<64xi32, #tpu.memory_space<hbm>>) dst(%arg11 : memref<64xi32, #tpu.memory_space<vmem>>)
      tpu.yield
    }) : () -> ()
    %dma_start3A_56 = arith.constant 0 : i32
    %dma_start3A_57 = arith.constant 0 : i32
    %dma_start3A_58 = tpu.memref_slice %arg2[%dma_start3A_56, %dma_start3A_57] : memref<10240x128xf32, #tpu.memory_space<hbm>> -> memref<10240x128xf32, #tpu.memory_space<hbm>>
    tpu.enqueue_indirect_dma source(%dma_start3A_58 : memref<10240x128xf32, #tpu.memory_space<hbm>>) target(%arg15 : memref<64x128xf32, #tpu.memory_space<vmem>>) offsets(%arg7 : memref<64xi32, #tpu.memory_space<vmem>>) semaphore(%arg20 : memref<!tpu.dma_semaphore, #tpu.memory_space<semaphore_mem>>)
    %dma_wait3A_59 = arith.constant 0 : i32
    %dma_wait3A_60 = arith.constant 0 : i32
    %dma_wait3A_61 = tpu.memref_slice %arg2[%dma_wait3A_59, %dma_wait3A_60] : memref<10240x128xf32, #tpu.memory_space<hbm>> -> memref<10240x128xf32, #tpu.memory_space<hbm>>
    tpu.wait_indirect_dma semaphore(%arg23 : memref<!tpu.dma_semaphore, #tpu.memory_space<semaphore_mem>>) src(%dma_wait3A_61 : memref<10240x128xf32, #tpu.memory_space<hbm>>) dst(%arg18 : memref<64x128xf32, #tpu.memory_space<vmem>>)
    %dma_start3A_62 = arith.constant 0 : i32
    %dma_start3A_63 = arith.constant 0 : i32
    %dma_start3A_64 = tpu.memref_slice %arg19[%dma_start3A_62, %dma_start3A_63] : memref<10240x128xf32, #tpu.memory_space<vmem_shared>> -> memref<10240x128xf32, #tpu.memory_space<vmem_shared>>
    tpu.enqueue_indirect_dma source(%arg18 : memref<64x128xf32, #tpu.memory_space<vmem>>) target(%dma_start3A_64 : memref<10240x128xf32, #tpu.memory_space<vmem_shared>>) offsets(%arg14 : memref<64xi32, #tpu.memory_space<vmem>>) semaphore(%arg27 : memref<!tpu.dma_semaphore, #tpu.memory_space<semaphore_mem>>) {add = true}
    %dma_wait3A_65 = arith.constant 0 : i32
    %dma_wait3A_66 = arith.constant 0 : i32
    %dma_wait3A_67 = tpu.memref_slice %arg19[%dma_wait3A_65, %dma_wait3A_66] : memref<10240x128xf32, #tpu.memory_space<vmem_shared>> -> memref<10240x128xf32, #tpu.memory_space<vmem_shared>>
    tpu.wait_indirect_dma semaphore(%arg25 : memref<!tpu.dma_semaphore, #tpu.memory_space<semaphore_mem>>) src(%arg16 : memref<64x128xf32, #tpu.memory_space<vmem>>) dst(%dma_wait3A_67 : memref<10240x128xf32, #tpu.memory_space<vmem_shared>>)
    %add3A_68 = arith.constant 5 : i32
    %add3A_69 = arith.addi %mul3A_4, %add3A_68 : i32
    "tpu.region"() ({
      %run_scoped3A = tpu.sem_alloc : memref<!tpu.dma_semaphore, #tpu.memory_space<semaphore_mem>>
      %dma_start3A_139 = arith.constant 0 : i32
      %dma_start3A_140 = tpu.memref_slice %arg3[%add3A_69, %dma_start3A_139] : memref<5120x64xi32, #tpu.memory_space<hbm>> -> memref<1x64xi32, #tpu.memory_space<hbm>>
      %dma_start3A_141 = tpu.memref_squeeze %dma_start3A_140 : memref<1x64xi32, #tpu.memory_space<hbm>> -> memref<64xi32, #tpu.memory_space<hbm>>
      %dma_start3A_142 = arith.constant 0 : i32
      %dma_start3A_143 = tpu.memref_slice %arg3[%add3A_69, %dma_start3A_142] : memref<5120x64xi32, #tpu.memory_space<hbm>> -> memref<1x64xi32, #tpu.memory_space<hbm>>
      %dma_start3A_144 = tpu.memref_squeeze %dma_start3A_143 : memref<1x64xi32, #tpu.memory_space<hbm>> -> memref<64xi32, #tpu.memory_space<hbm>>
      tpu.enqueue_dma source(%dma_start3A_144 : memref<64xi32, #tpu.memory_space<hbm>>) target(%arg8 : memref<64xi32, #tpu.memory_space<vmem>>) target_semaphore(%run_scoped3A : memref<!tpu.dma_semaphore, #tpu.memory_space<semaphore_mem>>)
      %dma_wait3A_145 = arith.constant 0 : i32
      %dma_wait3A_146 = tpu.memref_slice %arg3[%add3A_69, %dma_wait3A_145] : memref<5120x64xi32, #tpu.memory_space<hbm>> -> memref<1x64xi32, #tpu.memory_space<hbm>>
      %dma_wait3A_147 = tpu.memref_squeeze %dma_wait3A_146 : memref<1x64xi32, #tpu.memory_space<hbm>> -> memref<64xi32, #tpu.memory_space<hbm>>
      %dma_wait3A_148 = arith.constant 0 : i32
      %dma_wait3A_149 = tpu.memref_slice %arg3[%add3A_69, %dma_wait3A_148] : memref<5120x64xi32, #tpu.memory_space<hbm>> -> memref<1x64xi32, #tpu.memory_space<hbm>>
      %dma_wait3A_150 = tpu.memref_squeeze %dma_wait3A_149 : memref<1x64xi32, #tpu.memory_space<hbm>> -> memref<64xi32, #tpu.memory_space<hbm>>
      tpu.wait_dma2 semaphore(%run_scoped3A : memref<!tpu.dma_semaphore, #tpu.memory_space<semaphore_mem>>) src(%dma_wait3A_150 : memref<64xi32, #tpu.memory_space<hbm>>) dst(%arg8 : memref<64xi32, #tpu.memory_space<vmem>>)
      tpu.yield
    }) : () -> ()
    %add3A_70 = arith.constant 5 : i32
    %add3A_71 = arith.addi %mul3A_4, %add3A_70 : i32
    "tpu.region"() ({
      %run_scoped3A = tpu.sem_alloc : memref<!tpu.dma_semaphore, #tpu.memory_space<semaphore_mem>>
      %dma_start3A_139 = arith.constant 0 : i32
      %dma_start3A_140 = tpu.memref_slice %arg4[%add3A_71, %dma_start3A_139] : memref<5120x64xi32, #tpu.memory_space<hbm>> -> memref<1x64xi32, #tpu.memory_space<hbm>>
      %dma_start3A_141 = tpu.memref_squeeze %dma_start3A_140 : memref<1x64xi32, #tpu.memory_space<hbm>> -> memref<64xi32, #tpu.memory_space<hbm>>
      %dma_start3A_142 = arith.constant 0 : i32
      %dma_start3A_143 = tpu.memref_slice %arg4[%add3A_71, %dma_start3A_142] : memref<5120x64xi32, #tpu.memory_space<hbm>> -> memref<1x64xi32, #tpu.memory_space<hbm>>
      %dma_start3A_144 = tpu.memref_squeeze %dma_start3A_143 : memref<1x64xi32, #tpu.memory_space<hbm>> -> memref<64xi32, #tpu.memory_space<hbm>>
      tpu.enqueue_dma source(%dma_start3A_144 : memref<64xi32, #tpu.memory_space<hbm>>) target(%arg12 : memref<64xi32, #tpu.memory_space<vmem>>) target_semaphore(%run_scoped3A : memref<!tpu.dma_semaphore, #tpu.memory_space<semaphore_mem>>)
      %dma_wait3A_145 = arith.constant 0 : i32
      %dma_wait3A_146 = tpu.memref_slice %arg4[%add3A_71, %dma_wait3A_145] : memref<5120x64xi32, #tpu.memory_space<hbm>> -> memref<1x64xi32, #tpu.memory_space<hbm>>
      %dma_wait3A_147 = tpu.memref_squeeze %dma_wait3A_146 : memref<1x64xi32, #tpu.memory_space<hbm>> -> memref<64xi32, #tpu.memory_space<hbm>>
      %dma_wait3A_148 = arith.constant 0 : i32
      %dma_wait3A_149 = tpu.memref_slice %arg4[%add3A_71, %dma_wait3A_148] : memref<5120x64xi32, #tpu.memory_space<hbm>> -> memref<1x64xi32, #tpu.memory_space<hbm>>
      %dma_wait3A_150 = tpu.memref_squeeze %dma_wait3A_149 : memref<1x64xi32, #tpu.memory_space<hbm>> -> memref<64xi32, #tpu.memory_space<hbm>>
      tpu.wait_dma2 semaphore(%run_scoped3A : memref<!tpu.dma_semaphore, #tpu.memory_space<semaphore_mem>>) src(%dma_wait3A_150 : memref<64xi32, #tpu.memory_space<hbm>>) dst(%arg12 : memref<64xi32, #tpu.memory_space<vmem>>)
      tpu.yield
    }) : () -> ()
    %dma_start3A_72 = arith.constant 0 : i32
    %dma_start3A_73 = arith.constant 0 : i32
    %dma_start3A_74 = tpu.memref_slice %arg2[%dma_start3A_72, %dma_start3A_73] : memref<10240x128xf32, #tpu.memory_space<hbm>> -> memref<10240x128xf32, #tpu.memory_space<hbm>>
    tpu.enqueue_indirect_dma source(%dma_start3A_74 : memref<10240x128xf32, #tpu.memory_space<hbm>>) target(%arg16 : memref<64x128xf32, #tpu.memory_space<vmem>>) offsets(%arg8 : memref<64xi32, #tpu.memory_space<vmem>>) semaphore(%arg21 : memref<!tpu.dma_semaphore, #tpu.memory_space<semaphore_mem>>)
    %scan3A = arith.constant 0 : i32
    %scan3A_75 = arith.constant 38 : i32
    %scan3A_76 = arith.addi %scan3A, %scan3A_75 : i32
    %scan3A_77 = arith.constant 1 : i32
    scf.for %scan3A_139 = %scan3A to %scan3A_76 step %scan3A_77  : i32 {
      %mul3A_140 = arith.constant 1 : i32
      %mul3A_141 = arith.muli %scan3A_139, %mul3A_140 : i32
      %add3A_142 = arith.constant 1 : i32
      %add3A_143 = arith.addi %add3A_142, %mul3A_141 : i32
      %mul3A_144 = arith.constant 4 : i32
      %mul3A_145 = arith.muli %mul3A_144, %add3A_143 : i32
      %dma_wait3A_146 = arith.constant 0 : i32
      %dma_wait3A_147 = arith.constant 0 : i32
      %dma_wait3A_148 = tpu.memref_slice %arg2[%dma_wait3A_146, %dma_wait3A_147] : memref<10240x128xf32, #tpu.memory_space<hbm>> -> memref<10240x128xf32, #tpu.memory_space<hbm>>
      tpu.wait_indirect_dma semaphore(%arg20 : memref<!tpu.dma_semaphore, #tpu.memory_space<semaphore_mem>>) src(%dma_wait3A_148 : memref<10240x128xf32, #tpu.memory_space<hbm>>) dst(%arg15 : memref<64x128xf32, #tpu.memory_space<vmem>>)
      %dma_start3A_149 = arith.constant 0 : i32
      %dma_start3A_150 = arith.constant 0 : i32
      %dma_start3A_151 = tpu.memref_slice %arg19[%dma_start3A_149, %dma_start3A_150] : memref<10240x128xf32, #tpu.memory_space<vmem_shared>> -> memref<10240x128xf32, #tpu.memory_space<vmem_shared>>
      tpu.enqueue_indirect_dma source(%arg15 : memref<64x128xf32, #tpu.memory_space<vmem>>) target(%dma_start3A_151 : memref<10240x128xf32, #tpu.memory_space<vmem_shared>>) offsets(%arg11 : memref<64xi32, #tpu.memory_space<vmem>>) semaphore(%arg24 : memref<!tpu.dma_semaphore, #tpu.memory_space<semaphore_mem>>) {add = true}
      %dma_wait3A_152 = arith.constant 0 : i32
      %dma_wait3A_153 = arith.constant 0 : i32
      %dma_wait3A_154 = tpu.memref_slice %arg19[%dma_wait3A_152, %dma_wait3A_153] : memref<10240x128xf32, #tpu.memory_space<vmem_shared>> -> memref<10240x128xf32, #tpu.memory_space<vmem_shared>>
      tpu.wait_indirect_dma semaphore(%arg26 : memref<!tpu.dma_semaphore, #tpu.memory_space<semaphore_mem>>) src(%arg17 : memref<64x128xf32, #tpu.memory_space<vmem>>) dst(%dma_wait3A_154 : memref<10240x128xf32, #tpu.memory_space<vmem_shared>>)
      %add3A_155 = arith.constant 0 : i32
      %add3A_156 = arith.addi %mul3A_145, %add3A_155 : i32
      %add3A_157 = arith.constant 2 : i32
      %add3A_158 = arith.addi %add3A_156, %add3A_157 : i32
      %add3A_159 = arith.addi %mul3A_4, %add3A_158 : i32
      "tpu.region"() ({
        %run_scoped3A = tpu.sem_alloc : memref<!tpu.dma_semaphore, #tpu.memory_space<semaphore_mem>>
        %dma_start3A_218 = arith.constant 0 : i32
        %dma_start3A_219 = tpu.memref_slice %arg3[%add3A_159, %dma_start3A_218] : memref<5120x64xi32, #tpu.memory_space<hbm>> -> memref<1x64xi32, #tpu.memory_space<hbm>>
        %dma_start3A_220 = tpu.memref_squeeze %dma_start3A_219 : memref<1x64xi32, #tpu.memory_space<hbm>> -> memref<64xi32, #tpu.memory_space<hbm>>
        %dma_start3A_221 = arith.constant 0 : i32
        %dma_start3A_222 = tpu.memref_slice %arg3[%add3A_159, %dma_start3A_221] : memref<5120x64xi32, #tpu.memory_space<hbm>> -> memref<1x64xi32, #tpu.memory_space<hbm>>
        %dma_start3A_223 = tpu.memref_squeeze %dma_start3A_222 : memref<1x64xi32, #tpu.memory_space<hbm>> -> memref<64xi32, #tpu.memory_space<hbm>>
        tpu.enqueue_dma source(%dma_start3A_223 : memref<64xi32, #tpu.memory_space<hbm>>) target(%arg9 : memref<64xi32, #tpu.memory_space<vmem>>) target_semaphore(%run_scoped3A : memref<!tpu.dma_semaphore, #tpu.memory_space<semaphore_mem>>)
        %dma_wait3A_224 = arith.constant 0 : i32
        %dma_wait3A_225 = tpu.memref_slice %arg3[%add3A_159, %dma_wait3A_224] : memref<5120x64xi32, #tpu.memory_space<hbm>> -> memref<1x64xi32, #tpu.memory_space<hbm>>
        %dma_wait3A_226 = tpu.memref_squeeze %dma_wait3A_225 : memref<1x64xi32, #tpu.memory_space<hbm>> -> memref<64xi32, #tpu.memory_space<hbm>>
        %dma_wait3A_227 = arith.constant 0 : i32
        %dma_wait3A_228 = tpu.memref_slice %arg3[%add3A_159, %dma_wait3A_227] : memref<5120x64xi32, #tpu.memory_space<hbm>> -> memref<1x64xi32, #tpu.memory_space<hbm>>
        %dma_wait3A_229 = tpu.memref_squeeze %dma_wait3A_228 : memref<1x64xi32, #tpu.memory_space<hbm>> -> memref<64xi32, #tpu.memory_space<hbm>>
        tpu.wait_dma2 semaphore(%run_scoped3A : memref<!tpu.dma_semaphore, #tpu.memory_space<semaphore_mem>>) src(%dma_wait3A_229 : memref<64xi32, #tpu.memory_space<hbm>>) dst(%arg9 : memref<64xi32, #tpu.memory_space<vmem>>)
        tpu.yield
      }) : () -> ()
      %add3A_160 = arith.addi %mul3A_4, %add3A_158 : i32
      "tpu.region"() ({
        %run_scoped3A = tpu.sem_alloc : memref<!tpu.dma_semaphore, #tpu.memory_space<semaphore_mem>>
        %dma_start3A_218 = arith.constant 0 : i32
        %dma_start3A_219 = tpu.memref_slice %arg4[%add3A_160, %dma_start3A_218] : memref<5120x64xi32, #tpu.memory_space<hbm>> -> memref<1x64xi32, #tpu.memory_space<hbm>>
        %dma_start3A_220 = tpu.memref_squeeze %dma_start3A_219 : memref<1x64xi32, #tpu.memory_space<hbm>> -> memref<64xi32, #tpu.memory_space<hbm>>
        %dma_start3A_221 = arith.constant 0 : i32
        %dma_start3A_222 = tpu.memref_slice %arg4[%add3A_160, %dma_start3A_221] : memref<5120x64xi32, #tpu.memory_space<hbm>> -> memref<1x64xi32, #tpu.memory_space<hbm>>
        %dma_start3A_223 = tpu.memref_squeeze %dma_start3A_222 : memref<1x64xi32, #tpu.memory_space<hbm>> -> memref<64xi32, #tpu.memory_space<hbm>>
        tpu.enqueue_dma source(%dma_start3A_223 : memref<64xi32, #tpu.memory_space<hbm>>) target(%arg13 : memref<64xi32, #tpu.memory_space<vmem>>) target_semaphore(%run_scoped3A : memref<!tpu.dma_semaphore, #tpu.memory_space<semaphore_mem>>)
        %dma_wait3A_224 = arith.constant 0 : i32
        %dma_wait3A_225 = tpu.memref_slice %arg4[%add3A_160, %dma_wait3A_224] : memref<5120x64xi32, #tpu.memory_space<hbm>> -> memref<1x64xi32, #tpu.memory_space<hbm>>
        %dma_wait3A_226 = tpu.memref_squeeze %dma_wait3A_225 : memref<1x64xi32, #tpu.memory_space<hbm>> -> memref<64xi32, #tpu.memory_space<hbm>>
        %dma_wait3A_227 = arith.constant 0 : i32
        %dma_wait3A_228 = tpu.memref_slice %arg4[%add3A_160, %dma_wait3A_227] : memref<5120x64xi32, #tpu.memory_space<hbm>> -> memref<1x64xi32, #tpu.memory_space<hbm>>
        %dma_wait3A_229 = tpu.memref_squeeze %dma_wait3A_228 : memref<1x64xi32, #tpu.memory_space<hbm>> -> memref<64xi32, #tpu.memory_space<hbm>>
        tpu.wait_dma2 semaphore(%run_scoped3A : memref<!tpu.dma_semaphore, #tpu.memory_space<semaphore_mem>>) src(%dma_wait3A_229 : memref<64xi32, #tpu.memory_space<hbm>>) dst(%arg13 : memref<64xi32, #tpu.memory_space<vmem>>)
        tpu.yield
      }) : () -> ()
      %dma_start3A_161 = arith.constant 0 : i32
      %dma_start3A_162 = arith.constant 0 : i32
      %dma_start3A_163 = tpu.memref_slice %arg2[%dma_start3A_161, %dma_start3A_162] : memref<10240x128xf32, #tpu.memory_space<hbm>> -> memref<10240x128xf32, #tpu.memory_space<hbm>>
      tpu.enqueue_indirect_dma source(%dma_start3A_163 : memref<10240x128xf32, #tpu.memory_space<hbm>>) target(%arg17 : memref<64x128xf32, #tpu.memory_space<vmem>>) offsets(%arg9 : memref<64xi32, #tpu.memory_space<vmem>>) semaphore(%arg22 : memref<!tpu.dma_semaphore, #tpu.memory_space<semaphore_mem>>)
      %dma_wait3A_164 = arith.constant 0 : i32
      %dma_wait3A_165 = arith.constant 0 : i32
      %dma_wait3A_166 = tpu.memref_slice %arg2[%dma_wait3A_164, %dma_wait3A_165] : memref<10240x128xf32, #tpu.memory_space<hbm>> -> memref<10240x128xf32, #tpu.memory_space<hbm>>
      tpu.wait_indirect_dma semaphore(%arg21 : memref<!tpu.dma_semaphore, #tpu.memory_space<semaphore_mem>>) src(%dma_wait3A_166 : memref<10240x128xf32, #tpu.memory_space<hbm>>) dst(%arg16 : memref<64x128xf32, #tpu.memory_space<vmem>>)
      %dma_start3A_167 = arith.constant 0 : i32
      %dma_start3A_168 = arith.constant 0 : i32
      %dma_start3A_169 = tpu.memref_slice %arg19[%dma_start3A_167, %dma_start3A_168] : memref<10240x128xf32, #tpu.memory_space<vmem_shared>> -> memref<10240x128xf32, #tpu.memory_space<vmem_shared>>
      tpu.enqueue_indirect_dma source(%arg16 : memref<64x128xf32, #tpu.memory_space<vmem>>) target(%dma_start3A_169 : memref<10240x128xf32, #tpu.memory_space<vmem_shared>>) offsets(%arg12 : memref<64xi32, #tpu.memory_space<vmem>>) semaphore(%arg25 : memref<!tpu.dma_semaphore, #tpu.memory_space<semaphore_mem>>) {add = true}
      %dma_wait3A_170 = arith.constant 0 : i32
      %dma_wait3A_171 = arith.constant 0 : i32
      %dma_wait3A_172 = tpu.memref_slice %arg19[%dma_wait3A_170, %dma_wait3A_171] : memref<10240x128xf32, #tpu.memory_space<vmem_shared>> -> memref<10240x128xf32, #tpu.memory_space<vmem_shared>>
      tpu.wait_indirect_dma semaphore(%arg27 : memref<!tpu.dma_semaphore, #tpu.memory_space<semaphore_mem>>) src(%arg18 : memref<64x128xf32, #tpu.memory_space<vmem>>) dst(%dma_wait3A_172 : memref<10240x128xf32, #tpu.memory_space<vmem_shared>>)
      %add3A_173 = arith.constant 1 : i32
      %add3A_174 = arith.addi %mul3A_145, %add3A_173 : i32
      %add3A_175 = arith.constant 2 : i32
      %add3A_176 = arith.addi %add3A_174, %add3A_175 : i32
      %add3A_177 = arith.addi %mul3A_4, %add3A_176 : i32
      "tpu.region"() ({
        %run_scoped3A = tpu.sem_alloc : memref<!tpu.dma_semaphore, #tpu.memory_space<semaphore_mem>>
        %dma_start3A_218 = arith.constant 0 : i32
        %dma_start3A_219 = tpu.memref_slice %arg3[%add3A_177, %dma_start3A_218] : memref<5120x64xi32, #tpu.memory_space<hbm>> -> memref<1x64xi32, #tpu.memory_space<hbm>>
        %dma_start3A_220 = tpu.memref_squeeze %dma_start3A_219 : memref<1x64xi32, #tpu.memory_space<hbm>> -> memref<64xi32, #tpu.memory_space<hbm>>
        %dma_start3A_221 = arith.constant 0 : i32
        %dma_start3A_222 = tpu.memref_slice %arg3[%add3A_177, %dma_start3A_221] : memref<5120x64xi32, #tpu.memory_space<hbm>> -> memref<1x64xi32, #tpu.memory_space<hbm>>
        %dma_start3A_223 = tpu.memref_squeeze %dma_start3A_222 : memref<1x64xi32, #tpu.memory_space<hbm>> -> memref<64xi32, #tpu.memory_space<hbm>>
        tpu.enqueue_dma source(%dma_start3A_223 : memref<64xi32, #tpu.memory_space<hbm>>) target(%arg10 : memref<64xi32, #tpu.memory_space<vmem>>) target_semaphore(%run_scoped3A : memref<!tpu.dma_semaphore, #tpu.memory_space<semaphore_mem>>)
        %dma_wait3A_224 = arith.constant 0 : i32
        %dma_wait3A_225 = tpu.memref_slice %arg3[%add3A_177, %dma_wait3A_224] : memref<5120x64xi32, #tpu.memory_space<hbm>> -> memref<1x64xi32, #tpu.memory_space<hbm>>
        %dma_wait3A_226 = tpu.memref_squeeze %dma_wait3A_225 : memref<1x64xi32, #tpu.memory_space<hbm>> -> memref<64xi32, #tpu.memory_space<hbm>>
        %dma_wait3A_227 = arith.constant 0 : i32
        %dma_wait3A_228 = tpu.memref_slice %arg3[%add3A_177, %dma_wait3A_227] : memref<5120x64xi32, #tpu.memory_space<hbm>> -> memref<1x64xi32, #tpu.memory_space<hbm>>
        %dma_wait3A_229 = tpu.memref_squeeze %dma_wait3A_228 : memref<1x64xi32, #tpu.memory_space<hbm>> -> memref<64xi32, #tpu.memory_space<hbm>>
        tpu.wait_dma2 semaphore(%run_scoped3A : memref<!tpu.dma_semaphore, #tpu.memory_space<semaphore_mem>>) src(%dma_wait3A_229 : memref<64xi32, #tpu.memory_space<hbm>>) dst(%arg10 : memref<64xi32, #tpu.memory_space<vmem>>)
        tpu.yield
      }) : () -> ()
      %add3A_178 = arith.addi %mul3A_4, %add3A_176 : i32
      "tpu.region"() ({
        %run_scoped3A = tpu.sem_alloc : memref<!tpu.dma_semaphore, #tpu.memory_space<semaphore_mem>>
        %dma_start3A_218 = arith.constant 0 : i32
        %dma_start3A_219 = tpu.memref_slice %arg4[%add3A_178, %dma_start3A_218] : memref<5120x64xi32, #tpu.memory_space<hbm>> -> memref<1x64xi32, #tpu.memory_space<hbm>>
        %dma_start3A_220 = tpu.memref_squeeze %dma_start3A_219 : memref<1x64xi32, #tpu.memory_space<hbm>> -> memref<64xi32, #tpu.memory_space<hbm>>
        %dma_start3A_221 = arith.constant 0 : i32
        %dma_start3A_222 = tpu.memref_slice %arg4[%add3A_178, %dma_start3A_221] : memref<5120x64xi32, #tpu.memory_space<hbm>> -> memref<1x64xi32, #tpu.memory_space<hbm>>
        %dma_start3A_223 = tpu.memref_squeeze %dma_start3A_222 : memref<1x64xi32, #tpu.memory_space<hbm>> -> memref<64xi32, #tpu.memory_space<hbm>>
        tpu.enqueue_dma source(%dma_start3A_223 : memref<64xi32, #tpu.memory_space<hbm>>) target(%arg14 : memref<64xi32, #tpu.memory_space<vmem>>) target_semaphore(%run_scoped3A : memref<!tpu.dma_semaphore, #tpu.memory_space<semaphore_mem>>)
        %dma_wait3A_224 = arith.constant 0 : i32
        %dma_wait3A_225 = tpu.memref_slice %arg4[%add3A_178, %dma_wait3A_224] : memref<5120x64xi32, #tpu.memory_space<hbm>> -> memref<1x64xi32, #tpu.memory_space<hbm>>
        %dma_wait3A_226 = tpu.memref_squeeze %dma_wait3A_225 : memref<1x64xi32, #tpu.memory_space<hbm>> -> memref<64xi32, #tpu.memory_space<hbm>>
        %dma_wait3A_227 = arith.constant 0 : i32
        %dma_wait3A_228 = tpu.memref_slice %arg4[%add3A_178, %dma_wait3A_227] : memref<5120x64xi32, #tpu.memory_space<hbm>> -> memref<1x64xi32, #tpu.memory_space<hbm>>
        %dma_wait3A_229 = tpu.memref_squeeze %dma_wait3A_228 : memref<1x64xi32, #tpu.memory_space<hbm>> -> memref<64xi32, #tpu.memory_space<hbm>>
        tpu.wait_dma2 semaphore(%run_scoped3A : memref<!tpu.dma_semaphore, #tpu.memory_space<semaphore_mem>>) src(%dma_wait3A_229 : memref<64xi32, #tpu.memory_space<hbm>>) dst(%arg14 : memref<64xi32, #tpu.memory_space<vmem>>)
        tpu.yield
      }) : () -> ()
      %dma_start3A_179 = arith.constant 0 : i32
      %dma_start3A_180 = arith.constant 0 : i32
      %dma_start3A_181 = tpu.memref_slice %arg2[%dma_start3A_179, %dma_start3A_180] : memref<10240x128xf32, #tpu.memory_space<hbm>> -> memref<10240x128xf32, #tpu.memory_space<hbm>>
      tpu.enqueue_indirect_dma source(%dma_start3A_181 : memref<10240x128xf32, #tpu.memory_space<hbm>>) target(%arg18 : memref<64x128xf32, #tpu.memory_space<vmem>>) offsets(%arg10 : memref<64xi32, #tpu.memory_space<vmem>>) semaphore(%arg23 : memref<!tpu.dma_semaphore, #tpu.memory_space<semaphore_mem>>)
      %dma_wait3A_182 = arith.constant 0 : i32
      %dma_wait3A_183 = arith.constant 0 : i32
      %dma_wait3A_184 = tpu.memref_slice %arg2[%dma_wait3A_182, %dma_wait3A_183] : memref<10240x128xf32, #tpu.memory_space<hbm>> -> memref<10240x128xf32, #tpu.memory_space<hbm>>
      tpu.wait_indirect_dma semaphore(%arg22 : memref<!tpu.dma_semaphore, #tpu.memory_space<semaphore_mem>>) src(%dma_wait3A_184 : memref<10240x128xf32, #tpu.memory_space<hbm>>) dst(%arg17 : memref<64x128xf32, #tpu.memory_space<vmem>>)
      %dma_start3A_185 = arith.constant 0 : i32
      %dma_start3A_186 = arith.constant 0 : i32
      %dma_start3A_187 = tpu.memref_slice %arg19[%dma_start3A_185, %dma_start3A_186] : memref<10240x128xf32, #tpu.memory_space<vmem_shared>> -> memref<10240x128xf32, #tpu.memory_space<vmem_shared>>
      tpu.enqueue_indirect_dma source(%arg17 : memref<64x128xf32, #tpu.memory_space<vmem>>) target(%dma_start3A_187 : memref<10240x128xf32, #tpu.memory_space<vmem_shared>>) offsets(%arg13 : memref<64xi32, #tpu.memory_space<vmem>>) semaphore(%arg26 : memref<!tpu.dma_semaphore, #tpu.memory_space<semaphore_mem>>) {add = true}
      %dma_wait3A_188 = arith.constant 0 : i32
      %dma_wait3A_189 = arith.constant 0 : i32
      %dma_wait3A_190 = tpu.memref_slice %arg19[%dma_wait3A_188, %dma_wait3A_189] : memref<10240x128xf32, #tpu.memory_space<vmem_shared>> -> memref<10240x128xf32, #tpu.memory_space<vmem_shared>>
      tpu.wait_indirect_dma semaphore(%arg24 : memref<!tpu.dma_semaphore, #tpu.memory_space<semaphore_mem>>) src(%arg15 : memref<64x128xf32, #tpu.memory_space<vmem>>) dst(%dma_wait3A_190 : memref<10240x128xf32, #tpu.memory_space<vmem_shared>>)
      %add3A_191 = arith.constant 2 : i32
      %add3A_192 = arith.addi %mul3A_145, %add3A_191 : i32
      %add3A_193 = arith.constant 2 : i32
      %add3A_194 = arith.addi %add3A_192, %add3A_193 : i32
      %add3A_195 = arith.addi %mul3A_4, %add3A_194 : i32
      "tpu.region"() ({
        %run_scoped3A = tpu.sem_alloc : memref<!tpu.dma_semaphore, #tpu.memory_space<semaphore_mem>>
        %dma_start3A_218 = arith.constant 0 : i32
        %dma_start3A_219 = tpu.memref_slice %arg3[%add3A_195, %dma_start3A_218] : memref<5120x64xi32, #tpu.memory_space<hbm>> -> memref<1x64xi32, #tpu.memory_space<hbm>>
        %dma_start3A_220 = tpu.memref_squeeze %dma_start3A_219 : memref<1x64xi32, #tpu.memory_space<hbm>> -> memref<64xi32, #tpu.memory_space<hbm>>
        %dma_start3A_221 = arith.constant 0 : i32
        %dma_start3A_222 = tpu.memref_slice %arg3[%add3A_195, %dma_start3A_221] : memref<5120x64xi32, #tpu.memory_space<hbm>> -> memref<1x64xi32, #tpu.memory_space<hbm>>
        %dma_start3A_223 = tpu.memref_squeeze %dma_start3A_222 : memref<1x64xi32, #tpu.memory_space<hbm>> -> memref<64xi32, #tpu.memory_space<hbm>>
        tpu.enqueue_dma source(%dma_start3A_223 : memref<64xi32, #tpu.memory_space<hbm>>) target(%arg7 : memref<64xi32, #tpu.memory_space<vmem>>) target_semaphore(%run_scoped3A : memref<!tpu.dma_semaphore, #tpu.memory_space<semaphore_mem>>)
        %dma_wait3A_224 = arith.constant 0 : i32
        %dma_wait3A_225 = tpu.memref_slice %arg3[%add3A_195, %dma_wait3A_224] : memref<5120x64xi32, #tpu.memory_space<hbm>> -> memref<1x64xi32, #tpu.memory_space<hbm>>
        %dma_wait3A_226 = tpu.memref_squeeze %dma_wait3A_225 : memref<1x64xi32, #tpu.memory_space<hbm>> -> memref<64xi32, #tpu.memory_space<hbm>>
        %dma_wait3A_227 = arith.constant 0 : i32
        %dma_wait3A_228 = tpu.memref_slice %arg3[%add3A_195, %dma_wait3A_227] : memref<5120x64xi32, #tpu.memory_space<hbm>> -> memref<1x64xi32, #tpu.memory_space<hbm>>
        %dma_wait3A_229 = tpu.memref_squeeze %dma_wait3A_228 : memref<1x64xi32, #tpu.memory_space<hbm>> -> memref<64xi32, #tpu.memory_space<hbm>>
        tpu.wait_dma2 semaphore(%run_scoped3A : memref<!tpu.dma_semaphore, #tpu.memory_space<semaphore_mem>>) src(%dma_wait3A_229 : memref<64xi32, #tpu.memory_space<hbm>>) dst(%arg7 : memref<64xi32, #tpu.memory_space<vmem>>)
        tpu.yield
      }) : () -> ()
      %add3A_196 = arith.addi %mul3A_4, %add3A_194 : i32
      "tpu.region"() ({
        %run_scoped3A = tpu.sem_alloc : memref<!tpu.dma_semaphore, #tpu.memory_space<semaphore_mem>>
        %dma_start3A_218 = arith.constant 0 : i32
        %dma_start3A_219 = tpu.memref_slice %arg4[%add3A_196, %dma_start3A_218] : memref<5120x64xi32, #tpu.memory_space<hbm>> -> memref<1x64xi32, #tpu.memory_space<hbm>>
        %dma_start3A_220 = tpu.memref_squeeze %dma_start3A_219 : memref<1x64xi32, #tpu.memory_space<hbm>> -> memref<64xi32, #tpu.memory_space<hbm>>
        %dma_start3A_221 = arith.constant 0 : i32
        %dma_start3A_222 = tpu.memref_slice %arg4[%add3A_196, %dma_start3A_221] : memref<5120x64xi32, #tpu.memory_space<hbm>> -> memref<1x64xi32, #tpu.memory_space<hbm>>
        %dma_start3A_223 = tpu.memref_squeeze %dma_start3A_222 : memref<1x64xi32, #tpu.memory_space<hbm>> -> memref<64xi32, #tpu.memory_space<hbm>>
        tpu.enqueue_dma source(%dma_start3A_223 : memref<64xi32, #tpu.memory_space<hbm>>) target(%arg11 : memref<64xi32, #tpu.memory_space<vmem>>) target_semaphore(%run_scoped3A : memref<!tpu.dma_semaphore, #tpu.memory_space<semaphore_mem>>)
        %dma_wait3A_224 = arith.constant 0 : i32
        %dma_wait3A_225 = tpu.memref_slice %arg4[%add3A_196, %dma_wait3A_224] : memref<5120x64xi32, #tpu.memory_space<hbm>> -> memref<1x64xi32, #tpu.memory_space<hbm>>
        %dma_wait3A_226 = tpu.memref_squeeze %dma_wait3A_225 : memref<1x64xi32, #tpu.memory_space<hbm>> -> memref<64xi32, #tpu.memory_space<hbm>>
        %dma_wait3A_227 = arith.constant 0 : i32
        %dma_wait3A_228 = tpu.memref_slice %arg4[%add3A_196, %dma_wait3A_227] : memref<5120x64xi32, #tpu.memory_space<hbm>> -> memref<1x64xi32, #tpu.memory_space<hbm>>
        %dma_wait3A_229 = tpu.memref_squeeze %dma_wait3A_228 : memref<1x64xi32, #tpu.memory_space<hbm>> -> memref<64xi32, #tpu.memory_space<hbm>>
        tpu.wait_dma2 semaphore(%run_scoped3A : memref<!tpu.dma_semaphore, #tpu.memory_space<semaphore_mem>>) src(%dma_wait3A_229 : memref<64xi32, #tpu.memory_space<hbm>>) dst(%arg11 : memref<64xi32, #tpu.memory_space<vmem>>)
        tpu.yield
      }) : () -> ()
      %dma_start3A_197 = arith.constant 0 : i32
      %dma_start3A_198 = arith.constant 0 : i32
      %dma_start3A_199 = tpu.memref_slice %arg2[%dma_start3A_197, %dma_start3A_198] : memref<10240x128xf32, #tpu.memory_space<hbm>> -> memref<10240x128xf32, #tpu.memory_space<hbm>>
      tpu.enqueue_indirect_dma source(%dma_start3A_199 : memref<10240x128xf32, #tpu.memory_space<hbm>>) target(%arg15 : memref<64x128xf32, #tpu.memory_space<vmem>>) offsets(%arg7 : memref<64xi32, #tpu.memory_space<vmem>>) semaphore(%arg20 : memref<!tpu.dma_semaphore, #tpu.memory_space<semaphore_mem>>)
      %dma_wait3A_200 = arith.constant 0 : i32
      %dma_wait3A_201 = arith.constant 0 : i32
      %dma_wait3A_202 = tpu.memref_slice %arg2[%dma_wait3A_200, %dma_wait3A_201] : memref<10240x128xf32, #tpu.memory_space<hbm>> -> memref<10240x128xf32, #tpu.memory_space<hbm>>
      tpu.wait_indirect_dma semaphore(%arg23 : memref<!tpu.dma_semaphore, #tpu.memory_space<semaphore_mem>>) src(%dma_wait3A_202 : memref<10240x128xf32, #tpu.memory_space<hbm>>) dst(%arg18 : memref<64x128xf32, #tpu.memory_space<vmem>>)
      %dma_start3A_203 = arith.constant 0 : i32
      %dma_start3A_204 = arith.constant 0 : i32
      %dma_start3A_205 = tpu.memref_slice %arg19[%dma_start3A_203, %dma_start3A_204] : memref<10240x128xf32, #tpu.memory_space<vmem_shared>> -> memref<10240x128xf32, #tpu.memory_space<vmem_shared>>
      tpu.enqueue_indirect_dma source(%arg18 : memref<64x128xf32, #tpu.memory_space<vmem>>) target(%dma_start3A_205 : memref<10240x128xf32, #tpu.memory_space<vmem_shared>>) offsets(%arg14 : memref<64xi32, #tpu.memory_space<vmem>>) semaphore(%arg27 : memref<!tpu.dma_semaphore, #tpu.memory_space<semaphore_mem>>) {add = true}
      %dma_wait3A_206 = arith.constant 0 : i32
      %dma_wait3A_207 = arith.constant 0 : i32
      %dma_wait3A_208 = tpu.memref_slice %arg19[%dma_wait3A_206, %dma_wait3A_207] : memref<10240x128xf32, #tpu.memory_space<vmem_shared>> -> memref<10240x128xf32, #tpu.memory_space<vmem_shared>>
      tpu.wait_indirect_dma semaphore(%arg25 : memref<!tpu.dma_semaphore, #tpu.memory_space<semaphore_mem>>) src(%arg16 : memref<64x128xf32, #tpu.memory_space<vmem>>) dst(%dma_wait3A_208 : memref<10240x128xf32, #tpu.memory_space<vmem_shared>>)
      %add3A_209 = arith.constant 3 : i32
      %add3A_210 = arith.addi %mul3A_145, %add3A_209 : i32
      %add3A_211 = arith.constant 2 : i32
      %add3A_212 = arith.addi %add3A_210, %add3A_211 : i32
      %add3A_213 = arith.addi %mul3A_4, %add3A_212 : i32
      "tpu.region"() ({
        %run_scoped3A = tpu.sem_alloc : memref<!tpu.dma_semaphore, #tpu.memory_space<semaphore_mem>>
        %dma_start3A_218 = arith.constant 0 : i32
        %dma_start3A_219 = tpu.memref_slice %arg3[%add3A_213, %dma_start3A_218] : memref<5120x64xi32, #tpu.memory_space<hbm>> -> memref<1x64xi32, #tpu.memory_space<hbm>>
        %dma_start3A_220 = tpu.memref_squeeze %dma_start3A_219 : memref<1x64xi32, #tpu.memory_space<hbm>> -> memref<64xi32, #tpu.memory_space<hbm>>
        %dma_start3A_221 = arith.constant 0 : i32
        %dma_start3A_222 = tpu.memref_slice %arg3[%add3A_213, %dma_start3A_221] : memref<5120x64xi32, #tpu.memory_space<hbm>> -> memref<1x64xi32, #tpu.memory_space<hbm>>
        %dma_start3A_223 = tpu.memref_squeeze %dma_start3A_222 : memref<1x64xi32, #tpu.memory_space<hbm>> -> memref<64xi32, #tpu.memory_space<hbm>>
        tpu.enqueue_dma source(%dma_start3A_223 : memref<64xi32, #tpu.memory_space<hbm>>) target(%arg8 : memref<64xi32, #tpu.memory_space<vmem>>) target_semaphore(%run_scoped3A : memref<!tpu.dma_semaphore, #tpu.memory_space<semaphore_mem>>)
        %dma_wait3A_224 = arith.constant 0 : i32
        %dma_wait3A_225 = tpu.memref_slice %arg3[%add3A_213, %dma_wait3A_224] : memref<5120x64xi32, #tpu.memory_space<hbm>> -> memref<1x64xi32, #tpu.memory_space<hbm>>
        %dma_wait3A_226 = tpu.memref_squeeze %dma_wait3A_225 : memref<1x64xi32, #tpu.memory_space<hbm>> -> memref<64xi32, #tpu.memory_space<hbm>>
        %dma_wait3A_227 = arith.constant 0 : i32
        %dma_wait3A_228 = tpu.memref_slice %arg3[%add3A_213, %dma_wait3A_227] : memref<5120x64xi32, #tpu.memory_space<hbm>> -> memref<1x64xi32, #tpu.memory_space<hbm>>
        %dma_wait3A_229 = tpu.memref_squeeze %dma_wait3A_228 : memref<1x64xi32, #tpu.memory_space<hbm>> -> memref<64xi32, #tpu.memory_space<hbm>>
        tpu.wait_dma2 semaphore(%run_scoped3A : memref<!tpu.dma_semaphore, #tpu.memory_space<semaphore_mem>>) src(%dma_wait3A_229 : memref<64xi32, #tpu.memory_space<hbm>>) dst(%arg8 : memref<64xi32, #tpu.memory_space<vmem>>)
        tpu.yield
      }) : () -> ()
      %add3A_214 = arith.addi %mul3A_4, %add3A_212 : i32
      "tpu.region"() ({
        %run_scoped3A = tpu.sem_alloc : memref<!tpu.dma_semaphore, #tpu.memory_space<semaphore_mem>>
        %dma_start3A_218 = arith.constant 0 : i32
        %dma_start3A_219 = tpu.memref_slice %arg4[%add3A_214, %dma_start3A_218] : memref<5120x64xi32, #tpu.memory_space<hbm>> -> memref<1x64xi32, #tpu.memory_space<hbm>>
        %dma_start3A_220 = tpu.memref_squeeze %dma_start3A_219 : memref<1x64xi32, #tpu.memory_space<hbm>> -> memref<64xi32, #tpu.memory_space<hbm>>
        %dma_start3A_221 = arith.constant 0 : i32
        %dma_start3A_222 = tpu.memref_slice %arg4[%add3A_214, %dma_start3A_221] : memref<5120x64xi32, #tpu.memory_space<hbm>> -> memref<1x64xi32, #tpu.memory_space<hbm>>
        %dma_start3A_223 = tpu.memref_squeeze %dma_start3A_222 : memref<1x64xi32, #tpu.memory_space<hbm>> -> memref<64xi32, #tpu.memory_space<hbm>>
        tpu.enqueue_dma source(%dma_start3A_223 : memref<64xi32, #tpu.memory_space<hbm>>) target(%arg12 : memref<64xi32, #tpu.memory_space<vmem>>) target_semaphore(%run_scoped3A : memref<!tpu.dma_semaphore, #tpu.memory_space<semaphore_mem>>)
        %dma_wait3A_224 = arith.constant 0 : i32
        %dma_wait3A_225 = tpu.memref_slice %arg4[%add3A_214, %dma_wait3A_224] : memref<5120x64xi32, #tpu.memory_space<hbm>> -> memref<1x64xi32, #tpu.memory_space<hbm>>
        %dma_wait3A_226 = tpu.memref_squeeze %dma_wait3A_225 : memref<1x64xi32, #tpu.memory_space<hbm>> -> memref<64xi32, #tpu.memory_space<hbm>>
        %dma_wait3A_227 = arith.constant 0 : i32
        %dma_wait3A_228 = tpu.memref_slice %arg4[%add3A_214, %dma_wait3A_227] : memref<5120x64xi32, #tpu.memory_space<hbm>> -> memref<1x64xi32, #tpu.memory_space<hbm>>
        %dma_wait3A_229 = tpu.memref_squeeze %dma_wait3A_228 : memref<1x64xi32, #tpu.memory_space<hbm>> -> memref<64xi32, #tpu.memory_space<hbm>>
        tpu.wait_dma2 semaphore(%run_scoped3A : memref<!tpu.dma_semaphore, #tpu.memory_space<semaphore_mem>>) src(%dma_wait3A_229 : memref<64xi32, #tpu.memory_space<hbm>>) dst(%arg12 : memref<64xi32, #tpu.memory_space<vmem>>)
        tpu.yield
      }) : () -> ()
      %dma_start3A_215 = arith.constant 0 : i32
      %dma_start3A_216 = arith.constant 0 : i32
      %dma_start3A_217 = tpu.memref_slice %arg2[%dma_start3A_215, %dma_start3A_216] : memref<10240x128xf32, #tpu.memory_space<hbm>> -> memref<10240x128xf32, #tpu.memory_space<hbm>>
      tpu.enqueue_indirect_dma source(%dma_start3A_217 : memref<10240x128xf32, #tpu.memory_space<hbm>>) target(%arg16 : memref<64x128xf32, #tpu.memory_space<vmem>>) offsets(%arg8 : memref<64xi32, #tpu.memory_space<vmem>>) semaphore(%arg21 : memref<!tpu.dma_semaphore, #tpu.memory_space<semaphore_mem>>)
    }
    %scan3A_78 = arith.constant 38 : i32
    %dma_wait3A_79 = arith.constant 0 : i32
    %dma_wait3A_80 = arith.constant 0 : i32
    %dma_wait3A_81 = tpu.memref_slice %arg2[%dma_wait3A_79, %dma_wait3A_80] : memref<10240x128xf32, #tpu.memory_space<hbm>> -> memref<10240x128xf32, #tpu.memory_space<hbm>>
    tpu.wait_indirect_dma semaphore(%arg20 : memref<!tpu.dma_semaphore, #tpu.memory_space<semaphore_mem>>) src(%dma_wait3A_81 : memref<10240x128xf32, #tpu.memory_space<hbm>>) dst(%arg15 : memref<64x128xf32, #tpu.memory_space<vmem>>)
    %dma_start3A_82 = arith.constant 0 : i32
    %dma_start3A_83 = arith.constant 0 : i32
    %dma_start3A_84 = tpu.memref_slice %arg19[%dma_start3A_82, %dma_start3A_83] : memref<10240x128xf32, #tpu.memory_space<vmem_shared>> -> memref<10240x128xf32, #tpu.memory_space<vmem_shared>>
    tpu.enqueue_indirect_dma source(%arg15 : memref<64x128xf32, #tpu.memory_space<vmem>>) target(%dma_start3A_84 : memref<10240x128xf32, #tpu.memory_space<vmem_shared>>) offsets(%arg11 : memref<64xi32, #tpu.memory_space<vmem>>) semaphore(%arg24 : memref<!tpu.dma_semaphore, #tpu.memory_space<semaphore_mem>>) {add = true}
    %dma_wait3A_85 = arith.constant 0 : i32
    %dma_wait3A_86 = arith.constant 0 : i32
    %dma_wait3A_87 = tpu.memref_slice %arg19[%dma_wait3A_85, %dma_wait3A_86] : memref<10240x128xf32, #tpu.memory_space<vmem_shared>> -> memref<10240x128xf32, #tpu.memory_space<vmem_shared>>
    tpu.wait_indirect_dma semaphore(%arg26 : memref<!tpu.dma_semaphore, #tpu.memory_space<semaphore_mem>>) src(%arg17 : memref<64x128xf32, #tpu.memory_space<vmem>>) dst(%dma_wait3A_87 : memref<10240x128xf32, #tpu.memory_space<vmem_shared>>)
    %add3A_88 = arith.constant 158 : i32
    %add3A_89 = arith.addi %mul3A_4, %add3A_88 : i32
    "tpu.region"() ({
      %run_scoped3A = tpu.sem_alloc : memref<!tpu.dma_semaphore, #tpu.memory_space<semaphore_mem>>
      %dma_start3A_139 = arith.constant 0 : i32
      %dma_start3A_140 = tpu.memref_slice %arg3[%add3A_89, %dma_start3A_139] : memref<5120x64xi32, #tpu.memory_space<hbm>> -> memref<1x64xi32, #tpu.memory_space<hbm>>
      %dma_start3A_141 = tpu.memref_squeeze %dma_start3A_140 : memref<1x64xi32, #tpu.memory_space<hbm>> -> memref<64xi32, #tpu.memory_space<hbm>>
      %dma_start3A_142 = arith.constant 0 : i32
      %dma_start3A_143 = tpu.memref_slice %arg3[%add3A_89, %dma_start3A_142] : memref<5120x64xi32, #tpu.memory_space<hbm>> -> memref<1x64xi32, #tpu.memory_space<hbm>>
      %dma_start3A_144 = tpu.memref_squeeze %dma_start3A_143 : memref<1x64xi32, #tpu.memory_space<hbm>> -> memref<64xi32, #tpu.memory_space<hbm>>
      tpu.enqueue_dma source(%dma_start3A_144 : memref<64xi32, #tpu.memory_space<hbm>>) target(%arg9 : memref<64xi32, #tpu.memory_space<vmem>>) target_semaphore(%run_scoped3A : memref<!tpu.dma_semaphore, #tpu.memory_space<semaphore_mem>>)
      %dma_wait3A_145 = arith.constant 0 : i32
      %dma_wait3A_146 = tpu.memref_slice %arg3[%add3A_89, %dma_wait3A_145] : memref<5120x64xi32, #tpu.memory_space<hbm>> -> memref<1x64xi32, #tpu.memory_space<hbm>>
      %dma_wait3A_147 = tpu.memref_squeeze %dma_wait3A_146 : memref<1x64xi32, #tpu.memory_space<hbm>> -> memref<64xi32, #tpu.memory_space<hbm>>
      %dma_wait3A_148 = arith.constant 0 : i32
      %dma_wait3A_149 = tpu.memref_slice %arg3[%add3A_89, %dma_wait3A_148] : memref<5120x64xi32, #tpu.memory_space<hbm>> -> memref<1x64xi32, #tpu.memory_space<hbm>>
      %dma_wait3A_150 = tpu.memref_squeeze %dma_wait3A_149 : memref<1x64xi32, #tpu.memory_space<hbm>> -> memref<64xi32, #tpu.memory_space<hbm>>
      tpu.wait_dma2 semaphore(%run_scoped3A : memref<!tpu.dma_semaphore, #tpu.memory_space<semaphore_mem>>) src(%dma_wait3A_150 : memref<64xi32, #tpu.memory_space<hbm>>) dst(%arg9 : memref<64xi32, #tpu.memory_space<vmem>>)
      tpu.yield
    }) : () -> ()
    %add3A_90 = arith.constant 158 : i32
    %add3A_91 = arith.addi %mul3A_4, %add3A_90 : i32
    "tpu.region"() ({
      %run_scoped3A = tpu.sem_alloc : memref<!tpu.dma_semaphore, #tpu.memory_space<semaphore_mem>>
      %dma_start3A_139 = arith.constant 0 : i32
      %dma_start3A_140 = tpu.memref_slice %arg4[%add3A_91, %dma_start3A_139] : memref<5120x64xi32, #tpu.memory_space<hbm>> -> memref<1x64xi32, #tpu.memory_space<hbm>>
      %dma_start3A_141 = tpu.memref_squeeze %dma_start3A_140 : memref<1x64xi32, #tpu.memory_space<hbm>> -> memref<64xi32, #tpu.memory_space<hbm>>
      %dma_start3A_142 = arith.constant 0 : i32
      %dma_start3A_143 = tpu.memref_slice %arg4[%add3A_91, %dma_start3A_142] : memref<5120x64xi32, #tpu.memory_space<hbm>> -> memref<1x64xi32, #tpu.memory_space<hbm>>
      %dma_start3A_144 = tpu.memref_squeeze %dma_start3A_143 : memref<1x64xi32, #tpu.memory_space<hbm>> -> memref<64xi32, #tpu.memory_space<hbm>>
      tpu.enqueue_dma source(%dma_start3A_144 : memref<64xi32, #tpu.memory_space<hbm>>) target(%arg13 : memref<64xi32, #tpu.memory_space<vmem>>) target_semaphore(%run_scoped3A : memref<!tpu.dma_semaphore, #tpu.memory_space<semaphore_mem>>)
      %dma_wait3A_145 = arith.constant 0 : i32
      %dma_wait3A_146 = tpu.memref_slice %arg4[%add3A_91, %dma_wait3A_145] : memref<5120x64xi32, #tpu.memory_space<hbm>> -> memref<1x64xi32, #tpu.memory_space<hbm>>
      %dma_wait3A_147 = tpu.memref_squeeze %dma_wait3A_146 : memref<1x64xi32, #tpu.memory_space<hbm>> -> memref<64xi32, #tpu.memory_space<hbm>>
      %dma_wait3A_148 = arith.constant 0 : i32
      %dma_wait3A_149 = tpu.memref_slice %arg4[%add3A_91, %dma_wait3A_148] : memref<5120x64xi32, #tpu.memory_space<hbm>> -> memref<1x64xi32, #tpu.memory_space<hbm>>
      %dma_wait3A_150 = tpu.memref_squeeze %dma_wait3A_149 : memref<1x64xi32, #tpu.memory_space<hbm>> -> memref<64xi32, #tpu.memory_space<hbm>>
      tpu.wait_dma2 semaphore(%run_scoped3A : memref<!tpu.dma_semaphore, #tpu.memory_space<semaphore_mem>>) src(%dma_wait3A_150 : memref<64xi32, #tpu.memory_space<hbm>>) dst(%arg13 : memref<64xi32, #tpu.memory_space<vmem>>)
      tpu.yield
    }) : () -> ()
    %dma_start3A_92 = arith.constant 0 : i32
    %dma_start3A_93 = arith.constant 0 : i32
    %dma_start3A_94 = tpu.memref_slice %arg2[%dma_start3A_92, %dma_start3A_93] : memref<10240x128xf32, #tpu.memory_space<hbm>> -> memref<10240x128xf32, #tpu.memory_space<hbm>>
    tpu.enqueue_indirect_dma source(%dma_start3A_94 : memref<10240x128xf32, #tpu.memory_space<hbm>>) target(%arg17 : memref<64x128xf32, #tpu.memory_space<vmem>>) offsets(%arg9 : memref<64xi32, #tpu.memory_space<vmem>>) semaphore(%arg22 : memref<!tpu.dma_semaphore, #tpu.memory_space<semaphore_mem>>)
    %dma_wait3A_95 = arith.constant 0 : i32
    %dma_wait3A_96 = arith.constant 0 : i32
    %dma_wait3A_97 = tpu.memref_slice %arg2[%dma_wait3A_95, %dma_wait3A_96] : memref<10240x128xf32, #tpu.memory_space<hbm>> -> memref<10240x128xf32, #tpu.memory_space<hbm>>
    tpu.wait_indirect_dma semaphore(%arg21 : memref<!tpu.dma_semaphore, #tpu.memory_space<semaphore_mem>>) src(%dma_wait3A_97 : memref<10240x128xf32, #tpu.memory_space<hbm>>) dst(%arg16 : memref<64x128xf32, #tpu.memory_space<vmem>>)
    %dma_start3A_98 = arith.constant 0 : i32
    %dma_start3A_99 = arith.constant 0 : i32
    %dma_start3A_100 = tpu.memref_slice %arg19[%dma_start3A_98, %dma_start3A_99] : memref<10240x128xf32, #tpu.memory_space<vmem_shared>> -> memref<10240x128xf32, #tpu.memory_space<vmem_shared>>
    tpu.enqueue_indirect_dma source(%arg16 : memref<64x128xf32, #tpu.memory_space<vmem>>) target(%dma_start3A_100 : memref<10240x128xf32, #tpu.memory_space<vmem_shared>>) offsets(%arg12 : memref<64xi32, #tpu.memory_space<vmem>>) semaphore(%arg25 : memref<!tpu.dma_semaphore, #tpu.memory_space<semaphore_mem>>) {add = true}
    %dma_wait3A_101 = arith.constant 0 : i32
    %dma_wait3A_102 = arith.constant 0 : i32
    %dma_wait3A_103 = tpu.memref_slice %arg19[%dma_wait3A_101, %dma_wait3A_102] : memref<10240x128xf32, #tpu.memory_space<vmem_shared>> -> memref<10240x128xf32, #tpu.memory_space<vmem_shared>>
    tpu.wait_indirect_dma semaphore(%arg27 : memref<!tpu.dma_semaphore, #tpu.memory_space<semaphore_mem>>) src(%arg18 : memref<64x128xf32, #tpu.memory_space<vmem>>) dst(%dma_wait3A_103 : memref<10240x128xf32, #tpu.memory_space<vmem_shared>>)
    %add3A_104 = arith.constant 159 : i32
    %add3A_105 = arith.addi %mul3A_4, %add3A_104 : i32
    "tpu.region"() ({
      %run_scoped3A = tpu.sem_alloc : memref<!tpu.dma_semaphore, #tpu.memory_space<semaphore_mem>>
      %dma_start3A_139 = arith.constant 0 : i32
      %dma_start3A_140 = tpu.memref_slice %arg3[%add3A_105, %dma_start3A_139] : memref<5120x64xi32, #tpu.memory_space<hbm>> -> memref<1x64xi32, #tpu.memory_space<hbm>>
      %dma_start3A_141 = tpu.memref_squeeze %dma_start3A_140 : memref<1x64xi32, #tpu.memory_space<hbm>> -> memref<64xi32, #tpu.memory_space<hbm>>
      %dma_start3A_142 = arith.constant 0 : i32
      %dma_start3A_143 = tpu.memref_slice %arg3[%add3A_105, %dma_start3A_142] : memref<5120x64xi32, #tpu.memory_space<hbm>> -> memref<1x64xi32, #tpu.memory_space<hbm>>
      %dma_start3A_144 = tpu.memref_squeeze %dma_start3A_143 : memref<1x64xi32, #tpu.memory_space<hbm>> -> memref<64xi32, #tpu.memory_space<hbm>>
      tpu.enqueue_dma source(%dma_start3A_144 : memref<64xi32, #tpu.memory_space<hbm>>) target(%arg10 : memref<64xi32, #tpu.memory_space<vmem>>) target_semaphore(%run_scoped3A : memref<!tpu.dma_semaphore, #tpu.memory_space<semaphore_mem>>)
      %dma_wait3A_145 = arith.constant 0 : i32
      %dma_wait3A_146 = tpu.memref_slice %arg3[%add3A_105, %dma_wait3A_145] : memref<5120x64xi32, #tpu.memory_space<hbm>> -> memref<1x64xi32, #tpu.memory_space<hbm>>
      %dma_wait3A_147 = tpu.memref_squeeze %dma_wait3A_146 : memref<1x64xi32, #tpu.memory_space<hbm>> -> memref<64xi32, #tpu.memory_space<hbm>>
      %dma_wait3A_148 = arith.constant 0 : i32
      %dma_wait3A_149 = tpu.memref_slice %arg3[%add3A_105, %dma_wait3A_148] : memref<5120x64xi32, #tpu.memory_space<hbm>> -> memref<1x64xi32, #tpu.memory_space<hbm>>
      %dma_wait3A_150 = tpu.memref_squeeze %dma_wait3A_149 : memref<1x64xi32, #tpu.memory_space<hbm>> -> memref<64xi32, #tpu.memory_space<hbm>>
      tpu.wait_dma2 semaphore(%run_scoped3A : memref<!tpu.dma_semaphore, #tpu.memory_space<semaphore_mem>>) src(%dma_wait3A_150 : memref<64xi32, #tpu.memory_space<hbm>>) dst(%arg10 : memref<64xi32, #tpu.memory_space<vmem>>)
      tpu.yield
    }) : () -> ()
    %add3A_106 = arith.constant 159 : i32
    %add3A_107 = arith.addi %mul3A_4, %add3A_106 : i32
    "tpu.region"() ({
      %run_scoped3A = tpu.sem_alloc : memref<!tpu.dma_semaphore, #tpu.memory_space<semaphore_mem>>
      %dma_start3A_139 = arith.constant 0 : i32
      %dma_start3A_140 = tpu.memref_slice %arg4[%add3A_107, %dma_start3A_139] : memref<5120x64xi32, #tpu.memory_space<hbm>> -> memref<1x64xi32, #tpu.memory_space<hbm>>
      %dma_start3A_141 = tpu.memref_squeeze %dma_start3A_140 : memref<1x64xi32, #tpu.memory_space<hbm>> -> memref<64xi32, #tpu.memory_space<hbm>>
      %dma_start3A_142 = arith.constant 0 : i32
      %dma_start3A_143 = tpu.memref_slice %arg4[%add3A_107, %dma_start3A_142] : memref<5120x64xi32, #tpu.memory_space<hbm>> -> memref<1x64xi32, #tpu.memory_space<hbm>>
      %dma_start3A_144 = tpu.memref_squeeze %dma_start3A_143 : memref<1x64xi32, #tpu.memory_space<hbm>> -> memref<64xi32, #tpu.memory_space<hbm>>
      tpu.enqueue_dma source(%dma_start3A_144 : memref<64xi32, #tpu.memory_space<hbm>>) target(%arg14 : memref<64xi32, #tpu.memory_space<vmem>>) target_semaphore(%run_scoped3A : memref<!tpu.dma_semaphore, #tpu.memory_space<semaphore_mem>>)
      %dma_wait3A_145 = arith.constant 0 : i32
      %dma_wait3A_146 = tpu.memref_slice %arg4[%add3A_107, %dma_wait3A_145] : memref<5120x64xi32, #tpu.memory_space<hbm>> -> memref<1x64xi32, #tpu.memory_space<hbm>>
      %dma_wait3A_147 = tpu.memref_squeeze %dma_wait3A_146 : memref<1x64xi32, #tpu.memory_space<hbm>> -> memref<64xi32, #tpu.memory_space<hbm>>
      %dma_wait3A_148 = arith.constant 0 : i32
      %dma_wait3A_149 = tpu.memref_slice %arg4[%add3A_107, %dma_wait3A_148] : memref<5120x64xi32, #tpu.memory_space<hbm>> -> memref<1x64xi32, #tpu.memory_space<hbm>>
      %dma_wait3A_150 = tpu.memref_squeeze %dma_wait3A_149 : memref<1x64xi32, #tpu.memory_space<hbm>> -> memref<64xi32, #tpu.memory_space<hbm>>
      tpu.wait_dma2 semaphore(%run_scoped3A : memref<!tpu.dma_semaphore, #tpu.memory_space<semaphore_mem>>) src(%dma_wait3A_150 : memref<64xi32, #tpu.memory_space<hbm>>) dst(%arg14 : memref<64xi32, #tpu.memory_space<vmem>>)
      tpu.yield
    }) : () -> ()
    %dma_start3A_108 = arith.constant 0 : i32
    %dma_start3A_109 = arith.constant 0 : i32
    %dma_start3A_110 = tpu.memref_slice %arg2[%dma_start3A_108, %dma_start3A_109] : memref<10240x128xf32, #tpu.memory_space<hbm>> -> memref<10240x128xf32, #tpu.memory_space<hbm>>
    tpu.enqueue_indirect_dma source(%dma_start3A_110 : memref<10240x128xf32, #tpu.memory_space<hbm>>) target(%arg18 : memref<64x128xf32, #tpu.memory_space<vmem>>) offsets(%arg10 : memref<64xi32, #tpu.memory_space<vmem>>) semaphore(%arg23 : memref<!tpu.dma_semaphore, #tpu.memory_space<semaphore_mem>>)
    %dma_wait3A_111 = arith.constant 0 : i32
    %dma_wait3A_112 = arith.constant 0 : i32
    %dma_wait3A_113 = tpu.memref_slice %arg2[%dma_wait3A_111, %dma_wait3A_112] : memref<10240x128xf32, #tpu.memory_space<hbm>> -> memref<10240x128xf32, #tpu.memory_space<hbm>>
    tpu.wait_indirect_dma semaphore(%arg22 : memref<!tpu.dma_semaphore, #tpu.memory_space<semaphore_mem>>) src(%dma_wait3A_113 : memref<10240x128xf32, #tpu.memory_space<hbm>>) dst(%arg17 : memref<64x128xf32, #tpu.memory_space<vmem>>)
    %dma_start3A_114 = arith.constant 0 : i32
    %dma_start3A_115 = arith.constant 0 : i32
    %dma_start3A_116 = tpu.memref_slice %arg19[%dma_start3A_114, %dma_start3A_115] : memref<10240x128xf32, #tpu.memory_space<vmem_shared>> -> memref<10240x128xf32, #tpu.memory_space<vmem_shared>>
    tpu.enqueue_indirect_dma source(%arg17 : memref<64x128xf32, #tpu.memory_space<vmem>>) target(%dma_start3A_116 : memref<10240x128xf32, #tpu.memory_space<vmem_shared>>) offsets(%arg13 : memref<64xi32, #tpu.memory_space<vmem>>) semaphore(%arg26 : memref<!tpu.dma_semaphore, #tpu.memory_space<semaphore_mem>>) {add = true}
    %dma_wait3A_117 = arith.constant 0 : i32
    %dma_wait3A_118 = arith.constant 0 : i32
    %dma_wait3A_119 = tpu.memref_slice %arg19[%dma_wait3A_117, %dma_wait3A_118] : memref<10240x128xf32, #tpu.memory_space<vmem_shared>> -> memref<10240x128xf32, #tpu.memory_space<vmem_shared>>
    tpu.wait_indirect_dma semaphore(%arg24 : memref<!tpu.dma_semaphore, #tpu.memory_space<semaphore_mem>>) src(%arg15 : memref<64x128xf32, #tpu.memory_space<vmem>>) dst(%dma_wait3A_119 : memref<10240x128xf32, #tpu.memory_space<vmem_shared>>)
    %dma_wait3A_120 = arith.constant 0 : i32
    %dma_wait3A_121 = arith.constant 0 : i32
    %dma_wait3A_122 = tpu.memref_slice %arg2[%dma_wait3A_120, %dma_wait3A_121] : memref<10240x128xf32, #tpu.memory_space<hbm>> -> memref<10240x128xf32, #tpu.memory_space<hbm>>
    tpu.wait_indirect_dma semaphore(%arg23 : memref<!tpu.dma_semaphore, #tpu.memory_space<semaphore_mem>>) src(%dma_wait3A_122 : memref<10240x128xf32, #tpu.memory_space<hbm>>) dst(%arg18 : memref<64x128xf32, #tpu.memory_space<vmem>>)
    %dma_start3A_123 = arith.constant 0 : i32
    %dma_start3A_124 = arith.constant 0 : i32
    %dma_start3A_125 = tpu.memref_slice %arg19[%dma_start3A_123, %dma_start3A_124] : memref<10240x128xf32, #tpu.memory_space<vmem_shared>> -> memref<10240x128xf32, #tpu.memory_space<vmem_shared>>
    tpu.enqueue_indirect_dma source(%arg18 : memref<64x128xf32, #tpu.memory_space<vmem>>) target(%dma_start3A_125 : memref<10240x128xf32, #tpu.memory_space<vmem_shared>>) offsets(%arg14 : memref<64xi32, #tpu.memory_space<vmem>>) semaphore(%arg27 : memref<!tpu.dma_semaphore, #tpu.memory_space<semaphore_mem>>) {add = true}
    %dma_wait3A_126 = arith.constant 0 : i32
    %dma_wait3A_127 = arith.constant 0 : i32
    %dma_wait3A_128 = tpu.memref_slice %arg19[%dma_wait3A_126, %dma_wait3A_127] : memref<10240x128xf32, #tpu.memory_space<vmem_shared>> -> memref<10240x128xf32, #tpu.memory_space<vmem_shared>>
    tpu.wait_indirect_dma semaphore(%arg25 : memref<!tpu.dma_semaphore, #tpu.memory_space<semaphore_mem>>) src(%arg16 : memref<64x128xf32, #tpu.memory_space<vmem>>) dst(%dma_wait3A_128 : memref<10240x128xf32, #tpu.memory_space<vmem_shared>>)
    %dma_wait3A_129 = arith.constant 0 : i32
    %dma_wait3A_130 = arith.constant 0 : i32
    %dma_wait3A_131 = tpu.memref_slice %arg19[%dma_wait3A_129, %dma_wait3A_130] : memref<10240x128xf32, #tpu.memory_space<vmem_shared>> -> memref<10240x128xf32, #tpu.memory_space<vmem_shared>>
    tpu.wait_indirect_dma semaphore(%arg26 : memref<!tpu.dma_semaphore, #tpu.memory_space<semaphore_mem>>) src(%arg17 : memref<64x128xf32, #tpu.memory_space<vmem>>) dst(%dma_wait3A_131 : memref<10240x128xf32, #tpu.memory_space<vmem_shared>>)
    %dma_wait3A_132 = arith.constant 0 : i32
    %dma_wait3A_133 = arith.constant 0 : i32
    %dma_wait3A_134 = tpu.memref_slice %arg19[%dma_wait3A_132, %dma_wait3A_133] : memref<10240x128xf32, #tpu.memory_space<vmem_shared>> -> memref<10240x128xf32, #tpu.memory_space<vmem_shared>>
    tpu.wait_indirect_dma semaphore(%arg27 : memref<!tpu.dma_semaphore, #tpu.memory_space<semaphore_mem>>) src(%arg18 : memref<64x128xf32, #tpu.memory_space<vmem>>) dst(%dma_wait3A_134 : memref<10240x128xf32, #tpu.memory_space<vmem_shared>>)
    %barrier3A_135 = arith.constant 0 : index
    tpu.barrier barrier_id(%barrier3A_135)
    %mul3A_136 = arith.constant 16 : i32
    %mul3A_137 = arith.muli %arg0, %mul3A_136 : i32
    %add3A_138 = arith.addi %mul3A_137, %arg1 : i32
    "tpu.region"() ({
      %run_scoped3A = tpu.sem_alloc : memref<!tpu.dma_semaphore, #tpu.memory_space<semaphore_mem>>
      %dma_start3A_139 = arith.constant 0 : i32
      %dma_start3A_140 = arith.constant 0 : i32
      %dma_start3A_141 = tpu.memref_slice %arg6[%add3A_138, %dma_start3A_139, %dma_start3A_140] : memref<32x640x128xf32, #tpu.memory_space<hbm>> -> memref<1x640x128xf32, #tpu.memory_space<hbm>>
      %dma_start3A_142 = tpu.memref_squeeze %dma_start3A_141 : memref<1x640x128xf32, #tpu.memory_space<hbm>> -> memref<640x128xf32, #tpu.memory_space<hbm>>
      %dma_start3A_143 = arith.constant 0 : i32
      %dma_start3A_144 = tpu.memref_slice %arg19[%mul3A_2, %dma_start3A_143] : memref<10240x128xf32, #tpu.memory_space<vmem_shared>> -> memref<640x128xf32, #tpu.memory_space<vmem_shared>>
      tpu.enqueue_dma source(%dma_start3A_144 : memref<640x128xf32, #tpu.memory_space<vmem_shared>>) target(%dma_start3A_142 : memref<640x128xf32, #tpu.memory_space<hbm>>) target_semaphore(%run_scoped3A : memref<!tpu.dma_semaphore, #tpu.memory_space<semaphore_mem>>)
      %dma_wait3A_145 = arith.constant 0 : i32
      %dma_wait3A_146 = arith.constant 0 : i32
      %dma_wait3A_147 = tpu.memref_slice %arg6[%add3A_138, %dma_wait3A_145, %dma_wait3A_146] : memref<32x640x128xf32, #tpu.memory_space<hbm>> -> memref<1x640x128xf32, #tpu.memory_space<hbm>>
      %dma_wait3A_148 = tpu.memref_squeeze %dma_wait3A_147 : memref<1x640x128xf32, #tpu.memory_space<hbm>> -> memref<640x128xf32, #tpu.memory_space<hbm>>
      %dma_wait3A_149 = arith.constant 0 : i32
      %dma_wait3A_150 = tpu.memref_slice %arg19[%mul3A_2, %dma_wait3A_149] : memref<10240x128xf32, #tpu.memory_space<vmem_shared>> -> memref<640x128xf32, #tpu.memory_space<vmem_shared>>
      tpu.wait_dma2 semaphore(%run_scoped3A : memref<!tpu.dma_semaphore, #tpu.memory_space<semaphore_mem>>) src(%dma_wait3A_150 : memref<640x128xf32, #tpu.memory_space<vmem_shared>>) dst(%dma_wait3A_148 : memref<640x128xf32, #tpu.memory_space<hbm>>)
      tpu.yield
    }) : () -> ()
    return
  }
}

#map = affine_map<(d0, d1) -> (0, 0)>
#map1 = affine_map<(d0, d1) -> (0, 0, 0)>
module attributes {stable_mosaic.version = 14 : i64} {
  func.func @body(%arg0: i32, %arg1: i32, %arg2: memref<327680x32xf32, #tpu.memory_space<hbm>>, %arg3: memref<5120x64xi32, #tpu.memory_space<hbm>>, %arg4: memref<640x128xf32, #tpu.memory_space<hbm>>, %arg5: memref<32x640x128xf32, #tpu.memory_space<hbm>>, %arg6: memref<64xi32, #tpu.memory_space<vmem>>, %arg7: memref<64x32xf32, #tpu.memory_space<vmem>>, %arg8: memref<64x128xf32, #tpu.memory_space<vmem>>, %arg9: memref<10240x128xf32, #tpu.memory_space<vmem_shared>>) attributes {dimension_semantics = [#tpu.dimension_semantics<core_parallel>, #tpu.dimension_semantics<subcore_parallel>], iteration_bounds = array<i64: 2, 16>, scalar_prefetch = 0 : i64, scratch_operands = 4 : i64, tpu.core_type = #tpu.core_type<sc_vector_subcore>, window_params = [{transform_indices = #map}, {transform_indices = #map}, {transform_indices = #map}, {transform_indices = #map1}]} {
    %mul3A = arith.constant 2 : i32
    %mul3A_0 = arith.muli %arg1, %mul3A : i32
    %add3A = arith.addi %mul3A_0, %arg0 : i32
    %mul3A_1 = arith.constant 640 : i32
    %mul3A_2 = arith.muli %arg1, %mul3A_1 : i32
    "tpu.region"() ({
      %run_scoped3A = tpu.sem_alloc : memref<!tpu.dma_semaphore, #tpu.memory_space<semaphore_mem>>
      %dma_start3A = arith.constant 0 : i32
      %dma_start3A_11 = tpu.memref_slice %arg9[%mul3A_2, %dma_start3A] : memref<10240x128xf32, #tpu.memory_space<vmem_shared>> -> memref<640x128xf32, #tpu.memory_space<vmem_shared>>
      tpu.enqueue_dma source(%arg4 : memref<640x128xf32, #tpu.memory_space<hbm>>) target(%dma_start3A_11 : memref<640x128xf32, #tpu.memory_space<vmem_shared>>) target_semaphore(%run_scoped3A : memref<!tpu.dma_semaphore, #tpu.memory_space<semaphore_mem>>)
      %dma_wait3A = arith.constant 0 : i32
      %dma_wait3A_12 = tpu.memref_slice %arg9[%mul3A_2, %dma_wait3A] : memref<10240x128xf32, #tpu.memory_space<vmem_shared>> -> memref<640x128xf32, #tpu.memory_space<vmem_shared>>
      tpu.wait_dma2 semaphore(%run_scoped3A : memref<!tpu.dma_semaphore, #tpu.memory_space<semaphore_mem>>) src(%arg4 : memref<640x128xf32, #tpu.memory_space<hbm>>) dst(%dma_wait3A_12 : memref<640x128xf32, #tpu.memory_space<vmem_shared>>)
      tpu.yield
    }) : () -> ()
    "tpu.region"() ({
      %run_scoped3A = tpu.sem_alloc : memref<!tpu.dma_semaphore, #tpu.memory_space<semaphore_mem>>
      %dma_start3A = arith.constant 0 : i32
      %dma_start3A_11 = arith.constant 0 : i32
      %dma_start3A_12 = tpu.memref_slice %arg4[%dma_start3A, %dma_start3A_11] : memref<640x128xf32, #tpu.memory_space<hbm>> -> memref<64x128xf32, #tpu.memory_space<hbm>>
      %dma_start3A_13 = arith.constant 0 : i32
      %dma_start3A_14 = arith.constant 0 : i32
      %dma_start3A_15 = tpu.memref_slice %arg4[%dma_start3A_13, %dma_start3A_14] : memref<640x128xf32, #tpu.memory_space<hbm>> -> memref<64x128xf32, #tpu.memory_space<hbm>>
      tpu.enqueue_dma source(%dma_start3A_15 : memref<64x128xf32, #tpu.memory_space<hbm>>) target(%arg8 : memref<64x128xf32, #tpu.memory_space<vmem>>) target_semaphore(%run_scoped3A : memref<!tpu.dma_semaphore, #tpu.memory_space<semaphore_mem>>)
      %dma_wait3A = arith.constant 0 : i32
      %dma_wait3A_16 = arith.constant 0 : i32
      %dma_wait3A_17 = tpu.memref_slice %arg4[%dma_wait3A, %dma_wait3A_16] : memref<640x128xf32, #tpu.memory_space<hbm>> -> memref<64x128xf32, #tpu.memory_space<hbm>>
      %dma_wait3A_18 = arith.constant 0 : i32
      %dma_wait3A_19 = arith.constant 0 : i32
      %dma_wait3A_20 = tpu.memref_slice %arg4[%dma_wait3A_18, %dma_wait3A_19] : memref<640x128xf32, #tpu.memory_space<hbm>> -> memref<64x128xf32, #tpu.memory_space<hbm>>
      tpu.wait_dma2 semaphore(%run_scoped3A : memref<!tpu.dma_semaphore, #tpu.memory_space<semaphore_mem>>) src(%dma_wait3A_20 : memref<64x128xf32, #tpu.memory_space<hbm>>) dst(%arg8 : memref<64x128xf32, #tpu.memory_space<vmem>>)
      tpu.yield
    }) : () -> ()
    %barrier3A = arith.constant 0 : index
    tpu.barrier barrier_id(%barrier3A)
    %scan3A = arith.constant 0 : i32
    %scan3A_3 = arith.constant 160 : i32
    %scan3A_4 = arith.addi %scan3A, %scan3A_3 : i32
    %scan3A_5 = arith.constant 1 : i32
    scf.for %scan3A_11 = %scan3A to %scan3A_4 step %scan3A_5  : i32 {
      %mul3A_12 = arith.constant 1 : i32
      %mul3A_13 = arith.muli %scan3A_11, %mul3A_12 : i32
      %add3A_14 = arith.constant 0 : i32
      %add3A_15 = arith.addi %add3A_14, %mul3A_13 : i32
      %mul3A_16 = arith.constant 160 : i32
      %mul3A_17 = arith.muli %add3A, %mul3A_16 : i32
      %add3A_18 = arith.addi %mul3A_17, %add3A_15 : i32
      "tpu.region"() ({
        %run_scoped3A = tpu.sem_alloc : memref<!tpu.dma_semaphore, #tpu.memory_space<semaphore_mem>>
        %dma_start3A = arith.constant 0 : i32
        %dma_start3A_1427 = tpu.memref_slice %arg3[%add3A_18, %dma_start3A] : memref<5120x64xi32, #tpu.memory_space<hbm>> -> memref<1x64xi32, #tpu.memory_space<hbm>>
        %dma_start3A_1428 = tpu.memref_squeeze %dma_start3A_1427 : memref<1x64xi32, #tpu.memory_space<hbm>> -> memref<64xi32, #tpu.memory_space<hbm>>
        %dma_start3A_1429 = arith.constant 0 : i32
        %dma_start3A_1430 = tpu.memref_slice %arg3[%add3A_18, %dma_start3A_1429] : memref<5120x64xi32, #tpu.memory_space<hbm>> -> memref<1x64xi32, #tpu.memory_space<hbm>>
        %dma_start3A_1431 = tpu.memref_squeeze %dma_start3A_1430 : memref<1x64xi32, #tpu.memory_space<hbm>> -> memref<64xi32, #tpu.memory_space<hbm>>
        tpu.enqueue_dma source(%dma_start3A_1431 : memref<64xi32, #tpu.memory_space<hbm>>) target(%arg6 : memref<64xi32, #tpu.memory_space<vmem>>) target_semaphore(%run_scoped3A : memref<!tpu.dma_semaphore, #tpu.memory_space<semaphore_mem>>)
        %dma_wait3A = arith.constant 0 : i32
        %dma_wait3A_1432 = tpu.memref_slice %arg3[%add3A_18, %dma_wait3A] : memref<5120x64xi32, #tpu.memory_space<hbm>> -> memref<1x64xi32, #tpu.memory_space<hbm>>
        %dma_wait3A_1433 = tpu.memref_squeeze %dma_wait3A_1432 : memref<1x64xi32, #tpu.memory_space<hbm>> -> memref<64xi32, #tpu.memory_space<hbm>>
        %dma_wait3A_1434 = arith.constant 0 : i32
        %dma_wait3A_1435 = tpu.memref_slice %arg3[%add3A_18, %dma_wait3A_1434] : memref<5120x64xi32, #tpu.memory_space<hbm>> -> memref<1x64xi32, #tpu.memory_space<hbm>>
        %dma_wait3A_1436 = tpu.memref_squeeze %dma_wait3A_1435 : memref<1x64xi32, #tpu.memory_space<hbm>> -> memref<64xi32, #tpu.memory_space<hbm>>
        tpu.wait_dma2 semaphore(%run_scoped3A : memref<!tpu.dma_semaphore, #tpu.memory_space<semaphore_mem>>) src(%dma_wait3A_1436 : memref<64xi32, #tpu.memory_space<hbm>>) dst(%arg6 : memref<64xi32, #tpu.memory_space<vmem>>)
        tpu.yield
      }) : () -> ()
      %mul3A_19 = arith.constant 64 : i32
      %mul3A_20 = arith.muli %add3A_18, %mul3A_19 : i32
      "tpu.region"() ({
        %run_scoped3A = tpu.sem_alloc : memref<!tpu.dma_semaphore, #tpu.memory_space<semaphore_mem>>
        %dma_start3A = arith.constant 0 : i32
        %dma_start3A_1427 = tpu.memref_slice %arg2[%mul3A_20, %dma_start3A] : memref<327680x32xf32, #tpu.memory_space<hbm>> -> memref<64x32xf32, #tpu.memory_space<hbm>>
        %dma_start3A_1428 = arith.constant 0 : i32
        %dma_start3A_1429 = tpu.memref_slice %arg2[%mul3A_20, %dma_start3A_1428] : memref<327680x32xf32, #tpu.memory_space<hbm>> -> memref<64x32xf32, #tpu.memory_space<hbm>>
        tpu.enqueue_dma source(%dma_start3A_1429 : memref<64x32xf32, #tpu.memory_space<hbm>>) target(%arg7 : memref<64x32xf32, #tpu.memory_space<vmem>>) target_semaphore(%run_scoped3A : memref<!tpu.dma_semaphore, #tpu.memory_space<semaphore_mem>>)
        %dma_wait3A = arith.constant 0 : i32
        %dma_wait3A_1430 = tpu.memref_slice %arg2[%mul3A_20, %dma_wait3A] : memref<327680x32xf32, #tpu.memory_space<hbm>> -> memref<64x32xf32, #tpu.memory_space<hbm>>
        %dma_wait3A_1431 = arith.constant 0 : i32
        %dma_wait3A_1432 = tpu.memref_slice %arg2[%mul3A_20, %dma_wait3A_1431] : memref<327680x32xf32, #tpu.memory_space<hbm>> -> memref<64x32xf32, #tpu.memory_space<hbm>>
        tpu.wait_dma2 semaphore(%run_scoped3A : memref<!tpu.dma_semaphore, #tpu.memory_space<semaphore_mem>>) src(%dma_wait3A_1432 : memref<64x32xf32, #tpu.memory_space<hbm>>) dst(%arg7 : memref<64x32xf32, #tpu.memory_space<vmem>>)
        tpu.yield
      }) : () -> ()
      %get3A = arith.constant 0 : i32
      %get3A_21 = arith.index_cast %get3A : i32 to index
      %get3A_22 = arith.constant 0 : index
      %get3A_23 = tpu.vector_load %arg7[%get3A_21, %get3A_22] {strides = array<i32>} : memref<64x32xf32, #tpu.memory_space<vmem>>, vector<1x16xf32>,
      %get3A_24 = vector.shape_cast %get3A_23 : vector<1x16xf32> to vector<16xf32>
      %swap3A = arith.constant 0 : i32
      %swap3A_25 = arith.index_cast %swap3A : i32 to index
      %swap3A_26 = arith.constant 0 : index
      %swap3A_27 = tpu.vector_load %arg8[%swap3A_25, %swap3A_26] {strides = array<i32>} : memref<64x128xf32, #tpu.memory_space<vmem>>, vector<1x16xf32>,
      %swap3A_28 = vector.shape_cast %swap3A_27 : vector<1x16xf32> to vector<16xf32>
      %swap3A_29 = vector.shape_cast %get3A_24 : vector<16xf32> to vector<1x16xf32>
      tpu.vector_store %arg8[%swap3A_25, %swap3A_26], %swap3A_29 {strides = array<i32>} : memref<64x128xf32, #tpu.memory_space<vmem>>, vector<1x16xf32>,
      %get3A_30 = arith.constant 0 : i32
      %get3A_31 = arith.index_cast %get3A_30 : i32 to index
      %get3A_32 = arith.constant 16 : index
      %get3A_33 = tpu.vector_load %arg7[%get3A_31, %get3A_32] {strides = array<i32>} : memref<64x32xf32, #tpu.memory_space<vmem>>, vector<1x16xf32>,
      %get3A_34 = vector.shape_cast %get3A_33 : vector<1x16xf32> to vector<16xf32>
      %swap3A_35 = arith.constant 0 : i32
      %swap3A_36 = arith.index_cast %swap3A_35 : i32 to index
      %swap3A_37 = arith.constant 16 : index
      %swap3A_38 = tpu.vector_load %arg8[%swap3A_36, %swap3A_37] {strides = array<i32>} : memref<64x128xf32, #tpu.memory_space<vmem>>, vector<1x16xf32>,
      %swap3A_39 = vector.shape_cast %swap3A_38 : vector<1x16xf32> to vector<16xf32>
      %swap3A_40 = vector.shape_cast %get3A_34 : vector<16xf32> to vector<1x16xf32>
      tpu.vector_store %arg8[%swap3A_36, %swap3A_37], %swap3A_40 {strides = array<i32>} : memref<64x128xf32, #tpu.memory_space<vmem>>, vector<1x16xf32>,
      %get3A_41 = arith.constant 1 : i32
      %get3A_42 = arith.index_cast %get3A_41 : i32 to index
      %get3A_43 = arith.constant 0 : index
      %get3A_44 = tpu.vector_load %arg7[%get3A_42, %get3A_43] {strides = array<i32>} : memref<64x32xf32, #tpu.memory_space<vmem>>, vector<1x16xf32>,
      %get3A_45 = vector.shape_cast %get3A_44 : vector<1x16xf32> to vector<16xf32>
      %swap3A_46 = arith.constant 1 : i32
      %swap3A_47 = arith.index_cast %swap3A_46 : i32 to index
      %swap3A_48 = arith.constant 0 : index
      %swap3A_49 = tpu.vector_load %arg8[%swap3A_47, %swap3A_48] {strides = array<i32>} : memref<64x128xf32, #tpu.memory_space<vmem>>, vector<1x16xf32>,
      %swap3A_50 = vector.shape_cast %swap3A_49 : vector<1x16xf32> to vector<16xf32>
      %swap3A_51 = vector.shape_cast %get3A_45 : vector<16xf32> to vector<1x16xf32>
      tpu.vector_store %arg8[%swap3A_47, %swap3A_48], %swap3A_51 {strides = array<i32>} : memref<64x128xf32, #tpu.memory_space<vmem>>, vector<1x16xf32>,
      %get3A_52 = arith.constant 1 : i32
      %get3A_53 = arith.index_cast %get3A_52 : i32 to index
      %get3A_54 = arith.constant 16 : index
      %get3A_55 = tpu.vector_load %arg7[%get3A_53, %get3A_54] {strides = array<i32>} : memref<64x32xf32, #tpu.memory_space<vmem>>, vector<1x16xf32>,
      %get3A_56 = vector.shape_cast %get3A_55 : vector<1x16xf32> to vector<16xf32>
      %swap3A_57 = arith.constant 1 : i32
      %swap3A_58 = arith.index_cast %swap3A_57 : i32 to index
      %swap3A_59 = arith.constant 16 : index
      %swap3A_60 = tpu.vector_load %arg8[%swap3A_58, %swap3A_59] {strides = array<i32>} : memref<64x128xf32, #tpu.memory_space<vmem>>, vector<1x16xf32>,
      %swap3A_61 = vector.shape_cast %swap3A_60 : vector<1x16xf32> to vector<16xf32>
      %swap3A_62 = vector.shape_cast %get3A_56 : vector<16xf32> to vector<1x16xf32>
      tpu.vector_store %arg8[%swap3A_58, %swap3A_59], %swap3A_62 {strides = array<i32>} : memref<64x128xf32, #tpu.memory_space<vmem>>, vector<1x16xf32>,
      %get3A_63 = arith.constant 2 : i32
      %get3A_64 = arith.index_cast %get3A_63 : i32 to index
      %get3A_65 = arith.constant 0 : index
      %get3A_66 = tpu.vector_load %arg7[%get3A_64, %get3A_65] {strides = array<i32>} : memref<64x32xf32, #tpu.memory_space<vmem>>, vector<1x16xf32>,
      %get3A_67 = vector.shape_cast %get3A_66 : vector<1x16xf32> to vector<16xf32>
      %swap3A_68 = arith.constant 2 : i32
      %swap3A_69 = arith.index_cast %swap3A_68 : i32 to index
      %swap3A_70 = arith.constant 0 : index
      %swap3A_71 = tpu.vector_load %arg8[%swap3A_69, %swap3A_70] {strides = array<i32>} : memref<64x128xf32, #tpu.memory_space<vmem>>, vector<1x16xf32>,
      %swap3A_72 = vector.shape_cast %swap3A_71 : vector<1x16xf32> to vector<16xf32>
      %swap3A_73 = vector.shape_cast %get3A_67 : vector<16xf32> to vector<1x16xf32>
      tpu.vector_store %arg8[%swap3A_69, %swap3A_70], %swap3A_73 {strides = array<i32>} : memref<64x128xf32, #tpu.memory_space<vmem>>, vector<1x16xf32>,
      %get3A_74 = arith.constant 2 : i32
      %get3A_75 = arith.index_cast %get3A_74 : i32 to index
      %get3A_76 = arith.constant 16 : index
      %get3A_77 = tpu.vector_load %arg7[%get3A_75, %get3A_76] {strides = array<i32>} : memref<64x32xf32, #tpu.memory_space<vmem>>, vector<1x16xf32>,
      %get3A_78 = vector.shape_cast %get3A_77 : vector<1x16xf32> to vector<16xf32>
      %swap3A_79 = arith.constant 2 : i32
      %swap3A_80 = arith.index_cast %swap3A_79 : i32 to index
      %swap3A_81 = arith.constant 16 : index
      %swap3A_82 = tpu.vector_load %arg8[%swap3A_80, %swap3A_81] {strides = array<i32>} : memref<64x128xf32, #tpu.memory_space<vmem>>, vector<1x16xf32>,
      %swap3A_83 = vector.shape_cast %swap3A_82 : vector<1x16xf32> to vector<16xf32>
      %swap3A_84 = vector.shape_cast %get3A_78 : vector<16xf32> to vector<1x16xf32>
      tpu.vector_store %arg8[%swap3A_80, %swap3A_81], %swap3A_84 {strides = array<i32>} : memref<64x128xf32, #tpu.memory_space<vmem>>, vector<1x16xf32>,
      %get3A_85 = arith.constant 3 : i32
      %get3A_86 = arith.index_cast %get3A_85 : i32 to index
      %get3A_87 = arith.constant 0 : index
      %get3A_88 = tpu.vector_load %arg7[%get3A_86, %get3A_87] {strides = array<i32>} : memref<64x32xf32, #tpu.memory_space<vmem>>, vector<1x16xf32>,
      %get3A_89 = vector.shape_cast %get3A_88 : vector<1x16xf32> to vector<16xf32>
      %swap3A_90 = arith.constant 3 : i32
      %swap3A_91 = arith.index_cast %swap3A_90 : i32 to index
      %swap3A_92 = arith.constant 0 : index
      %swap3A_93 = tpu.vector_load %arg8[%swap3A_91, %swap3A_92] {strides = array<i32>} : memref<64x128xf32, #tpu.memory_space<vmem>>, vector<1x16xf32>,
      %swap3A_94 = vector.shape_cast %swap3A_93 : vector<1x16xf32> to vector<16xf32>
      %swap3A_95 = vector.shape_cast %get3A_89 : vector<16xf32> to vector<1x16xf32>
      tpu.vector_store %arg8[%swap3A_91, %swap3A_92], %swap3A_95 {strides = array<i32>} : memref<64x128xf32, #tpu.memory_space<vmem>>, vector<1x16xf32>,
      %get3A_96 = arith.constant 3 : i32
      %get3A_97 = arith.index_cast %get3A_96 : i32 to index
      %get3A_98 = arith.constant 16 : index
      %get3A_99 = tpu.vector_load %arg7[%get3A_97, %get3A_98] {strides = array<i32>} : memref<64x32xf32, #tpu.memory_space<vmem>>, vector<1x16xf32>,
      %get3A_100 = vector.shape_cast %get3A_99 : vector<1x16xf32> to vector<16xf32>
      %swap3A_101 = arith.constant 3 : i32
      %swap3A_102 = arith.index_cast %swap3A_101 : i32 to index
      %swap3A_103 = arith.constant 16 : index
      %swap3A_104 = tpu.vector_load %arg8[%swap3A_102, %swap3A_103] {strides = array<i32>} : memref<64x128xf32, #tpu.memory_space<vmem>>, vector<1x16xf32>,
      %swap3A_105 = vector.shape_cast %swap3A_104 : vector<1x16xf32> to vector<16xf32>
      %swap3A_106 = vector.shape_cast %get3A_100 : vector<16xf32> to vector<1x16xf32>
      tpu.vector_store %arg8[%swap3A_102, %swap3A_103], %swap3A_106 {strides = array<i32>} : memref<64x128xf32, #tpu.memory_space<vmem>>, vector<1x16xf32>,
      %get3A_107 = arith.constant 4 : i32
      %get3A_108 = arith.index_cast %get3A_107 : i32 to index
      %get3A_109 = arith.constant 0 : index
      %get3A_110 = tpu.vector_load %arg7[%get3A_108, %get3A_109] {strides = array<i32>} : memref<64x32xf32, #tpu.memory_space<vmem>>, vector<1x16xf32>,
      %get3A_111 = vector.shape_cast %get3A_110 : vector<1x16xf32> to vector<16xf32>
      %swap3A_112 = arith.constant 4 : i32
      %swap3A_113 = arith.index_cast %swap3A_112 : i32 to index
      %swap3A_114 = arith.constant 0 : index
      %swap3A_115 = tpu.vector_load %arg8[%swap3A_113, %swap3A_114] {strides = array<i32>} : memref<64x128xf32, #tpu.memory_space<vmem>>, vector<1x16xf32>,
      %swap3A_116 = vector.shape_cast %swap3A_115 : vector<1x16xf32> to vector<16xf32>
      %swap3A_117 = vector.shape_cast %get3A_111 : vector<16xf32> to vector<1x16xf32>
      tpu.vector_store %arg8[%swap3A_113, %swap3A_114], %swap3A_117 {strides = array<i32>} : memref<64x128xf32, #tpu.memory_space<vmem>>, vector<1x16xf32>,
      %get3A_118 = arith.constant 4 : i32
      %get3A_119 = arith.index_cast %get3A_118 : i32 to index
      %get3A_120 = arith.constant 16 : index
      %get3A_121 = tpu.vector_load %arg7[%get3A_119, %get3A_120] {strides = array<i32>} : memref<64x32xf32, #tpu.memory_space<vmem>>, vector<1x16xf32>,
      %get3A_122 = vector.shape_cast %get3A_121 : vector<1x16xf32> to vector<16xf32>
      %swap3A_123 = arith.constant 4 : i32
      %swap3A_124 = arith.index_cast %swap3A_123 : i32 to index
      %swap3A_125 = arith.constant 16 : index
      %swap3A_126 = tpu.vector_load %arg8[%swap3A_124, %swap3A_125] {strides = array<i32>} : memref<64x128xf32, #tpu.memory_space<vmem>>, vector<1x16xf32>,
      %swap3A_127 = vector.shape_cast %swap3A_126 : vector<1x16xf32> to vector<16xf32>
      %swap3A_128 = vector.shape_cast %get3A_122 : vector<16xf32> to vector<1x16xf32>
      tpu.vector_store %arg8[%swap3A_124, %swap3A_125], %swap3A_128 {strides = array<i32>} : memref<64x128xf32, #tpu.memory_space<vmem>>, vector<1x16xf32>,
      %get3A_129 = arith.constant 5 : i32
      %get3A_130 = arith.index_cast %get3A_129 : i32 to index
      %get3A_131 = arith.constant 0 : index
      %get3A_132 = tpu.vector_load %arg7[%get3A_130, %get3A_131] {strides = array<i32>} : memref<64x32xf32, #tpu.memory_space<vmem>>, vector<1x16xf32>,
      %get3A_133 = vector.shape_cast %get3A_132 : vector<1x16xf32> to vector<16xf32>
      %swap3A_134 = arith.constant 5 : i32
      %swap3A_135 = arith.index_cast %swap3A_134 : i32 to index
      %swap3A_136 = arith.constant 0 : index
      %swap3A_137 = tpu.vector_load %arg8[%swap3A_135, %swap3A_136] {strides = array<i32>} : memref<64x128xf32, #tpu.memory_space<vmem>>, vector<1x16xf32>,
      %swap3A_138 = vector.shape_cast %swap3A_137 : vector<1x16xf32> to vector<16xf32>
      %swap3A_139 = vector.shape_cast %get3A_133 : vector<16xf32> to vector<1x16xf32>
      tpu.vector_store %arg8[%swap3A_135, %swap3A_136], %swap3A_139 {strides = array<i32>} : memref<64x128xf32, #tpu.memory_space<vmem>>, vector<1x16xf32>,
      %get3A_140 = arith.constant 5 : i32
      %get3A_141 = arith.index_cast %get3A_140 : i32 to index
      %get3A_142 = arith.constant 16 : index
      %get3A_143 = tpu.vector_load %arg7[%get3A_141, %get3A_142] {strides = array<i32>} : memref<64x32xf32, #tpu.memory_space<vmem>>, vector<1x16xf32>,
      %get3A_144 = vector.shape_cast %get3A_143 : vector<1x16xf32> to vector<16xf32>
      %swap3A_145 = arith.constant 5 : i32
      %swap3A_146 = arith.index_cast %swap3A_145 : i32 to index
      %swap3A_147 = arith.constant 16 : index
      %swap3A_148 = tpu.vector_load %arg8[%swap3A_146, %swap3A_147] {strides = array<i32>} : memref<64x128xf32, #tpu.memory_space<vmem>>, vector<1x16xf32>,
      %swap3A_149 = vector.shape_cast %swap3A_148 : vector<1x16xf32> to vector<16xf32>
      %swap3A_150 = vector.shape_cast %get3A_144 : vector<16xf32> to vector<1x16xf32>
      tpu.vector_store %arg8[%swap3A_146, %swap3A_147], %swap3A_150 {strides = array<i32>} : memref<64x128xf32, #tpu.memory_space<vmem>>, vector<1x16xf32>,
      %get3A_151 = arith.constant 6 : i32
      %get3A_152 = arith.index_cast %get3A_151 : i32 to index
      %get3A_153 = arith.constant 0 : index
      %get3A_154 = tpu.vector_load %arg7[%get3A_152, %get3A_153] {strides = array<i32>} : memref<64x32xf32, #tpu.memory_space<vmem>>, vector<1x16xf32>,
      %get3A_155 = vector.shape_cast %get3A_154 : vector<1x16xf32> to vector<16xf32>
      %swap3A_156 = arith.constant 6 : i32
      %swap3A_157 = arith.index_cast %swap3A_156 : i32 to index
      %swap3A_158 = arith.constant 0 : index
      %swap3A_159 = tpu.vector_load %arg8[%swap3A_157, %swap3A_158] {strides = array<i32>} : memref<64x128xf32, #tpu.memory_space<vmem>>, vector<1x16xf32>,
      %swap3A_160 = vector.shape_cast %swap3A_159 : vector<1x16xf32> to vector<16xf32>
      %swap3A_161 = vector.shape_cast %get3A_155 : vector<16xf32> to vector<1x16xf32>
      tpu.vector_store %arg8[%swap3A_157, %swap3A_158], %swap3A_161 {strides = array<i32>} : memref<64x128xf32, #tpu.memory_space<vmem>>, vector<1x16xf32>,
      %get3A_162 = arith.constant 6 : i32
      %get3A_163 = arith.index_cast %get3A_162 : i32 to index
      %get3A_164 = arith.constant 16 : index
      %get3A_165 = tpu.vector_load %arg7[%get3A_163, %get3A_164] {strides = array<i32>} : memref<64x32xf32, #tpu.memory_space<vmem>>, vector<1x16xf32>,
      %get3A_166 = vector.shape_cast %get3A_165 : vector<1x16xf32> to vector<16xf32>
      %swap3A_167 = arith.constant 6 : i32
      %swap3A_168 = arith.index_cast %swap3A_167 : i32 to index
      %swap3A_169 = arith.constant 16 : index
      %swap3A_170 = tpu.vector_load %arg8[%swap3A_168, %swap3A_169] {strides = array<i32>} : memref<64x128xf32, #tpu.memory_space<vmem>>, vector<1x16xf32>,
      %swap3A_171 = vector.shape_cast %swap3A_170 : vector<1x16xf32> to vector<16xf32>
      %swap3A_172 = vector.shape_cast %get3A_166 : vector<16xf32> to vector<1x16xf32>
      tpu.vector_store %arg8[%swap3A_168, %swap3A_169], %swap3A_172 {strides = array<i32>} : memref<64x128xf32, #tpu.memory_space<vmem>>, vector<1x16xf32>,
      %get3A_173 = arith.constant 7 : i32
      %get3A_174 = arith.index_cast %get3A_173 : i32 to index
      %get3A_175 = arith.constant 0 : index
      %get3A_176 = tpu.vector_load %arg7[%get3A_174, %get3A_175] {strides = array<i32>} : memref<64x32xf32, #tpu.memory_space<vmem>>, vector<1x16xf32>,
      %get3A_177 = vector.shape_cast %get3A_176 : vector<1x16xf32> to vector<16xf32>
      %swap3A_178 = arith.constant 7 : i32
      %swap3A_179 = arith.index_cast %swap3A_178 : i32 to index
      %swap3A_180 = arith.constant 0 : index
      %swap3A_181 = tpu.vector_load %arg8[%swap3A_179, %swap3A_180] {strides = array<i32>} : memref<64x128xf32, #tpu.memory_space<vmem>>, vector<1x16xf32>,
      %swap3A_182 = vector.shape_cast %swap3A_181 : vector<1x16xf32> to vector<16xf32>
      %swap3A_183 = vector.shape_cast %get3A_177 : vector<16xf32> to vector<1x16xf32>
      tpu.vector_store %arg8[%swap3A_179, %swap3A_180], %swap3A_183 {strides = array<i32>} : memref<64x128xf32, #tpu.memory_space<vmem>>, vector<1x16xf32>,
      %get3A_184 = arith.constant 7 : i32
      %get3A_185 = arith.index_cast %get3A_184 : i32 to index
      %get3A_186 = arith.constant 16 : index
      %get3A_187 = tpu.vector_load %arg7[%get3A_185, %get3A_186] {strides = array<i32>} : memref<64x32xf32, #tpu.memory_space<vmem>>, vector<1x16xf32>,
      %get3A_188 = vector.shape_cast %get3A_187 : vector<1x16xf32> to vector<16xf32>
      %swap3A_189 = arith.constant 7 : i32
      %swap3A_190 = arith.index_cast %swap3A_189 : i32 to index
      %swap3A_191 = arith.constant 16 : index
      %swap3A_192 = tpu.vector_load %arg8[%swap3A_190, %swap3A_191] {strides = array<i32>} : memref<64x128xf32, #tpu.memory_space<vmem>>, vector<1x16xf32>,
      %swap3A_193 = vector.shape_cast %swap3A_192 : vector<1x16xf32> to vector<16xf32>
      %swap3A_194 = vector.shape_cast %get3A_188 : vector<16xf32> to vector<1x16xf32>
      tpu.vector_store %arg8[%swap3A_190, %swap3A_191], %swap3A_194 {strides = array<i32>} : memref<64x128xf32, #tpu.memory_space<vmem>>, vector<1x16xf32>,
      %get3A_195 = arith.constant 8 : i32
      %get3A_196 = arith.index_cast %get3A_195 : i32 to index
      %get3A_197 = arith.constant 0 : index
      %get3A_198 = tpu.vector_load %arg7[%get3A_196, %get3A_197] {strides = array<i32>} : memref<64x32xf32, #tpu.memory_space<vmem>>, vector<1x16xf32>,
      %get3A_199 = vector.shape_cast %get3A_198 : vector<1x16xf32> to vector<16xf32>
      %swap3A_200 = arith.constant 8 : i32
      %swap3A_201 = arith.index_cast %swap3A_200 : i32 to index
      %swap3A_202 = arith.constant 0 : index
      %swap3A_203 = tpu.vector_load %arg8[%swap3A_201, %swap3A_202] {strides = array<i32>} : memref<64x128xf32, #tpu.memory_space<vmem>>, vector<1x16xf32>,
      %swap3A_204 = vector.shape_cast %swap3A_203 : vector<1x16xf32> to vector<16xf32>
      %swap3A_205 = vector.shape_cast %get3A_199 : vector<16xf32> to vector<1x16xf32>
      tpu.vector_store %arg8[%swap3A_201, %swap3A_202], %swap3A_205 {strides = array<i32>} : memref<64x128xf32, #tpu.memory_space<vmem>>, vector<1x16xf32>,
      %get3A_206 = arith.constant 8 : i32
      %get3A_207 = arith.index_cast %get3A_206 : i32 to index
      %get3A_208 = arith.constant 16 : index
      %get3A_209 = tpu.vector_load %arg7[%get3A_207, %get3A_208] {strides = array<i32>} : memref<64x32xf32, #tpu.memory_space<vmem>>, vector<1x16xf32>,
      %get3A_210 = vector.shape_cast %get3A_209 : vector<1x16xf32> to vector<16xf32>
      %swap3A_211 = arith.constant 8 : i32
      %swap3A_212 = arith.index_cast %swap3A_211 : i32 to index
      %swap3A_213 = arith.constant 16 : index
      %swap3A_214 = tpu.vector_load %arg8[%swap3A_212, %swap3A_213] {strides = array<i32>} : memref<64x128xf32, #tpu.memory_space<vmem>>, vector<1x16xf32>,
      %swap3A_215 = vector.shape_cast %swap3A_214 : vector<1x16xf32> to vector<16xf32>
      %swap3A_216 = vector.shape_cast %get3A_210 : vector<16xf32> to vector<1x16xf32>
      tpu.vector_store %arg8[%swap3A_212, %swap3A_213], %swap3A_216 {strides = array<i32>} : memref<64x128xf32, #tpu.memory_space<vmem>>, vector<1x16xf32>,
      %get3A_217 = arith.constant 9 : i32
      %get3A_218 = arith.index_cast %get3A_217 : i32 to index
      %get3A_219 = arith.constant 0 : index
      %get3A_220 = tpu.vector_load %arg7[%get3A_218, %get3A_219] {strides = array<i32>} : memref<64x32xf32, #tpu.memory_space<vmem>>, vector<1x16xf32>,
      %get3A_221 = vector.shape_cast %get3A_220 : vector<1x16xf32> to vector<16xf32>
      %swap3A_222 = arith.constant 9 : i32
      %swap3A_223 = arith.index_cast %swap3A_222 : i32 to index
      %swap3A_224 = arith.constant 0 : index
      %swap3A_225 = tpu.vector_load %arg8[%swap3A_223, %swap3A_224] {strides = array<i32>} : memref<64x128xf32, #tpu.memory_space<vmem>>, vector<1x16xf32>,
      %swap3A_226 = vector.shape_cast %swap3A_225 : vector<1x16xf32> to vector<16xf32>
      %swap3A_227 = vector.shape_cast %get3A_221 : vector<16xf32> to vector<1x16xf32>
      tpu.vector_store %arg8[%swap3A_223, %swap3A_224], %swap3A_227 {strides = array<i32>} : memref<64x128xf32, #tpu.memory_space<vmem>>, vector<1x16xf32>,
      %get3A_228 = arith.constant 9 : i32
      %get3A_229 = arith.index_cast %get3A_228 : i32 to index
      %get3A_230 = arith.constant 16 : index
      %get3A_231 = tpu.vector_load %arg7[%get3A_229, %get3A_230] {strides = array<i32>} : memref<64x32xf32, #tpu.memory_space<vmem>>, vector<1x16xf32>,
      %get3A_232 = vector.shape_cast %get3A_231 : vector<1x16xf32> to vector<16xf32>
      %swap3A_233 = arith.constant 9 : i32
      %swap3A_234 = arith.index_cast %swap3A_233 : i32 to index
      %swap3A_235 = arith.constant 16 : index
      %swap3A_236 = tpu.vector_load %arg8[%swap3A_234, %swap3A_235] {strides = array<i32>} : memref<64x128xf32, #tpu.memory_space<vmem>>, vector<1x16xf32>,
      %swap3A_237 = vector.shape_cast %swap3A_236 : vector<1x16xf32> to vector<16xf32>
      %swap3A_238 = vector.shape_cast %get3A_232 : vector<16xf32> to vector<1x16xf32>
      tpu.vector_store %arg8[%swap3A_234, %swap3A_235], %swap3A_238 {strides = array<i32>} : memref<64x128xf32, #tpu.memory_space<vmem>>, vector<1x16xf32>,
      %get3A_239 = arith.constant 10 : i32
      %get3A_240 = arith.index_cast %get3A_239 : i32 to index
      %get3A_241 = arith.constant 0 : index
      %get3A_242 = tpu.vector_load %arg7[%get3A_240, %get3A_241] {strides = array<i32>} : memref<64x32xf32, #tpu.memory_space<vmem>>, vector<1x16xf32>,
      %get3A_243 = vector.shape_cast %get3A_242 : vector<1x16xf32> to vector<16xf32>
      %swap3A_244 = arith.constant 10 : i32
      %swap3A_245 = arith.index_cast %swap3A_244 : i32 to index
      %swap3A_246 = arith.constant 0 : index
      %swap3A_247 = tpu.vector_load %arg8[%swap3A_245, %swap3A_246] {strides = array<i32>} : memref<64x128xf32, #tpu.memory_space<vmem>>, vector<1x16xf32>,
      %swap3A_248 = vector.shape_cast %swap3A_247 : vector<1x16xf32> to vector<16xf32>
      %swap3A_249 = vector.shape_cast %get3A_243 : vector<16xf32> to vector<1x16xf32>
      tpu.vector_store %arg8[%swap3A_245, %swap3A_246], %swap3A_249 {strides = array<i32>} : memref<64x128xf32, #tpu.memory_space<vmem>>, vector<1x16xf32>,
      %get3A_250 = arith.constant 10 : i32
      %get3A_251 = arith.index_cast %get3A_250 : i32 to index
      %get3A_252 = arith.constant 16 : index
      %get3A_253 = tpu.vector_load %arg7[%get3A_251, %get3A_252] {strides = array<i32>} : memref<64x32xf32, #tpu.memory_space<vmem>>, vector<1x16xf32>,
      %get3A_254 = vector.shape_cast %get3A_253 : vector<1x16xf32> to vector<16xf32>
      %swap3A_255 = arith.constant 10 : i32
      %swap3A_256 = arith.index_cast %swap3A_255 : i32 to index
      %swap3A_257 = arith.constant 16 : index
      %swap3A_258 = tpu.vector_load %arg8[%swap3A_256, %swap3A_257] {strides = array<i32>} : memref<64x128xf32, #tpu.memory_space<vmem>>, vector<1x16xf32>,
      %swap3A_259 = vector.shape_cast %swap3A_258 : vector<1x16xf32> to vector<16xf32>
      %swap3A_260 = vector.shape_cast %get3A_254 : vector<16xf32> to vector<1x16xf32>
      tpu.vector_store %arg8[%swap3A_256, %swap3A_257], %swap3A_260 {strides = array<i32>} : memref<64x128xf32, #tpu.memory_space<vmem>>, vector<1x16xf32>,
      %get3A_261 = arith.constant 11 : i32
      %get3A_262 = arith.index_cast %get3A_261 : i32 to index
      %get3A_263 = arith.constant 0 : index
      %get3A_264 = tpu.vector_load %arg7[%get3A_262, %get3A_263] {strides = array<i32>} : memref<64x32xf32, #tpu.memory_space<vmem>>, vector<1x16xf32>,
      %get3A_265 = vector.shape_cast %get3A_264 : vector<1x16xf32> to vector<16xf32>
      %swap3A_266 = arith.constant 11 : i32
      %swap3A_267 = arith.index_cast %swap3A_266 : i32 to index
      %swap3A_268 = arith.constant 0 : index
      %swap3A_269 = tpu.vector_load %arg8[%swap3A_267, %swap3A_268] {strides = array<i32>} : memref<64x128xf32, #tpu.memory_space<vmem>>, vector<1x16xf32>,
      %swap3A_270 = vector.shape_cast %swap3A_269 : vector<1x16xf32> to vector<16xf32>
      %swap3A_271 = vector.shape_cast %get3A_265 : vector<16xf32> to vector<1x16xf32>
      tpu.vector_store %arg8[%swap3A_267, %swap3A_268], %swap3A_271 {strides = array<i32>} : memref<64x128xf32, #tpu.memory_space<vmem>>, vector<1x16xf32>,
      %get3A_272 = arith.constant 11 : i32
      %get3A_273 = arith.index_cast %get3A_272 : i32 to index
      %get3A_274 = arith.constant 16 : index
      %get3A_275 = tpu.vector_load %arg7[%get3A_273, %get3A_274] {strides = array<i32>} : memref<64x32xf32, #tpu.memory_space<vmem>>, vector<1x16xf32>,
      %get3A_276 = vector.shape_cast %get3A_275 : vector<1x16xf32> to vector<16xf32>
      %swap3A_277 = arith.constant 11 : i32
      %swap3A_278 = arith.index_cast %swap3A_277 : i32 to index
      %swap3A_279 = arith.constant 16 : index
      %swap3A_280 = tpu.vector_load %arg8[%swap3A_278, %swap3A_279] {strides = array<i32>} : memref<64x128xf32, #tpu.memory_space<vmem>>, vector<1x16xf32>,
      %swap3A_281 = vector.shape_cast %swap3A_280 : vector<1x16xf32> to vector<16xf32>
      %swap3A_282 = vector.shape_cast %get3A_276 : vector<16xf32> to vector<1x16xf32>
      tpu.vector_store %arg8[%swap3A_278, %swap3A_279], %swap3A_282 {strides = array<i32>} : memref<64x128xf32, #tpu.memory_space<vmem>>, vector<1x16xf32>,
      %get3A_283 = arith.constant 12 : i32
      %get3A_284 = arith.index_cast %get3A_283 : i32 to index
      %get3A_285 = arith.constant 0 : index
      %get3A_286 = tpu.vector_load %arg7[%get3A_284, %get3A_285] {strides = array<i32>} : memref<64x32xf32, #tpu.memory_space<vmem>>, vector<1x16xf32>,
      %get3A_287 = vector.shape_cast %get3A_286 : vector<1x16xf32> to vector<16xf32>
      %swap3A_288 = arith.constant 12 : i32
      %swap3A_289 = arith.index_cast %swap3A_288 : i32 to index
      %swap3A_290 = arith.constant 0 : index
      %swap3A_291 = tpu.vector_load %arg8[%swap3A_289, %swap3A_290] {strides = array<i32>} : memref<64x128xf32, #tpu.memory_space<vmem>>, vector<1x16xf32>,
      %swap3A_292 = vector.shape_cast %swap3A_291 : vector<1x16xf32> to vector<16xf32>
      %swap3A_293 = vector.shape_cast %get3A_287 : vector<16xf32> to vector<1x16xf32>
      tpu.vector_store %arg8[%swap3A_289, %swap3A_290], %swap3A_293 {strides = array<i32>} : memref<64x128xf32, #tpu.memory_space<vmem>>, vector<1x16xf32>,
      %get3A_294 = arith.constant 12 : i32
      %get3A_295 = arith.index_cast %get3A_294 : i32 to index
      %get3A_296 = arith.constant 16 : index
      %get3A_297 = tpu.vector_load %arg7[%get3A_295, %get3A_296] {strides = array<i32>} : memref<64x32xf32, #tpu.memory_space<vmem>>, vector<1x16xf32>,
      %get3A_298 = vector.shape_cast %get3A_297 : vector<1x16xf32> to vector<16xf32>
      %swap3A_299 = arith.constant 12 : i32
      %swap3A_300 = arith.index_cast %swap3A_299 : i32 to index
      %swap3A_301 = arith.constant 16 : index
      %swap3A_302 = tpu.vector_load %arg8[%swap3A_300, %swap3A_301] {strides = array<i32>} : memref<64x128xf32, #tpu.memory_space<vmem>>, vector<1x16xf32>,
      %swap3A_303 = vector.shape_cast %swap3A_302 : vector<1x16xf32> to vector<16xf32>
      %swap3A_304 = vector.shape_cast %get3A_298 : vector<16xf32> to vector<1x16xf32>
      tpu.vector_store %arg8[%swap3A_300, %swap3A_301], %swap3A_304 {strides = array<i32>} : memref<64x128xf32, #tpu.memory_space<vmem>>, vector<1x16xf32>,
      %get3A_305 = arith.constant 13 : i32
      %get3A_306 = arith.index_cast %get3A_305 : i32 to index
      %get3A_307 = arith.constant 0 : index
      %get3A_308 = tpu.vector_load %arg7[%get3A_306, %get3A_307] {strides = array<i32>} : memref<64x32xf32, #tpu.memory_space<vmem>>, vector<1x16xf32>,
      %get3A_309 = vector.shape_cast %get3A_308 : vector<1x16xf32> to vector<16xf32>
      %swap3A_310 = arith.constant 13 : i32
      %swap3A_311 = arith.index_cast %swap3A_310 : i32 to index
      %swap3A_312 = arith.constant 0 : index
      %swap3A_313 = tpu.vector_load %arg8[%swap3A_311, %swap3A_312] {strides = array<i32>} : memref<64x128xf32, #tpu.memory_space<vmem>>, vector<1x16xf32>,
      %swap3A_314 = vector.shape_cast %swap3A_313 : vector<1x16xf32> to vector<16xf32>
      %swap3A_315 = vector.shape_cast %get3A_309 : vector<16xf32> to vector<1x16xf32>
      tpu.vector_store %arg8[%swap3A_311, %swap3A_312], %swap3A_315 {strides = array<i32>} : memref<64x128xf32, #tpu.memory_space<vmem>>, vector<1x16xf32>,
      %get3A_316 = arith.constant 13 : i32
      %get3A_317 = arith.index_cast %get3A_316 : i32 to index
      %get3A_318 = arith.constant 16 : index
      %get3A_319 = tpu.vector_load %arg7[%get3A_317, %get3A_318] {strides = array<i32>} : memref<64x32xf32, #tpu.memory_space<vmem>>, vector<1x16xf32>,
      %get3A_320 = vector.shape_cast %get3A_319 : vector<1x16xf32> to vector<16xf32>
      %swap3A_321 = arith.constant 13 : i32
      %swap3A_322 = arith.index_cast %swap3A_321 : i32 to index
      %swap3A_323 = arith.constant 16 : index
      %swap3A_324 = tpu.vector_load %arg8[%swap3A_322, %swap3A_323] {strides = array<i32>} : memref<64x128xf32, #tpu.memory_space<vmem>>, vector<1x16xf32>,
      %swap3A_325 = vector.shape_cast %swap3A_324 : vector<1x16xf32> to vector<16xf32>
      %swap3A_326 = vector.shape_cast %get3A_320 : vector<16xf32> to vector<1x16xf32>
      tpu.vector_store %arg8[%swap3A_322, %swap3A_323], %swap3A_326 {strides = array<i32>} : memref<64x128xf32, #tpu.memory_space<vmem>>, vector<1x16xf32>,
      %get3A_327 = arith.constant 14 : i32
      %get3A_328 = arith.index_cast %get3A_327 : i32 to index
      %get3A_329 = arith.constant 0 : index
      %get3A_330 = tpu.vector_load %arg7[%get3A_328, %get3A_329] {strides = array<i32>} : memref<64x32xf32, #tpu.memory_space<vmem>>, vector<1x16xf32>,
      %get3A_331 = vector.shape_cast %get3A_330 : vector<1x16xf32> to vector<16xf32>
      %swap3A_332 = arith.constant 14 : i32
      %swap3A_333 = arith.index_cast %swap3A_332 : i32 to index
      %swap3A_334 = arith.constant 0 : index
      %swap3A_335 = tpu.vector_load %arg8[%swap3A_333, %swap3A_334] {strides = array<i32>} : memref<64x128xf32, #tpu.memory_space<vmem>>, vector<1x16xf32>,
      %swap3A_336 = vector.shape_cast %swap3A_335 : vector<1x16xf32> to vector<16xf32>
      %swap3A_337 = vector.shape_cast %get3A_331 : vector<16xf32> to vector<1x16xf32>
      tpu.vector_store %arg8[%swap3A_333, %swap3A_334], %swap3A_337 {strides = array<i32>} : memref<64x128xf32, #tpu.memory_space<vmem>>, vector<1x16xf32>,
      %get3A_338 = arith.constant 14 : i32
      %get3A_339 = arith.index_cast %get3A_338 : i32 to index
      %get3A_340 = arith.constant 16 : index
      %get3A_341 = tpu.vector_load %arg7[%get3A_339, %get3A_340] {strides = array<i32>} : memref<64x32xf32, #tpu.memory_space<vmem>>, vector<1x16xf32>,
      %get3A_342 = vector.shape_cast %get3A_341 : vector<1x16xf32> to vector<16xf32>
      %swap3A_343 = arith.constant 14 : i32
      %swap3A_344 = arith.index_cast %swap3A_343 : i32 to index
      %swap3A_345 = arith.constant 16 : index
      %swap3A_346 = tpu.vector_load %arg8[%swap3A_344, %swap3A_345] {strides = array<i32>} : memref<64x128xf32, #tpu.memory_space<vmem>>, vector<1x16xf32>,
      %swap3A_347 = vector.shape_cast %swap3A_346 : vector<1x16xf32> to vector<16xf32>
      %swap3A_348 = vector.shape_cast %get3A_342 : vector<16xf32> to vector<1x16xf32>
      tpu.vector_store %arg8[%swap3A_344, %swap3A_345], %swap3A_348 {strides = array<i32>} : memref<64x128xf32, #tpu.memory_space<vmem>>, vector<1x16xf32>,
      %get3A_349 = arith.constant 15 : i32
      %get3A_350 = arith.index_cast %get3A_349 : i32 to index
      %get3A_351 = arith.constant 0 : index
      %get3A_352 = tpu.vector_load %arg7[%get3A_350, %get3A_351] {strides = array<i32>} : memref<64x32xf32, #tpu.memory_space<vmem>>, vector<1x16xf32>,
      %get3A_353 = vector.shape_cast %get3A_352 : vector<1x16xf32> to vector<16xf32>
      %swap3A_354 = arith.constant 15 : i32
      %swap3A_355 = arith.index_cast %swap3A_354 : i32 to index
      %swap3A_356 = arith.constant 0 : index
      %swap3A_357 = tpu.vector_load %arg8[%swap3A_355, %swap3A_356] {strides = array<i32>} : memref<64x128xf32, #tpu.memory_space<vmem>>, vector<1x16xf32>,
      %swap3A_358 = vector.shape_cast %swap3A_357 : vector<1x16xf32> to vector<16xf32>
      %swap3A_359 = vector.shape_cast %get3A_353 : vector<16xf32> to vector<1x16xf32>
      tpu.vector_store %arg8[%swap3A_355, %swap3A_356], %swap3A_359 {strides = array<i32>} : memref<64x128xf32, #tpu.memory_space<vmem>>, vector<1x16xf32>,
      %get3A_360 = arith.constant 15 : i32
      %get3A_361 = arith.index_cast %get3A_360 : i32 to index
      %get3A_362 = arith.constant 16 : index
      %get3A_363 = tpu.vector_load %arg7[%get3A_361, %get3A_362] {strides = array<i32>} : memref<64x32xf32, #tpu.memory_space<vmem>>, vector<1x16xf32>,
      %get3A_364 = vector.shape_cast %get3A_363 : vector<1x16xf32> to vector<16xf32>
      %swap3A_365 = arith.constant 15 : i32
      %swap3A_366 = arith.index_cast %swap3A_365 : i32 to index
      %swap3A_367 = arith.constant 16 : index
      %swap3A_368 = tpu.vector_load %arg8[%swap3A_366, %swap3A_367] {strides = array<i32>} : memref<64x128xf32, #tpu.memory_space<vmem>>, vector<1x16xf32>,
      %swap3A_369 = vector.shape_cast %swap3A_368 : vector<1x16xf32> to vector<16xf32>
      %swap3A_370 = vector.shape_cast %get3A_364 : vector<16xf32> to vector<1x16xf32>
      tpu.vector_store %arg8[%swap3A_366, %swap3A_367], %swap3A_370 {strides = array<i32>} : memref<64x128xf32, #tpu.memory_space<vmem>>, vector<1x16xf32>,
      %get3A_371 = arith.constant 16 : i32
      %get3A_372 = arith.index_cast %get3A_371 : i32 to index
      %get3A_373 = arith.constant 0 : index
      %get3A_374 = tpu.vector_load %arg7[%get3A_372, %get3A_373] {strides = array<i32>} : memref<64x32xf32, #tpu.memory_space<vmem>>, vector<1x16xf32>,
      %get3A_375 = vector.shape_cast %get3A_374 : vector<1x16xf32> to vector<16xf32>
      %swap3A_376 = arith.constant 16 : i32
      %swap3A_377 = arith.index_cast %swap3A_376 : i32 to index
      %swap3A_378 = arith.constant 0 : index
      %swap3A_379 = tpu.vector_load %arg8[%swap3A_377, %swap3A_378] {strides = array<i32>} : memref<64x128xf32, #tpu.memory_space<vmem>>, vector<1x16xf32>,
      %swap3A_380 = vector.shape_cast %swap3A_379 : vector<1x16xf32> to vector<16xf32>
      %swap3A_381 = vector.shape_cast %get3A_375 : vector<16xf32> to vector<1x16xf32>
      tpu.vector_store %arg8[%swap3A_377, %swap3A_378], %swap3A_381 {strides = array<i32>} : memref<64x128xf32, #tpu.memory_space<vmem>>, vector<1x16xf32>,
      %get3A_382 = arith.constant 16 : i32
      %get3A_383 = arith.index_cast %get3A_382 : i32 to index
      %get3A_384 = arith.constant 16 : index
      %get3A_385 = tpu.vector_load %arg7[%get3A_383, %get3A_384] {strides = array<i32>} : memref<64x32xf32, #tpu.memory_space<vmem>>, vector<1x16xf32>,
      %get3A_386 = vector.shape_cast %get3A_385 : vector<1x16xf32> to vector<16xf32>
      %swap3A_387 = arith.constant 16 : i32
      %swap3A_388 = arith.index_cast %swap3A_387 : i32 to index
      %swap3A_389 = arith.constant 16 : index
      %swap3A_390 = tpu.vector_load %arg8[%swap3A_388, %swap3A_389] {strides = array<i32>} : memref<64x128xf32, #tpu.memory_space<vmem>>, vector<1x16xf32>,
      %swap3A_391 = vector.shape_cast %swap3A_390 : vector<1x16xf32> to vector<16xf32>
      %swap3A_392 = vector.shape_cast %get3A_386 : vector<16xf32> to vector<1x16xf32>
      tpu.vector_store %arg8[%swap3A_388, %swap3A_389], %swap3A_392 {strides = array<i32>} : memref<64x128xf32, #tpu.memory_space<vmem>>, vector<1x16xf32>,
      %get3A_393 = arith.constant 17 : i32
      %get3A_394 = arith.index_cast %get3A_393 : i32 to index
      %get3A_395 = arith.constant 0 : index
      %get3A_396 = tpu.vector_load %arg7[%get3A_394, %get3A_395] {strides = array<i32>} : memref<64x32xf32, #tpu.memory_space<vmem>>, vector<1x16xf32>,
      %get3A_397 = vector.shape_cast %get3A_396 : vector<1x16xf32> to vector<16xf32>
      %swap3A_398 = arith.constant 17 : i32
      %swap3A_399 = arith.index_cast %swap3A_398 : i32 to index
      %swap3A_400 = arith.constant 0 : index
      %swap3A_401 = tpu.vector_load %arg8[%swap3A_399, %swap3A_400] {strides = array<i32>} : memref<64x128xf32, #tpu.memory_space<vmem>>, vector<1x16xf32>,
      %swap3A_402 = vector.shape_cast %swap3A_401 : vector<1x16xf32> to vector<16xf32>
      %swap3A_403 = vector.shape_cast %get3A_397 : vector<16xf32> to vector<1x16xf32>
      tpu.vector_store %arg8[%swap3A_399, %swap3A_400], %swap3A_403 {strides = array<i32>} : memref<64x128xf32, #tpu.memory_space<vmem>>, vector<1x16xf32>,
      %get3A_404 = arith.constant 17 : i32
      %get3A_405 = arith.index_cast %get3A_404 : i32 to index
      %get3A_406 = arith.constant 16 : index
      %get3A_407 = tpu.vector_load %arg7[%get3A_405, %get3A_406] {strides = array<i32>} : memref<64x32xf32, #tpu.memory_space<vmem>>, vector<1x16xf32>,
      %get3A_408 = vector.shape_cast %get3A_407 : vector<1x16xf32> to vector<16xf32>
      %swap3A_409 = arith.constant 17 : i32
      %swap3A_410 = arith.index_cast %swap3A_409 : i32 to index
      %swap3A_411 = arith.constant 16 : index
      %swap3A_412 = tpu.vector_load %arg8[%swap3A_410, %swap3A_411] {strides = array<i32>} : memref<64x128xf32, #tpu.memory_space<vmem>>, vector<1x16xf32>,
      %swap3A_413 = vector.shape_cast %swap3A_412 : vector<1x16xf32> to vector<16xf32>
      %swap3A_414 = vector.shape_cast %get3A_408 : vector<16xf32> to vector<1x16xf32>
      tpu.vector_store %arg8[%swap3A_410, %swap3A_411], %swap3A_414 {strides = array<i32>} : memref<64x128xf32, #tpu.memory_space<vmem>>, vector<1x16xf32>,
      %get3A_415 = arith.constant 18 : i32
      %get3A_416 = arith.index_cast %get3A_415 : i32 to index
      %get3A_417 = arith.constant 0 : index
      %get3A_418 = tpu.vector_load %arg7[%get3A_416, %get3A_417] {strides = array<i32>} : memref<64x32xf32, #tpu.memory_space<vmem>>, vector<1x16xf32>,
      %get3A_419 = vector.shape_cast %get3A_418 : vector<1x16xf32> to vector<16xf32>
      %swap3A_420 = arith.constant 18 : i32
      %swap3A_421 = arith.index_cast %swap3A_420 : i32 to index
      %swap3A_422 = arith.constant 0 : index
      %swap3A_423 = tpu.vector_load %arg8[%swap3A_421, %swap3A_422] {strides = array<i32>} : memref<64x128xf32, #tpu.memory_space<vmem>>, vector<1x16xf32>,
      %swap3A_424 = vector.shape_cast %swap3A_423 : vector<1x16xf32> to vector<16xf32>
      %swap3A_425 = vector.shape_cast %get3A_419 : vector<16xf32> to vector<1x16xf32>
      tpu.vector_store %arg8[%swap3A_421, %swap3A_422], %swap3A_425 {strides = array<i32>} : memref<64x128xf32, #tpu.memory_space<vmem>>, vector<1x16xf32>,
      %get3A_426 = arith.constant 18 : i32
      %get3A_427 = arith.index_cast %get3A_426 : i32 to index
      %get3A_428 = arith.constant 16 : index
      %get3A_429 = tpu.vector_load %arg7[%get3A_427, %get3A_428] {strides = array<i32>} : memref<64x32xf32, #tpu.memory_space<vmem>>, vector<1x16xf32>,
      %get3A_430 = vector.shape_cast %get3A_429 : vector<1x16xf32> to vector<16xf32>
      %swap3A_431 = arith.constant 18 : i32
      %swap3A_432 = arith.index_cast %swap3A_431 : i32 to index
      %swap3A_433 = arith.constant 16 : index
      %swap3A_434 = tpu.vector_load %arg8[%swap3A_432, %swap3A_433] {strides = array<i32>} : memref<64x128xf32, #tpu.memory_space<vmem>>, vector<1x16xf32>,
      %swap3A_435 = vector.shape_cast %swap3A_434 : vector<1x16xf32> to vector<16xf32>
      %swap3A_436 = vector.shape_cast %get3A_430 : vector<16xf32> to vector<1x16xf32>
      tpu.vector_store %arg8[%swap3A_432, %swap3A_433], %swap3A_436 {strides = array<i32>} : memref<64x128xf32, #tpu.memory_space<vmem>>, vector<1x16xf32>,
      %get3A_437 = arith.constant 19 : i32
      %get3A_438 = arith.index_cast %get3A_437 : i32 to index
      %get3A_439 = arith.constant 0 : index
      %get3A_440 = tpu.vector_load %arg7[%get3A_438, %get3A_439] {strides = array<i32>} : memref<64x32xf32, #tpu.memory_space<vmem>>, vector<1x16xf32>,
      %get3A_441 = vector.shape_cast %get3A_440 : vector<1x16xf32> to vector<16xf32>
      %swap3A_442 = arith.constant 19 : i32
      %swap3A_443 = arith.index_cast %swap3A_442 : i32 to index
      %swap3A_444 = arith.constant 0 : index
      %swap3A_445 = tpu.vector_load %arg8[%swap3A_443, %swap3A_444] {strides = array<i32>} : memref<64x128xf32, #tpu.memory_space<vmem>>, vector<1x16xf32>,
      %swap3A_446 = vector.shape_cast %swap3A_445 : vector<1x16xf32> to vector<16xf32>
      %swap3A_447 = vector.shape_cast %get3A_441 : vector<16xf32> to vector<1x16xf32>
      tpu.vector_store %arg8[%swap3A_443, %swap3A_444], %swap3A_447 {strides = array<i32>} : memref<64x128xf32, #tpu.memory_space<vmem>>, vector<1x16xf32>,
      %get3A_448 = arith.constant 19 : i32
      %get3A_449 = arith.index_cast %get3A_448 : i32 to index
      %get3A_450 = arith.constant 16 : index
      %get3A_451 = tpu.vector_load %arg7[%get3A_449, %get3A_450] {strides = array<i32>} : memref<64x32xf32, #tpu.memory_space<vmem>>, vector<1x16xf32>,
      %get3A_452 = vector.shape_cast %get3A_451 : vector<1x16xf32> to vector<16xf32>
      %swap3A_453 = arith.constant 19 : i32
      %swap3A_454 = arith.index_cast %swap3A_453 : i32 to index
      %swap3A_455 = arith.constant 16 : index
      %swap3A_456 = tpu.vector_load %arg8[%swap3A_454, %swap3A_455] {strides = array<i32>} : memref<64x128xf32, #tpu.memory_space<vmem>>, vector<1x16xf32>,
      %swap3A_457 = vector.shape_cast %swap3A_456 : vector<1x16xf32> to vector<16xf32>
      %swap3A_458 = vector.shape_cast %get3A_452 : vector<16xf32> to vector<1x16xf32>
      tpu.vector_store %arg8[%swap3A_454, %swap3A_455], %swap3A_458 {strides = array<i32>} : memref<64x128xf32, #tpu.memory_space<vmem>>, vector<1x16xf32>,
      %get3A_459 = arith.constant 20 : i32
      %get3A_460 = arith.index_cast %get3A_459 : i32 to index
      %get3A_461 = arith.constant 0 : index
      %get3A_462 = tpu.vector_load %arg7[%get3A_460, %get3A_461] {strides = array<i32>} : memref<64x32xf32, #tpu.memory_space<vmem>>, vector<1x16xf32>,
      %get3A_463 = vector.shape_cast %get3A_462 : vector<1x16xf32> to vector<16xf32>
      %swap3A_464 = arith.constant 20 : i32
      %swap3A_465 = arith.index_cast %swap3A_464 : i32 to index
      %swap3A_466 = arith.constant 0 : index
      %swap3A_467 = tpu.vector_load %arg8[%swap3A_465, %swap3A_466] {strides = array<i32>} : memref<64x128xf32, #tpu.memory_space<vmem>>, vector<1x16xf32>,
      %swap3A_468 = vector.shape_cast %swap3A_467 : vector<1x16xf32> to vector<16xf32>
      %swap3A_469 = vector.shape_cast %get3A_463 : vector<16xf32> to vector<1x16xf32>
      tpu.vector_store %arg8[%swap3A_465, %swap3A_466], %swap3A_469 {strides = array<i32>} : memref<64x128xf32, #tpu.memory_space<vmem>>, vector<1x16xf32>,
      %get3A_470 = arith.constant 20 : i32
      %get3A_471 = arith.index_cast %get3A_470 : i32 to index
      %get3A_472 = arith.constant 16 : index
      %get3A_473 = tpu.vector_load %arg7[%get3A_471, %get3A_472] {strides = array<i32>} : memref<64x32xf32, #tpu.memory_space<vmem>>, vector<1x16xf32>,
      %get3A_474 = vector.shape_cast %get3A_473 : vector<1x16xf32> to vector<16xf32>
      %swap3A_475 = arith.constant 20 : i32
      %swap3A_476 = arith.index_cast %swap3A_475 : i32 to index
      %swap3A_477 = arith.constant 16 : index
      %swap3A_478 = tpu.vector_load %arg8[%swap3A_476, %swap3A_477] {strides = array<i32>} : memref<64x128xf32, #tpu.memory_space<vmem>>, vector<1x16xf32>,
      %swap3A_479 = vector.shape_cast %swap3A_478 : vector<1x16xf32> to vector<16xf32>
      %swap3A_480 = vector.shape_cast %get3A_474 : vector<16xf32> to vector<1x16xf32>
      tpu.vector_store %arg8[%swap3A_476, %swap3A_477], %swap3A_480 {strides = array<i32>} : memref<64x128xf32, #tpu.memory_space<vmem>>, vector<1x16xf32>,
      %get3A_481 = arith.constant 21 : i32
      %get3A_482 = arith.index_cast %get3A_481 : i32 to index
      %get3A_483 = arith.constant 0 : index
      %get3A_484 = tpu.vector_load %arg7[%get3A_482, %get3A_483] {strides = array<i32>} : memref<64x32xf32, #tpu.memory_space<vmem>>, vector<1x16xf32>,
      %get3A_485 = vector.shape_cast %get3A_484 : vector<1x16xf32> to vector<16xf32>
      %swap3A_486 = arith.constant 21 : i32
      %swap3A_487 = arith.index_cast %swap3A_486 : i32 to index
      %swap3A_488 = arith.constant 0 : index
      %swap3A_489 = tpu.vector_load %arg8[%swap3A_487, %swap3A_488] {strides = array<i32>} : memref<64x128xf32, #tpu.memory_space<vmem>>, vector<1x16xf32>,
      %swap3A_490 = vector.shape_cast %swap3A_489 : vector<1x16xf32> to vector<16xf32>
      %swap3A_491 = vector.shape_cast %get3A_485 : vector<16xf32> to vector<1x16xf32>
      tpu.vector_store %arg8[%swap3A_487, %swap3A_488], %swap3A_491 {strides = array<i32>} : memref<64x128xf32, #tpu.memory_space<vmem>>, vector<1x16xf32>,
      %get3A_492 = arith.constant 21 : i32
      %get3A_493 = arith.index_cast %get3A_492 : i32 to index
      %get3A_494 = arith.constant 16 : index
      %get3A_495 = tpu.vector_load %arg7[%get3A_493, %get3A_494] {strides = array<i32>} : memref<64x32xf32, #tpu.memory_space<vmem>>, vector<1x16xf32>,
      %get3A_496 = vector.shape_cast %get3A_495 : vector<1x16xf32> to vector<16xf32>
      %swap3A_497 = arith.constant 21 : i32
      %swap3A_498 = arith.index_cast %swap3A_497 : i32 to index
      %swap3A_499 = arith.constant 16 : index
      %swap3A_500 = tpu.vector_load %arg8[%swap3A_498, %swap3A_499] {strides = array<i32>} : memref<64x128xf32, #tpu.memory_space<vmem>>, vector<1x16xf32>,
      %swap3A_501 = vector.shape_cast %swap3A_500 : vector<1x16xf32> to vector<16xf32>
      %swap3A_502 = vector.shape_cast %get3A_496 : vector<16xf32> to vector<1x16xf32>
      tpu.vector_store %arg8[%swap3A_498, %swap3A_499], %swap3A_502 {strides = array<i32>} : memref<64x128xf32, #tpu.memory_space<vmem>>, vector<1x16xf32>,
      %get3A_503 = arith.constant 22 : i32
      %get3A_504 = arith.index_cast %get3A_503 : i32 to index
      %get3A_505 = arith.constant 0 : index
      %get3A_506 = tpu.vector_load %arg7[%get3A_504, %get3A_505] {strides = array<i32>} : memref<64x32xf32, #tpu.memory_space<vmem>>, vector<1x16xf32>,
      %get3A_507 = vector.shape_cast %get3A_506 : vector<1x16xf32> to vector<16xf32>
      %swap3A_508 = arith.constant 22 : i32
      %swap3A_509 = arith.index_cast %swap3A_508 : i32 to index
      %swap3A_510 = arith.constant 0 : index
      %swap3A_511 = tpu.vector_load %arg8[%swap3A_509, %swap3A_510] {strides = array<i32>} : memref<64x128xf32, #tpu.memory_space<vmem>>, vector<1x16xf32>,
      %swap3A_512 = vector.shape_cast %swap3A_511 : vector<1x16xf32> to vector<16xf32>
      %swap3A_513 = vector.shape_cast %get3A_507 : vector<16xf32> to vector<1x16xf32>
      tpu.vector_store %arg8[%swap3A_509, %swap3A_510], %swap3A_513 {strides = array<i32>} : memref<64x128xf32, #tpu.memory_space<vmem>>, vector<1x16xf32>,
      %get3A_514 = arith.constant 22 : i32
      %get3A_515 = arith.index_cast %get3A_514 : i32 to index
      %get3A_516 = arith.constant 16 : index
      %get3A_517 = tpu.vector_load %arg7[%get3A_515, %get3A_516] {strides = array<i32>} : memref<64x32xf32, #tpu.memory_space<vmem>>, vector<1x16xf32>,
      %get3A_518 = vector.shape_cast %get3A_517 : vector<1x16xf32> to vector<16xf32>
      %swap3A_519 = arith.constant 22 : i32
      %swap3A_520 = arith.index_cast %swap3A_519 : i32 to index
      %swap3A_521 = arith.constant 16 : index
      %swap3A_522 = tpu.vector_load %arg8[%swap3A_520, %swap3A_521] {strides = array<i32>} : memref<64x128xf32, #tpu.memory_space<vmem>>, vector<1x16xf32>,
      %swap3A_523 = vector.shape_cast %swap3A_522 : vector<1x16xf32> to vector<16xf32>
      %swap3A_524 = vector.shape_cast %get3A_518 : vector<16xf32> to vector<1x16xf32>
      tpu.vector_store %arg8[%swap3A_520, %swap3A_521], %swap3A_524 {strides = array<i32>} : memref<64x128xf32, #tpu.memory_space<vmem>>, vector<1x16xf32>,
      %get3A_525 = arith.constant 23 : i32
      %get3A_526 = arith.index_cast %get3A_525 : i32 to index
      %get3A_527 = arith.constant 0 : index
      %get3A_528 = tpu.vector_load %arg7[%get3A_526, %get3A_527] {strides = array<i32>} : memref<64x32xf32, #tpu.memory_space<vmem>>, vector<1x16xf32>,
      %get3A_529 = vector.shape_cast %get3A_528 : vector<1x16xf32> to vector<16xf32>
      %swap3A_530 = arith.constant 23 : i32
      %swap3A_531 = arith.index_cast %swap3A_530 : i32 to index
      %swap3A_532 = arith.constant 0 : index
      %swap3A_533 = tpu.vector_load %arg8[%swap3A_531, %swap3A_532] {strides = array<i32>} : memref<64x128xf32, #tpu.memory_space<vmem>>, vector<1x16xf32>,
      %swap3A_534 = vector.shape_cast %swap3A_533 : vector<1x16xf32> to vector<16xf32>
      %swap3A_535 = vector.shape_cast %get3A_529 : vector<16xf32> to vector<1x16xf32>
      tpu.vector_store %arg8[%swap3A_531, %swap3A_532], %swap3A_535 {strides = array<i32>} : memref<64x128xf32, #tpu.memory_space<vmem>>, vector<1x16xf32>,
      %get3A_536 = arith.constant 23 : i32
      %get3A_537 = arith.index_cast %get3A_536 : i32 to index
      %get3A_538 = arith.constant 16 : index
      %get3A_539 = tpu.vector_load %arg7[%get3A_537, %get3A_538] {strides = array<i32>} : memref<64x32xf32, #tpu.memory_space<vmem>>, vector<1x16xf32>,
      %get3A_540 = vector.shape_cast %get3A_539 : vector<1x16xf32> to vector<16xf32>
      %swap3A_541 = arith.constant 23 : i32
      %swap3A_542 = arith.index_cast %swap3A_541 : i32 to index
      %swap3A_543 = arith.constant 16 : index
      %swap3A_544 = tpu.vector_load %arg8[%swap3A_542, %swap3A_543] {strides = array<i32>} : memref<64x128xf32, #tpu.memory_space<vmem>>, vector<1x16xf32>,
      %swap3A_545 = vector.shape_cast %swap3A_544 : vector<1x16xf32> to vector<16xf32>
      %swap3A_546 = vector.shape_cast %get3A_540 : vector<16xf32> to vector<1x16xf32>
      tpu.vector_store %arg8[%swap3A_542, %swap3A_543], %swap3A_546 {strides = array<i32>} : memref<64x128xf32, #tpu.memory_space<vmem>>, vector<1x16xf32>,
      %get3A_547 = arith.constant 24 : i32
      %get3A_548 = arith.index_cast %get3A_547 : i32 to index
      %get3A_549 = arith.constant 0 : index
      %get3A_550 = tpu.vector_load %arg7[%get3A_548, %get3A_549] {strides = array<i32>} : memref<64x32xf32, #tpu.memory_space<vmem>>, vector<1x16xf32>,
      %get3A_551 = vector.shape_cast %get3A_550 : vector<1x16xf32> to vector<16xf32>
      %swap3A_552 = arith.constant 24 : i32
      %swap3A_553 = arith.index_cast %swap3A_552 : i32 to index
      %swap3A_554 = arith.constant 0 : index
      %swap3A_555 = tpu.vector_load %arg8[%swap3A_553, %swap3A_554] {strides = array<i32>} : memref<64x128xf32, #tpu.memory_space<vmem>>, vector<1x16xf32>,
      %swap3A_556 = vector.shape_cast %swap3A_555 : vector<1x16xf32> to vector<16xf32>
      %swap3A_557 = vector.shape_cast %get3A_551 : vector<16xf32> to vector<1x16xf32>
      tpu.vector_store %arg8[%swap3A_553, %swap3A_554], %swap3A_557 {strides = array<i32>} : memref<64x128xf32, #tpu.memory_space<vmem>>, vector<1x16xf32>,
      %get3A_558 = arith.constant 24 : i32
      %get3A_559 = arith.index_cast %get3A_558 : i32 to index
      %get3A_560 = arith.constant 16 : index
      %get3A_561 = tpu.vector_load %arg7[%get3A_559, %get3A_560] {strides = array<i32>} : memref<64x32xf32, #tpu.memory_space<vmem>>, vector<1x16xf32>,
      %get3A_562 = vector.shape_cast %get3A_561 : vector<1x16xf32> to vector<16xf32>
      %swap3A_563 = arith.constant 24 : i32
      %swap3A_564 = arith.index_cast %swap3A_563 : i32 to index
      %swap3A_565 = arith.constant 16 : index
      %swap3A_566 = tpu.vector_load %arg8[%swap3A_564, %swap3A_565] {strides = array<i32>} : memref<64x128xf32, #tpu.memory_space<vmem>>, vector<1x16xf32>,
      %swap3A_567 = vector.shape_cast %swap3A_566 : vector<1x16xf32> to vector<16xf32>
      %swap3A_568 = vector.shape_cast %get3A_562 : vector<16xf32> to vector<1x16xf32>
      tpu.vector_store %arg8[%swap3A_564, %swap3A_565], %swap3A_568 {strides = array<i32>} : memref<64x128xf32, #tpu.memory_space<vmem>>, vector<1x16xf32>,
      %get3A_569 = arith.constant 25 : i32
      %get3A_570 = arith.index_cast %get3A_569 : i32 to index
      %get3A_571 = arith.constant 0 : index
      %get3A_572 = tpu.vector_load %arg7[%get3A_570, %get3A_571] {strides = array<i32>} : memref<64x32xf32, #tpu.memory_space<vmem>>, vector<1x16xf32>,
      %get3A_573 = vector.shape_cast %get3A_572 : vector<1x16xf32> to vector<16xf32>
      %swap3A_574 = arith.constant 25 : i32
      %swap3A_575 = arith.index_cast %swap3A_574 : i32 to index
      %swap3A_576 = arith.constant 0 : index
      %swap3A_577 = tpu.vector_load %arg8[%swap3A_575, %swap3A_576] {strides = array<i32>} : memref<64x128xf32, #tpu.memory_space<vmem>>, vector<1x16xf32>,
      %swap3A_578 = vector.shape_cast %swap3A_577 : vector<1x16xf32> to vector<16xf32>
      %swap3A_579 = vector.shape_cast %get3A_573 : vector<16xf32> to vector<1x16xf32>
      tpu.vector_store %arg8[%swap3A_575, %swap3A_576], %swap3A_579 {strides = array<i32>} : memref<64x128xf32, #tpu.memory_space<vmem>>, vector<1x16xf32>,
      %get3A_580 = arith.constant 25 : i32
      %get3A_581 = arith.index_cast %get3A_580 : i32 to index
      %get3A_582 = arith.constant 16 : index
      %get3A_583 = tpu.vector_load %arg7[%get3A_581, %get3A_582] {strides = array<i32>} : memref<64x32xf32, #tpu.memory_space<vmem>>, vector<1x16xf32>,
      %get3A_584 = vector.shape_cast %get3A_583 : vector<1x16xf32> to vector<16xf32>
      %swap3A_585 = arith.constant 25 : i32
      %swap3A_586 = arith.index_cast %swap3A_585 : i32 to index
      %swap3A_587 = arith.constant 16 : index
      %swap3A_588 = tpu.vector_load %arg8[%swap3A_586, %swap3A_587] {strides = array<i32>} : memref<64x128xf32, #tpu.memory_space<vmem>>, vector<1x16xf32>,
      %swap3A_589 = vector.shape_cast %swap3A_588 : vector<1x16xf32> to vector<16xf32>
      %swap3A_590 = vector.shape_cast %get3A_584 : vector<16xf32> to vector<1x16xf32>
      tpu.vector_store %arg8[%swap3A_586, %swap3A_587], %swap3A_590 {strides = array<i32>} : memref<64x128xf32, #tpu.memory_space<vmem>>, vector<1x16xf32>,
      %get3A_591 = arith.constant 26 : i32
      %get3A_592 = arith.index_cast %get3A_591 : i32 to index
      %get3A_593 = arith.constant 0 : index
      %get3A_594 = tpu.vector_load %arg7[%get3A_592, %get3A_593] {strides = array<i32>} : memref<64x32xf32, #tpu.memory_space<vmem>>, vector<1x16xf32>,
      %get3A_595 = vector.shape_cast %get3A_594 : vector<1x16xf32> to vector<16xf32>
      %swap3A_596 = arith.constant 26 : i32
      %swap3A_597 = arith.index_cast %swap3A_596 : i32 to index
      %swap3A_598 = arith.constant 0 : index
      %swap3A_599 = tpu.vector_load %arg8[%swap3A_597, %swap3A_598] {strides = array<i32>} : memref<64x128xf32, #tpu.memory_space<vmem>>, vector<1x16xf32>,
      %swap3A_600 = vector.shape_cast %swap3A_599 : vector<1x16xf32> to vector<16xf32>
      %swap3A_601 = vector.shape_cast %get3A_595 : vector<16xf32> to vector<1x16xf32>
      tpu.vector_store %arg8[%swap3A_597, %swap3A_598], %swap3A_601 {strides = array<i32>} : memref<64x128xf32, #tpu.memory_space<vmem>>, vector<1x16xf32>,
      %get3A_602 = arith.constant 26 : i32
      %get3A_603 = arith.index_cast %get3A_602 : i32 to index
      %get3A_604 = arith.constant 16 : index
      %get3A_605 = tpu.vector_load %arg7[%get3A_603, %get3A_604] {strides = array<i32>} : memref<64x32xf32, #tpu.memory_space<vmem>>, vector<1x16xf32>,
      %get3A_606 = vector.shape_cast %get3A_605 : vector<1x16xf32> to vector<16xf32>
      %swap3A_607 = arith.constant 26 : i32
      %swap3A_608 = arith.index_cast %swap3A_607 : i32 to index
      %swap3A_609 = arith.constant 16 : index
      %swap3A_610 = tpu.vector_load %arg8[%swap3A_608, %swap3A_609] {strides = array<i32>} : memref<64x128xf32, #tpu.memory_space<vmem>>, vector<1x16xf32>,
      %swap3A_611 = vector.shape_cast %swap3A_610 : vector<1x16xf32> to vector<16xf32>
      %swap3A_612 = vector.shape_cast %get3A_606 : vector<16xf32> to vector<1x16xf32>
      tpu.vector_store %arg8[%swap3A_608, %swap3A_609], %swap3A_612 {strides = array<i32>} : memref<64x128xf32, #tpu.memory_space<vmem>>, vector<1x16xf32>,
      %get3A_613 = arith.constant 27 : i32
      %get3A_614 = arith.index_cast %get3A_613 : i32 to index
      %get3A_615 = arith.constant 0 : index
      %get3A_616 = tpu.vector_load %arg7[%get3A_614, %get3A_615] {strides = array<i32>} : memref<64x32xf32, #tpu.memory_space<vmem>>, vector<1x16xf32>,
      %get3A_617 = vector.shape_cast %get3A_616 : vector<1x16xf32> to vector<16xf32>
      %swap3A_618 = arith.constant 27 : i32
      %swap3A_619 = arith.index_cast %swap3A_618 : i32 to index
      %swap3A_620 = arith.constant 0 : index
      %swap3A_621 = tpu.vector_load %arg8[%swap3A_619, %swap3A_620] {strides = array<i32>} : memref<64x128xf32, #tpu.memory_space<vmem>>, vector<1x16xf32>,
      %swap3A_622 = vector.shape_cast %swap3A_621 : vector<1x16xf32> to vector<16xf32>
      %swap3A_623 = vector.shape_cast %get3A_617 : vector<16xf32> to vector<1x16xf32>
      tpu.vector_store %arg8[%swap3A_619, %swap3A_620], %swap3A_623 {strides = array<i32>} : memref<64x128xf32, #tpu.memory_space<vmem>>, vector<1x16xf32>,
      %get3A_624 = arith.constant 27 : i32
      %get3A_625 = arith.index_cast %get3A_624 : i32 to index
      %get3A_626 = arith.constant 16 : index
      %get3A_627 = tpu.vector_load %arg7[%get3A_625, %get3A_626] {strides = array<i32>} : memref<64x32xf32, #tpu.memory_space<vmem>>, vector<1x16xf32>,
      %get3A_628 = vector.shape_cast %get3A_627 : vector<1x16xf32> to vector<16xf32>
      %swap3A_629 = arith.constant 27 : i32
      %swap3A_630 = arith.index_cast %swap3A_629 : i32 to index
      %swap3A_631 = arith.constant 16 : index
      %swap3A_632 = tpu.vector_load %arg8[%swap3A_630, %swap3A_631] {strides = array<i32>} : memref<64x128xf32, #tpu.memory_space<vmem>>, vector<1x16xf32>,
      %swap3A_633 = vector.shape_cast %swap3A_632 : vector<1x16xf32> to vector<16xf32>
      %swap3A_634 = vector.shape_cast %get3A_628 : vector<16xf32> to vector<1x16xf32>
      tpu.vector_store %arg8[%swap3A_630, %swap3A_631], %swap3A_634 {strides = array<i32>} : memref<64x128xf32, #tpu.memory_space<vmem>>, vector<1x16xf32>,
      %get3A_635 = arith.constant 28 : i32
      %get3A_636 = arith.index_cast %get3A_635 : i32 to index
      %get3A_637 = arith.constant 0 : index
      %get3A_638 = tpu.vector_load %arg7[%get3A_636, %get3A_637] {strides = array<i32>} : memref<64x32xf32, #tpu.memory_space<vmem>>, vector<1x16xf32>,
      %get3A_639 = vector.shape_cast %get3A_638 : vector<1x16xf32> to vector<16xf32>
      %swap3A_640 = arith.constant 28 : i32
      %swap3A_641 = arith.index_cast %swap3A_640 : i32 to index
      %swap3A_642 = arith.constant 0 : index
      %swap3A_643 = tpu.vector_load %arg8[%swap3A_641, %swap3A_642] {strides = array<i32>} : memref<64x128xf32, #tpu.memory_space<vmem>>, vector<1x16xf32>,
      %swap3A_644 = vector.shape_cast %swap3A_643 : vector<1x16xf32> to vector<16xf32>
      %swap3A_645 = vector.shape_cast %get3A_639 : vector<16xf32> to vector<1x16xf32>
      tpu.vector_store %arg8[%swap3A_641, %swap3A_642], %swap3A_645 {strides = array<i32>} : memref<64x128xf32, #tpu.memory_space<vmem>>, vector<1x16xf32>,
      %get3A_646 = arith.constant 28 : i32
      %get3A_647 = arith.index_cast %get3A_646 : i32 to index
      %get3A_648 = arith.constant 16 : index
      %get3A_649 = tpu.vector_load %arg7[%get3A_647, %get3A_648] {strides = array<i32>} : memref<64x32xf32, #tpu.memory_space<vmem>>, vector<1x16xf32>,
      %get3A_650 = vector.shape_cast %get3A_649 : vector<1x16xf32> to vector<16xf32>
      %swap3A_651 = arith.constant 28 : i32
      %swap3A_652 = arith.index_cast %swap3A_651 : i32 to index
      %swap3A_653 = arith.constant 16 : index
      %swap3A_654 = tpu.vector_load %arg8[%swap3A_652, %swap3A_653] {strides = array<i32>} : memref<64x128xf32, #tpu.memory_space<vmem>>, vector<1x16xf32>,
      %swap3A_655 = vector.shape_cast %swap3A_654 : vector<1x16xf32> to vector<16xf32>
      %swap3A_656 = vector.shape_cast %get3A_650 : vector<16xf32> to vector<1x16xf32>
      tpu.vector_store %arg8[%swap3A_652, %swap3A_653], %swap3A_656 {strides = array<i32>} : memref<64x128xf32, #tpu.memory_space<vmem>>, vector<1x16xf32>,
      %get3A_657 = arith.constant 29 : i32
      %get3A_658 = arith.index_cast %get3A_657 : i32 to index
      %get3A_659 = arith.constant 0 : index
      %get3A_660 = tpu.vector_load %arg7[%get3A_658, %get3A_659] {strides = array<i32>} : memref<64x32xf32, #tpu.memory_space<vmem>>, vector<1x16xf32>,
      %get3A_661 = vector.shape_cast %get3A_660 : vector<1x16xf32> to vector<16xf32>
      %swap3A_662 = arith.constant 29 : i32
      %swap3A_663 = arith.index_cast %swap3A_662 : i32 to index
      %swap3A_664 = arith.constant 0 : index
      %swap3A_665 = tpu.vector_load %arg8[%swap3A_663, %swap3A_664] {strides = array<i32>} : memref<64x128xf32, #tpu.memory_space<vmem>>, vector<1x16xf32>,
      %swap3A_666 = vector.shape_cast %swap3A_665 : vector<1x16xf32> to vector<16xf32>
      %swap3A_667 = vector.shape_cast %get3A_661 : vector<16xf32> to vector<1x16xf32>
      tpu.vector_store %arg8[%swap3A_663, %swap3A_664], %swap3A_667 {strides = array<i32>} : memref<64x128xf32, #tpu.memory_space<vmem>>, vector<1x16xf32>,
      %get3A_668 = arith.constant 29 : i32
      %get3A_669 = arith.index_cast %get3A_668 : i32 to index
      %get3A_670 = arith.constant 16 : index
      %get3A_671 = tpu.vector_load %arg7[%get3A_669, %get3A_670] {strides = array<i32>} : memref<64x32xf32, #tpu.memory_space<vmem>>, vector<1x16xf32>,
      %get3A_672 = vector.shape_cast %get3A_671 : vector<1x16xf32> to vector<16xf32>
      %swap3A_673 = arith.constant 29 : i32
      %swap3A_674 = arith.index_cast %swap3A_673 : i32 to index
      %swap3A_675 = arith.constant 16 : index
      %swap3A_676 = tpu.vector_load %arg8[%swap3A_674, %swap3A_675] {strides = array<i32>} : memref<64x128xf32, #tpu.memory_space<vmem>>, vector<1x16xf32>,
      %swap3A_677 = vector.shape_cast %swap3A_676 : vector<1x16xf32> to vector<16xf32>
      %swap3A_678 = vector.shape_cast %get3A_672 : vector<16xf32> to vector<1x16xf32>
      tpu.vector_store %arg8[%swap3A_674, %swap3A_675], %swap3A_678 {strides = array<i32>} : memref<64x128xf32, #tpu.memory_space<vmem>>, vector<1x16xf32>,
      %get3A_679 = arith.constant 30 : i32
      %get3A_680 = arith.index_cast %get3A_679 : i32 to index
      %get3A_681 = arith.constant 0 : index
      %get3A_682 = tpu.vector_load %arg7[%get3A_680, %get3A_681] {strides = array<i32>} : memref<64x32xf32, #tpu.memory_space<vmem>>, vector<1x16xf32>,
      %get3A_683 = vector.shape_cast %get3A_682 : vector<1x16xf32> to vector<16xf32>
      %swap3A_684 = arith.constant 30 : i32
      %swap3A_685 = arith.index_cast %swap3A_684 : i32 to index
      %swap3A_686 = arith.constant 0 : index
      %swap3A_687 = tpu.vector_load %arg8[%swap3A_685, %swap3A_686] {strides = array<i32>} : memref<64x128xf32, #tpu.memory_space<vmem>>, vector<1x16xf32>,
      %swap3A_688 = vector.shape_cast %swap3A_687 : vector<1x16xf32> to vector<16xf32>
      %swap3A_689 = vector.shape_cast %get3A_683 : vector<16xf32> to vector<1x16xf32>
      tpu.vector_store %arg8[%swap3A_685, %swap3A_686], %swap3A_689 {strides = array<i32>} : memref<64x128xf32, #tpu.memory_space<vmem>>, vector<1x16xf32>,
      %get3A_690 = arith.constant 30 : i32
      %get3A_691 = arith.index_cast %get3A_690 : i32 to index
      %get3A_692 = arith.constant 16 : index
      %get3A_693 = tpu.vector_load %arg7[%get3A_691, %get3A_692] {strides = array<i32>} : memref<64x32xf32, #tpu.memory_space<vmem>>, vector<1x16xf32>,
      %get3A_694 = vector.shape_cast %get3A_693 : vector<1x16xf32> to vector<16xf32>
      %swap3A_695 = arith.constant 30 : i32
      %swap3A_696 = arith.index_cast %swap3A_695 : i32 to index
      %swap3A_697 = arith.constant 16 : index
      %swap3A_698 = tpu.vector_load %arg8[%swap3A_696, %swap3A_697] {strides = array<i32>} : memref<64x128xf32, #tpu.memory_space<vmem>>, vector<1x16xf32>,
      %swap3A_699 = vector.shape_cast %swap3A_698 : vector<1x16xf32> to vector<16xf32>
      %swap3A_700 = vector.shape_cast %get3A_694 : vector<16xf32> to vector<1x16xf32>
      tpu.vector_store %arg8[%swap3A_696, %swap3A_697], %swap3A_700 {strides = array<i32>} : memref<64x128xf32, #tpu.memory_space<vmem>>, vector<1x16xf32>,
      %get3A_701 = arith.constant 31 : i32
      %get3A_702 = arith.index_cast %get3A_701 : i32 to index
      %get3A_703 = arith.constant 0 : index
      %get3A_704 = tpu.vector_load %arg7[%get3A_702, %get3A_703] {strides = array<i32>} : memref<64x32xf32, #tpu.memory_space<vmem>>, vector<1x16xf32>,
      %get3A_705 = vector.shape_cast %get3A_704 : vector<1x16xf32> to vector<16xf32>
      %swap3A_706 = arith.constant 31 : i32
      %swap3A_707 = arith.index_cast %swap3A_706 : i32 to index
      %swap3A_708 = arith.constant 0 : index
      %swap3A_709 = tpu.vector_load %arg8[%swap3A_707, %swap3A_708] {strides = array<i32>} : memref<64x128xf32, #tpu.memory_space<vmem>>, vector<1x16xf32>,
      %swap3A_710 = vector.shape_cast %swap3A_709 : vector<1x16xf32> to vector<16xf32>
      %swap3A_711 = vector.shape_cast %get3A_705 : vector<16xf32> to vector<1x16xf32>
      tpu.vector_store %arg8[%swap3A_707, %swap3A_708], %swap3A_711 {strides = array<i32>} : memref<64x128xf32, #tpu.memory_space<vmem>>, vector<1x16xf32>,
      %get3A_712 = arith.constant 31 : i32
      %get3A_713 = arith.index_cast %get3A_712 : i32 to index
      %get3A_714 = arith.constant 16 : index
      %get3A_715 = tpu.vector_load %arg7[%get3A_713, %get3A_714] {strides = array<i32>} : memref<64x32xf32, #tpu.memory_space<vmem>>, vector<1x16xf32>,
      %get3A_716 = vector.shape_cast %get3A_715 : vector<1x16xf32> to vector<16xf32>
      %swap3A_717 = arith.constant 31 : i32
      %swap3A_718 = arith.index_cast %swap3A_717 : i32 to index
      %swap3A_719 = arith.constant 16 : index
      %swap3A_720 = tpu.vector_load %arg8[%swap3A_718, %swap3A_719] {strides = array<i32>} : memref<64x128xf32, #tpu.memory_space<vmem>>, vector<1x16xf32>,
      %swap3A_721 = vector.shape_cast %swap3A_720 : vector<1x16xf32> to vector<16xf32>
      %swap3A_722 = vector.shape_cast %get3A_716 : vector<16xf32> to vector<1x16xf32>
      tpu.vector_store %arg8[%swap3A_718, %swap3A_719], %swap3A_722 {strides = array<i32>} : memref<64x128xf32, #tpu.memory_space<vmem>>, vector<1x16xf32>,
      %get3A_723 = arith.constant 32 : i32
      %get3A_724 = arith.index_cast %get3A_723 : i32 to index
      %get3A_725 = arith.constant 0 : index
      %get3A_726 = tpu.vector_load %arg7[%get3A_724, %get3A_725] {strides = array<i32>} : memref<64x32xf32, #tpu.memory_space<vmem>>, vector<1x16xf32>,
      %get3A_727 = vector.shape_cast %get3A_726 : vector<1x16xf32> to vector<16xf32>
      %swap3A_728 = arith.constant 32 : i32
      %swap3A_729 = arith.index_cast %swap3A_728 : i32 to index
      %swap3A_730 = arith.constant 0 : index
      %swap3A_731 = tpu.vector_load %arg8[%swap3A_729, %swap3A_730] {strides = array<i32>} : memref<64x128xf32, #tpu.memory_space<vmem>>, vector<1x16xf32>,
      %swap3A_732 = vector.shape_cast %swap3A_731 : vector<1x16xf32> to vector<16xf32>
      %swap3A_733 = vector.shape_cast %get3A_727 : vector<16xf32> to vector<1x16xf32>
      tpu.vector_store %arg8[%swap3A_729, %swap3A_730], %swap3A_733 {strides = array<i32>} : memref<64x128xf32, #tpu.memory_space<vmem>>, vector<1x16xf32>,
      %get3A_734 = arith.constant 32 : i32
      %get3A_735 = arith.index_cast %get3A_734 : i32 to index
      %get3A_736 = arith.constant 16 : index
      %get3A_737 = tpu.vector_load %arg7[%get3A_735, %get3A_736] {strides = array<i32>} : memref<64x32xf32, #tpu.memory_space<vmem>>, vector<1x16xf32>,
      %get3A_738 = vector.shape_cast %get3A_737 : vector<1x16xf32> to vector<16xf32>
      %swap3A_739 = arith.constant 32 : i32
      %swap3A_740 = arith.index_cast %swap3A_739 : i32 to index
      %swap3A_741 = arith.constant 16 : index
      %swap3A_742 = tpu.vector_load %arg8[%swap3A_740, %swap3A_741] {strides = array<i32>} : memref<64x128xf32, #tpu.memory_space<vmem>>, vector<1x16xf32>,
      %swap3A_743 = vector.shape_cast %swap3A_742 : vector<1x16xf32> to vector<16xf32>
      %swap3A_744 = vector.shape_cast %get3A_738 : vector<16xf32> to vector<1x16xf32>
      tpu.vector_store %arg8[%swap3A_740, %swap3A_741], %swap3A_744 {strides = array<i32>} : memref<64x128xf32, #tpu.memory_space<vmem>>, vector<1x16xf32>,
      %get3A_745 = arith.constant 33 : i32
      %get3A_746 = arith.index_cast %get3A_745 : i32 to index
      %get3A_747 = arith.constant 0 : index
      %get3A_748 = tpu.vector_load %arg7[%get3A_746, %get3A_747] {strides = array<i32>} : memref<64x32xf32, #tpu.memory_space<vmem>>, vector<1x16xf32>,
      %get3A_749 = vector.shape_cast %get3A_748 : vector<1x16xf32> to vector<16xf32>
      %swap3A_750 = arith.constant 33 : i32
      %swap3A_751 = arith.index_cast %swap3A_750 : i32 to index
      %swap3A_752 = arith.constant 0 : index
      %swap3A_753 = tpu.vector_load %arg8[%swap3A_751, %swap3A_752] {strides = array<i32>} : memref<64x128xf32, #tpu.memory_space<vmem>>, vector<1x16xf32>,
      %swap3A_754 = vector.shape_cast %swap3A_753 : vector<1x16xf32> to vector<16xf32>
      %swap3A_755 = vector.shape_cast %get3A_749 : vector<16xf32> to vector<1x16xf32>
      tpu.vector_store %arg8[%swap3A_751, %swap3A_752], %swap3A_755 {strides = array<i32>} : memref<64x128xf32, #tpu.memory_space<vmem>>, vector<1x16xf32>,
      %get3A_756 = arith.constant 33 : i32
      %get3A_757 = arith.index_cast %get3A_756 : i32 to index
      %get3A_758 = arith.constant 16 : index
      %get3A_759 = tpu.vector_load %arg7[%get3A_757, %get3A_758] {strides = array<i32>} : memref<64x32xf32, #tpu.memory_space<vmem>>, vector<1x16xf32>,
      %get3A_760 = vector.shape_cast %get3A_759 : vector<1x16xf32> to vector<16xf32>
      %swap3A_761 = arith.constant 33 : i32
      %swap3A_762 = arith.index_cast %swap3A_761 : i32 to index
      %swap3A_763 = arith.constant 16 : index
      %swap3A_764 = tpu.vector_load %arg8[%swap3A_762, %swap3A_763] {strides = array<i32>} : memref<64x128xf32, #tpu.memory_space<vmem>>, vector<1x16xf32>,
      %swap3A_765 = vector.shape_cast %swap3A_764 : vector<1x16xf32> to vector<16xf32>
      %swap3A_766 = vector.shape_cast %get3A_760 : vector<16xf32> to vector<1x16xf32>
      tpu.vector_store %arg8[%swap3A_762, %swap3A_763], %swap3A_766 {strides = array<i32>} : memref<64x128xf32, #tpu.memory_space<vmem>>, vector<1x16xf32>,
      %get3A_767 = arith.constant 34 : i32
      %get3A_768 = arith.index_cast %get3A_767 : i32 to index
      %get3A_769 = arith.constant 0 : index
      %get3A_770 = tpu.vector_load %arg7[%get3A_768, %get3A_769] {strides = array<i32>} : memref<64x32xf32, #tpu.memory_space<vmem>>, vector<1x16xf32>,
      %get3A_771 = vector.shape_cast %get3A_770 : vector<1x16xf32> to vector<16xf32>
      %swap3A_772 = arith.constant 34 : i32
      %swap3A_773 = arith.index_cast %swap3A_772 : i32 to index
      %swap3A_774 = arith.constant 0 : index
      %swap3A_775 = tpu.vector_load %arg8[%swap3A_773, %swap3A_774] {strides = array<i32>} : memref<64x128xf32, #tpu.memory_space<vmem>>, vector<1x16xf32>,
      %swap3A_776 = vector.shape_cast %swap3A_775 : vector<1x16xf32> to vector<16xf32>
      %swap3A_777 = vector.shape_cast %get3A_771 : vector<16xf32> to vector<1x16xf32>
      tpu.vector_store %arg8[%swap3A_773, %swap3A_774], %swap3A_777 {strides = array<i32>} : memref<64x128xf32, #tpu.memory_space<vmem>>, vector<1x16xf32>,
      %get3A_778 = arith.constant 34 : i32
      %get3A_779 = arith.index_cast %get3A_778 : i32 to index
      %get3A_780 = arith.constant 16 : index
      %get3A_781 = tpu.vector_load %arg7[%get3A_779, %get3A_780] {strides = array<i32>} : memref<64x32xf32, #tpu.memory_space<vmem>>, vector<1x16xf32>,
      %get3A_782 = vector.shape_cast %get3A_781 : vector<1x16xf32> to vector<16xf32>
      %swap3A_783 = arith.constant 34 : i32
      %swap3A_784 = arith.index_cast %swap3A_783 : i32 to index
      %swap3A_785 = arith.constant 16 : index
      %swap3A_786 = tpu.vector_load %arg8[%swap3A_784, %swap3A_785] {strides = array<i32>} : memref<64x128xf32, #tpu.memory_space<vmem>>, vector<1x16xf32>,
      %swap3A_787 = vector.shape_cast %swap3A_786 : vector<1x16xf32> to vector<16xf32>
      %swap3A_788 = vector.shape_cast %get3A_782 : vector<16xf32> to vector<1x16xf32>
      tpu.vector_store %arg8[%swap3A_784, %swap3A_785], %swap3A_788 {strides = array<i32>} : memref<64x128xf32, #tpu.memory_space<vmem>>, vector<1x16xf32>,
      %get3A_789 = arith.constant 35 : i32
      %get3A_790 = arith.index_cast %get3A_789 : i32 to index
      %get3A_791 = arith.constant 0 : index
      %get3A_792 = tpu.vector_load %arg7[%get3A_790, %get3A_791] {strides = array<i32>} : memref<64x32xf32, #tpu.memory_space<vmem>>, vector<1x16xf32>,
      %get3A_793 = vector.shape_cast %get3A_792 : vector<1x16xf32> to vector<16xf32>
      %swap3A_794 = arith.constant 35 : i32
      %swap3A_795 = arith.index_cast %swap3A_794 : i32 to index
      %swap3A_796 = arith.constant 0 : index
      %swap3A_797 = tpu.vector_load %arg8[%swap3A_795, %swap3A_796] {strides = array<i32>} : memref<64x128xf32, #tpu.memory_space<vmem>>, vector<1x16xf32>,
      %swap3A_798 = vector.shape_cast %swap3A_797 : vector<1x16xf32> to vector<16xf32>
      %swap3A_799 = vector.shape_cast %get3A_793 : vector<16xf32> to vector<1x16xf32>
      tpu.vector_store %arg8[%swap3A_795, %swap3A_796], %swap3A_799 {strides = array<i32>} : memref<64x128xf32, #tpu.memory_space<vmem>>, vector<1x16xf32>,
      %get3A_800 = arith.constant 35 : i32
      %get3A_801 = arith.index_cast %get3A_800 : i32 to index
      %get3A_802 = arith.constant 16 : index
      %get3A_803 = tpu.vector_load %arg7[%get3A_801, %get3A_802] {strides = array<i32>} : memref<64x32xf32, #tpu.memory_space<vmem>>, vector<1x16xf32>,
      %get3A_804 = vector.shape_cast %get3A_803 : vector<1x16xf32> to vector<16xf32>
      %swap3A_805 = arith.constant 35 : i32
      %swap3A_806 = arith.index_cast %swap3A_805 : i32 to index
      %swap3A_807 = arith.constant 16 : index
      %swap3A_808 = tpu.vector_load %arg8[%swap3A_806, %swap3A_807] {strides = array<i32>} : memref<64x128xf32, #tpu.memory_space<vmem>>, vector<1x16xf32>,
      %swap3A_809 = vector.shape_cast %swap3A_808 : vector<1x16xf32> to vector<16xf32>
      %swap3A_810 = vector.shape_cast %get3A_804 : vector<16xf32> to vector<1x16xf32>
      tpu.vector_store %arg8[%swap3A_806, %swap3A_807], %swap3A_810 {strides = array<i32>} : memref<64x128xf32, #tpu.memory_space<vmem>>, vector<1x16xf32>,
      %get3A_811 = arith.constant 36 : i32
      %get3A_812 = arith.index_cast %get3A_811 : i32 to index
      %get3A_813 = arith.constant 0 : index
      %get3A_814 = tpu.vector_load %arg7[%get3A_812, %get3A_813] {strides = array<i32>} : memref<64x32xf32, #tpu.memory_space<vmem>>, vector<1x16xf32>,
      %get3A_815 = vector.shape_cast %get3A_814 : vector<1x16xf32> to vector<16xf32>
      %swap3A_816 = arith.constant 36 : i32
      %swap3A_817 = arith.index_cast %swap3A_816 : i32 to index
      %swap3A_818 = arith.constant 0 : index
      %swap3A_819 = tpu.vector_load %arg8[%swap3A_817, %swap3A_818] {strides = array<i32>} : memref<64x128xf32, #tpu.memory_space<vmem>>, vector<1x16xf32>,
      %swap3A_820 = vector.shape_cast %swap3A_819 : vector<1x16xf32> to vector<16xf32>
      %swap3A_821 = vector.shape_cast %get3A_815 : vector<16xf32> to vector<1x16xf32>
      tpu.vector_store %arg8[%swap3A_817, %swap3A_818], %swap3A_821 {strides = array<i32>} : memref<64x128xf32, #tpu.memory_space<vmem>>, vector<1x16xf32>,
      %get3A_822 = arith.constant 36 : i32
      %get3A_823 = arith.index_cast %get3A_822 : i32 to index
      %get3A_824 = arith.constant 16 : index
      %get3A_825 = tpu.vector_load %arg7[%get3A_823, %get3A_824] {strides = array<i32>} : memref<64x32xf32, #tpu.memory_space<vmem>>, vector<1x16xf32>,
      %get3A_826 = vector.shape_cast %get3A_825 : vector<1x16xf32> to vector<16xf32>
      %swap3A_827 = arith.constant 36 : i32
      %swap3A_828 = arith.index_cast %swap3A_827 : i32 to index
      %swap3A_829 = arith.constant 16 : index
      %swap3A_830 = tpu.vector_load %arg8[%swap3A_828, %swap3A_829] {strides = array<i32>} : memref<64x128xf32, #tpu.memory_space<vmem>>, vector<1x16xf32>,
      %swap3A_831 = vector.shape_cast %swap3A_830 : vector<1x16xf32> to vector<16xf32>
      %swap3A_832 = vector.shape_cast %get3A_826 : vector<16xf32> to vector<1x16xf32>
      tpu.vector_store %arg8[%swap3A_828, %swap3A_829], %swap3A_832 {strides = array<i32>} : memref<64x128xf32, #tpu.memory_space<vmem>>, vector<1x16xf32>,
      %get3A_833 = arith.constant 37 : i32
      %get3A_834 = arith.index_cast %get3A_833 : i32 to index
      %get3A_835 = arith.constant 0 : index
      %get3A_836 = tpu.vector_load %arg7[%get3A_834, %get3A_835] {strides = array<i32>} : memref<64x32xf32, #tpu.memory_space<vmem>>, vector<1x16xf32>,
      %get3A_837 = vector.shape_cast %get3A_836 : vector<1x16xf32> to vector<16xf32>
      %swap3A_838 = arith.constant 37 : i32
      %swap3A_839 = arith.index_cast %swap3A_838 : i32 to index
      %swap3A_840 = arith.constant 0 : index
      %swap3A_841 = tpu.vector_load %arg8[%swap3A_839, %swap3A_840] {strides = array<i32>} : memref<64x128xf32, #tpu.memory_space<vmem>>, vector<1x16xf32>,
      %swap3A_842 = vector.shape_cast %swap3A_841 : vector<1x16xf32> to vector<16xf32>
      %swap3A_843 = vector.shape_cast %get3A_837 : vector<16xf32> to vector<1x16xf32>
      tpu.vector_store %arg8[%swap3A_839, %swap3A_840], %swap3A_843 {strides = array<i32>} : memref<64x128xf32, #tpu.memory_space<vmem>>, vector<1x16xf32>,
      %get3A_844 = arith.constant 37 : i32
      %get3A_845 = arith.index_cast %get3A_844 : i32 to index
      %get3A_846 = arith.constant 16 : index
      %get3A_847 = tpu.vector_load %arg7[%get3A_845, %get3A_846] {strides = array<i32>} : memref<64x32xf32, #tpu.memory_space<vmem>>, vector<1x16xf32>,
      %get3A_848 = vector.shape_cast %get3A_847 : vector<1x16xf32> to vector<16xf32>
      %swap3A_849 = arith.constant 37 : i32
      %swap3A_850 = arith.index_cast %swap3A_849 : i32 to index
      %swap3A_851 = arith.constant 16 : index
      %swap3A_852 = tpu.vector_load %arg8[%swap3A_850, %swap3A_851] {strides = array<i32>} : memref<64x128xf32, #tpu.memory_space<vmem>>, vector<1x16xf32>,
      %swap3A_853 = vector.shape_cast %swap3A_852 : vector<1x16xf32> to vector<16xf32>
      %swap3A_854 = vector.shape_cast %get3A_848 : vector<16xf32> to vector<1x16xf32>
      tpu.vector_store %arg8[%swap3A_850, %swap3A_851], %swap3A_854 {strides = array<i32>} : memref<64x128xf32, #tpu.memory_space<vmem>>, vector<1x16xf32>,
      %get3A_855 = arith.constant 38 : i32
      %get3A_856 = arith.index_cast %get3A_855 : i32 to index
      %get3A_857 = arith.constant 0 : index
      %get3A_858 = tpu.vector_load %arg7[%get3A_856, %get3A_857] {strides = array<i32>} : memref<64x32xf32, #tpu.memory_space<vmem>>, vector<1x16xf32>,
      %get3A_859 = vector.shape_cast %get3A_858 : vector<1x16xf32> to vector<16xf32>
      %swap3A_860 = arith.constant 38 : i32
      %swap3A_861 = arith.index_cast %swap3A_860 : i32 to index
      %swap3A_862 = arith.constant 0 : index
      %swap3A_863 = tpu.vector_load %arg8[%swap3A_861, %swap3A_862] {strides = array<i32>} : memref<64x128xf32, #tpu.memory_space<vmem>>, vector<1x16xf32>,
      %swap3A_864 = vector.shape_cast %swap3A_863 : vector<1x16xf32> to vector<16xf32>
      %swap3A_865 = vector.shape_cast %get3A_859 : vector<16xf32> to vector<1x16xf32>
      tpu.vector_store %arg8[%swap3A_861, %swap3A_862], %swap3A_865 {strides = array<i32>} : memref<64x128xf32, #tpu.memory_space<vmem>>, vector<1x16xf32>,
      %get3A_866 = arith.constant 38 : i32
      %get3A_867 = arith.index_cast %get3A_866 : i32 to index
      %get3A_868 = arith.constant 16 : index
      %get3A_869 = tpu.vector_load %arg7[%get3A_867, %get3A_868] {strides = array<i32>} : memref<64x32xf32, #tpu.memory_space<vmem>>, vector<1x16xf32>,
      %get3A_870 = vector.shape_cast %get3A_869 : vector<1x16xf32> to vector<16xf32>
      %swap3A_871 = arith.constant 38 : i32
      %swap3A_872 = arith.index_cast %swap3A_871 : i32 to index
      %swap3A_873 = arith.constant 16 : index
      %swap3A_874 = tpu.vector_load %arg8[%swap3A_872, %swap3A_873] {strides = array<i32>} : memref<64x128xf32, #tpu.memory_space<vmem>>, vector<1x16xf32>,
      %swap3A_875 = vector.shape_cast %swap3A_874 : vector<1x16xf32> to vector<16xf32>
      %swap3A_876 = vector.shape_cast %get3A_870 : vector<16xf32> to vector<1x16xf32>
      tpu.vector_store %arg8[%swap3A_872, %swap3A_873], %swap3A_876 {strides = array<i32>} : memref<64x128xf32, #tpu.memory_space<vmem>>, vector<1x16xf32>,
      %get3A_877 = arith.constant 39 : i32
      %get3A_878 = arith.index_cast %get3A_877 : i32 to index
      %get3A_879 = arith.constant 0 : index
      %get3A_880 = tpu.vector_load %arg7[%get3A_878, %get3A_879] {strides = array<i32>} : memref<64x32xf32, #tpu.memory_space<vmem>>, vector<1x16xf32>,
      %get3A_881 = vector.shape_cast %get3A_880 : vector<1x16xf32> to vector<16xf32>
      %swap3A_882 = arith.constant 39 : i32
      %swap3A_883 = arith.index_cast %swap3A_882 : i32 to index
      %swap3A_884 = arith.constant 0 : index
      %swap3A_885 = tpu.vector_load %arg8[%swap3A_883, %swap3A_884] {strides = array<i32>} : memref<64x128xf32, #tpu.memory_space<vmem>>, vector<1x16xf32>,
      %swap3A_886 = vector.shape_cast %swap3A_885 : vector<1x16xf32> to vector<16xf32>
      %swap3A_887 = vector.shape_cast %get3A_881 : vector<16xf32> to vector<1x16xf32>
      tpu.vector_store %arg8[%swap3A_883, %swap3A_884], %swap3A_887 {strides = array<i32>} : memref<64x128xf32, #tpu.memory_space<vmem>>, vector<1x16xf32>,
      %get3A_888 = arith.constant 39 : i32
      %get3A_889 = arith.index_cast %get3A_888 : i32 to index
      %get3A_890 = arith.constant 16 : index
      %get3A_891 = tpu.vector_load %arg7[%get3A_889, %get3A_890] {strides = array<i32>} : memref<64x32xf32, #tpu.memory_space<vmem>>, vector<1x16xf32>,
      %get3A_892 = vector.shape_cast %get3A_891 : vector<1x16xf32> to vector<16xf32>
      %swap3A_893 = arith.constant 39 : i32
      %swap3A_894 = arith.index_cast %swap3A_893 : i32 to index
      %swap3A_895 = arith.constant 16 : index
      %swap3A_896 = tpu.vector_load %arg8[%swap3A_894, %swap3A_895] {strides = array<i32>} : memref<64x128xf32, #tpu.memory_space<vmem>>, vector<1x16xf32>,
      %swap3A_897 = vector.shape_cast %swap3A_896 : vector<1x16xf32> to vector<16xf32>
      %swap3A_898 = vector.shape_cast %get3A_892 : vector<16xf32> to vector<1x16xf32>
      tpu.vector_store %arg8[%swap3A_894, %swap3A_895], %swap3A_898 {strides = array<i32>} : memref<64x128xf32, #tpu.memory_space<vmem>>, vector<1x16xf32>,
      %get3A_899 = arith.constant 40 : i32
      %get3A_900 = arith.index_cast %get3A_899 : i32 to index
      %get3A_901 = arith.constant 0 : index
      %get3A_902 = tpu.vector_load %arg7[%get3A_900, %get3A_901] {strides = array<i32>} : memref<64x32xf32, #tpu.memory_space<vmem>>, vector<1x16xf32>,
      %get3A_903 = vector.shape_cast %get3A_902 : vector<1x16xf32> to vector<16xf32>
      %swap3A_904 = arith.constant 40 : i32
      %swap3A_905 = arith.index_cast %swap3A_904 : i32 to index
      %swap3A_906 = arith.constant 0 : index
      %swap3A_907 = tpu.vector_load %arg8[%swap3A_905, %swap3A_906] {strides = array<i32>} : memref<64x128xf32, #tpu.memory_space<vmem>>, vector<1x16xf32>,
      %swap3A_908 = vector.shape_cast %swap3A_907 : vector<1x16xf32> to vector<16xf32>
      %swap3A_909 = vector.shape_cast %get3A_903 : vector<16xf32> to vector<1x16xf32>
      tpu.vector_store %arg8[%swap3A_905, %swap3A_906], %swap3A_909 {strides = array<i32>} : memref<64x128xf32, #tpu.memory_space<vmem>>, vector<1x16xf32>,
      %get3A_910 = arith.constant 40 : i32
      %get3A_911 = arith.index_cast %get3A_910 : i32 to index
      %get3A_912 = arith.constant 16 : index
      %get3A_913 = tpu.vector_load %arg7[%get3A_911, %get3A_912] {strides = array<i32>} : memref<64x32xf32, #tpu.memory_space<vmem>>, vector<1x16xf32>,
      %get3A_914 = vector.shape_cast %get3A_913 : vector<1x16xf32> to vector<16xf32>
      %swap3A_915 = arith.constant 40 : i32
      %swap3A_916 = arith.index_cast %swap3A_915 : i32 to index
      %swap3A_917 = arith.constant 16 : index
      %swap3A_918 = tpu.vector_load %arg8[%swap3A_916, %swap3A_917] {strides = array<i32>} : memref<64x128xf32, #tpu.memory_space<vmem>>, vector<1x16xf32>,
      %swap3A_919 = vector.shape_cast %swap3A_918 : vector<1x16xf32> to vector<16xf32>
      %swap3A_920 = vector.shape_cast %get3A_914 : vector<16xf32> to vector<1x16xf32>
      tpu.vector_store %arg8[%swap3A_916, %swap3A_917], %swap3A_920 {strides = array<i32>} : memref<64x128xf32, #tpu.memory_space<vmem>>, vector<1x16xf32>,
      %get3A_921 = arith.constant 41 : i32
      %get3A_922 = arith.index_cast %get3A_921 : i32 to index
      %get3A_923 = arith.constant 0 : index
      %get3A_924 = tpu.vector_load %arg7[%get3A_922, %get3A_923] {strides = array<i32>} : memref<64x32xf32, #tpu.memory_space<vmem>>, vector<1x16xf32>,
      %get3A_925 = vector.shape_cast %get3A_924 : vector<1x16xf32> to vector<16xf32>
      %swap3A_926 = arith.constant 41 : i32
      %swap3A_927 = arith.index_cast %swap3A_926 : i32 to index
      %swap3A_928 = arith.constant 0 : index
      %swap3A_929 = tpu.vector_load %arg8[%swap3A_927, %swap3A_928] {strides = array<i32>} : memref<64x128xf32, #tpu.memory_space<vmem>>, vector<1x16xf32>,
      %swap3A_930 = vector.shape_cast %swap3A_929 : vector<1x16xf32> to vector<16xf32>
      %swap3A_931 = vector.shape_cast %get3A_925 : vector<16xf32> to vector<1x16xf32>
      tpu.vector_store %arg8[%swap3A_927, %swap3A_928], %swap3A_931 {strides = array<i32>} : memref<64x128xf32, #tpu.memory_space<vmem>>, vector<1x16xf32>,
      %get3A_932 = arith.constant 41 : i32
      %get3A_933 = arith.index_cast %get3A_932 : i32 to index
      %get3A_934 = arith.constant 16 : index
      %get3A_935 = tpu.vector_load %arg7[%get3A_933, %get3A_934] {strides = array<i32>} : memref<64x32xf32, #tpu.memory_space<vmem>>, vector<1x16xf32>,
      %get3A_936 = vector.shape_cast %get3A_935 : vector<1x16xf32> to vector<16xf32>
      %swap3A_937 = arith.constant 41 : i32
      %swap3A_938 = arith.index_cast %swap3A_937 : i32 to index
      %swap3A_939 = arith.constant 16 : index
      %swap3A_940 = tpu.vector_load %arg8[%swap3A_938, %swap3A_939] {strides = array<i32>} : memref<64x128xf32, #tpu.memory_space<vmem>>, vector<1x16xf32>,
      %swap3A_941 = vector.shape_cast %swap3A_940 : vector<1x16xf32> to vector<16xf32>
      %swap3A_942 = vector.shape_cast %get3A_936 : vector<16xf32> to vector<1x16xf32>
      tpu.vector_store %arg8[%swap3A_938, %swap3A_939], %swap3A_942 {strides = array<i32>} : memref<64x128xf32, #tpu.memory_space<vmem>>, vector<1x16xf32>,
      %get3A_943 = arith.constant 42 : i32
      %get3A_944 = arith.index_cast %get3A_943 : i32 to index
      %get3A_945 = arith.constant 0 : index
      %get3A_946 = tpu.vector_load %arg7[%get3A_944, %get3A_945] {strides = array<i32>} : memref<64x32xf32, #tpu.memory_space<vmem>>, vector<1x16xf32>,
      %get3A_947 = vector.shape_cast %get3A_946 : vector<1x16xf32> to vector<16xf32>
      %swap3A_948 = arith.constant 42 : i32
      %swap3A_949 = arith.index_cast %swap3A_948 : i32 to index
      %swap3A_950 = arith.constant 0 : index
      %swap3A_951 = tpu.vector_load %arg8[%swap3A_949, %swap3A_950] {strides = array<i32>} : memref<64x128xf32, #tpu.memory_space<vmem>>, vector<1x16xf32>,
      %swap3A_952 = vector.shape_cast %swap3A_951 : vector<1x16xf32> to vector<16xf32>
      %swap3A_953 = vector.shape_cast %get3A_947 : vector<16xf32> to vector<1x16xf32>
      tpu.vector_store %arg8[%swap3A_949, %swap3A_950], %swap3A_953 {strides = array<i32>} : memref<64x128xf32, #tpu.memory_space<vmem>>, vector<1x16xf32>,
      %get3A_954 = arith.constant 42 : i32
      %get3A_955 = arith.index_cast %get3A_954 : i32 to index
      %get3A_956 = arith.constant 16 : index
      %get3A_957 = tpu.vector_load %arg7[%get3A_955, %get3A_956] {strides = array<i32>} : memref<64x32xf32, #tpu.memory_space<vmem>>, vector<1x16xf32>,
      %get3A_958 = vector.shape_cast %get3A_957 : vector<1x16xf32> to vector<16xf32>
      %swap3A_959 = arith.constant 42 : i32
      %swap3A_960 = arith.index_cast %swap3A_959 : i32 to index
      %swap3A_961 = arith.constant 16 : index
      %swap3A_962 = tpu.vector_load %arg8[%swap3A_960, %swap3A_961] {strides = array<i32>} : memref<64x128xf32, #tpu.memory_space<vmem>>, vector<1x16xf32>,
      %swap3A_963 = vector.shape_cast %swap3A_962 : vector<1x16xf32> to vector<16xf32>
      %swap3A_964 = vector.shape_cast %get3A_958 : vector<16xf32> to vector<1x16xf32>
      tpu.vector_store %arg8[%swap3A_960, %swap3A_961], %swap3A_964 {strides = array<i32>} : memref<64x128xf32, #tpu.memory_space<vmem>>, vector<1x16xf32>,
      %get3A_965 = arith.constant 43 : i32
      %get3A_966 = arith.index_cast %get3A_965 : i32 to index
      %get3A_967 = arith.constant 0 : index
      %get3A_968 = tpu.vector_load %arg7[%get3A_966, %get3A_967] {strides = array<i32>} : memref<64x32xf32, #tpu.memory_space<vmem>>, vector<1x16xf32>,
      %get3A_969 = vector.shape_cast %get3A_968 : vector<1x16xf32> to vector<16xf32>
      %swap3A_970 = arith.constant 43 : i32
      %swap3A_971 = arith.index_cast %swap3A_970 : i32 to index
      %swap3A_972 = arith.constant 0 : index
      %swap3A_973 = tpu.vector_load %arg8[%swap3A_971, %swap3A_972] {strides = array<i32>} : memref<64x128xf32, #tpu.memory_space<vmem>>, vector<1x16xf32>,
      %swap3A_974 = vector.shape_cast %swap3A_973 : vector<1x16xf32> to vector<16xf32>
      %swap3A_975 = vector.shape_cast %get3A_969 : vector<16xf32> to vector<1x16xf32>
      tpu.vector_store %arg8[%swap3A_971, %swap3A_972], %swap3A_975 {strides = array<i32>} : memref<64x128xf32, #tpu.memory_space<vmem>>, vector<1x16xf32>,
      %get3A_976 = arith.constant 43 : i32
      %get3A_977 = arith.index_cast %get3A_976 : i32 to index
      %get3A_978 = arith.constant 16 : index
      %get3A_979 = tpu.vector_load %arg7[%get3A_977, %get3A_978] {strides = array<i32>} : memref<64x32xf32, #tpu.memory_space<vmem>>, vector<1x16xf32>,
      %get3A_980 = vector.shape_cast %get3A_979 : vector<1x16xf32> to vector<16xf32>
      %swap3A_981 = arith.constant 43 : i32
      %swap3A_982 = arith.index_cast %swap3A_981 : i32 to index
      %swap3A_983 = arith.constant 16 : index
      %swap3A_984 = tpu.vector_load %arg8[%swap3A_982, %swap3A_983] {strides = array<i32>} : memref<64x128xf32, #tpu.memory_space<vmem>>, vector<1x16xf32>,
      %swap3A_985 = vector.shape_cast %swap3A_984 : vector<1x16xf32> to vector<16xf32>
      %swap3A_986 = vector.shape_cast %get3A_980 : vector<16xf32> to vector<1x16xf32>
      tpu.vector_store %arg8[%swap3A_982, %swap3A_983], %swap3A_986 {strides = array<i32>} : memref<64x128xf32, #tpu.memory_space<vmem>>, vector<1x16xf32>,
      %get3A_987 = arith.constant 44 : i32
      %get3A_988 = arith.index_cast %get3A_987 : i32 to index
      %get3A_989 = arith.constant 0 : index
      %get3A_990 = tpu.vector_load %arg7[%get3A_988, %get3A_989] {strides = array<i32>} : memref<64x32xf32, #tpu.memory_space<vmem>>, vector<1x16xf32>,
      %get3A_991 = vector.shape_cast %get3A_990 : vector<1x16xf32> to vector<16xf32>
      %swap3A_992 = arith.constant 44 : i32
      %swap3A_993 = arith.index_cast %swap3A_992 : i32 to index
      %swap3A_994 = arith.constant 0 : index
      %swap3A_995 = tpu.vector_load %arg8[%swap3A_993, %swap3A_994] {strides = array<i32>} : memref<64x128xf32, #tpu.memory_space<vmem>>, vector<1x16xf32>,
      %swap3A_996 = vector.shape_cast %swap3A_995 : vector<1x16xf32> to vector<16xf32>
      %swap3A_997 = vector.shape_cast %get3A_991 : vector<16xf32> to vector<1x16xf32>
      tpu.vector_store %arg8[%swap3A_993, %swap3A_994], %swap3A_997 {strides = array<i32>} : memref<64x128xf32, #tpu.memory_space<vmem>>, vector<1x16xf32>,
      %get3A_998 = arith.constant 44 : i32
      %get3A_999 = arith.index_cast %get3A_998 : i32 to index
      %get3A_1000 = arith.constant 16 : index
      %get3A_1001 = tpu.vector_load %arg7[%get3A_999, %get3A_1000] {strides = array<i32>} : memref<64x32xf32, #tpu.memory_space<vmem>>, vector<1x16xf32>,
      %get3A_1002 = vector.shape_cast %get3A_1001 : vector<1x16xf32> to vector<16xf32>
      %swap3A_1003 = arith.constant 44 : i32
      %swap3A_1004 = arith.index_cast %swap3A_1003 : i32 to index
      %swap3A_1005 = arith.constant 16 : index
      %swap3A_1006 = tpu.vector_load %arg8[%swap3A_1004, %swap3A_1005] {strides = array<i32>} : memref<64x128xf32, #tpu.memory_space<vmem>>, vector<1x16xf32>,
      %swap3A_1007 = vector.shape_cast %swap3A_1006 : vector<1x16xf32> to vector<16xf32>
      %swap3A_1008 = vector.shape_cast %get3A_1002 : vector<16xf32> to vector<1x16xf32>
      tpu.vector_store %arg8[%swap3A_1004, %swap3A_1005], %swap3A_1008 {strides = array<i32>} : memref<64x128xf32, #tpu.memory_space<vmem>>, vector<1x16xf32>,
      %get3A_1009 = arith.constant 45 : i32
      %get3A_1010 = arith.index_cast %get3A_1009 : i32 to index
      %get3A_1011 = arith.constant 0 : index
      %get3A_1012 = tpu.vector_load %arg7[%get3A_1010, %get3A_1011] {strides = array<i32>} : memref<64x32xf32, #tpu.memory_space<vmem>>, vector<1x16xf32>,
      %get3A_1013 = vector.shape_cast %get3A_1012 : vector<1x16xf32> to vector<16xf32>
      %swap3A_1014 = arith.constant 45 : i32
      %swap3A_1015 = arith.index_cast %swap3A_1014 : i32 to index
      %swap3A_1016 = arith.constant 0 : index
      %swap3A_1017 = tpu.vector_load %arg8[%swap3A_1015, %swap3A_1016] {strides = array<i32>} : memref<64x128xf32, #tpu.memory_space<vmem>>, vector<1x16xf32>,
      %swap3A_1018 = vector.shape_cast %swap3A_1017 : vector<1x16xf32> to vector<16xf32>
      %swap3A_1019 = vector.shape_cast %get3A_1013 : vector<16xf32> to vector<1x16xf32>
      tpu.vector_store %arg8[%swap3A_1015, %swap3A_1016], %swap3A_1019 {strides = array<i32>} : memref<64x128xf32, #tpu.memory_space<vmem>>, vector<1x16xf32>,
      %get3A_1020 = arith.constant 45 : i32
      %get3A_1021 = arith.index_cast %get3A_1020 : i32 to index
      %get3A_1022 = arith.constant 16 : index
      %get3A_1023 = tpu.vector_load %arg7[%get3A_1021, %get3A_1022] {strides = array<i32>} : memref<64x32xf32, #tpu.memory_space<vmem>>, vector<1x16xf32>,
      %get3A_1024 = vector.shape_cast %get3A_1023 : vector<1x16xf32> to vector<16xf32>
      %swap3A_1025 = arith.constant 45 : i32
      %swap3A_1026 = arith.index_cast %swap3A_1025 : i32 to index
      %swap3A_1027 = arith.constant 16 : index
      %swap3A_1028 = tpu.vector_load %arg8[%swap3A_1026, %swap3A_1027] {strides = array<i32>} : memref<64x128xf32, #tpu.memory_space<vmem>>, vector<1x16xf32>,
      %swap3A_1029 = vector.shape_cast %swap3A_1028 : vector<1x16xf32> to vector<16xf32>
      %swap3A_1030 = vector.shape_cast %get3A_1024 : vector<16xf32> to vector<1x16xf32>
      tpu.vector_store %arg8[%swap3A_1026, %swap3A_1027], %swap3A_1030 {strides = array<i32>} : memref<64x128xf32, #tpu.memory_space<vmem>>, vector<1x16xf32>,
      %get3A_1031 = arith.constant 46 : i32
      %get3A_1032 = arith.index_cast %get3A_1031 : i32 to index
      %get3A_1033 = arith.constant 0 : index
      %get3A_1034 = tpu.vector_load %arg7[%get3A_1032, %get3A_1033] {strides = array<i32>} : memref<64x32xf32, #tpu.memory_space<vmem>>, vector<1x16xf32>,
      %get3A_1035 = vector.shape_cast %get3A_1034 : vector<1x16xf32> to vector<16xf32>
      %swap3A_1036 = arith.constant 46 : i32
      %swap3A_1037 = arith.index_cast %swap3A_1036 : i32 to index
      %swap3A_1038 = arith.constant 0 : index
      %swap3A_1039 = tpu.vector_load %arg8[%swap3A_1037, %swap3A_1038] {strides = array<i32>} : memref<64x128xf32, #tpu.memory_space<vmem>>, vector<1x16xf32>,
      %swap3A_1040 = vector.shape_cast %swap3A_1039 : vector<1x16xf32> to vector<16xf32>
      %swap3A_1041 = vector.shape_cast %get3A_1035 : vector<16xf32> to vector<1x16xf32>
      tpu.vector_store %arg8[%swap3A_1037, %swap3A_1038], %swap3A_1041 {strides = array<i32>} : memref<64x128xf32, #tpu.memory_space<vmem>>, vector<1x16xf32>,
      %get3A_1042 = arith.constant 46 : i32
      %get3A_1043 = arith.index_cast %get3A_1042 : i32 to index
      %get3A_1044 = arith.constant 16 : index
      %get3A_1045 = tpu.vector_load %arg7[%get3A_1043, %get3A_1044] {strides = array<i32>} : memref<64x32xf32, #tpu.memory_space<vmem>>, vector<1x16xf32>,
      %get3A_1046 = vector.shape_cast %get3A_1045 : vector<1x16xf32> to vector<16xf32>
      %swap3A_1047 = arith.constant 46 : i32
      %swap3A_1048 = arith.index_cast %swap3A_1047 : i32 to index
      %swap3A_1049 = arith.constant 16 : index
      %swap3A_1050 = tpu.vector_load %arg8[%swap3A_1048, %swap3A_1049] {strides = array<i32>} : memref<64x128xf32, #tpu.memory_space<vmem>>, vector<1x16xf32>,
      %swap3A_1051 = vector.shape_cast %swap3A_1050 : vector<1x16xf32> to vector<16xf32>
      %swap3A_1052 = vector.shape_cast %get3A_1046 : vector<16xf32> to vector<1x16xf32>
      tpu.vector_store %arg8[%swap3A_1048, %swap3A_1049], %swap3A_1052 {strides = array<i32>} : memref<64x128xf32, #tpu.memory_space<vmem>>, vector<1x16xf32>,
      %get3A_1053 = arith.constant 47 : i32
      %get3A_1054 = arith.index_cast %get3A_1053 : i32 to index
      %get3A_1055 = arith.constant 0 : index
      %get3A_1056 = tpu.vector_load %arg7[%get3A_1054, %get3A_1055] {strides = array<i32>} : memref<64x32xf32, #tpu.memory_space<vmem>>, vector<1x16xf32>,
      %get3A_1057 = vector.shape_cast %get3A_1056 : vector<1x16xf32> to vector<16xf32>
      %swap3A_1058 = arith.constant 47 : i32
      %swap3A_1059 = arith.index_cast %swap3A_1058 : i32 to index
      %swap3A_1060 = arith.constant 0 : index
      %swap3A_1061 = tpu.vector_load %arg8[%swap3A_1059, %swap3A_1060] {strides = array<i32>} : memref<64x128xf32, #tpu.memory_space<vmem>>, vector<1x16xf32>,
      %swap3A_1062 = vector.shape_cast %swap3A_1061 : vector<1x16xf32> to vector<16xf32>
      %swap3A_1063 = vector.shape_cast %get3A_1057 : vector<16xf32> to vector<1x16xf32>
      tpu.vector_store %arg8[%swap3A_1059, %swap3A_1060], %swap3A_1063 {strides = array<i32>} : memref<64x128xf32, #tpu.memory_space<vmem>>, vector<1x16xf32>,
      %get3A_1064 = arith.constant 47 : i32
      %get3A_1065 = arith.index_cast %get3A_1064 : i32 to index
      %get3A_1066 = arith.constant 16 : index
      %get3A_1067 = tpu.vector_load %arg7[%get3A_1065, %get3A_1066] {strides = array<i32>} : memref<64x32xf32, #tpu.memory_space<vmem>>, vector<1x16xf32>,
      %get3A_1068 = vector.shape_cast %get3A_1067 : vector<1x16xf32> to vector<16xf32>
      %swap3A_1069 = arith.constant 47 : i32
      %swap3A_1070 = arith.index_cast %swap3A_1069 : i32 to index
      %swap3A_1071 = arith.constant 16 : index
      %swap3A_1072 = tpu.vector_load %arg8[%swap3A_1070, %swap3A_1071] {strides = array<i32>} : memref<64x128xf32, #tpu.memory_space<vmem>>, vector<1x16xf32>,
      %swap3A_1073 = vector.shape_cast %swap3A_1072 : vector<1x16xf32> to vector<16xf32>
      %swap3A_1074 = vector.shape_cast %get3A_1068 : vector<16xf32> to vector<1x16xf32>
      tpu.vector_store %arg8[%swap3A_1070, %swap3A_1071], %swap3A_1074 {strides = array<i32>} : memref<64x128xf32, #tpu.memory_space<vmem>>, vector<1x16xf32>,
      %get3A_1075 = arith.constant 48 : i32
      %get3A_1076 = arith.index_cast %get3A_1075 : i32 to index
      %get3A_1077 = arith.constant 0 : index
      %get3A_1078 = tpu.vector_load %arg7[%get3A_1076, %get3A_1077] {strides = array<i32>} : memref<64x32xf32, #tpu.memory_space<vmem>>, vector<1x16xf32>,
      %get3A_1079 = vector.shape_cast %get3A_1078 : vector<1x16xf32> to vector<16xf32>
      %swap3A_1080 = arith.constant 48 : i32
      %swap3A_1081 = arith.index_cast %swap3A_1080 : i32 to index
      %swap3A_1082 = arith.constant 0 : index
      %swap3A_1083 = tpu.vector_load %arg8[%swap3A_1081, %swap3A_1082] {strides = array<i32>} : memref<64x128xf32, #tpu.memory_space<vmem>>, vector<1x16xf32>,
      %swap3A_1084 = vector.shape_cast %swap3A_1083 : vector<1x16xf32> to vector<16xf32>
      %swap3A_1085 = vector.shape_cast %get3A_1079 : vector<16xf32> to vector<1x16xf32>
      tpu.vector_store %arg8[%swap3A_1081, %swap3A_1082], %swap3A_1085 {strides = array<i32>} : memref<64x128xf32, #tpu.memory_space<vmem>>, vector<1x16xf32>,
      %get3A_1086 = arith.constant 48 : i32
      %get3A_1087 = arith.index_cast %get3A_1086 : i32 to index
      %get3A_1088 = arith.constant 16 : index
      %get3A_1089 = tpu.vector_load %arg7[%get3A_1087, %get3A_1088] {strides = array<i32>} : memref<64x32xf32, #tpu.memory_space<vmem>>, vector<1x16xf32>,
      %get3A_1090 = vector.shape_cast %get3A_1089 : vector<1x16xf32> to vector<16xf32>
      %swap3A_1091 = arith.constant 48 : i32
      %swap3A_1092 = arith.index_cast %swap3A_1091 : i32 to index
      %swap3A_1093 = arith.constant 16 : index
      %swap3A_1094 = tpu.vector_load %arg8[%swap3A_1092, %swap3A_1093] {strides = array<i32>} : memref<64x128xf32, #tpu.memory_space<vmem>>, vector<1x16xf32>,
      %swap3A_1095 = vector.shape_cast %swap3A_1094 : vector<1x16xf32> to vector<16xf32>
      %swap3A_1096 = vector.shape_cast %get3A_1090 : vector<16xf32> to vector<1x16xf32>
      tpu.vector_store %arg8[%swap3A_1092, %swap3A_1093], %swap3A_1096 {strides = array<i32>} : memref<64x128xf32, #tpu.memory_space<vmem>>, vector<1x16xf32>,
      %get3A_1097 = arith.constant 49 : i32
      %get3A_1098 = arith.index_cast %get3A_1097 : i32 to index
      %get3A_1099 = arith.constant 0 : index
      %get3A_1100 = tpu.vector_load %arg7[%get3A_1098, %get3A_1099] {strides = array<i32>} : memref<64x32xf32, #tpu.memory_space<vmem>>, vector<1x16xf32>,
      %get3A_1101 = vector.shape_cast %get3A_1100 : vector<1x16xf32> to vector<16xf32>
      %swap3A_1102 = arith.constant 49 : i32
      %swap3A_1103 = arith.index_cast %swap3A_1102 : i32 to index
      %swap3A_1104 = arith.constant 0 : index
      %swap3A_1105 = tpu.vector_load %arg8[%swap3A_1103, %swap3A_1104] {strides = array<i32>} : memref<64x128xf32, #tpu.memory_space<vmem>>, vector<1x16xf32>,
      %swap3A_1106 = vector.shape_cast %swap3A_1105 : vector<1x16xf32> to vector<16xf32>
      %swap3A_1107 = vector.shape_cast %get3A_1101 : vector<16xf32> to vector<1x16xf32>
      tpu.vector_store %arg8[%swap3A_1103, %swap3A_1104], %swap3A_1107 {strides = array<i32>} : memref<64x128xf32, #tpu.memory_space<vmem>>, vector<1x16xf32>,
      %get3A_1108 = arith.constant 49 : i32
      %get3A_1109 = arith.index_cast %get3A_1108 : i32 to index
      %get3A_1110 = arith.constant 16 : index
      %get3A_1111 = tpu.vector_load %arg7[%get3A_1109, %get3A_1110] {strides = array<i32>} : memref<64x32xf32, #tpu.memory_space<vmem>>, vector<1x16xf32>,
      %get3A_1112 = vector.shape_cast %get3A_1111 : vector<1x16xf32> to vector<16xf32>
      %swap3A_1113 = arith.constant 49 : i32
      %swap3A_1114 = arith.index_cast %swap3A_1113 : i32 to index
      %swap3A_1115 = arith.constant 16 : index
      %swap3A_1116 = tpu.vector_load %arg8[%swap3A_1114, %swap3A_1115] {strides = array<i32>} : memref<64x128xf32, #tpu.memory_space<vmem>>, vector<1x16xf32>,
      %swap3A_1117 = vector.shape_cast %swap3A_1116 : vector<1x16xf32> to vector<16xf32>
      %swap3A_1118 = vector.shape_cast %get3A_1112 : vector<16xf32> to vector<1x16xf32>
      tpu.vector_store %arg8[%swap3A_1114, %swap3A_1115], %swap3A_1118 {strides = array<i32>} : memref<64x128xf32, #tpu.memory_space<vmem>>, vector<1x16xf32>,
      %get3A_1119 = arith.constant 50 : i32
      %get3A_1120 = arith.index_cast %get3A_1119 : i32 to index
      %get3A_1121 = arith.constant 0 : index
      %get3A_1122 = tpu.vector_load %arg7[%get3A_1120, %get3A_1121] {strides = array<i32>} : memref<64x32xf32, #tpu.memory_space<vmem>>, vector<1x16xf32>,
      %get3A_1123 = vector.shape_cast %get3A_1122 : vector<1x16xf32> to vector<16xf32>
      %swap3A_1124 = arith.constant 50 : i32
      %swap3A_1125 = arith.index_cast %swap3A_1124 : i32 to index
      %swap3A_1126 = arith.constant 0 : index
      %swap3A_1127 = tpu.vector_load %arg8[%swap3A_1125, %swap3A_1126] {strides = array<i32>} : memref<64x128xf32, #tpu.memory_space<vmem>>, vector<1x16xf32>,
      %swap3A_1128 = vector.shape_cast %swap3A_1127 : vector<1x16xf32> to vector<16xf32>
      %swap3A_1129 = vector.shape_cast %get3A_1123 : vector<16xf32> to vector<1x16xf32>
      tpu.vector_store %arg8[%swap3A_1125, %swap3A_1126], %swap3A_1129 {strides = array<i32>} : memref<64x128xf32, #tpu.memory_space<vmem>>, vector<1x16xf32>,
      %get3A_1130 = arith.constant 50 : i32
      %get3A_1131 = arith.index_cast %get3A_1130 : i32 to index
      %get3A_1132 = arith.constant 16 : index
      %get3A_1133 = tpu.vector_load %arg7[%get3A_1131, %get3A_1132] {strides = array<i32>} : memref<64x32xf32, #tpu.memory_space<vmem>>, vector<1x16xf32>,
      %get3A_1134 = vector.shape_cast %get3A_1133 : vector<1x16xf32> to vector<16xf32>
      %swap3A_1135 = arith.constant 50 : i32
      %swap3A_1136 = arith.index_cast %swap3A_1135 : i32 to index
      %swap3A_1137 = arith.constant 16 : index
      %swap3A_1138 = tpu.vector_load %arg8[%swap3A_1136, %swap3A_1137] {strides = array<i32>} : memref<64x128xf32, #tpu.memory_space<vmem>>, vector<1x16xf32>,
      %swap3A_1139 = vector.shape_cast %swap3A_1138 : vector<1x16xf32> to vector<16xf32>
      %swap3A_1140 = vector.shape_cast %get3A_1134 : vector<16xf32> to vector<1x16xf32>
      tpu.vector_store %arg8[%swap3A_1136, %swap3A_1137], %swap3A_1140 {strides = array<i32>} : memref<64x128xf32, #tpu.memory_space<vmem>>, vector<1x16xf32>,
      %get3A_1141 = arith.constant 51 : i32
      %get3A_1142 = arith.index_cast %get3A_1141 : i32 to index
      %get3A_1143 = arith.constant 0 : index
      %get3A_1144 = tpu.vector_load %arg7[%get3A_1142, %get3A_1143] {strides = array<i32>} : memref<64x32xf32, #tpu.memory_space<vmem>>, vector<1x16xf32>,
      %get3A_1145 = vector.shape_cast %get3A_1144 : vector<1x16xf32> to vector<16xf32>
      %swap3A_1146 = arith.constant 51 : i32
      %swap3A_1147 = arith.index_cast %swap3A_1146 : i32 to index
      %swap3A_1148 = arith.constant 0 : index
      %swap3A_1149 = tpu.vector_load %arg8[%swap3A_1147, %swap3A_1148] {strides = array<i32>} : memref<64x128xf32, #tpu.memory_space<vmem>>, vector<1x16xf32>,
      %swap3A_1150 = vector.shape_cast %swap3A_1149 : vector<1x16xf32> to vector<16xf32>
      %swap3A_1151 = vector.shape_cast %get3A_1145 : vector<16xf32> to vector<1x16xf32>
      tpu.vector_store %arg8[%swap3A_1147, %swap3A_1148], %swap3A_1151 {strides = array<i32>} : memref<64x128xf32, #tpu.memory_space<vmem>>, vector<1x16xf32>,
      %get3A_1152 = arith.constant 51 : i32
      %get3A_1153 = arith.index_cast %get3A_1152 : i32 to index
      %get3A_1154 = arith.constant 16 : index
      %get3A_1155 = tpu.vector_load %arg7[%get3A_1153, %get3A_1154] {strides = array<i32>} : memref<64x32xf32, #tpu.memory_space<vmem>>, vector<1x16xf32>,
      %get3A_1156 = vector.shape_cast %get3A_1155 : vector<1x16xf32> to vector<16xf32>
      %swap3A_1157 = arith.constant 51 : i32
      %swap3A_1158 = arith.index_cast %swap3A_1157 : i32 to index
      %swap3A_1159 = arith.constant 16 : index
      %swap3A_1160 = tpu.vector_load %arg8[%swap3A_1158, %swap3A_1159] {strides = array<i32>} : memref<64x128xf32, #tpu.memory_space<vmem>>, vector<1x16xf32>,
      %swap3A_1161 = vector.shape_cast %swap3A_1160 : vector<1x16xf32> to vector<16xf32>
      %swap3A_1162 = vector.shape_cast %get3A_1156 : vector<16xf32> to vector<1x16xf32>
      tpu.vector_store %arg8[%swap3A_1158, %swap3A_1159], %swap3A_1162 {strides = array<i32>} : memref<64x128xf32, #tpu.memory_space<vmem>>, vector<1x16xf32>,
      %get3A_1163 = arith.constant 52 : i32
      %get3A_1164 = arith.index_cast %get3A_1163 : i32 to index
      %get3A_1165 = arith.constant 0 : index
      %get3A_1166 = tpu.vector_load %arg7[%get3A_1164, %get3A_1165] {strides = array<i32>} : memref<64x32xf32, #tpu.memory_space<vmem>>, vector<1x16xf32>,
      %get3A_1167 = vector.shape_cast %get3A_1166 : vector<1x16xf32> to vector<16xf32>
      %swap3A_1168 = arith.constant 52 : i32
      %swap3A_1169 = arith.index_cast %swap3A_1168 : i32 to index
      %swap3A_1170 = arith.constant 0 : index
      %swap3A_1171 = tpu.vector_load %arg8[%swap3A_1169, %swap3A_1170] {strides = array<i32>} : memref<64x128xf32, #tpu.memory_space<vmem>>, vector<1x16xf32>,
      %swap3A_1172 = vector.shape_cast %swap3A_1171 : vector<1x16xf32> to vector<16xf32>
      %swap3A_1173 = vector.shape_cast %get3A_1167 : vector<16xf32> to vector<1x16xf32>
      tpu.vector_store %arg8[%swap3A_1169, %swap3A_1170], %swap3A_1173 {strides = array<i32>} : memref<64x128xf32, #tpu.memory_space<vmem>>, vector<1x16xf32>,
      %get3A_1174 = arith.constant 52 : i32
      %get3A_1175 = arith.index_cast %get3A_1174 : i32 to index
      %get3A_1176 = arith.constant 16 : index
      %get3A_1177 = tpu.vector_load %arg7[%get3A_1175, %get3A_1176] {strides = array<i32>} : memref<64x32xf32, #tpu.memory_space<vmem>>, vector<1x16xf32>,
      %get3A_1178 = vector.shape_cast %get3A_1177 : vector<1x16xf32> to vector<16xf32>
      %swap3A_1179 = arith.constant 52 : i32
      %swap3A_1180 = arith.index_cast %swap3A_1179 : i32 to index
      %swap3A_1181 = arith.constant 16 : index
      %swap3A_1182 = tpu.vector_load %arg8[%swap3A_1180, %swap3A_1181] {strides = array<i32>} : memref<64x128xf32, #tpu.memory_space<vmem>>, vector<1x16xf32>,
      %swap3A_1183 = vector.shape_cast %swap3A_1182 : vector<1x16xf32> to vector<16xf32>
      %swap3A_1184 = vector.shape_cast %get3A_1178 : vector<16xf32> to vector<1x16xf32>
      tpu.vector_store %arg8[%swap3A_1180, %swap3A_1181], %swap3A_1184 {strides = array<i32>} : memref<64x128xf32, #tpu.memory_space<vmem>>, vector<1x16xf32>,
      %get3A_1185 = arith.constant 53 : i32
      %get3A_1186 = arith.index_cast %get3A_1185 : i32 to index
      %get3A_1187 = arith.constant 0 : index
      %get3A_1188 = tpu.vector_load %arg7[%get3A_1186, %get3A_1187] {strides = array<i32>} : memref<64x32xf32, #tpu.memory_space<vmem>>, vector<1x16xf32>,
      %get3A_1189 = vector.shape_cast %get3A_1188 : vector<1x16xf32> to vector<16xf32>
      %swap3A_1190 = arith.constant 53 : i32
      %swap3A_1191 = arith.index_cast %swap3A_1190 : i32 to index
      %swap3A_1192 = arith.constant 0 : index
      %swap3A_1193 = tpu.vector_load %arg8[%swap3A_1191, %swap3A_1192] {strides = array<i32>} : memref<64x128xf32, #tpu.memory_space<vmem>>, vector<1x16xf32>,
      %swap3A_1194 = vector.shape_cast %swap3A_1193 : vector<1x16xf32> to vector<16xf32>
      %swap3A_1195 = vector.shape_cast %get3A_1189 : vector<16xf32> to vector<1x16xf32>
      tpu.vector_store %arg8[%swap3A_1191, %swap3A_1192], %swap3A_1195 {strides = array<i32>} : memref<64x128xf32, #tpu.memory_space<vmem>>, vector<1x16xf32>,
      %get3A_1196 = arith.constant 53 : i32
      %get3A_1197 = arith.index_cast %get3A_1196 : i32 to index
      %get3A_1198 = arith.constant 16 : index
      %get3A_1199 = tpu.vector_load %arg7[%get3A_1197, %get3A_1198] {strides = array<i32>} : memref<64x32xf32, #tpu.memory_space<vmem>>, vector<1x16xf32>,
      %get3A_1200 = vector.shape_cast %get3A_1199 : vector<1x16xf32> to vector<16xf32>
      %swap3A_1201 = arith.constant 53 : i32
      %swap3A_1202 = arith.index_cast %swap3A_1201 : i32 to index
      %swap3A_1203 = arith.constant 16 : index
      %swap3A_1204 = tpu.vector_load %arg8[%swap3A_1202, %swap3A_1203] {strides = array<i32>} : memref<64x128xf32, #tpu.memory_space<vmem>>, vector<1x16xf32>,
      %swap3A_1205 = vector.shape_cast %swap3A_1204 : vector<1x16xf32> to vector<16xf32>
      %swap3A_1206 = vector.shape_cast %get3A_1200 : vector<16xf32> to vector<1x16xf32>
      tpu.vector_store %arg8[%swap3A_1202, %swap3A_1203], %swap3A_1206 {strides = array<i32>} : memref<64x128xf32, #tpu.memory_space<vmem>>, vector<1x16xf32>,
      %get3A_1207 = arith.constant 54 : i32
      %get3A_1208 = arith.index_cast %get3A_1207 : i32 to index
      %get3A_1209 = arith.constant 0 : index
      %get3A_1210 = tpu.vector_load %arg7[%get3A_1208, %get3A_1209] {strides = array<i32>} : memref<64x32xf32, #tpu.memory_space<vmem>>, vector<1x16xf32>,
      %get3A_1211 = vector.shape_cast %get3A_1210 : vector<1x16xf32> to vector<16xf32>
      %swap3A_1212 = arith.constant 54 : i32
      %swap3A_1213 = arith.index_cast %swap3A_1212 : i32 to index
      %swap3A_1214 = arith.constant 0 : index
      %swap3A_1215 = tpu.vector_load %arg8[%swap3A_1213, %swap3A_1214] {strides = array<i32>} : memref<64x128xf32, #tpu.memory_space<vmem>>, vector<1x16xf32>,
      %swap3A_1216 = vector.shape_cast %swap3A_1215 : vector<1x16xf32> to vector<16xf32>
      %swap3A_1217 = vector.shape_cast %get3A_1211 : vector<16xf32> to vector<1x16xf32>
      tpu.vector_store %arg8[%swap3A_1213, %swap3A_1214], %swap3A_1217 {strides = array<i32>} : memref<64x128xf32, #tpu.memory_space<vmem>>, vector<1x16xf32>,
      %get3A_1218 = arith.constant 54 : i32
      %get3A_1219 = arith.index_cast %get3A_1218 : i32 to index
      %get3A_1220 = arith.constant 16 : index
      %get3A_1221 = tpu.vector_load %arg7[%get3A_1219, %get3A_1220] {strides = array<i32>} : memref<64x32xf32, #tpu.memory_space<vmem>>, vector<1x16xf32>,
      %get3A_1222 = vector.shape_cast %get3A_1221 : vector<1x16xf32> to vector<16xf32>
      %swap3A_1223 = arith.constant 54 : i32
      %swap3A_1224 = arith.index_cast %swap3A_1223 : i32 to index
      %swap3A_1225 = arith.constant 16 : index
      %swap3A_1226 = tpu.vector_load %arg8[%swap3A_1224, %swap3A_1225] {strides = array<i32>} : memref<64x128xf32, #tpu.memory_space<vmem>>, vector<1x16xf32>,
      %swap3A_1227 = vector.shape_cast %swap3A_1226 : vector<1x16xf32> to vector<16xf32>
      %swap3A_1228 = vector.shape_cast %get3A_1222 : vector<16xf32> to vector<1x16xf32>
      tpu.vector_store %arg8[%swap3A_1224, %swap3A_1225], %swap3A_1228 {strides = array<i32>} : memref<64x128xf32, #tpu.memory_space<vmem>>, vector<1x16xf32>,
      %get3A_1229 = arith.constant 55 : i32
      %get3A_1230 = arith.index_cast %get3A_1229 : i32 to index
      %get3A_1231 = arith.constant 0 : index
      %get3A_1232 = tpu.vector_load %arg7[%get3A_1230, %get3A_1231] {strides = array<i32>} : memref<64x32xf32, #tpu.memory_space<vmem>>, vector<1x16xf32>,
      %get3A_1233 = vector.shape_cast %get3A_1232 : vector<1x16xf32> to vector<16xf32>
      %swap3A_1234 = arith.constant 55 : i32
      %swap3A_1235 = arith.index_cast %swap3A_1234 : i32 to index
      %swap3A_1236 = arith.constant 0 : index
      %swap3A_1237 = tpu.vector_load %arg8[%swap3A_1235, %swap3A_1236] {strides = array<i32>} : memref<64x128xf32, #tpu.memory_space<vmem>>, vector<1x16xf32>,
      %swap3A_1238 = vector.shape_cast %swap3A_1237 : vector<1x16xf32> to vector<16xf32>
      %swap3A_1239 = vector.shape_cast %get3A_1233 : vector<16xf32> to vector<1x16xf32>
      tpu.vector_store %arg8[%swap3A_1235, %swap3A_1236], %swap3A_1239 {strides = array<i32>} : memref<64x128xf32, #tpu.memory_space<vmem>>, vector<1x16xf32>,
      %get3A_1240 = arith.constant 55 : i32
      %get3A_1241 = arith.index_cast %get3A_1240 : i32 to index
      %get3A_1242 = arith.constant 16 : index
      %get3A_1243 = tpu.vector_load %arg7[%get3A_1241, %get3A_1242] {strides = array<i32>} : memref<64x32xf32, #tpu.memory_space<vmem>>, vector<1x16xf32>,
      %get3A_1244 = vector.shape_cast %get3A_1243 : vector<1x16xf32> to vector<16xf32>
      %swap3A_1245 = arith.constant 55 : i32
      %swap3A_1246 = arith.index_cast %swap3A_1245 : i32 to index
      %swap3A_1247 = arith.constant 16 : index
      %swap3A_1248 = tpu.vector_load %arg8[%swap3A_1246, %swap3A_1247] {strides = array<i32>} : memref<64x128xf32, #tpu.memory_space<vmem>>, vector<1x16xf32>,
      %swap3A_1249 = vector.shape_cast %swap3A_1248 : vector<1x16xf32> to vector<16xf32>
      %swap3A_1250 = vector.shape_cast %get3A_1244 : vector<16xf32> to vector<1x16xf32>
      tpu.vector_store %arg8[%swap3A_1246, %swap3A_1247], %swap3A_1250 {strides = array<i32>} : memref<64x128xf32, #tpu.memory_space<vmem>>, vector<1x16xf32>,
      %get3A_1251 = arith.constant 56 : i32
      %get3A_1252 = arith.index_cast %get3A_1251 : i32 to index
      %get3A_1253 = arith.constant 0 : index
      %get3A_1254 = tpu.vector_load %arg7[%get3A_1252, %get3A_1253] {strides = array<i32>} : memref<64x32xf32, #tpu.memory_space<vmem>>, vector<1x16xf32>,
      %get3A_1255 = vector.shape_cast %get3A_1254 : vector<1x16xf32> to vector<16xf32>
      %swap3A_1256 = arith.constant 56 : i32
      %swap3A_1257 = arith.index_cast %swap3A_1256 : i32 to index
      %swap3A_1258 = arith.constant 0 : index
      %swap3A_1259 = tpu.vector_load %arg8[%swap3A_1257, %swap3A_1258] {strides = array<i32>} : memref<64x128xf32, #tpu.memory_space<vmem>>, vector<1x16xf32>,
      %swap3A_1260 = vector.shape_cast %swap3A_1259 : vector<1x16xf32> to vector<16xf32>
      %swap3A_1261 = vector.shape_cast %get3A_1255 : vector<16xf32> to vector<1x16xf32>
      tpu.vector_store %arg8[%swap3A_1257, %swap3A_1258], %swap3A_1261 {strides = array<i32>} : memref<64x128xf32, #tpu.memory_space<vmem>>, vector<1x16xf32>,
      %get3A_1262 = arith.constant 56 : i32
      %get3A_1263 = arith.index_cast %get3A_1262 : i32 to index
      %get3A_1264 = arith.constant 16 : index
      %get3A_1265 = tpu.vector_load %arg7[%get3A_1263, %get3A_1264] {strides = array<i32>} : memref<64x32xf32, #tpu.memory_space<vmem>>, vector<1x16xf32>,
      %get3A_1266 = vector.shape_cast %get3A_1265 : vector<1x16xf32> to vector<16xf32>
      %swap3A_1267 = arith.constant 56 : i32
      %swap3A_1268 = arith.index_cast %swap3A_1267 : i32 to index
      %swap3A_1269 = arith.constant 16 : index
      %swap3A_1270 = tpu.vector_load %arg8[%swap3A_1268, %swap3A_1269] {strides = array<i32>} : memref<64x128xf32, #tpu.memory_space<vmem>>, vector<1x16xf32>,
      %swap3A_1271 = vector.shape_cast %swap3A_1270 : vector<1x16xf32> to vector<16xf32>
      %swap3A_1272 = vector.shape_cast %get3A_1266 : vector<16xf32> to vector<1x16xf32>
      tpu.vector_store %arg8[%swap3A_1268, %swap3A_1269], %swap3A_1272 {strides = array<i32>} : memref<64x128xf32, #tpu.memory_space<vmem>>, vector<1x16xf32>,
      %get3A_1273 = arith.constant 57 : i32
      %get3A_1274 = arith.index_cast %get3A_1273 : i32 to index
      %get3A_1275 = arith.constant 0 : index
      %get3A_1276 = tpu.vector_load %arg7[%get3A_1274, %get3A_1275] {strides = array<i32>} : memref<64x32xf32, #tpu.memory_space<vmem>>, vector<1x16xf32>,
      %get3A_1277 = vector.shape_cast %get3A_1276 : vector<1x16xf32> to vector<16xf32>
      %swap3A_1278 = arith.constant 57 : i32
      %swap3A_1279 = arith.index_cast %swap3A_1278 : i32 to index
      %swap3A_1280 = arith.constant 0 : index
      %swap3A_1281 = tpu.vector_load %arg8[%swap3A_1279, %swap3A_1280] {strides = array<i32>} : memref<64x128xf32, #tpu.memory_space<vmem>>, vector<1x16xf32>,
      %swap3A_1282 = vector.shape_cast %swap3A_1281 : vector<1x16xf32> to vector<16xf32>
      %swap3A_1283 = vector.shape_cast %get3A_1277 : vector<16xf32> to vector<1x16xf32>
      tpu.vector_store %arg8[%swap3A_1279, %swap3A_1280], %swap3A_1283 {strides = array<i32>} : memref<64x128xf32, #tpu.memory_space<vmem>>, vector<1x16xf32>,
      %get3A_1284 = arith.constant 57 : i32
      %get3A_1285 = arith.index_cast %get3A_1284 : i32 to index
      %get3A_1286 = arith.constant 16 : index
      %get3A_1287 = tpu.vector_load %arg7[%get3A_1285, %get3A_1286] {strides = array<i32>} : memref<64x32xf32, #tpu.memory_space<vmem>>, vector<1x16xf32>,
      %get3A_1288 = vector.shape_cast %get3A_1287 : vector<1x16xf32> to vector<16xf32>
      %swap3A_1289 = arith.constant 57 : i32
      %swap3A_1290 = arith.index_cast %swap3A_1289 : i32 to index
      %swap3A_1291 = arith.constant 16 : index
      %swap3A_1292 = tpu.vector_load %arg8[%swap3A_1290, %swap3A_1291] {strides = array<i32>} : memref<64x128xf32, #tpu.memory_space<vmem>>, vector<1x16xf32>,
      %swap3A_1293 = vector.shape_cast %swap3A_1292 : vector<1x16xf32> to vector<16xf32>
      %swap3A_1294 = vector.shape_cast %get3A_1288 : vector<16xf32> to vector<1x16xf32>
      tpu.vector_store %arg8[%swap3A_1290, %swap3A_1291], %swap3A_1294 {strides = array<i32>} : memref<64x128xf32, #tpu.memory_space<vmem>>, vector<1x16xf32>,
      %get3A_1295 = arith.constant 58 : i32
      %get3A_1296 = arith.index_cast %get3A_1295 : i32 to index
      %get3A_1297 = arith.constant 0 : index
      %get3A_1298 = tpu.vector_load %arg7[%get3A_1296, %get3A_1297] {strides = array<i32>} : memref<64x32xf32, #tpu.memory_space<vmem>>, vector<1x16xf32>,
      %get3A_1299 = vector.shape_cast %get3A_1298 : vector<1x16xf32> to vector<16xf32>
      %swap3A_1300 = arith.constant 58 : i32
      %swap3A_1301 = arith.index_cast %swap3A_1300 : i32 to index
      %swap3A_1302 = arith.constant 0 : index
      %swap3A_1303 = tpu.vector_load %arg8[%swap3A_1301, %swap3A_1302] {strides = array<i32>} : memref<64x128xf32, #tpu.memory_space<vmem>>, vector<1x16xf32>,
      %swap3A_1304 = vector.shape_cast %swap3A_1303 : vector<1x16xf32> to vector<16xf32>
      %swap3A_1305 = vector.shape_cast %get3A_1299 : vector<16xf32> to vector<1x16xf32>
      tpu.vector_store %arg8[%swap3A_1301, %swap3A_1302], %swap3A_1305 {strides = array<i32>} : memref<64x128xf32, #tpu.memory_space<vmem>>, vector<1x16xf32>,
      %get3A_1306 = arith.constant 58 : i32
      %get3A_1307 = arith.index_cast %get3A_1306 : i32 to index
      %get3A_1308 = arith.constant 16 : index
      %get3A_1309 = tpu.vector_load %arg7[%get3A_1307, %get3A_1308] {strides = array<i32>} : memref<64x32xf32, #tpu.memory_space<vmem>>, vector<1x16xf32>,
      %get3A_1310 = vector.shape_cast %get3A_1309 : vector<1x16xf32> to vector<16xf32>
      %swap3A_1311 = arith.constant 58 : i32
      %swap3A_1312 = arith.index_cast %swap3A_1311 : i32 to index
      %swap3A_1313 = arith.constant 16 : index
      %swap3A_1314 = tpu.vector_load %arg8[%swap3A_1312, %swap3A_1313] {strides = array<i32>} : memref<64x128xf32, #tpu.memory_space<vmem>>, vector<1x16xf32>,
      %swap3A_1315 = vector.shape_cast %swap3A_1314 : vector<1x16xf32> to vector<16xf32>
      %swap3A_1316 = vector.shape_cast %get3A_1310 : vector<16xf32> to vector<1x16xf32>
      tpu.vector_store %arg8[%swap3A_1312, %swap3A_1313], %swap3A_1316 {strides = array<i32>} : memref<64x128xf32, #tpu.memory_space<vmem>>, vector<1x16xf32>,
      %get3A_1317 = arith.constant 59 : i32
      %get3A_1318 = arith.index_cast %get3A_1317 : i32 to index
      %get3A_1319 = arith.constant 0 : index
      %get3A_1320 = tpu.vector_load %arg7[%get3A_1318, %get3A_1319] {strides = array<i32>} : memref<64x32xf32, #tpu.memory_space<vmem>>, vector<1x16xf32>,
      %get3A_1321 = vector.shape_cast %get3A_1320 : vector<1x16xf32> to vector<16xf32>
      %swap3A_1322 = arith.constant 59 : i32
      %swap3A_1323 = arith.index_cast %swap3A_1322 : i32 to index
      %swap3A_1324 = arith.constant 0 : index
      %swap3A_1325 = tpu.vector_load %arg8[%swap3A_1323, %swap3A_1324] {strides = array<i32>} : memref<64x128xf32, #tpu.memory_space<vmem>>, vector<1x16xf32>,
      %swap3A_1326 = vector.shape_cast %swap3A_1325 : vector<1x16xf32> to vector<16xf32>
      %swap3A_1327 = vector.shape_cast %get3A_1321 : vector<16xf32> to vector<1x16xf32>
      tpu.vector_store %arg8[%swap3A_1323, %swap3A_1324], %swap3A_1327 {strides = array<i32>} : memref<64x128xf32, #tpu.memory_space<vmem>>, vector<1x16xf32>,
      %get3A_1328 = arith.constant 59 : i32
      %get3A_1329 = arith.index_cast %get3A_1328 : i32 to index
      %get3A_1330 = arith.constant 16 : index
      %get3A_1331 = tpu.vector_load %arg7[%get3A_1329, %get3A_1330] {strides = array<i32>} : memref<64x32xf32, #tpu.memory_space<vmem>>, vector<1x16xf32>,
      %get3A_1332 = vector.shape_cast %get3A_1331 : vector<1x16xf32> to vector<16xf32>
      %swap3A_1333 = arith.constant 59 : i32
      %swap3A_1334 = arith.index_cast %swap3A_1333 : i32 to index
      %swap3A_1335 = arith.constant 16 : index
      %swap3A_1336 = tpu.vector_load %arg8[%swap3A_1334, %swap3A_1335] {strides = array<i32>} : memref<64x128xf32, #tpu.memory_space<vmem>>, vector<1x16xf32>,
      %swap3A_1337 = vector.shape_cast %swap3A_1336 : vector<1x16xf32> to vector<16xf32>
      %swap3A_1338 = vector.shape_cast %get3A_1332 : vector<16xf32> to vector<1x16xf32>
      tpu.vector_store %arg8[%swap3A_1334, %swap3A_1335], %swap3A_1338 {strides = array<i32>} : memref<64x128xf32, #tpu.memory_space<vmem>>, vector<1x16xf32>,
      %get3A_1339 = arith.constant 60 : i32
      %get3A_1340 = arith.index_cast %get3A_1339 : i32 to index
      %get3A_1341 = arith.constant 0 : index
      %get3A_1342 = tpu.vector_load %arg7[%get3A_1340, %get3A_1341] {strides = array<i32>} : memref<64x32xf32, #tpu.memory_space<vmem>>, vector<1x16xf32>,
      %get3A_1343 = vector.shape_cast %get3A_1342 : vector<1x16xf32> to vector<16xf32>
      %swap3A_1344 = arith.constant 60 : i32
      %swap3A_1345 = arith.index_cast %swap3A_1344 : i32 to index
      %swap3A_1346 = arith.constant 0 : index
      %swap3A_1347 = tpu.vector_load %arg8[%swap3A_1345, %swap3A_1346] {strides = array<i32>} : memref<64x128xf32, #tpu.memory_space<vmem>>, vector<1x16xf32>,
      %swap3A_1348 = vector.shape_cast %swap3A_1347 : vector<1x16xf32> to vector<16xf32>
      %swap3A_1349 = vector.shape_cast %get3A_1343 : vector<16xf32> to vector<1x16xf32>
      tpu.vector_store %arg8[%swap3A_1345, %swap3A_1346], %swap3A_1349 {strides = array<i32>} : memref<64x128xf32, #tpu.memory_space<vmem>>, vector<1x16xf32>,
      %get3A_1350 = arith.constant 60 : i32
      %get3A_1351 = arith.index_cast %get3A_1350 : i32 to index
      %get3A_1352 = arith.constant 16 : index
      %get3A_1353 = tpu.vector_load %arg7[%get3A_1351, %get3A_1352] {strides = array<i32>} : memref<64x32xf32, #tpu.memory_space<vmem>>, vector<1x16xf32>,
      %get3A_1354 = vector.shape_cast %get3A_1353 : vector<1x16xf32> to vector<16xf32>
      %swap3A_1355 = arith.constant 60 : i32
      %swap3A_1356 = arith.index_cast %swap3A_1355 : i32 to index
      %swap3A_1357 = arith.constant 16 : index
      %swap3A_1358 = tpu.vector_load %arg8[%swap3A_1356, %swap3A_1357] {strides = array<i32>} : memref<64x128xf32, #tpu.memory_space<vmem>>, vector<1x16xf32>,
      %swap3A_1359 = vector.shape_cast %swap3A_1358 : vector<1x16xf32> to vector<16xf32>
      %swap3A_1360 = vector.shape_cast %get3A_1354 : vector<16xf32> to vector<1x16xf32>
      tpu.vector_store %arg8[%swap3A_1356, %swap3A_1357], %swap3A_1360 {strides = array<i32>} : memref<64x128xf32, #tpu.memory_space<vmem>>, vector<1x16xf32>,
      %get3A_1361 = arith.constant 61 : i32
      %get3A_1362 = arith.index_cast %get3A_1361 : i32 to index
      %get3A_1363 = arith.constant 0 : index
      %get3A_1364 = tpu.vector_load %arg7[%get3A_1362, %get3A_1363] {strides = array<i32>} : memref<64x32xf32, #tpu.memory_space<vmem>>, vector<1x16xf32>,
      %get3A_1365 = vector.shape_cast %get3A_1364 : vector<1x16xf32> to vector<16xf32>
      %swap3A_1366 = arith.constant 61 : i32
      %swap3A_1367 = arith.index_cast %swap3A_1366 : i32 to index
      %swap3A_1368 = arith.constant 0 : index
      %swap3A_1369 = tpu.vector_load %arg8[%swap3A_1367, %swap3A_1368] {strides = array<i32>} : memref<64x128xf32, #tpu.memory_space<vmem>>, vector<1x16xf32>,
      %swap3A_1370 = vector.shape_cast %swap3A_1369 : vector<1x16xf32> to vector<16xf32>
      %swap3A_1371 = vector.shape_cast %get3A_1365 : vector<16xf32> to vector<1x16xf32>
      tpu.vector_store %arg8[%swap3A_1367, %swap3A_1368], %swap3A_1371 {strides = array<i32>} : memref<64x128xf32, #tpu.memory_space<vmem>>, vector<1x16xf32>,
      %get3A_1372 = arith.constant 61 : i32
      %get3A_1373 = arith.index_cast %get3A_1372 : i32 to index
      %get3A_1374 = arith.constant 16 : index
      %get3A_1375 = tpu.vector_load %arg7[%get3A_1373, %get3A_1374] {strides = array<i32>} : memref<64x32xf32, #tpu.memory_space<vmem>>, vector<1x16xf32>,
      %get3A_1376 = vector.shape_cast %get3A_1375 : vector<1x16xf32> to vector<16xf32>
      %swap3A_1377 = arith.constant 61 : i32
      %swap3A_1378 = arith.index_cast %swap3A_1377 : i32 to index
      %swap3A_1379 = arith.constant 16 : index
      %swap3A_1380 = tpu.vector_load %arg8[%swap3A_1378, %swap3A_1379] {strides = array<i32>} : memref<64x128xf32, #tpu.memory_space<vmem>>, vector<1x16xf32>,
      %swap3A_1381 = vector.shape_cast %swap3A_1380 : vector<1x16xf32> to vector<16xf32>
      %swap3A_1382 = vector.shape_cast %get3A_1376 : vector<16xf32> to vector<1x16xf32>
      tpu.vector_store %arg8[%swap3A_1378, %swap3A_1379], %swap3A_1382 {strides = array<i32>} : memref<64x128xf32, #tpu.memory_space<vmem>>, vector<1x16xf32>,
      %get3A_1383 = arith.constant 62 : i32
      %get3A_1384 = arith.index_cast %get3A_1383 : i32 to index
      %get3A_1385 = arith.constant 0 : index
      %get3A_1386 = tpu.vector_load %arg7[%get3A_1384, %get3A_1385] {strides = array<i32>} : memref<64x32xf32, #tpu.memory_space<vmem>>, vector<1x16xf32>,
      %get3A_1387 = vector.shape_cast %get3A_1386 : vector<1x16xf32> to vector<16xf32>
      %swap3A_1388 = arith.constant 62 : i32
      %swap3A_1389 = arith.index_cast %swap3A_1388 : i32 to index
      %swap3A_1390 = arith.constant 0 : index
      %swap3A_1391 = tpu.vector_load %arg8[%swap3A_1389, %swap3A_1390] {strides = array<i32>} : memref<64x128xf32, #tpu.memory_space<vmem>>, vector<1x16xf32>,
      %swap3A_1392 = vector.shape_cast %swap3A_1391 : vector<1x16xf32> to vector<16xf32>
      %swap3A_1393 = vector.shape_cast %get3A_1387 : vector<16xf32> to vector<1x16xf32>
      tpu.vector_store %arg8[%swap3A_1389, %swap3A_1390], %swap3A_1393 {strides = array<i32>} : memref<64x128xf32, #tpu.memory_space<vmem>>, vector<1x16xf32>,
      %get3A_1394 = arith.constant 62 : i32
      %get3A_1395 = arith.index_cast %get3A_1394 : i32 to index
      %get3A_1396 = arith.constant 16 : index
      %get3A_1397 = tpu.vector_load %arg7[%get3A_1395, %get3A_1396] {strides = array<i32>} : memref<64x32xf32, #tpu.memory_space<vmem>>, vector<1x16xf32>,
      %get3A_1398 = vector.shape_cast %get3A_1397 : vector<1x16xf32> to vector<16xf32>
      %swap3A_1399 = arith.constant 62 : i32
      %swap3A_1400 = arith.index_cast %swap3A_1399 : i32 to index
      %swap3A_1401 = arith.constant 16 : index
      %swap3A_1402 = tpu.vector_load %arg8[%swap3A_1400, %swap3A_1401] {strides = array<i32>} : memref<64x128xf32, #tpu.memory_space<vmem>>, vector<1x16xf32>,
      %swap3A_1403 = vector.shape_cast %swap3A_1402 : vector<1x16xf32> to vector<16xf32>
      %swap3A_1404 = vector.shape_cast %get3A_1398 : vector<16xf32> to vector<1x16xf32>
      tpu.vector_store %arg8[%swap3A_1400, %swap3A_1401], %swap3A_1404 {strides = array<i32>} : memref<64x128xf32, #tpu.memory_space<vmem>>, vector<1x16xf32>,
      %get3A_1405 = arith.constant 63 : i32
      %get3A_1406 = arith.index_cast %get3A_1405 : i32 to index
      %get3A_1407 = arith.constant 0 : index
      %get3A_1408 = tpu.vector_load %arg7[%get3A_1406, %get3A_1407] {strides = array<i32>} : memref<64x32xf32, #tpu.memory_space<vmem>>, vector<1x16xf32>,
      %get3A_1409 = vector.shape_cast %get3A_1408 : vector<1x16xf32> to vector<16xf32>
      %swap3A_1410 = arith.constant 63 : i32
      %swap3A_1411 = arith.index_cast %swap3A_1410 : i32 to index
      %swap3A_1412 = arith.constant 0 : index
      %swap3A_1413 = tpu.vector_load %arg8[%swap3A_1411, %swap3A_1412] {strides = array<i32>} : memref<64x128xf32, #tpu.memory_space<vmem>>, vector<1x16xf32>,
      %swap3A_1414 = vector.shape_cast %swap3A_1413 : vector<1x16xf32> to vector<16xf32>
      %swap3A_1415 = vector.shape_cast %get3A_1409 : vector<16xf32> to vector<1x16xf32>
      tpu.vector_store %arg8[%swap3A_1411, %swap3A_1412], %swap3A_1415 {strides = array<i32>} : memref<64x128xf32, #tpu.memory_space<vmem>>, vector<1x16xf32>,
      %get3A_1416 = arith.constant 63 : i32
      %get3A_1417 = arith.index_cast %get3A_1416 : i32 to index
      %get3A_1418 = arith.constant 16 : index
      %get3A_1419 = tpu.vector_load %arg7[%get3A_1417, %get3A_1418] {strides = array<i32>} : memref<64x32xf32, #tpu.memory_space<vmem>>, vector<1x16xf32>,
      %get3A_1420 = vector.shape_cast %get3A_1419 : vector<1x16xf32> to vector<16xf32>
      %swap3A_1421 = arith.constant 63 : i32
      %swap3A_1422 = arith.index_cast %swap3A_1421 : i32 to index
      %swap3A_1423 = arith.constant 16 : index
      %swap3A_1424 = tpu.vector_load %arg8[%swap3A_1422, %swap3A_1423] {strides = array<i32>} : memref<64x128xf32, #tpu.memory_space<vmem>>, vector<1x16xf32>,
      %swap3A_1425 = vector.shape_cast %swap3A_1424 : vector<1x16xf32> to vector<16xf32>
      %swap3A_1426 = vector.shape_cast %get3A_1420 : vector<16xf32> to vector<1x16xf32>
      tpu.vector_store %arg8[%swap3A_1422, %swap3A_1423], %swap3A_1426 {strides = array<i32>} : memref<64x128xf32, #tpu.memory_space<vmem>>, vector<1x16xf32>,
      "tpu.region"() ({
        %run_scoped3A = tpu.sem_alloc : memref<!tpu.dma_semaphore, #tpu.memory_space<semaphore_mem>>
        %dma_start3A = arith.constant 0 : i32
        %dma_start3A_1427 = arith.constant 0 : i32
        %dma_start3A_1428 = tpu.memref_slice %arg9[%dma_start3A, %dma_start3A_1427] : memref<10240x128xf32, #tpu.memory_space<vmem_shared>> -> memref<10240x128xf32, #tpu.memory_space<vmem_shared>>
        tpu.enqueue_indirect_dma source(%arg8 : memref<64x128xf32, #tpu.memory_space<vmem>>) target(%dma_start3A_1428 : memref<10240x128xf32, #tpu.memory_space<vmem_shared>>) offsets(%arg6 : memref<64xi32, #tpu.memory_space<vmem>>) semaphore(%run_scoped3A : memref<!tpu.dma_semaphore, #tpu.memory_space<semaphore_mem>>) {add = true}
        %dma_wait3A = arith.constant 0 : i32
        %dma_wait3A_1429 = arith.constant 0 : i32
        %dma_wait3A_1430 = tpu.memref_slice %arg9[%dma_wait3A, %dma_wait3A_1429] : memref<10240x128xf32, #tpu.memory_space<vmem_shared>> -> memref<10240x128xf32, #tpu.memory_space<vmem_shared>>
        tpu.wait_indirect_dma semaphore(%run_scoped3A : memref<!tpu.dma_semaphore, #tpu.memory_space<semaphore_mem>>) src(%arg8 : memref<64x128xf32, #tpu.memory_space<vmem>>) dst(%dma_wait3A_1430 : memref<10240x128xf32, #tpu.memory_space<vmem_shared>>)
        tpu.yield
      }) : () -> ()
    }
    %scan3A_6 = arith.constant 160 : i32
    %barrier3A_7 = arith.constant 0 : index
    tpu.barrier barrier_id(%barrier3A_7)
    %mul3A_8 = arith.constant 16 : i32
    %mul3A_9 = arith.muli %arg0, %mul3A_8 : i32
    %add3A_10 = arith.addi %mul3A_9, %arg1 : i32
    "tpu.region"() ({
      %run_scoped3A = tpu.sem_alloc : memref<!tpu.dma_semaphore, #tpu.memory_space<semaphore_mem>>
      %dma_start3A = arith.constant 0 : i32
      %dma_start3A_11 = arith.constant 0 : i32
      %dma_start3A_12 = tpu.memref_slice %arg5[%add3A_10, %dma_start3A, %dma_start3A_11] : memref<32x640x128xf32, #tpu.memory_space<hbm>> -> memref<1x640x128xf32, #tpu.memory_space<hbm>>
      %dma_start3A_13 = tpu.memref_squeeze %dma_start3A_12 : memref<1x640x128xf32, #tpu.memory_space<hbm>> -> memref<640x128xf32, #tpu.memory_space<hbm>>
      %dma_start3A_14 = arith.constant 0 : i32
      %dma_start3A_15 = tpu.memref_slice %arg9[%mul3A_2, %dma_start3A_14] : memref<10240x128xf32, #tpu.memory_space<vmem_shared>> -> memref<640x128xf32, #tpu.memory_space<vmem_shared>>
      tpu.enqueue_dma source(%dma_start3A_15 : memref<640x128xf32, #tpu.memory_space<vmem_shared>>) target(%dma_start3A_13 : memref<640x128xf32, #tpu.memory_space<hbm>>) target_semaphore(%run_scoped3A : memref<!tpu.dma_semaphore, #tpu.memory_space<semaphore_mem>>)
      %dma_wait3A = arith.constant 0 : i32
      %dma_wait3A_16 = arith.constant 0 : i32
      %dma_wait3A_17 = tpu.memref_slice %arg5[%add3A_10, %dma_wait3A, %dma_wait3A_16] : memref<32x640x128xf32, #tpu.memory_space<hbm>> -> memref<1x640x128xf32, #tpu.memory_space<hbm>>
      %dma_wait3A_18 = tpu.memref_squeeze %dma_wait3A_17 : memref<1x640x128xf32, #tpu.memory_space<hbm>> -> memref<640x128xf32, #tpu.memory_space<hbm>>
      %dma_wait3A_19 = arith.constant 0 : i32
      %dma_wait3A_20 = tpu.memref_slice %arg9[%mul3A_2, %dma_wait3A_19] : memref<10240x128xf32, #tpu.memory_space<vmem_shared>> -> memref<640x128xf32, #tpu.memory_space<vmem_shared>>
      tpu.wait_dma2 semaphore(%run_scoped3A : memref<!tpu.dma_semaphore, #tpu.memory_space<semaphore_mem>>) src(%dma_wait3A_20 : memref<640x128xf32, #tpu.memory_space<vmem_shared>>) dst(%dma_wait3A_18 : memref<640x128xf32, #tpu.memory_space<hbm>>)
      tpu.yield
    }) : () -> ()
    return
  }
}

module attributes {stable_mosaic.version = 14 : i64} {
  func.func @body(%arg0: i32, %arg1: memref<512x128xf32, #tpu.memory_space<vmem>>, %arg2: memref<2x512x128xf32, #tpu.memory_space<vmem>>, %arg3: memref<2x512x128xf32, #tpu.memory_space<vmem>>, %arg4: memref<128x128xf32, #tpu.memory_space<vmem>>, %arg5: memref<1x128xf32, #tpu.memory_space<vmem>>, %arg6: memref<128x128xf32, #tpu.memory_space<vmem>>, %arg7: memref<16x128xf32, #tpu.memory_space<vmem>>, %arg8: memref<1x128xf32, #tpu.memory_space<vmem>>, %arg9: memref<1x128xf32, #tpu.memory_space<vmem>>, %arg10: memref<1x128xf32, #tpu.memory_space<vmem>>, %arg11: memref<512x128xf32, #tpu.memory_space<vmem>>) attributes {dimension_semantics = [#tpu.dimension_semantics<arbitrary>], iteration_bounds = array<i64: 20>, scalar_prefetch = 0 : i64, scratch_operands = 0 : i64, tpu.core_type = #tpu.core_type<tc>, window_params = [{transform_indices = @transform_0, window_bounds = array<i64: 512, 128>}, {transform_indices = @transform_1, window_bounds = array<i64: 2, 512, 128>}, {transform_indices = @transform_2, window_bounds = array<i64: 2, 512, 128>}, {pipeline_mode = #tpu.pipeline_mode<synchronous>, transform_indices = @transform_3, window_bounds = array<i64: 128, 128>}, {pipeline_mode = #tpu.pipeline_mode<synchronous>, transform_indices = @transform_4, window_bounds = array<i64: 1, 128>}, {pipeline_mode = #tpu.pipeline_mode<synchronous>, transform_indices = @transform_5, window_bounds = array<i64: 128, 128>}, {pipeline_mode = #tpu.pipeline_mode<synchronous>, transform_indices = @transform_6, window_bounds = array<i64: 16, 128>}, {pipeline_mode = #tpu.pipeline_mode<synchronous>, transform_indices = @transform_7, window_bounds = array<i64: 1, 128>}, {pipeline_mode = #tpu.pipeline_mode<synchronous>, transform_indices = @transform_8, window_bounds = array<i64: 1, 128>}, {pipeline_mode = #tpu.pipeline_mode<synchronous>, transform_indices = @transform_9, window_bounds = array<i64: 1, 128>}, {transform_indices = @transform_10, window_bounds = array<i64: 512, 128>}]} {
    %get3A = arith.constant 0 : index
    %get3A_0 = arith.constant 0 : index
    %get3A_1 = vector.load %arg1[%get3A, %get3A_0] : memref<512x128xf32, #tpu.memory_space<vmem>>, vector<512x128xf32>
    %get3A_2 = arith.constant 0 : index
    %get3A_3 = arith.constant 0 : index
    %get3A_4 = arith.constant 0 : index
    %get3A_5 = vector.load %arg2[%get3A_2, %get3A_3, %get3A_4] : memref<2x512x128xf32, #tpu.memory_space<vmem>>, vector<1x512x128xf32>
    %get3A_6 = vector.shape_cast %get3A_5 : vector<1x512x128xf32> to vector<512x128xf32>
    %get3A_7 = arith.constant 1 : index
    %get3A_8 = arith.constant 0 : index
    %get3A_9 = arith.constant 0 : index
    %get3A_10 = vector.load %arg2[%get3A_7, %get3A_8, %get3A_9] : memref<2x512x128xf32, #tpu.memory_space<vmem>>, vector<1x512x128xf32>
    %get3A_11 = vector.shape_cast %get3A_10 : vector<1x512x128xf32> to vector<512x128xf32>
    %add3A = arith.addf %get3A_6, %get3A_11 : vector<512x128xf32>
    %get3A_12 = arith.constant 0 : index
    %get3A_13 = arith.constant 0 : index
    %get3A_14 = arith.constant 0 : index
    %get3A_15 = vector.load %arg3[%get3A_12, %get3A_13, %get3A_14] : memref<2x512x128xf32, #tpu.memory_space<vmem>>, vector<1x512x128xf32>
    %get3A_16 = vector.shape_cast %get3A_15 : vector<1x512x128xf32> to vector<512x128xf32>
    %get3A_17 = arith.constant 1 : index
    %get3A_18 = arith.constant 0 : index
    %get3A_19 = arith.constant 0 : index
    %get3A_20 = vector.load %arg3[%get3A_17, %get3A_18, %get3A_19] : memref<2x512x128xf32, #tpu.memory_space<vmem>>, vector<1x512x128xf32>
    %get3A_21 = vector.shape_cast %get3A_20 : vector<1x512x128xf32> to vector<512x128xf32>
    %add3A_22 = arith.addf %get3A_16, %get3A_21 : vector<512x128xf32>
    %slice3A = vector.extract_strided_slice %add3A_22 {offsets = [0, 0], sizes = [512, 16], strides = [1, 1]} : vector<512x128xf32> to vector<512x16xf32>
    %slice3A_23 = vector.extract_strided_slice %add3A_22 {offsets = [0, 16], sizes = [512, 1], strides = [1, 1]} : vector<512x128xf32> to vector<512x1xf32>
    %squeeze3A = vector.shape_cast %slice3A_23 : vector<512x1xf32> to vector<512xf32>
    %get3A_24 = arith.constant 0 : index
    %get3A_25 = arith.constant 0 : index
    %get3A_26 = vector.load %arg6[%get3A_24, %get3A_25] : memref<128x128xf32, #tpu.memory_space<vmem>>, vector<128x128xf32>
    %dot_general3A = arith.constant dense<0.000000e+00> : vector<512x128xf32>
    %dot_general3A_27 = tpu.matmul %add3A, %get3A_26, %dot_general3A {dimension_numbers = #tpu.dot_dimension_numbers<[1], [0], [0], [1], [0, 0, 1, 1], [], []>, transpose_lhs_hint = false} : vector<512x128xf32>, vector<128x128xf32>, vector<512x128xf32> -> vector<512x128xf32>
    %get3A_28 = arith.constant 0 : index
    %get3A_29 = arith.constant 0 : index
    %get3A_30 = vector.load %arg7[%get3A_28, %get3A_29] : memref<16x128xf32, #tpu.memory_space<vmem>>, vector<16x128xf32>
    %dot_general3A_31 = arith.constant dense<0.000000e+00> : vector<512x128xf32>
    %dot_general3A_32 = tpu.matmul %slice3A, %get3A_30, %dot_general3A_31 {dimension_numbers = #tpu.dot_dimension_numbers<[1], [0], [0], [1], [0, 0, 1, 1], [], []>, transpose_lhs_hint = false} : vector<512x16xf32>, vector<16x128xf32>, vector<512x128xf32> -> vector<512x128xf32>
    %add3A_33 = arith.addf %dot_general3A_27, %dot_general3A_32 : vector<512x128xf32>
    %broadcast_in_dim3A = vector.shape_cast %squeeze3A : vector<512xf32> to vector<512x1xf32>
    %get3A_34 = arith.constant 0 : index
    %get3A_35 = arith.constant 0 : index
    %get3A_36 = vector.load %arg8[%get3A_34, %get3A_35] : memref<1x128xf32, #tpu.memory_space<vmem>>, vector<1x128xf32>
    %mul3A = vector.broadcast %broadcast_in_dim3A : vector<512x1xf32> to vector<512x128xf32>
    %mul3A_37 = vector.broadcast %get3A_36 : vector<1x128xf32> to vector<512x128xf32>
    %mul3A_38 = arith.mulf %mul3A, %mul3A_37 : vector<512x128xf32>
    %add3A_39 = arith.addf %add3A_33, %mul3A_38 : vector<512x128xf32>
    %max3A = arith.constant 1.000000e+00 : f32
    %max3A_40 = vector.broadcast %max3A : f32 to vector<512xf32>
    %max3A_41 = arith.maximumf %squeeze3A, %max3A_40 : vector<512xf32>
    %broadcast_in_dim3A_42 = vector.shape_cast %max3A_41 : vector<512xf32> to vector<512x1xf32>
    %div3A = vector.broadcast %broadcast_in_dim3A_42 : vector<512x1xf32> to vector<512x128xf32>
    %div3A_43 = arith.divf %add3A_39, %div3A : vector<512x128xf32>
    %get3A_44 = arith.constant 0 : index
    %get3A_45 = arith.constant 0 : index
    %get3A_46 = vector.load %arg4[%get3A_44, %get3A_45] : memref<128x128xf32, #tpu.memory_space<vmem>>, vector<128x128xf32>
    %dot_general3A_47 = arith.constant dense<0.000000e+00> : vector<512x128xf32>
    %dot_general3A_48 = tpu.matmul %get3A_1, %get3A_46, %dot_general3A_47 {dimension_numbers = #tpu.dot_dimension_numbers<[1], [0], [0], [1], [0, 0, 1, 1], [], []>, transpose_lhs_hint = false} : vector<512x128xf32>, vector<128x128xf32>, vector<512x128xf32> -> vector<512x128xf32>
    %get3A_49 = arith.constant 0 : index
    %get3A_50 = arith.constant 0 : index
    %get3A_51 = vector.load %arg5[%get3A_49, %get3A_50] : memref<1x128xf32, #tpu.memory_space<vmem>>, vector<1x128xf32>
    %add3A_52 = vector.broadcast %get3A_51 : vector<1x128xf32> to vector<512x128xf32>
    %add3A_53 = arith.addf %dot_general3A_48, %add3A_52 : vector<512x128xf32>
    %add3A_54 = arith.addf %add3A_53, %div3A_43 : vector<512x128xf32>
    %reduce_sum3A = arith.constant dense<0.000000e+00> : vector<512xf32>
    %reduce_sum3A_55 = vector.multi_reduction <add>, %add3A_54, %reduce_sum3A [1] : vector<512x128xf32> to vector<512xf32>
    %broadcast_in_dim3A_56 = vector.shape_cast %reduce_sum3A_55 : vector<512xf32> to vector<512x1xf32>
    %div3A_57 = arith.constant 1.280000e+02 : f32
    %div3A_58 = vector.broadcast %div3A_57 : f32 to vector<512x1xf32>
    %div3A_59 = arith.divf %broadcast_in_dim3A_56, %div3A_58 : vector<512x1xf32>
    %sub3A = vector.broadcast %div3A_59 : vector<512x1xf32> to vector<512x128xf32>
    %sub3A_60 = arith.subf %add3A_54, %sub3A : vector<512x128xf32>
    %integer_pow3A = arith.mulf %sub3A_60, %sub3A_60 : vector<512x128xf32>
    %reduce_sum3A_61 = arith.constant dense<0.000000e+00> : vector<512xf32>
    %reduce_sum3A_62 = vector.multi_reduction <add>, %integer_pow3A, %reduce_sum3A_61 [1] : vector<512x128xf32> to vector<512xf32>
    %broadcast_in_dim3A_63 = vector.shape_cast %reduce_sum3A_62 : vector<512xf32> to vector<512x1xf32>
    %div3A_64 = arith.constant 1.280000e+02 : f32
    %div3A_65 = vector.broadcast %div3A_64 : f32 to vector<512x1xf32>
    %div3A_66 = arith.divf %broadcast_in_dim3A_63, %div3A_65 : vector<512x1xf32>
    %sub3A_67 = vector.broadcast %div3A_59 : vector<512x1xf32> to vector<512x128xf32>
    %sub3A_68 = arith.subf %add3A_54, %sub3A_67 : vector<512x128xf32>
    %add3A_69 = arith.constant 9.99999974E-6 : f32
    %add3A_70 = vector.broadcast %add3A_69 : f32 to vector<512x1xf32>
    %add3A_71 = arith.addf %div3A_66, %add3A_70 : vector<512x1xf32>
    %rsqrt3A = math.rsqrt %add3A_71 : vector<512x1xf32>
    %mul3A_72 = vector.broadcast %rsqrt3A : vector<512x1xf32> to vector<512x128xf32>
    %mul3A_73 = arith.mulf %sub3A_68, %mul3A_72 : vector<512x128xf32>
    %get3A_74 = arith.constant 0 : index
    %get3A_75 = arith.constant 0 : index
    %get3A_76 = vector.load %arg9[%get3A_74, %get3A_75] : memref<1x128xf32, #tpu.memory_space<vmem>>, vector<1x128xf32>
    %mul3A_77 = vector.broadcast %get3A_76 : vector<1x128xf32> to vector<512x128xf32>
    %mul3A_78 = arith.mulf %mul3A_73, %mul3A_77 : vector<512x128xf32>
    %get3A_79 = arith.constant 0 : index
    %get3A_80 = arith.constant 0 : index
    %get3A_81 = vector.load %arg10[%get3A_79, %get3A_80] : memref<1x128xf32, #tpu.memory_space<vmem>>, vector<1x128xf32>
    %add3A_82 = vector.broadcast %get3A_81 : vector<1x128xf32> to vector<512x128xf32>
    %add3A_83 = arith.addf %mul3A_78, %add3A_82 : vector<512x128xf32>
    %max3A_84 = arith.constant 0.000000e+00 : f32
    %max3A_85 = vector.broadcast %max3A_84 : f32 to vector<512x128xf32>
    %max3A_86 = arith.maximumf %add3A_83, %max3A_85 : vector<512x128xf32>
    %swap3A = arith.constant 0 : index
    %swap3A_87 = arith.constant 0 : index
    %swap3A_88 = vector.load %arg11[%swap3A, %swap3A_87] : memref<512x128xf32, #tpu.memory_space<vmem>>, vector<512x128xf32>
    tpu.vector_store %arg11[%swap3A, %swap3A_87], %max3A_86 {strides = array<i32>} : memref<512x128xf32, #tpu.memory_space<vmem>>, vector<512x128xf32>,
    return
  }
  func.func @transform_0(%arg0: i32) -> (i32, i32) {
    %c0_i32 = arith.constant 0 : i32
    %c0_i32_0 = arith.constant 0 : i32
    return %arg0, %c0_i32 : i32, i32
  }
  func.func @transform_1(%arg0: i32) -> (i32, i32, i32) {
    %c0_i32 = arith.constant 0 : i32
    %c0_i32_0 = arith.constant 0 : i32
    %c0_i32_1 = arith.constant 0 : i32
    return %c0_i32, %arg0, %c0_i32_0 : i32, i32, i32
  }
  func.func @transform_2(%arg0: i32) -> (i32, i32, i32) {
    %c0_i32 = arith.constant 0 : i32
    %c0_i32_0 = arith.constant 0 : i32
    %c0_i32_1 = arith.constant 0 : i32
    return %c0_i32, %arg0, %c0_i32_0 : i32, i32, i32
  }
  func.func @transform_3(%arg0: i32) -> (i32, i32) {
    %c0_i32 = arith.constant 0 : i32
    %c0_i32_0 = arith.constant 0 : i32
    %c0_i32_1 = arith.constant 0 : i32
    return %c0_i32, %c0_i32_0 : i32, i32
  }
  func.func @transform_4(%arg0: i32) -> (i32, i32) {
    %c0_i32 = arith.constant 0 : i32
    %c0_i32_0 = arith.constant 0 : i32
    %c0_i32_1 = arith.constant 0 : i32
    return %c0_i32, %c0_i32_0 : i32, i32
  }
  func.func @transform_5(%arg0: i32) -> (i32, i32) {
    %c0_i32 = arith.constant 0 : i32
    %c0_i32_0 = arith.constant 0 : i32
    %c0_i32_1 = arith.constant 0 : i32
    return %c0_i32, %c0_i32_0 : i32, i32
  }
  func.func @transform_6(%arg0: i32) -> (i32, i32) {
    %c0_i32 = arith.constant 0 : i32
    %c0_i32_0 = arith.constant 0 : i32
    %c0_i32_1 = arith.constant 0 : i32
    return %c0_i32, %c0_i32_0 : i32, i32
  }
  func.func @transform_7(%arg0: i32) -> (i32, i32) {
    %c0_i32 = arith.constant 0 : i32
    %c0_i32_0 = arith.constant 0 : i32
    %c0_i32_1 = arith.constant 0 : i32
    return %c0_i32, %c0_i32_0 : i32, i32
  }
  func.func @transform_8(%arg0: i32) -> (i32, i32) {
    %c0_i32 = arith.constant 0 : i32
    %c0_i32_0 = arith.constant 0 : i32
    %c0_i32_1 = arith.constant 0 : i32
    return %c0_i32, %c0_i32_0 : i32, i32
  }
  func.func @transform_9(%arg0: i32) -> (i32, i32) {
    %c0_i32 = arith.constant 0 : i32
    %c0_i32_0 = arith.constant 0 : i32
    %c0_i32_1 = arith.constant 0 : i32
    return %c0_i32, %c0_i32_0 : i32, i32
  }
  func.func @transform_10(%arg0: i32) -> (i32, i32) {
    %c0_i32 = arith.constant 0 : i32
    %c0_i32_0 = arith.constant 0 : i32
    return %arg0, %c0_i32 : i32, i32
  }
}

module attributes {stable_mosaic.version = 14 : i64} {
  func.func @body(%arg0: i32, %arg1: memref<512x128xf32, #tpu.memory_space<vmem>>, %arg2: memref<2x512x128xf32, #tpu.memory_space<vmem>>, %arg3: memref<2x512x128xf32, #tpu.memory_space<vmem>>, %arg4: memref<128x128xf32, #tpu.memory_space<vmem>>, %arg5: memref<1x128xf32, #tpu.memory_space<vmem>>, %arg6: memref<128x128xf32, #tpu.memory_space<vmem>>, %arg7: memref<16x128xf32, #tpu.memory_space<vmem>>, %arg8: memref<1x128xf32, #tpu.memory_space<vmem>>, %arg9: memref<1x128xf32, #tpu.memory_space<vmem>>, %arg10: memref<1x128xf32, #tpu.memory_space<vmem>>, %arg11: memref<512x128xf32, #tpu.memory_space<vmem>>) attributes {dimension_semantics = [#tpu.dimension_semantics<arbitrary>], iteration_bounds = array<i64: 20>, scalar_prefetch = 0 : i64, scratch_operands = 0 : i64, tpu.core_type = #tpu.core_type<tc>, window_params = [{transform_indices = @transform_0, window_bounds = array<i64: 512, 128>}, {transform_indices = @transform_1, window_bounds = array<i64: 2, 512, 128>}, {transform_indices = @transform_2, window_bounds = array<i64: 2, 512, 128>}, {pipeline_mode = #tpu.pipeline_mode<synchronous>, transform_indices = @transform_3, window_bounds = array<i64: 128, 128>}, {pipeline_mode = #tpu.pipeline_mode<synchronous>, transform_indices = @transform_4, window_bounds = array<i64: 1, 128>}, {pipeline_mode = #tpu.pipeline_mode<synchronous>, transform_indices = @transform_5, window_bounds = array<i64: 128, 128>}, {pipeline_mode = #tpu.pipeline_mode<synchronous>, transform_indices = @transform_6, window_bounds = array<i64: 16, 128>}, {pipeline_mode = #tpu.pipeline_mode<synchronous>, transform_indices = @transform_7, window_bounds = array<i64: 1, 128>}, {pipeline_mode = #tpu.pipeline_mode<synchronous>, transform_indices = @transform_8, window_bounds = array<i64: 1, 128>}, {pipeline_mode = #tpu.pipeline_mode<synchronous>, transform_indices = @transform_9, window_bounds = array<i64: 1, 128>}, {transform_indices = @transform_10, window_bounds = array<i64: 512, 128>}]} {
    %get3A = arith.constant 0 : index
    %get3A_0 = arith.constant 0 : index
    %get3A_1 = vector.load %arg1[%get3A, %get3A_0] : memref<512x128xf32, #tpu.memory_space<vmem>>, vector<512x128xf32>
    %get3A_2 = arith.constant 0 : index
    %get3A_3 = arith.constant 0 : index
    %get3A_4 = arith.constant 0 : index
    %get3A_5 = vector.load %arg2[%get3A_2, %get3A_3, %get3A_4] : memref<2x512x128xf32, #tpu.memory_space<vmem>>, vector<1x512x128xf32>
    %get3A_6 = vector.shape_cast %get3A_5 : vector<1x512x128xf32> to vector<512x128xf32>
    %get3A_7 = arith.constant 1 : index
    %get3A_8 = arith.constant 0 : index
    %get3A_9 = arith.constant 0 : index
    %get3A_10 = vector.load %arg2[%get3A_7, %get3A_8, %get3A_9] : memref<2x512x128xf32, #tpu.memory_space<vmem>>, vector<1x512x128xf32>
    %get3A_11 = vector.shape_cast %get3A_10 : vector<1x512x128xf32> to vector<512x128xf32>
    %add3A = arith.addf %get3A_6, %get3A_11 : vector<512x128xf32>
    %get3A_12 = arith.constant 0 : index
    %get3A_13 = arith.constant 0 : index
    %get3A_14 = arith.constant 0 : index
    %get3A_15 = vector.load %arg3[%get3A_12, %get3A_13, %get3A_14] : memref<2x512x128xf32, #tpu.memory_space<vmem>>, vector<1x512x128xf32>
    %get3A_16 = vector.shape_cast %get3A_15 : vector<1x512x128xf32> to vector<512x128xf32>
    %get3A_17 = arith.constant 1 : index
    %get3A_18 = arith.constant 0 : index
    %get3A_19 = arith.constant 0 : index
    %get3A_20 = vector.load %arg3[%get3A_17, %get3A_18, %get3A_19] : memref<2x512x128xf32, #tpu.memory_space<vmem>>, vector<1x512x128xf32>
    %get3A_21 = vector.shape_cast %get3A_20 : vector<1x512x128xf32> to vector<512x128xf32>
    %add3A_22 = arith.addf %get3A_16, %get3A_21 : vector<512x128xf32>
    %slice3A = vector.extract_strided_slice %add3A_22 {offsets = [0, 0], sizes = [512, 16], strides = [1, 1]} : vector<512x128xf32> to vector<512x16xf32>
    %slice3A_23 = vector.extract_strided_slice %add3A_22 {offsets = [0, 16], sizes = [512, 1], strides = [1, 1]} : vector<512x128xf32> to vector<512x1xf32>
    %squeeze3A = vector.shape_cast %slice3A_23 : vector<512x1xf32> to vector<512xf32>
    %get3A_24 = arith.constant 0 : index
    %get3A_25 = arith.constant 0 : index
    %get3A_26 = vector.load %arg6[%get3A_24, %get3A_25] : memref<128x128xf32, #tpu.memory_space<vmem>>, vector<128x128xf32>
    %dot_general3A = arith.constant dense<0.000000e+00> : vector<512x128xf32>
    %dot_general3A_27 = tpu.matmul %add3A, %get3A_26, %dot_general3A {dimension_numbers = #tpu.dot_dimension_numbers<[1], [0], [0], [1], [0, 0, 1, 1], [], []>, transpose_lhs_hint = false} : vector<512x128xf32>, vector<128x128xf32>, vector<512x128xf32> -> vector<512x128xf32>
    %get3A_28 = arith.constant 0 : index
    %get3A_29 = arith.constant 0 : index
    %get3A_30 = vector.load %arg7[%get3A_28, %get3A_29] : memref<16x128xf32, #tpu.memory_space<vmem>>, vector<16x128xf32>
    %dot_general3A_31 = arith.constant dense<0.000000e+00> : vector<512x128xf32>
    %dot_general3A_32 = tpu.matmul %slice3A, %get3A_30, %dot_general3A_31 {dimension_numbers = #tpu.dot_dimension_numbers<[1], [0], [0], [1], [0, 0, 1, 1], [], []>, transpose_lhs_hint = false} : vector<512x16xf32>, vector<16x128xf32>, vector<512x128xf32> -> vector<512x128xf32>
    %add3A_33 = arith.addf %dot_general3A_27, %dot_general3A_32 : vector<512x128xf32>
    %broadcast_in_dim3A = vector.shape_cast %squeeze3A : vector<512xf32> to vector<512x1xf32>
    %get3A_34 = arith.constant 0 : index
    %get3A_35 = arith.constant 0 : index
    %get3A_36 = vector.load %arg8[%get3A_34, %get3A_35] : memref<1x128xf32, #tpu.memory_space<vmem>>, vector<1x128xf32>
    %mul3A = vector.broadcast %broadcast_in_dim3A : vector<512x1xf32> to vector<512x128xf32>
    %mul3A_37 = vector.broadcast %get3A_36 : vector<1x128xf32> to vector<512x128xf32>
    %mul3A_38 = arith.mulf %mul3A, %mul3A_37 : vector<512x128xf32>
    %add3A_39 = arith.addf %add3A_33, %mul3A_38 : vector<512x128xf32>
    %max3A = arith.constant 1.000000e+00 : f32
    %max3A_40 = vector.broadcast %max3A : f32 to vector<512xf32>
    %max3A_41 = arith.maximumf %squeeze3A, %max3A_40 : vector<512xf32>
    %broadcast_in_dim3A_42 = vector.shape_cast %max3A_41 : vector<512xf32> to vector<512x1xf32>
    %div3A = vector.broadcast %broadcast_in_dim3A_42 : vector<512x1xf32> to vector<512x128xf32>
    %div3A_43 = arith.divf %add3A_39, %div3A : vector<512x128xf32>
    %get3A_44 = arith.constant 0 : index
    %get3A_45 = arith.constant 0 : index
    %get3A_46 = vector.load %arg4[%get3A_44, %get3A_45] : memref<128x128xf32, #tpu.memory_space<vmem>>, vector<128x128xf32>
    %dot_general3A_47 = arith.constant dense<0.000000e+00> : vector<512x128xf32>
    %dot_general3A_48 = tpu.matmul %get3A_1, %get3A_46, %dot_general3A_47 {dimension_numbers = #tpu.dot_dimension_numbers<[1], [0], [0], [1], [0, 0, 1, 1], [], []>, transpose_lhs_hint = false} : vector<512x128xf32>, vector<128x128xf32>, vector<512x128xf32> -> vector<512x128xf32>
    %get3A_49 = arith.constant 0 : index
    %get3A_50 = arith.constant 0 : index
    %get3A_51 = vector.load %arg5[%get3A_49, %get3A_50] : memref<1x128xf32, #tpu.memory_space<vmem>>, vector<1x128xf32>
    %add3A_52 = vector.broadcast %get3A_51 : vector<1x128xf32> to vector<512x128xf32>
    %add3A_53 = arith.addf %dot_general3A_48, %add3A_52 : vector<512x128xf32>
    %add3A_54 = arith.addf %add3A_53, %div3A_43 : vector<512x128xf32>
    %reduce_sum3A = arith.constant dense<0.000000e+00> : vector<512xf32>
    %reduce_sum3A_55 = vector.multi_reduction <add>, %add3A_54, %reduce_sum3A [1] : vector<512x128xf32> to vector<512xf32>
    %broadcast_in_dim3A_56 = vector.shape_cast %reduce_sum3A_55 : vector<512xf32> to vector<512x1xf32>
    %div3A_57 = arith.constant 1.280000e+02 : f32
    %div3A_58 = vector.broadcast %div3A_57 : f32 to vector<512x1xf32>
    %div3A_59 = arith.divf %broadcast_in_dim3A_56, %div3A_58 : vector<512x1xf32>
    %sub3A = vector.broadcast %div3A_59 : vector<512x1xf32> to vector<512x128xf32>
    %sub3A_60 = arith.subf %add3A_54, %sub3A : vector<512x128xf32>
    %integer_pow3A = arith.mulf %sub3A_60, %sub3A_60 : vector<512x128xf32>
    %reduce_sum3A_61 = arith.constant dense<0.000000e+00> : vector<512xf32>
    %reduce_sum3A_62 = vector.multi_reduction <add>, %integer_pow3A, %reduce_sum3A_61 [1] : vector<512x128xf32> to vector<512xf32>
    %broadcast_in_dim3A_63 = vector.shape_cast %reduce_sum3A_62 : vector<512xf32> to vector<512x1xf32>
    %div3A_64 = arith.constant 1.280000e+02 : f32
    %div3A_65 = vector.broadcast %div3A_64 : f32 to vector<512x1xf32>
    %div3A_66 = arith.divf %broadcast_in_dim3A_63, %div3A_65 : vector<512x1xf32>
    %sub3A_67 = vector.broadcast %div3A_59 : vector<512x1xf32> to vector<512x128xf32>
    %sub3A_68 = arith.subf %add3A_54, %sub3A_67 : vector<512x128xf32>
    %add3A_69 = arith.constant 9.99999974E-6 : f32
    %add3A_70 = vector.broadcast %add3A_69 : f32 to vector<512x1xf32>
    %add3A_71 = arith.addf %div3A_66, %add3A_70 : vector<512x1xf32>
    %rsqrt3A = math.rsqrt %add3A_71 : vector<512x1xf32>
    %mul3A_72 = vector.broadcast %rsqrt3A : vector<512x1xf32> to vector<512x128xf32>
    %mul3A_73 = arith.mulf %sub3A_68, %mul3A_72 : vector<512x128xf32>
    %get3A_74 = arith.constant 0 : index
    %get3A_75 = arith.constant 0 : index
    %get3A_76 = vector.load %arg9[%get3A_74, %get3A_75] : memref<1x128xf32, #tpu.memory_space<vmem>>, vector<1x128xf32>
    %mul3A_77 = vector.broadcast %get3A_76 : vector<1x128xf32> to vector<512x128xf32>
    %mul3A_78 = arith.mulf %mul3A_73, %mul3A_77 : vector<512x128xf32>
    %get3A_79 = arith.constant 0 : index
    %get3A_80 = arith.constant 0 : index
    %get3A_81 = vector.load %arg10[%get3A_79, %get3A_80] : memref<1x128xf32, #tpu.memory_space<vmem>>, vector<1x128xf32>
    %add3A_82 = vector.broadcast %get3A_81 : vector<1x128xf32> to vector<512x128xf32>
    %add3A_83 = arith.addf %mul3A_78, %add3A_82 : vector<512x128xf32>
    %swap3A = arith.constant 0 : index
    %swap3A_84 = arith.constant 0 : index
    %swap3A_85 = vector.load %arg11[%swap3A, %swap3A_84] : memref<512x128xf32, #tpu.memory_space<vmem>>, vector<512x128xf32>
    tpu.vector_store %arg11[%swap3A, %swap3A_84], %add3A_83 {strides = array<i32>} : memref<512x128xf32, #tpu.memory_space<vmem>>, vector<512x128xf32>,
    return
  }
  func.func @transform_0(%arg0: i32) -> (i32, i32) {
    %c0_i32 = arith.constant 0 : i32
    %c0_i32_0 = arith.constant 0 : i32
    return %arg0, %c0_i32 : i32, i32
  }
  func.func @transform_1(%arg0: i32) -> (i32, i32, i32) {
    %c0_i32 = arith.constant 0 : i32
    %c0_i32_0 = arith.constant 0 : i32
    %c0_i32_1 = arith.constant 0 : i32
    return %c0_i32, %arg0, %c0_i32_0 : i32, i32, i32
  }
  func.func @transform_2(%arg0: i32) -> (i32, i32, i32) {
    %c0_i32 = arith.constant 0 : i32
    %c0_i32_0 = arith.constant 0 : i32
    %c0_i32_1 = arith.constant 0 : i32
    return %c0_i32, %arg0, %c0_i32_0 : i32, i32, i32
  }
  func.func @transform_3(%arg0: i32) -> (i32, i32) {
    %c0_i32 = arith.constant 0 : i32
    %c0_i32_0 = arith.constant 0 : i32
    %c0_i32_1 = arith.constant 0 : i32
    return %c0_i32, %c0_i32_0 : i32, i32
  }
  func.func @transform_4(%arg0: i32) -> (i32, i32) {
    %c0_i32 = arith.constant 0 : i32
    %c0_i32_0 = arith.constant 0 : i32
    %c0_i32_1 = arith.constant 0 : i32
    return %c0_i32, %c0_i32_0 : i32, i32
  }
  func.func @transform_5(%arg0: i32) -> (i32, i32) {
    %c0_i32 = arith.constant 0 : i32
    %c0_i32_0 = arith.constant 0 : i32
    %c0_i32_1 = arith.constant 0 : i32
    return %c0_i32, %c0_i32_0 : i32, i32
  }
  func.func @transform_6(%arg0: i32) -> (i32, i32) {
    %c0_i32 = arith.constant 0 : i32
    %c0_i32_0 = arith.constant 0 : i32
    %c0_i32_1 = arith.constant 0 : i32
    return %c0_i32, %c0_i32_0 : i32, i32
  }
  func.func @transform_7(%arg0: i32) -> (i32, i32) {
    %c0_i32 = arith.constant 0 : i32
    %c0_i32_0 = arith.constant 0 : i32
    %c0_i32_1 = arith.constant 0 : i32
    return %c0_i32, %c0_i32_0 : i32, i32
  }
  func.func @transform_8(%arg0: i32) -> (i32, i32) {
    %c0_i32 = arith.constant 0 : i32
    %c0_i32_0 = arith.constant 0 : i32
    %c0_i32_1 = arith.constant 0 : i32
    return %c0_i32, %c0_i32_0 : i32, i32
  }
  func.func @transform_9(%arg0: i32) -> (i32, i32) {
    %c0_i32 = arith.constant 0 : i32
    %c0_i32_0 = arith.constant 0 : i32
    %c0_i32_1 = arith.constant 0 : i32
    return %c0_i32, %c0_i32_0 : i32, i32
  }
  func.func @transform_10(%arg0: i32) -> (i32, i32) {
    %c0_i32 = arith.constant 0 : i32
    %c0_i32_0 = arith.constant 0 : i32
    return %arg0, %c0_i32 : i32, i32
  }
}

</mosaic_0001>

<sc_bundles>
// kernel: kernel.10.cloned.1.call-start
scs
__scs_entry_jumppad:
0x0: {  	(pc) =	sbr.rel $0x88, $3  }
0x1: {  	(tag) =	ssettag $0x0;
	lr =	simm.s32 $0x1  }
0x2: {  	[smem:$0x3F92] =	sst lr;
	_ =	strace $0xD0000000  }
0x3: {  	_ = 	snop  }
0x4: {  	_ = 	snop  }
0x5: {  	_ = 	snop  }
0x6: {  	_ = 	snop  }
0x7: {  	_ = 	snop  }
__scs_overlays_trampoline_lowered:
0x8: {  	[smem:$0x3FA1] =	sst s0  }
0x9: {  	[smem:$0x3FA2] =	sst s1  }
0xa: {  	[smem:$0x3FA3] =	sst s2  }
0xb: {  	[smem:$0x3FA4] =	sst s3  }
0xc: {  	[smem:$0x3FA5] =	sst s4  }
0xd: {  	[smem:$0x3FA6] =	sst s5  }
0xe: {  	[smem:$0x3FA7] =	sst s6  }
0xf: {  	[smem:$0x3FA8] =	sst s7  }
0x10: {  	[smem:$0x3FA9] =	sst s8  }
0x11: {  	[smem:$0x3FAA] =	sst s9;
	s0 =	simm.s32 @!p0 $0x0  }
0x12: {  	s1 =	sld [smem:$0x3F90];
	s0 =	simm.s32 @p0 $0x1  }
0x13: {  	[smem:$0x3FAB] =	sst s0;
	s0 =	simm.s32 @!p1 $0x0  }
0x14: {  	s2 =	sld [smem:$0x3F8F];
	s0 =	simm.s32 @p1 $0x1  }
0x15: {  	[smem:$0x3FAC] =	sst s0;
	s0 =	simm.s32 @!p2 $0x0  }
0x16: {  	s3 =	sld [smem:$0x3FDB];
	s0 =	simm.s32 @p2 $0x1  }
0x17: {  	s4 =	simm.s32 $0x1BF5;
	[smem:$0x3FAE] =	sst s0  }
0x18: {  	s0 =	sld [smem:$0x3F91];
	_ =	swait.ge [sflag:s4], $0x0  }
0x19: {  	s7 =	sld [smem:$0x3F92]  }
0x1a: {  	s8 =	sadd.s32 $0xFFFFE003, lr  }
0x1b: {  	s9 =	sadd.s32 $0xFFFFFEF7, lr;
	s5 =	simm.s32 $0xFFFFFFFF;
	p2 =	slt.u32 s8, $0xFFFFF086  }
0x1c: {  	p1 =	slt.u32 s9, $0xF7A;
	s5 =	simm.s32 @!p2 $0x0  }
0x1d: {  	s5 =	simm.s32 @p1 $0x1;
	p0 =	seq.s32 s7, s2  }
0x1e: {  	s7 =	smul.u32 @!p0 $0xF7A, s2;
	p2 =	seq.s32 @!p0 s5, $0x0  }
0x1f: {  	s9 =	smul.u32 $0xF7A, s1;
	s8 =	simm.s32 @!p0 $0x1BF5;
	p2 =	por !p2, p0  }
0x20: {  	[sflag:s8] =	ssyncset.s32 @!p0 $0xFFFFF086;
	s6 =	sadd.s32 @!p0 s3, s7;
	s7 =	simm.s32 @!p0 $0x108  }
0x21: {  	s3 =	sadd.s32 s3, s9;
	s6 =	sadd.s32 @!p0 $0x88, s6;
	s7 =	simm.s32 @p2 $0x1082  }
0x22: {  	[simem:s7], [sflag:s8] =	dma.local @!p0 [hbm:s6], $0xF7A  }
0x23: {  	s9 =	sor.u32 $0xD0000000, s2;
	s6 =	simm.s32 $0x108;
	_ =	swait.ge @!p0 [sflag:s8], $0x0  }
0x24: {  	s3 =	sadd.s32 $0x88, s3;
	s6 =	simm.s32 @!p1 $0x1082;
	[sflag:s4] =	ssyncset.s32 $0xFFFFF086  }
0x25: {  	[simem:s6], [sflag:s4] =	dma.local [hbm:s3], $0xF7A  }
0x26: {  	[smem:$0x3F92] =	sst s1;
	(tag) =	ssettag s2;
	_ =	strace s9  }
0x27: {  	s1 =	sld [smem:$0x3FA2]  }
0x28: {  	s2 =	sld [smem:$0x3FA3]  }
0x29: {  	s4 =	sld [smem:$0x3FA5]  }
0x2a: {  	p0 =	seq.s32 s5, $0x0;
	s5 =	sld [smem:$0x3FA6]  }
0x2b: {  	s6 =	sld [smem:$0x3FA7]  }
0x2c: {  	s7 =	sld [smem:$0x3FA8]  }
0x2d: {  	s3 =	simm.s32 $0x108;
	s8 =	sld [smem:$0x3FA9]  }
0x2e: {  	s3 =	simm.s32 @!p0 $0x1082;
	s9 =	sld [smem:$0x3FAA]  }
0x2f: {  	lr =	sadd.s32 s0, s3;
	s0 =	sld [smem:$0x3FA1]  }
0x30: {  	s3 =	sld [smem:$0x3FA4]  }
0x31: {  	[smem:$0x3FAD] =	sst s10  }
0x32: {  	s10 =	sld [smem:$0x3FAB];
	_ =	sdelay $0x3  }
0x33: {  	p0 =	seq.s32 s10, $0x1;
	s10 =	sld [smem:$0x3FAD];
	_ =	sdelay $0x3  }
0x34: {  	[smem:$0x3FAD] =	sst s10  }
0x35: {  	s10 =	sld [smem:$0x3FAC];
	_ =	sdelay $0x3  }
0x36: {  	p1 =	seq.s32 s10, $0x1;
	s10 =	sld [smem:$0x3FAD];
	_ =	sdelay $0x3  }
0x37: {  	[smem:$0x3FAD] =	sst s10  }
0x38: {  	s10 =	sld [smem:$0x3FAE]  }
0x39: {  	_ = 	snop;
	(pc) =	sbr.ind lr, $3  }
0x3a: {  	_ = 	snop  }
0x3b: {  	_ = 	snop  }
0x3c: {  	p2 =	seq.s32 s10, $0x1;
	s10 =	sld [smem:$0x3FAD]  }
0x3d: {  	_ =	shalt  }
0x3e: {  	_ =	shalt  }
0x3f: {  	_ =	shalt  }
0x40: {  	_ =	shalt  }
0x41: {  	_ =	shalt  }
0x42: {  	_ =	shalt  }
0x43: {  	_ =	shalt  }
0x44: {  	_ =	shalt  }
0x45: {  	_ =	shalt  }
0x46: {  	_ =	shalt  }
0x47: {  	_ =	shalt  }
0x48: {  	_ =	shalt  }
0x49: {  	_ =	shalt  }
0x4a: {  	_ =	shalt  }
0x4b: {  	_ =	shalt  }
0x4c: {  	_ =	shalt  }
0x4d: {  	_ =	shalt  }
0x4e: {  	_ =	shalt  }
0x4f: {  	_ =	shalt  }
0x50: {  	_ =	shalt  }
0x51: {  	_ =	shalt  }
0x52: {  	_ =	shalt  }
0x53: {  	_ =	shalt  }
0x54: {  	_ =	shalt  }
0x55: {  	_ =	shalt  }
0x56: {  	_ =	shalt  }
0x57: {  	_ =	shalt  }
0x58: {  	_ =	shalt  }
0x59: {  	_ =	shalt  }
0x5a: {  	_ =	shalt  }
0x5b: {  	_ =	shalt  }
0x5c: {  	_ =	shalt  }
0x5d: {  	_ =	shalt  }
0x5e: {  	_ =	shalt  }
0x5f: {  	_ =	shalt  }
0x60: {  	_ =	shalt  }
0x61: {  	_ =	shalt  }
0x62: {  	_ =	shalt  }
0x63: {  	_ =	shalt  }
0x64: {  	_ =	shalt  }
0x65: {  	_ =	shalt  }
0x66: {  	_ =	shalt  }
0x67: {  	_ =	shalt  }
0x68: {  	_ =	shalt  }
0x69: {  	_ =	shalt  }
0x6a: {  	_ =	shalt  }
0x6b: {  	_ =	shalt  }
0x6c: {  	_ =	shalt  }
0x6d: {  	_ =	shalt  }
0x6e: {  	_ =	shalt  }
0x6f: {  	_ =	shalt  }
0x70: {  	_ =	shalt  }
0x71: {  	_ =	shalt  }
0x72: {  	_ =	shalt  }
0x73: {  	_ =	shalt  }
0x74: {  	_ =	shalt  }
0x75: {  	_ =	shalt  }
0x76: {  	_ =	shalt  }
0x77: {  	_ =	shalt  }
0x78: {  	_ =	shalt  }
0x79: {  	_ =	shalt  }
0x7a: {  	_ =	shalt  }
0x7b: {  	_ =	shalt  }
0x7c: {  	_ =	shalt  }
0x7d: {  	_ =	shalt  }
0x7e: {  	_ =	shalt  }
0x7f: {  	_ =	shalt  }
0x80: {  	_ =	shalt  }
0x81: {  	_ =	shalt  }
0x82: {  	_ =	shalt  }
0x83: {  	_ =	shalt  }
0x84: {  	_ =	shalt  }
0x85: {  	_ =	shalt  }
0x86: {  	_ =	shalt  }
0x87: {  	_ =	shalt  }
.Lfunc_end0:
.L_simem_size_0:
called_computation.2_lowered:
.L_overlay_start_0:
0x88: {  	s2 =	sld [smem:$0x3FD9]  }
0x89: {  	s3 =	sld [smem:$0x3FFE];
	_ =	sdelay $0x1  }
0x8a: {  	s1 =	srdreg.scid  }
0x8b: {  	s0 =	sand.u32 $0x1, s1  }
0x8c: {  	s17 =	sshll.u32 s0, $0xA;
	s2 =	sadd.s32 s3, s2  }
0x8d: {  	s2 =	sadd.s32 s2, s17  }
0x8e: {  	[smem:$0x3FB9] =	sst s2  }
0x8f: {  	_ = 	snop  }
0x90: {  	s18 =	sld [smem:$0x3FC9]  }
0x91: {  	s4 =	sld [smem:$0x3FD0];
	(tm) =	ssettm $0x1  }
0x92: {  	s19 =	sld [smem:$0x3FFB];
	_ =	sdelay $0x3  }
0x93: {  	_ =	strace s19  }
0x94: {  	s2 =	sld [smem:$0x3FFC];
	_ =	sdelay $0x3  }
0x95: {  	_ =	strace s2  }
0x96: {  	s2 =	sld [smem:$0x3FFD];
	_ =	sdelay $0x3  }
0x97: {  	_ =	strace s2  }
0x98: {  	_ =	strace $0x8FFFFFFF  }
0x99: {  	s20 =	sld [smem:$0x3FDB];
	_ =	sdelay $0x1  }
0x9a: {  	s5 =	simm.s32 $_scs_section_size  }
0x9b: {  	s6 =	simm.s32 $_size__tile_overlayer_lowered;
	s7 =	simm.s32 $_tile_overlayer_lowered  }
0x9c: {  	s8 =	simm.s32 $0x1BFF;
	s21 =	sshll.u32 s7, $0x1;
	s5 =	sadd.s32 s5, s20  }
0x9d: {  	s22 =	simm.s32 $0x0;
	s6 =	sshll.u32 s6, $0x1;
	s7 =	sadd.s32 s21, s5  }
0x9e: {  	[timem:s22], [sflag:s8] =	dma.local [hbm:s7], s6  }
0x9f: {  	_ =	swait.ge [sflag:s8], s6  }
0xa0: {  	s6 =	ssub.s32 $0x0, s6;
	[sflag:s8] =	ssyncset.done $0x0  }
0xa1: {  	[sflag:s8] =	ssyncadd.s32 s6;
	_ =	sdelay $0x1  }
0xa2: {  	s23 =	simm.s32 $0x1B8B  }
0xa3: {  	_ =	swait.ge [sflag:s23], $0x1  }
0xa4: {  	[sflag:s23] =	ssyncset.done $0x0  }
0xa5: {  	[sflag:s23] =	ssyncadd.s32 $0xFFFFFFFF  }
0xa6: {  	s6 =	sld [smem:$0x0]  }
0xa7: {  	s7 =	sand.u32 $0xFFFFFFFE, s1  }
0xa8: {  	p0 =	sne.s32 s1, s7  }
0xa9: {  	s7 =	sshll.u32 @p0 s7, $0xE  }
0xaa: {  	s7 =	sadd.s32 @p0 $0x11B8D, s7;
	s8 =	sshll.u32 @p0 s6, $0x11  }
0xab: {  	s7 =	sor.u32 @p0 s8, s7  }
0xac: {  	[sflag:s7] =	ssyncadd.remote.s32 @p0 $0x1;
	_ =	sdelay $0x1  }
0xad: {  	s7 =	simm.s32 @p0 $0x1B8D  }
0xae: {  	_ =	swait.eq @p0 [sflag:s7], $0x1  }
0xaf: {  	[sflag:s7] =	ssyncadd.s32 @p0 $0xFFFFFFFF  }
0xb0: {  	s8 =	sshll.u32 @!p0 s1, $0xE  }
0xb1: {  	s8 =	sor.u32 @!p0 $0x4000, s8;
	s7 =	simm.s32 @!p0 $0x1B8D  }
0xb2: {  	s6 =	sshll.u32 @!p0 s6, $0x11;
	s8 =	sadd.s32 @!p0 $0x11B8D, s8;
	_ =	swait.eq @!p0 [sflag:s7], $0x1  }
0xb3: {  	s6 =	sor.u32 @!p0 s6, s8;
	[sflag:s7] =	ssyncadd.s32 @!p0 $0xFFFFFFFF  }
0xb4: {  	s25 =	simm.s32 $0x1B8E;
	s24 =	sld [smem:$0x3FFE];
	[sflag:s6] =	ssyncadd.remote.s32 @!p0 $0x1  }
0xb5: {  	s26 =	simm.s32 $execute0_lowered;
	[smem:$0x3FD2] =	sst s25  }
0xb6: {  	s7 =	sshll.u32 s26, $0x1;
	_ =	strace $0x80000049;
	[dreg:$0x1] =	wrdreg $0xFFFFFFFF  }
0xb7: {  	s28 =	simm.s32 $_size_execute0_lowered;
	s5 =	sadd.s32 s5, s7;
	[dreg:$0x0] =	wrdreg $0x0  }
0xb8: {  	s7 =	sshll.u32 s28, $0x1;
	[dreg:$0x2] =	wrdreg s5  }
0xb9: {  	[dreg:$0x3] =	wrdreg s7  }
0xba: {  	[dreg:$0x4] =	wrdreg $0xC0  }
0xbb: {  	_ =	task [dreg:s22], $0x5FFFF  }
0xbc: {  	[dreg:$0x1] =	wrdreg $0xFFFFFFFF  }
0xbd: {  	[dreg:$0x0] =	wrdreg $0x60  }
0xbe: {  	[dreg:$0x2] =	wrdreg s18  }
0xbf: {  	[dreg:$0x3] =	wrdreg s4  }
0xc0: {  	[dreg:$0x4] =	wrdreg s24  }
0xc1: {  	[dreg:$0x5] =	wrdreg $0x84000  }
0xc2: {  	[dreg:$0x6] =	wrdreg $0x9  }
0xc3: {  	_ =	task.clear_ibuf [dreg:s22], $0x7FFFF;
	_ =	strace $0x90000049  }
0xc4: {  	s29 =	simm.s32 $0x9;
	_ =	strace $0x8000004B  }
0xc5: {  	_ =	swait.ge [sflag:s29], $0x1  }
0xc6: {  	[sflag:s29] =	ssyncadd.s32 $0xFFFFFFFF  }
0xc7: {  	_ =	strace $0x9000004B  }
0xc8: {  	_ =	sfence  }
0xc9: {  	s30 =	sld [smem:$0x0];
	_ =	sdelay $0x2  }
0xca: {  	s31 =	sshll.u32 s1, $0xD;
	s1 =	sshrl.u32 s1, $0x2  }
0xcb: {  	s4 =	sand.u32 $0x4000, s31;
	s1 =	sadd.s32 s1, s30  }
0xcc: {  	s0 =	sor.u32 s4, s0;
	s1 =	sshll.u32 s1, $0x11  }
0xcd: {  	s0 =	sor.u32 s1, s0  }
0xce: {  	s0 =	sadd.s32 $0x8F2B, s0  }
0xcf: {  	[sflag:s0] =	ssyncadd.remote.s32 $0x1  }
0xd0: {  	_ =	sfence.sel $0xFFFF  }
0xd1: {  	[dreg:$0x0] =	wrdreg $0xFFFFFFFF;
	(pc) =	sbr.abs _section_cstart, $3  }
0xd2: {  	[dreg:$0x1] =	wrdreg $0xFFFFFFFF  }
0xd3: {  	_ =	task.clear_ibuf [dreg:s22], $0x2FFFF;
	_ =	strace $0x9FFFFFFF  }
0xd4: {  	(tm) =	ssettm $0x7FFFFFFF  }
0xd5: {  	_ =	shalt  }
tec
execute0_lowered:
.L_overlay_start_1:
0x0: {  	(tag) =	ssettag $0x1  }
0x1: {  	s1 =	rddreg [dreg:$0x0]  }
0x2: {  	s2 =	rddreg [dreg:$0x1]  }
0x3: {  	s0 =	rddreg [dreg:$0x2]  }
0x4: {  	s3 =	rddreg [dreg:$0x3];
	s4 =	srdreg.scid  }
0x5: {  	s5 =	simm.s32 $0x0;
	s12 =	stileid.u32;
	s29 =	simm.s32 $0x9  }
0x6: {  	s31 =	simm.s32 $0x40;
	s4 =	sand.u32 $0x1, s4;
	[smem:$0x7FF] =	sst s5  }
0x7: {  	s8 =	sadd.s32 $0x631400, s0;
	s20 =	sshll.u32 s12, $0x1;
	s9 =	smul.u32 $0x50000, s12  }
0x8: {  	s22 =	sshll.u32 s12, $0x6;
	s16 =	smul.u32 $0x1400, s12;
	s6 =	sshll.u32 s4, $0x4  }
0x9: {  	_ =	strace $0x8000004A;
	[dreg:$0x6] =	wrdreg s8;
	s21 =	ssub.s32 $0x2, s4  }
0xa: {  	s8 =	sor.u32 s4, s20;
	s24 =	sor.u32 $0x1C09, s22;
	s4 =	smul.u32 $0xA00, s4  }
0xb: {  	s7 =	sor.u32 s12, s6;
	s6 =	sadd.s32 $0x61D400, s0;
	s11 =	smul.u32 $0xA00, s8  }
0xc: {  	s10 =	sshrl.u32 s21, $0x1;
	s9 =	sshrl.u32 s9, $0x2;
	s8 =	smul.u32 $0x5000, s8  }
0xd: {  	[dreg:$0x8] =	wrdreg s24;
	s7 =	smul.u32 $0x2800, s7;
	s9 =	sadd.s32 s9, s3  }
0xe: {  	s4 =	sadd.s32 s4, s16;
	s16 =	simm.s32 $0x380;
	[dreg:$0x7] =	wrdreg s9  }
0xf: {  	s23 =	sadd.s32 s2, s11;
	s25 =	sor.u32 $0x10, s11;
	[dreg:$0x5] =	wrdreg s4  }
0x10: {  	s26 =	sadd.s32 s6, s11;
	s30 =	sor.u32 $0x20, s11;
	[dreg:$0x9] =	wrdreg s23  }
0x11: {  	s15 =	sor.u32 $0x30, s11;
	[dreg:$0xa] =	wrdreg s26;
	s28 =	sadd.s32 s2, s25  }
0x12: {  	s18 =	sor.u32 $0x40, s11;
	s9 =	sadd.s32 s6, s25;
	[dreg:$0xb] =	wrdreg s28  }
0x13: {  	s8 =	sshrl.u32 s8, $0x3;
	s13 =	sadd.s32 s2, s30;
	[dreg:$0xc] =	wrdreg s9  }
0x14: {  	s0 =	sadd.s32 s7, s0;
	s14 =	sadd.s32 s6, s30;
	[dreg:$0xd] =	wrdreg s13  }
0x15: {  	s7 =	ssub.s32 s21, s10;
	s17 =	sadd.s32 s2, s15;
	[dreg:$0xe] =	wrdreg s14  }
0x16: {  	s19 =	sadd.s32 s2, s18;
	s20 =	sadd.s32 s6, s18;
	[dreg:$0xf] =	wrdreg s17  }
0x17: {  	s21 =	sor.u32 $0x50, s11;
	s23 =	sadd.s32 $0x9E0, s8;
	[dreg:$0x11] =	wrdreg s19  }
0x18: {  	s8 =	sadd.s32 $0x9F0, s8;
	s9 =	sadd.s32 s6, s15;
	[dreg:$0x12] =	wrdreg s20  }
0x19: {  	s10 =	simm.s32 $0x1;
	s22 =	sadd.s32 s2, s21;
	[dreg:$0x10] =	wrdreg s9  }
0x1a: {  	s18 =	simm.s32 $0x3;
	s25 =	sadd.s32 s2, s23;
	[dreg:$0x13] =	wrdreg s22  }
0x1b: {  	s4 =	sadd.s32 s6, s23;
	s26 =	sadd.s32 s2, s8;
	[dreg:$0x15] =	wrdreg s25  }
0x1c: {  	s28 =	sadd.s32 s6, s8;
	s0 =	sadd.s32 $0x633C00, s0;
	[dreg:$0x16] =	wrdreg s4  }
0x1d: {  	s30 =	smax.u32 s7, $0x1;
	s14 =	simm.s32 $0x2;
	[dreg:$0x17] =	wrdreg s26  }
0x1e: {  	s17 =	simm.s32 $0x6400;
	s19 =	simm.s32 $0x5;
	[dreg:$0x18] =	wrdreg s28  }
0x1f: {  	s20 =	simm.s32 $0x4;
	s23 =	simm.s32 $0x8;
	[dreg:$0x19] =	wrdreg s0  }
0x20: {  	s9 =	sadd.s32 s6, s21;
	[dreg:$0x1a] =	wrdreg s30;
	s21 =	simm.s32 $0x6  }
0x21: {  	s22 =	simm.s32 $0x7;
	s4 =	simm.s32 $0x0;
	[dreg:$0x14] =	wrdreg s9  }
.LBB2_1:
0x22: {  	[dreg:$0x1b] =	wrdreg s4  }
0x23: {  	s0 =	rddreg [dreg:$0x7]  }
0x24: {  	s9 =	rddreg [dreg:$0x6];
	s8 =	sshrl.u32 s0, $0x3  }
0x25: {  	[dreg:$0x1c] =	wrdreg s8  }
0x26: {  	[spmem:s8], [sflag:s24] =	dma.local [hbm:s9], $0x2800  }
0x27: {  	_ =	swait.ge [sflag:s29], $0x2800  }
0x28: {  	[sflag:s29] =	ssyncset.done $0x0  }
0x29: {  	[sflag:s29] =	ssyncadd.s32 $0xFFFFD800  }
0x2a: {  	[bflag:$0x0] =	sbarrier.arrive $0xFFFF  }
0x2b: {  	s11 =	rddreg [dreg:$0x9]  }
0x2c: {  	[tilespmem:s5], [sflag:$0x9] =	stream.linear.gather [hbm4b:s11+s5], $0x80, $0x38;
	[tilespmem:$0x1C400] =	vst v63  }
0x2d: {  	_ =	swait.ge [sflag:s29], $0x80  }
0x2e: {  	[sflag:s29] =	ssyncset.done $0x0  }
0x2f: {  	s4 =	simm.s32 $0x200;
	s12 =	rddreg [dreg:$0xa];
	[sflag:s29] =	ssyncadd.s32 $0xFFFFFF80  }
0x30: {  	[tilespmem:s4], [sflag:$0x9] =	stream.linear.gather [hbm4b:s12+s5], $0x80, $0x38;
	[tilespmem:$0x1C400] =	vst v63  }
0x31: {  	_ =	swait.ge [sflag:s29], $0x80  }
0x32: {  	[sflag:s29] =	ssyncset.done $0x0  }
0x33: {  	s7 =	simm.s32 $0x400;
	[sflag:s29] =	ssyncadd.s32 $0xFFFFFF80  }
0x34: {  	[tilespmem:s7], [sflag:$0x1] =	stream.indirect.gather [hbm4b:s1+s31], $0x80, s5, s31, $0xb8;
	[tilespmem:$0x1C400] =	vst v63  }
0x35: {  	s8 =	simm.s32 $0x80;
	s13 =	rddreg [dreg:$0xb]  }
0x36: {  	[tilespmem:s8], [sflag:$0x9] =	stream.linear.gather [hbm4b:s13+s5], $0x80, $0x38;
	[tilespmem:$0x1C400] =	vst v63  }
0x37: {  	_ =	swait.ge [sflag:s29], $0x80  }
0x38: {  	[sflag:s29] =	ssyncset.done $0x0  }
0x39: {  	s11 =	simm.s32 $0x280;
	s15 =	rddreg [dreg:$0xc];
	[sflag:s29] =	ssyncadd.s32 $0xFFFFFF80  }
0x3a: {  	[tilespmem:s11], [sflag:$0x9] =	stream.linear.gather [hbm4b:s15+s5], $0x80, $0x38;
	[tilespmem:$0x1C400] =	vst v63  }
0x3b: {  	_ =	swait.ge [sflag:s29], $0x80  }
0x3c: {  	[sflag:s29] =	ssyncset.done $0x0  }
0x3d: {  	s12 =	simm.s32 $0x2400;
	[sflag:s29] =	ssyncadd.s32 $0xFFFFFF80  }
0x3e: {  	[tilespmem:s12], [sflag:$0x2] =	stream.indirect.gather [hbm4b:s1+s31], $0x80, s8, s31, $0xb8;
	[tilespmem:$0x1C400] =	vst v63  }
0x3f: {  	_ =	swait.ge [sflag:s10], $0x2000  }
0x40: {  	[sflag:s10] =	ssyncset.done $0x0  }
0x41: {  	[sflag:s10] =	ssyncadd.s32 $0xFFFFE000  }
0x42: {  	[spmem:s3] =	stream.indirect.scatter.add.f32 [tilespmem:s7], [sflag:$0x5], $0x80, s4, s31, $0xb8;
	[tilespmem:$0x1C400] =	vst v63  }
0x43: {  	s13 =	simm.s32 $0x100;
	s24 =	rddreg [dreg:$0xd]  }
0x44: {  	[tilespmem:s13], [sflag:$0x9] =	stream.linear.gather [hbm4b:s24+s5], $0x80, $0x38;
	[tilespmem:$0x1C400] =	vst v63  }
0x45: {  	_ =	swait.ge [sflag:s29], $0x80  }
0x46: {  	[sflag:s29] =	ssyncset.done $0x0  }
0x47: {  	s15 =	simm.s32 $0x300;
	s25 =	rddreg [dreg:$0xe];
	[sflag:s29] =	ssyncadd.s32 $0xFFFFFF80  }
0x48: {  	[tilespmem:s15], [sflag:$0x9] =	stream.linear.gather [hbm4b:s25+s5], $0x80, $0x38;
	[tilespmem:$0x1C400] =	vst v63  }
0x49: {  	_ =	swait.ge [sflag:s29], $0x80  }
0x4a: {  	[sflag:s29] =	ssyncset.done $0x0  }
0x4b: {  	s24 =	simm.s32 $0x4400;
	[sflag:s29] =	ssyncadd.s32 $0xFFFFFF80  }
0x4c: {  	[tilespmem:s24], [sflag:$0x3] =	stream.indirect.gather [hbm4b:s1+s31], $0x80, s13, s31, $0xb8;
	[tilespmem:$0x1C400] =	vst v63  }
0x4d: {  	_ =	swait.ge [sflag:s14], $0x2000  }
0x4e: {  	[sflag:s14] =	ssyncset.done $0x0  }
0x4f: {  	[sflag:s14] =	ssyncadd.s32 $0xFFFFE000  }
0x50: {  	[spmem:s3] =	stream.indirect.scatter.add.f32 [tilespmem:s12], [sflag:$0x6], $0x80, s11, s31, $0xb8;
	[tilespmem:$0x1C400] =	vst v63  }
0x51: {  	s30 =	simm.s32 $0x180;
	s26 =	rddreg [dreg:$0xf]  }
0x52: {  	[tilespmem:s30], [sflag:$0x9] =	stream.linear.gather [hbm4b:s26+s5], $0x80, $0x38;
	[tilespmem:$0x1C400] =	vst v63  }
0x53: {  	_ =	swait.ge [sflag:s29], $0x80  }
0x54: {  	[sflag:s29] =	ssyncset.done $0x0  }
0x55: {  	s28 =	rddreg [dreg:$0x10];
	[sflag:s29] =	ssyncadd.s32 $0xFFFFFF80  }
0x56: {  	[tilespmem:s16], [sflag:$0x9] =	stream.linear.gather [hbm4b:s28+s5], $0x80, $0x38;
	[tilespmem:$0x1C400] =	vst v63  }
0x57: {  	_ =	swait.ge [sflag:s29], $0x80  }
0x58: {  	[sflag:s29] =	ssyncset.done $0x0  }
0x59: {  	[sflag:s29] =	ssyncadd.s32 $0xFFFFFF80  }
0x5a: {  	[tilespmem:s17], [sflag:$0x4] =	stream.indirect.gather [hbm4b:s1+s31], $0x80, s30, s31, $0xb8;
	[tilespmem:$0x1C400] =	vst v63  }
0x5b: {  	_ =	swait.ge [sflag:s18], $0x2000  }
0x5c: {  	[sflag:s18] =	ssyncset.done $0x0  }
0x5d: {  	[sflag:s18] =	ssyncadd.s32 $0xFFFFE000  }
0x5e: {  	[spmem:s3] =	stream.indirect.scatter.add.f32 [tilespmem:s24], [sflag:$0x7], $0x80, s15, s31, $0xb8;
	[tilespmem:$0x1C400] =	vst v63  }
0x5f: {  	_ =	swait.ge [sflag:s19], $0x2000  }
0x60: {  	[sflag:s19] =	ssyncset.done $0x0  }
0x61: {  	s9 =	rddreg [dreg:$0x11];
	[sflag:s19] =	ssyncadd.s32 $0xFFFFE000  }
0x62: {  	[tilespmem:s5], [sflag:$0x9] =	stream.linear.gather [hbm4b:s9+s5], $0x80, $0x38;
	[tilespmem:$0x1C400] =	vst v63  }
0x63: {  	_ =	swait.ge [sflag:s29], $0x80  }
0x64: {  	[sflag:s29] =	ssyncset.done $0x0  }
0x65: {  	s25 =	rddreg [dreg:$0x12];
	[sflag:s29] =	ssyncadd.s32 $0xFFFFFF80  }
0x66: {  	[tilespmem:s4], [sflag:$0x9] =	stream.linear.gather [hbm4b:s25+s5], $0x80, $0x38;
	[tilespmem:$0x1C400] =	vst v63  }
0x67: {  	_ =	swait.ge [sflag:s29], $0x80  }
0x68: {  	[sflag:s29] =	ssyncset.done $0x0  }
0x69: {  	[sflag:s29] =	ssyncadd.s32 $0xFFFFFF80  }
0x6a: {  	[tilespmem:s7], [sflag:$0x1] =	stream.indirect.gather [hbm4b:s1+s31], $0x80, s5, s31, $0xb8;
	[tilespmem:$0x1C400] =	vst v63  }
0x6b: {  	_ =	swait.ge [sflag:s20], $0x2000  }
0x6c: {  	[sflag:s20] =	ssyncset.done $0x0  }
0x6d: {  	[sflag:s20] =	ssyncadd.s32 $0xFFFFE000  }
0x6e: {  	[spmem:s3] =	stream.indirect.scatter.add.f32 [tilespmem:s17], [sflag:$0x8], $0x80, s16, s31, $0xb8;
	[tilespmem:$0x1C400] =	vst v63  }
0x6f: {  	_ =	swait.ge [sflag:s21], $0x2000  }
0x70: {  	[sflag:s21] =	ssyncset.done $0x0  }
0x71: {  	s26 =	rddreg [dreg:$0x13];
	[sflag:s21] =	ssyncadd.s32 $0xFFFFE000  }
0x72: {  	[tilespmem:s8], [sflag:$0x9] =	stream.linear.gather [hbm4b:s26+s5], $0x80, $0x38;
	[tilespmem:$0x1C400] =	vst v63  }
0x73: {  	_ =	swait.ge [sflag:s29], $0x80  }
0x74: {  	[sflag:s29] =	ssyncset.done $0x0  }
0x75: {  	s28 =	rddreg [dreg:$0x14];
	[sflag:s29] =	ssyncadd.s32 $0xFFFFFF80  }
0x76: {  	[tilespmem:s11], [sflag:$0x9] =	stream.linear.gather [hbm4b:s28+s5], $0x80, $0x38;
	[tilespmem:$0x1C400] =	vst v63  }
0x77: {  	_ =	swait.ge [sflag:s29], $0x80  }
0x78: {  	[sflag:s29] =	ssyncset.done $0x0  }
0x79: {  	[sflag:s29] =	ssyncadd.s32 $0xFFFFFF80  }
0x7a: {  	[tilespmem:s12], [sflag:$0x2] =	stream.indirect.gather [hbm4b:s1+s31], $0x80, s8, s31, $0xb8;
	[tilespmem:$0x1C400] =	vst v63  }
0x7b: {  	_ =	swait.ge [sflag:s10], $0x2000  }
0x7c: {  	[sflag:s10] =	ssyncset.done $0x0  }
0x7d: {  	[sflag:s10] =	ssyncadd.s32 $0xFFFFE000  }
0x7e: {  	[spmem:s3] =	stream.indirect.scatter.add.f32 [tilespmem:s7], [sflag:$0x5], $0x80, s4, s31, $0xb8;
	[tilespmem:$0x1C400] =	vst v63  }
0x7f: {  	_ =	swait.ge [sflag:s22], $0x2000  }
0x80: {  	s9 =	rddreg [dreg:$0x5]  }
0x81: {  	s9 =	sadd.s32 $0x90, s9  }
0x82: {  	s28 =	simm.s32 $0x40;
	s26 =	sadd.s32 $0xFFFFFFB0, s9  }
0x83: {  	s28 =	sand.u32 $0x40, s28;
	s26 =	sand.u32 $0xFFFFF80, s26  }
0x84: {  	s26 =	sor.u32 s26, s28  }
0x85: {  	[sflag:s22] =	ssyncset.done $0x0;
	s28 =	sor.u32 $0x20, s26  }
0x86: {  	[sflag:s22] =	ssyncadd.s32 $0xFFFFE000;
	s25 =	sadd.s32 s2, s28  }
0x87: {  	[tilespmem:s13], [sflag:$0x9] =	stream.linear.gather [hbm4b:s25+s5], $0x80, $0x38;
	[tilespmem:$0x1C400] =	vst v63  }
0x88: {  	_ =	swait.ge [sflag:s29], $0x80  }
0x89: {  	[sflag:s29] =	ssyncset.done $0x0  }
0x8a: {  	s0 =	sadd.s32 s6, s28;
	[sflag:s29] =	ssyncadd.s32 $0xFFFFFF80  }
0x8b: {  	[tilespmem:s15], [sflag:$0x9] =	stream.linear.gather [hbm4b:s0+s5], $0x80, $0x38;
	[tilespmem:$0x1C400] =	vst v63  }
0x8c: {  	_ =	swait.ge [sflag:s29], $0x80  }
0x8d: {  	[sflag:s29] =	ssyncset.done $0x0  }
0x8e: {  	[sflag:s29] =	ssyncadd.s32 $0xFFFFFF80  }
0x8f: {  	[tilespmem:s24], [sflag:$0x3] =	stream.indirect.gather [hbm4b:s1+s31], $0x80, s13, s31, $0xb8;
	[tilespmem:$0x1C400] =	vst v63  }
0x90: {  	_ =	swait.ge [sflag:s14], $0x2000  }
0x91: {  	[sflag:s14] =	ssyncset.done $0x0  }
0x92: {  	[sflag:s14] =	ssyncadd.s32 $0xFFFFE000  }
0x93: {  	[spmem:s3] =	stream.indirect.scatter.add.f32 [tilespmem:s12], [sflag:$0x6], $0x80, s11, s31, $0xb8;
	[tilespmem:$0x1C400] =	vst v63  }
0x94: {  	_ =	swait.ge [sflag:s23], $0x2000  }
0x95: {  	s12 =	sor.u32 $0x30, s26;
	[sflag:s23] =	ssyncset.done $0x0  }
0x96: {  	s26 =	sadd.s32 s2, s12;
	[sflag:s23] =	ssyncadd.s32 $0xFFFFE000  }
0x97: {  	[tilespmem:s30], [sflag:$0x9] =	stream.linear.gather [hbm4b:s26+s5], $0x80, $0x38;
	[tilespmem:$0x1C400] =	vst v63  }
0x98: {  	_ =	swait.ge [sflag:s29], $0x80  }
0x99: {  	[sflag:s29] =	ssyncset.done $0x0  }
0x9a: {  	s25 =	sadd.s32 s6, s12;
	[sflag:s29] =	ssyncadd.s32 $0xFFFFFF80  }
0x9b: {  	[tilespmem:s16], [sflag:$0x9] =	stream.linear.gather [hbm4b:s25+s5], $0x80, $0x38;
	[tilespmem:$0x1C400] =	vst v63  }
0x9c: {  	_ =	swait.ge [sflag:s29], $0x80  }
0x9d: {  	[sflag:s29] =	ssyncset.done $0x0  }
0x9e: {  	[sflag:s29] =	ssyncadd.s32 $0xFFFFFF80  }
0x9f: {  	[tilespmem:s17], [sflag:$0x4] =	stream.indirect.gather [hbm4b:s1+s31], $0x80, s30, s31, $0xb8;
	[tilespmem:$0x1C400] =	vst v63  }
0xa0: {  	_ =	swait.ge [sflag:s18], $0x2000  }
0xa1: {  	[sflag:s18] =	ssyncset.done $0x0  }
0xa2: {  	s28 =	sadd.s32 $0xFFFFFFF0, s9;
	s13 =	simm.s32 $0x80;
	[sflag:s18] =	ssyncadd.s32 $0xFFFFE000  }
0xa3: {  	[spmem:s3] =	stream.indirect.scatter.add.f32 [tilespmem:s24], [sflag:$0x7], $0x80, s15, s31, $0xb8;
	[tilespmem:$0x1C400] =	vst v63  }
0xa4: {  	s26 =	sand.u32 $0xFFFFF80, s28;
	s25 =	sand.u32 $0x40, s13;
	_ =	swait.ge [sflag:s19], $0x2000  }
0xa5: {  	s25 =	sor.u32 s25, s26;
	[sflag:s19] =	ssyncset.done $0x0  }
0xa6: {  	s26 =	sadd.s32 s2, s25;
	[sflag:s19] =	ssyncadd.s32 $0xFFFFE000  }
0xa7: {  	[tilespmem:s5], [sflag:$0x9] =	stream.linear.gather [hbm4b:s26+s5], $0x80, $0x38;
	[tilespmem:$0x1C400] =	vst v63  }
0xa8: {  	_ =	swait.ge [sflag:s29], $0x80  }
0xa9: {  	[sflag:s29] =	ssyncset.done $0x0  }
0xaa: {  	s25 =	sadd.s32 s6, s25;
	[sflag:s29] =	ssyncadd.s32 $0xFFFFFF80  }
0xab: {  	[tilespmem:s4], [sflag:$0x9] =	stream.linear.gather [hbm4b:s25+s5], $0x80, $0x38;
	[tilespmem:$0x1C400] =	vst v63  }
0xac: {  	_ =	swait.ge [sflag:s29], $0x80  }
0xad: {  	[sflag:s29] =	ssyncset.done $0x0  }
0xae: {  	[sflag:s29] =	ssyncadd.s32 $0xFFFFFF80  }
0xaf: {  	[tilespmem:s7], [sflag:$0x1] =	stream.indirect.gather [hbm4b:s1+s31], $0x80, s5, s31, $0xb8;
	[tilespmem:$0x1C400] =	vst v63  }
0xb0: {  	_ =	swait.ge [sflag:s20], $0x2000  }
0xb1: {  	[sflag:s20] =	ssyncset.done $0x0  }
0xb2: {  	s30 =	simm.s32 $0x90;
	[sflag:s20] =	ssyncadd.s32 $0xFFFFE000  }
0xb3: {  	[spmem:s3] =	stream.indirect.scatter.add.f32 [tilespmem:s17], [sflag:$0x8], $0x80, s16, s31, $0xb8;
	[tilespmem:$0x1C400] =	vst v63  }
0xb4: {  	s9 =	sand.u32 $0xFFFFF80, s9;
	s25 =	sand.u32 $0x50, s30;
	_ =	swait.ge [sflag:s21], $0x2000  }
0xb5: {  	s9 =	sor.u32 s25, s9;
	[sflag:s21] =	ssyncset.done $0x0  }
0xb6: {  	s25 =	sadd.s32 s2, s9;
	[sflag:s21] =	ssyncadd.s32 $0xFFFFE000  }
0xb7: {  	[tilespmem:s8], [sflag:$0x9] =	stream.linear.gather [hbm4b:s25+s5], $0x80, $0x38;
	[tilespmem:$0x1C400] =	vst v63  }
0xb8: {  	_ =	swait.ge [sflag:s29], $0x80  }
0xb9: {  	[sflag:s29] =	ssyncset.done $0x0  }
0xba: {  	s9 =	sadd.s32 s6, s9;
	[sflag:s29] =	ssyncadd.s32 $0xFFFFFF80  }
0xbb: {  	[tilespmem:s11], [sflag:$0x9] =	stream.linear.gather [hbm4b:s9+s5], $0x80, $0x38;
	[tilespmem:$0x1C400] =	vst v63  }
0xbc: {  	_ =	swait.ge [sflag:s29], $0x80  }
0xbd: {  	[sflag:s29] =	ssyncset.done $0x0  }
0xbe: {  	s26 =	simm.s32 $0xD0;
	[sflag:s29] =	ssyncadd.s32 $0xFFFFFF80  }
.LBB2_2:
0xbf: {  	s12 =	simm.s32 $0x80;
	s13 =	simm.s32 $0x2400  }
0xc0: {  	[tilespmem:s13], [sflag:$0x2] =	stream.indirect.gather [hbm4b:s1+s31], $0x80, s12, s31, $0xb8;
	[tilespmem:$0x1C400] =	vst v63  }
0xc1: {  	_ =	swait.ge [sflag:s10], $0x2000  }
0xc2: {  	[sflag:s10] =	ssyncset.done $0x0  }
0xc3: {  	s8 =	simm.s32 $0x200;
	s11 =	simm.s32 $0x400;
	[sflag:s10] =	ssyncadd.s32 $0xFFFFE000  }
0xc4: {  	[spmem:s3] =	stream.indirect.scatter.add.f32 [tilespmem:s11], [sflag:$0x5], $0x80, s8, s31, $0xb8;
	[tilespmem:$0x1C400] =	vst v63  }
0xc5: {  	_ =	swait.ge [sflag:s22], $0x2000  }
0xc6: {  	s9 =	smov.u32 s26;
	s25 =	rddreg [dreg:$0x5]  }
0xc7: {  	s28 =	sadd.s32 $0xFFFFFFF0, s9;
	s25 =	sadd.s32 s9, s25  }
0xc8: {  	s24 =	sand.u32 $0x50, s9;
	s9 =	sadd.s32 $0xFFFFFFB0, s9;
	s30 =	sadd.s32 $0xFFFFFFB0, s25  }
0xc9: {  	s9 =	sand.u32 $0x40, s9;
	s30 =	sand.u32 $0xFFFFF80, s30  }
0xca: {  	s9 =	sor.u32 s30, s9  }
0xcb: {  	[sflag:s22] =	ssyncset.done $0x0;
	s30 =	sor.u32 $0x20, s9  }
0xcc: {  	s15 =	simm.s32 $0x100;
	[sflag:s22] =	ssyncadd.s32 $0xFFFFE000;
	s7 =	sadd.s32 s2, s30  }
0xcd: {  	[tilespmem:s15], [sflag:$0x9] =	stream.linear.gather [hbm4b:s7+s5], $0x80, $0x38;
	[tilespmem:$0x1C400] =	vst v63  }
0xce: {  	_ =	swait.ge [sflag:s29], $0x80  }
0xcf: {  	s28 =	sand.u32 $0x40, s28;
	s0 =	sadd.s32 $0xFFFFFFF0, s25;
	[sflag:s29] =	ssyncset.done $0x0  }
0xd0: {  	s30 =	sadd.s32 s6, s30;
	s7 =	simm.s32 $0x300;
	[sflag:s29] =	ssyncadd.s32 $0xFFFFFF80  }
0xd1: {  	[tilespmem:s7], [sflag:$0x9] =	stream.linear.gather [hbm4b:s30+s5], $0x80, $0x38;
	[tilespmem:$0x1C400] =	vst v63  }
0xd2: {  	s25 =	sand.u32 $0xFFFFF80, s25;
	s0 =	sand.u32 $0xFFFFF80, s0;
	_ =	swait.ge [sflag:s29], $0x80  }
0xd3: {  	s4 =	sor.u32 $0x30, s9;
	s9 =	sor.u32 s28, s0;
	[sflag:s29] =	ssyncset.done $0x0  }
0xd4: {  	s28 =	sor.u32 s24, s25;
	s25 =	simm.s32 $0x4400;
	[sflag:s29] =	ssyncadd.s32 $0xFFFFFF80  }
0xd5: {  	[tilespmem:s25], [sflag:$0x3] =	stream.indirect.gather [hbm4b:s1+s31], $0x80, s15, s31, $0xb8;
	[tilespmem:$0x1C400] =	vst v63  }
0xd6: {  	_ =	swait.ge [sflag:s14], $0x2000  }
0xd7: {  	[sflag:s14] =	ssyncset.done $0x0  }
0xd8: {  	s24 =	simm.s32 $0x280;
	[sflag:s14] =	ssyncadd.s32 $0xFFFFE000  }
0xd9: {  	[spmem:s3] =	stream.indirect.scatter.add.f32 [tilespmem:s13], [sflag:$0x6], $0x80, s24, s31, $0xb8;
	[tilespmem:$0x1C400] =	vst v63  }
0xda: {  	_ =	swait.ge [sflag:s23], $0x2000  }
0xdb: {  	[sflag:s23] =	ssyncset.done $0x0  }
0xdc: {  	s30 =	simm.s32 $0x180;
	s15 =	sadd.s32 s2, s4;
	[sflag:s23] =	ssyncadd.s32 $0xFFFFE000  }
0xdd: {  	[tilespmem:s30], [sflag:$0x9] =	stream.linear.gather [hbm4b:s15+s5], $0x80, $0x38;
	[tilespmem:$0x1C400] =	vst v63  }
0xde: {  	_ =	swait.ge [sflag:s29], $0x80  }
0xdf: {  	[sflag:s29] =	ssyncset.done $0x0  }
0xe0: {  	s4 =	sadd.s32 s6, s4;
	[sflag:s29] =	ssyncadd.s32 $0xFFFFFF80  }
0xe1: {  	[tilespmem:s16], [sflag:$0x9] =	stream.linear.gather [hbm4b:s4+s5], $0x80, $0x38;
	[tilespmem:$0x1C400] =	vst v63  }
0xe2: {  	_ =	swait.ge [sflag:s29], $0x80  }
0xe3: {  	[sflag:s29] =	ssyncset.done $0x0  }
0xe4: {  	[sflag:s29] =	ssyncadd.s32 $0xFFFFFF80  }
0xe5: {  	[tilespmem:s17], [sflag:$0x4] =	stream.indirect.gather [hbm4b:s1+s31], $0x80, s30, s31, $0xb8;
	[tilespmem:$0x1C400] =	vst v63  }
0xe6: {  	_ =	swait.ge [sflag:s18], $0x2000  }
0xe7: {  	[sflag:s18] =	ssyncset.done $0x0  }
0xe8: {  	[sflag:s18] =	ssyncadd.s32 $0xFFFFE000  }
0xe9: {  	[spmem:s3] =	stream.indirect.scatter.add.f32 [tilespmem:s25], [sflag:$0x7], $0x80, s7, s31, $0xb8;
	[tilespmem:$0x1C400] =	vst v63  }
0xea: {  	_ =	swait.ge [sflag:s19], $0x2000  }
0xeb: {  	[sflag:s19] =	ssyncset.done $0x0  }
0xec: {  	s13 =	sadd.s32 s2, s9;
	[sflag:s19] =	ssyncadd.s32 $0xFFFFE000  }
0xed: {  	[tilespmem:s5], [sflag:$0x9] =	stream.linear.gather [hbm4b:s13+s5], $0x80, $0x38;
	[tilespmem:$0x1C400] =	vst v63  }
0xee: {  	_ =	swait.ge [sflag:s29], $0x80  }
0xef: {  	[sflag:s29] =	ssyncset.done $0x0  }
0xf0: {  	s15 =	sadd.s32 s6, s9;
	[sflag:s29] =	ssyncadd.s32 $0xFFFFFF80  }
0xf1: {  	[tilespmem:s8], [sflag:$0x9] =	stream.linear.gather [hbm4b:s15+s5], $0x80, $0x38;
	[tilespmem:$0x1C400] =	vst v63  }
0xf2: {  	_ =	swait.ge [sflag:s29], $0x80  }
0xf3: {  	[sflag:s29] =	ssyncset.done $0x0  }
0xf4: {  	[sflag:s29] =	ssyncadd.s32 $0xFFFFFF80  }
0xf5: {  	[tilespmem:s11], [sflag:$0x1] =	stream.indirect.gather [hbm4b:s1+s31], $0x80, s5, s31, $0xb8;
	[tilespmem:$0x1C400] =	vst v63  }
0xf6: {  	_ =	swait.ge [sflag:s20], $0x2000  }
0xf7: {  	[sflag:s20] =	ssyncset.done $0x0  }
0xf8: {  	[sflag:s20] =	ssyncadd.s32 $0xFFFFE000  }
0xf9: {  	[spmem:s3] =	stream.indirect.scatter.add.f32 [tilespmem:s17], [sflag:$0x8], $0x80, s16, s31, $0xb8;
	[tilespmem:$0x1C400] =	vst v63  }
0xfa: {  	_ =	swait.ge [sflag:s21], $0x2000  }
0xfb: {  	[sflag:s21] =	ssyncset.done $0x0  }
0xfc: {  	s25 =	sadd.s32 s2, s28;
	[sflag:s21] =	ssyncadd.s32 $0xFFFFE000  }
0xfd: {  	[tilespmem:s12], [sflag:$0x9] =	stream.linear.gather [hbm4b:s25+s5], $0x80, $0x38;
	[tilespmem:$0x1C400] =	vst v63  }
0xfe: {  	_ =	swait.ge [sflag:s29], $0x80  }
0xff: {  	p0 =	sne.s32 s26, $0x9D0;
	[sflag:s29] =	ssyncset.done $0x0  }
.Ltmp0:
0x100: {  	s30 =	sadd.s32 s6, s28;
	[sflag:s29] =	ssyncadd.s32 $0xFFFFFF80;
	(pc) =	sbr.rel @p0 .LBB2_2-.Ltmp0, $4  }
0x101: {  	[tilespmem:s24], [sflag:$0x9] =	stream.linear.gather [hbm4b:s30+s5], $0x80, $0x38;
	[tilespmem:$0x1C400] =	vst v63  }
0x102: {  	s26 =	sadd.s32 $0x40, s26;
	_ =	swait.ge [sflag:s29], $0x80  }
0x103: {  	s9 =	simm.s32 $0x280;
	s4 =	simm.s32 $0x200;
	[sflag:s29] =	ssyncset.done $0x0  }
0x104: {  	s7 =	simm.s32 $0x400;
	s8 =	simm.s32 $0x80;
	[sflag:s29] =	ssyncadd.s32 $0xFFFFFF80  }
0x105: {  	s11 =	simm.s32 $0x2400  }
0x106: {  	[tilespmem:s11], [sflag:$0x2] =	stream.indirect.gather [hbm4b:s1+s31], $0x80, s8, s31, $0xb8;
	[tilespmem:$0x1C400] =	vst v63  }
0x107: {  	_ =	swait.ge [sflag:s10], $0x2000  }
0x108: {  	[sflag:s10] =	ssyncset.done $0x0  }
0x109: {  	[sflag:s10] =	ssyncadd.s32 $0xFFFFE000  }
0x10a: {  	[spmem:s3] =	stream.indirect.scatter.add.f32 [tilespmem:s7], [sflag:$0x5], $0x80, s4, s31, $0xb8;
	[tilespmem:$0x1C400] =	vst v63  }
0x10b: {  	_ =	swait.ge [sflag:s22], $0x2000  }
0x10c: {  	[sflag:s22] =	ssyncset.done $0x0  }
0x10d: {  	s30 =	simm.s32 $0x100;
	s0 =	rddreg [dreg:$0x15];
	[sflag:s22] =	ssyncadd.s32 $0xFFFFE000  }
0x10e: {  	[tilespmem:s30], [sflag:$0x9] =	stream.linear.gather [hbm4b:s0+s5], $0x80, $0x38;
	[tilespmem:$0x1C400] =	vst v63  }
0x10f: {  	_ =	swait.ge [sflag:s29], $0x80  }
0x110: {  	[sflag:s29] =	ssyncset.done $0x0  }
0x111: {  	s8 =	simm.s32 $0x300;
	s7 =	rddreg [dreg:$0x16];
	[sflag:s29] =	ssyncadd.s32 $0xFFFFFF80  }
0x112: {  	[tilespmem:s8], [sflag:$0x9] =	stream.linear.gather [hbm4b:s7+s5], $0x80, $0x38;
	[tilespmem:$0x1C400] =	vst v63  }
0x113: {  	_ =	swait.ge [sflag:s29], $0x80  }
0x114: {  	[sflag:s29] =	ssyncset.done $0x0  }
0x115: {  	s12 =	simm.s32 $0x4400;
	[sflag:s29] =	ssyncadd.s32 $0xFFFFFF80  }
0x116: {  	[tilespmem:s12], [sflag:$0x3] =	stream.indirect.gather [hbm4b:s1+s31], $0x80, s30, s31, $0xb8;
	[tilespmem:$0x1C400] =	vst v63  }
0x117: {  	_ =	swait.ge [sflag:s14], $0x2000  }
0x118: {  	[sflag:s14] =	ssyncset.done $0x0  }
0x119: {  	[sflag:s14] =	ssyncadd.s32 $0xFFFFE000  }
0x11a: {  	[spmem:s3] =	stream.indirect.scatter.add.f32 [tilespmem:s11], [sflag:$0x6], $0x80, s9, s31, $0xb8;
	[tilespmem:$0x1C400] =	vst v63  }
0x11b: {  	_ =	swait.ge [sflag:s23], $0x2000  }
0x11c: {  	[sflag:s23] =	ssyncset.done $0x0  }
0x11d: {  	s15 =	simm.s32 $0x180;
	s13 =	rddreg [dreg:$0x17];
	[sflag:s23] =	ssyncadd.s32 $0xFFFFE000  }
0x11e: {  	[tilespmem:s15], [sflag:$0x9] =	stream.linear.gather [hbm4b:s13+s5], $0x80, $0x38;
	[tilespmem:$0x1C400] =	vst v63  }
0x11f: {  	_ =	swait.ge [sflag:s29], $0x80  }
0x120: {  	[sflag:s29] =	ssyncset.done $0x0  }
0x121: {  	s24 =	rddreg [dreg:$0x18];
	[sflag:s29] =	ssyncadd.s32 $0xFFFFFF80  }
0x122: {  	[tilespmem:s16], [sflag:$0x9] =	stream.linear.gather [hbm4b:s24+s5], $0x80, $0x38;
	[tilespmem:$0x1C400] =	vst v63  }
0x123: {  	_ =	swait.ge [sflag:s29], $0x80  }
0x124: {  	[sflag:s29] =	ssyncset.done $0x0  }
0x125: {  	[sflag:s29] =	ssyncadd.s32 $0xFFFFFF80  }
0x126: {  	[tilespmem:s17], [sflag:$0x4] =	stream.indirect.gather [hbm4b:s1+s31], $0x80, s15, s31, $0xb8;
	[tilespmem:$0x1C400] =	vst v63  }
0x127: {  	_ =	swait.ge [sflag:s18], $0x2000  }
0x128: {  	[sflag:s18] =	ssyncset.done $0x0  }
0x129: {  	[sflag:s18] =	ssyncadd.s32 $0xFFFFE000  }
0x12a: {  	[spmem:s3] =	stream.indirect.scatter.add.f32 [tilespmem:s12], [sflag:$0x7], $0x80, s8, s31, $0xb8;
	[tilespmem:$0x1C400] =	vst v63  }
0x12b: {  	_ =	swait.ge [sflag:s19], $0x2000  }
0x12c: {  	[sflag:s19] =	ssyncset.done $0x0  }
0x12d: {  	[sflag:s19] =	ssyncadd.s32 $0xFFFFE000  }
0x12e: {  	_ =	swait.ge [sflag:s20], $0x2000  }
0x12f: {  	[sflag:s20] =	ssyncset.done $0x0  }
0x130: {  	[sflag:s20] =	ssyncadd.s32 $0xFFFFE000  }
0x131: {  	[spmem:s3] =	stream.indirect.scatter.add.f32 [tilespmem:s17], [sflag:$0x8], $0x80, s16, s31, $0xb8;
	[tilespmem:$0x1C400] =	vst v63  }
0x132: {  	_ =	swait.ge [sflag:s21], $0x2000  }
0x133: {  	[sflag:s21] =	ssyncset.done $0x0  }
0x134: {  	[sflag:s21] =	ssyncadd.s32 $0xFFFFE000  }
0x135: {  	_ =	swait.ge [sflag:s22], $0x2000  }
0x136: {  	[sflag:s22] =	ssyncset.done $0x0  }
0x137: {  	[sflag:s22] =	ssyncadd.s32 $0xFFFFE000  }
0x138: {  	_ =	swait.ge [sflag:s23], $0x2000  }
0x139: {  	[sflag:s23] =	ssyncset.done $0x0  }
0x13a: {  	[sflag:s23] =	ssyncadd.s32 $0xFFFFE000  }
0x13b: {  	[bflag:$0x0] =	sbarrier.arrive $0xFFFF  }
0x13c: {  	s24 =	rddreg [dreg:$0x8]  }
0x13d: {  	s25 =	rddreg [dreg:$0x19]  }
0x13e: {  	s26 =	rddreg [dreg:$0x1c]  }
0x13f: {  	[hbm:s25], [sflag:s24] =	dma.local [spmem:s26], $0x2800  }
0x140: {  	_ =	swait.ge [sflag:s29], $0x2800  }
0x141: {  	s28 =	rddreg [dreg:$0x1b]  }
0x142: {  	s30 =	rddreg [dreg:$0x1a];
	s4 =	sadd.s32 $0x1, s28  }
0x143: {  	p0 =	sne.s32 s4, s30  }
.Ltmp1:
0x144: {  	_ = 	snop;
	(pc) =	sbr.rel @p0 .LBB2_1-.Ltmp1, $3  }
0x145: {  	_ =	sdelay $0x1  }
0x146: {  	[sflag:s29] =	ssyncset.done $0x0  }
0x147: {  	[sflag:s29] =	ssyncadd.s32 $0xFFFFD800  }
0x148: {  	_ =	sfence.sel $0x180000  }
0x149: {  	[bflag:$0x0] =	sbarrier.arrive $0xFFFF  }
0x14a: {  	_ =	strace $0x9000004A  }
0x14b: {  	s0 =	stileid.u32;
	[bflag:$0x2] =	sbarrier.arrive $0xFFFF  }
0x14c: {  	p0 =	sne.s32 s0, $0x0;
	s0 =	rddreg [dreg:$0x4]  }
0x14d: {  	s0 =	sadd.s32 @!p0 $0x100000, s0  }
0x14e: {  	[sflag:s0] =	ssyncadd.tile.s32 @!p0 $0x1;
	_ =	shalt  }
.Lfunc_end2:
_tile_overlayer_lowered:
.L_overlay_start_2:
0x14f: {  	(tag) =	ssettag $0x2  }
0x150: {  	s0 =	rddreg [dreg:$0x0];
	s2 =	stileid.u32  }
0x151: {  	s1 =	rddreg [dreg:$0x1];
	p0 =	sne.s32 s2, $0x0  }
0x152: {  	s3 =	rddreg [dreg:$0x2];
	[bflag:$0x3] =	sbarrier.arrive $0xFFFF;
	s2 =	simm.s32 @!p0 $0x1C09  }
0x153: {  	[timem:s3], [sflag:s2] =	dma.local @!p0 [hbm:s0], s1  }
0x154: {  	s0 =	simm.s32 @!p0 $0x9  }
0x155: {  	_ =	swait.ge @!p0 [sflag:s0], s1  }
0x156: {  	s1 =	ssub.s32 @!p0 $0x0, s1;
	[sflag:s0] =	ssyncset.done @!p0 $0x0  }
0x157: {  	[sflag:s0] =	ssyncadd.s32 @!p0 s1  }
0x158: {  	[bflag:$0x3] =	sbarrier.arrive $0xFFFF  }
0x159: {  	_ =	shalt  }

// kernel: kernel.13.cloned.1.call-start
scs
__scs_entry_jumppad:
0x0: {  	(pc) =	sbr.rel $0x88, $3  }
0x1: {  	(tag) =	ssettag $0x0;
	lr =	simm.s32 $0x1  }
0x2: {  	[smem:$0x3F92] =	sst lr;
	_ =	strace $0xD0000000  }
0x3: {  	_ = 	snop  }
0x4: {  	_ = 	snop  }
0x5: {  	_ = 	snop  }
0x6: {  	_ = 	snop  }
0x7: {  	_ = 	snop  }
__scs_overlays_trampoline_lowered:
0x8: {  	[smem:$0x3FA1] =	sst s0  }
0x9: {  	[smem:$0x3FA2] =	sst s1  }
0xa: {  	[smem:$0x3FA3] =	sst s2  }
0xb: {  	[smem:$0x3FA4] =	sst s3  }
0xc: {  	[smem:$0x3FA5] =	sst s4  }
0xd: {  	[smem:$0x3FA6] =	sst s5  }
0xe: {  	[smem:$0x3FA7] =	sst s6  }
0xf: {  	[smem:$0x3FA8] =	sst s7  }
0x10: {  	[smem:$0x3FA9] =	sst s8  }
0x11: {  	[smem:$0x3FAA] =	sst s9;
	s0 =	simm.s32 @!p0 $0x0  }
0x12: {  	s1 =	sld [smem:$0x3F90];
	s0 =	simm.s32 @p0 $0x1  }
0x13: {  	[smem:$0x3FAB] =	sst s0;
	s0 =	simm.s32 @!p1 $0x0  }
0x14: {  	s2 =	sld [smem:$0x3F8F];
	s0 =	simm.s32 @p1 $0x1  }
0x15: {  	[smem:$0x3FAC] =	sst s0;
	s0 =	simm.s32 @!p2 $0x0  }
0x16: {  	s3 =	sld [smem:$0x3FDB];
	s0 =	simm.s32 @p2 $0x1  }
0x17: {  	s4 =	simm.s32 $0x1BF5;
	[smem:$0x3FAE] =	sst s0  }
0x18: {  	s0 =	sld [smem:$0x3F91];
	_ =	swait.ge [sflag:s4], $0x0  }
0x19: {  	s7 =	sld [smem:$0x3F92]  }
0x1a: {  	s8 =	sadd.s32 $0xFFFFE003, lr  }
0x1b: {  	s9 =	sadd.s32 $0xFFFFFEF7, lr;
	s5 =	simm.s32 $0xFFFFFFFF;
	p2 =	slt.u32 s8, $0xFFFFF086  }
0x1c: {  	p1 =	slt.u32 s9, $0xF7A;
	s5 =	simm.s32 @!p2 $0x0  }
0x1d: {  	s5 =	simm.s32 @p1 $0x1;
	p0 =	seq.s32 s7, s2  }
0x1e: {  	s7 =	smul.u32 @!p0 $0xF7A, s2;
	p2 =	seq.s32 @!p0 s5, $0x0  }
0x1f: {  	s9 =	smul.u32 $0xF7A, s1;
	s8 =	simm.s32 @!p0 $0x1BF5;
	p2 =	por !p2, p0  }
0x20: {  	[sflag:s8] =	ssyncset.s32 @!p0 $0xFFFFF086;
	s6 =	sadd.s32 @!p0 s3, s7;
	s7 =	simm.s32 @!p0 $0x108  }
0x21: {  	s3 =	sadd.s32 s3, s9;
	s6 =	sadd.s32 @!p0 $0x88, s6;
	s7 =	simm.s32 @p2 $0x1082  }
0x22: {  	[simem:s7], [sflag:s8] =	dma.local @!p0 [hbm:s6], $0xF7A  }
0x23: {  	s9 =	sor.u32 $0xD0000000, s2;
	s6 =	simm.s32 $0x108;
	_ =	swait.ge @!p0 [sflag:s8], $0x0  }
0x24: {  	s3 =	sadd.s32 $0x88, s3;
	s6 =	simm.s32 @!p1 $0x1082;
	[sflag:s4] =	ssyncset.s32 $0xFFFFF086  }
0x25: {  	[simem:s6], [sflag:s4] =	dma.local [hbm:s3], $0xF7A  }
0x26: {  	[smem:$0x3F92] =	sst s1;
	(tag) =	ssettag s2;
	_ =	strace s9  }
0x27: {  	s1 =	sld [smem:$0x3FA2]  }
0x28: {  	s2 =	sld [smem:$0x3FA3]  }
0x29: {  	s4 =	sld [smem:$0x3FA5]  }
0x2a: {  	p0 =	seq.s32 s5, $0x0;
	s5 =	sld [smem:$0x3FA6]  }
0x2b: {  	s6 =	sld [smem:$0x3FA7]  }
0x2c: {  	s7 =	sld [smem:$0x3FA8]  }
0x2d: {  	s3 =	simm.s32 $0x108;
	s8 =	sld [smem:$0x3FA9]  }
0x2e: {  	s3 =	simm.s32 @!p0 $0x1082;
	s9 =	sld [smem:$0x3FAA]  }
0x2f: {  	lr =	sadd.s32 s0, s3;
	s0 =	sld [smem:$0x3FA1]  }
0x30: {  	s3 =	sld [smem:$0x3FA4]  }
0x31: {  	[smem:$0x3FAD] =	sst s10  }
0x32: {  	s10 =	sld [smem:$0x3FAB];
	_ =	sdelay $0x3  }
0x33: {  	p0 =	seq.s32 s10, $0x1;
	s10 =	sld [smem:$0x3FAD];
	_ =	sdelay $0x3  }
0x34: {  	[smem:$0x3FAD] =	sst s10  }
0x35: {  	s10 =	sld [smem:$0x3FAC];
	_ =	sdelay $0x3  }
0x36: {  	p1 =	seq.s32 s10, $0x1;
	s10 =	sld [smem:$0x3FAD];
	_ =	sdelay $0x3  }
0x37: {  	[smem:$0x3FAD] =	sst s10  }
0x38: {  	s10 =	sld [smem:$0x3FAE]  }
0x39: {  	_ = 	snop;
	(pc) =	sbr.ind lr, $3  }
0x3a: {  	_ = 	snop  }
0x3b: {  	_ = 	snop  }
0x3c: {  	p2 =	seq.s32 s10, $0x1;
	s10 =	sld [smem:$0x3FAD]  }
0x3d: {  	_ =	shalt  }
0x3e: {  	_ =	shalt  }
0x3f: {  	_ =	shalt  }
0x40: {  	_ =	shalt  }
0x41: {  	_ =	shalt  }
0x42: {  	_ =	shalt  }
0x43: {  	_ =	shalt  }
0x44: {  	_ =	shalt  }
0x45: {  	_ =	shalt  }
0x46: {  	_ =	shalt  }
0x47: {  	_ =	shalt  }
0x48: {  	_ =	shalt  }
0x49: {  	_ =	shalt  }
0x4a: {  	_ =	shalt  }
0x4b: {  	_ =	shalt  }
0x4c: {  	_ =	shalt  }
0x4d: {  	_ =	shalt  }
0x4e: {  	_ =	shalt  }
0x4f: {  	_ =	shalt  }
0x50: {  	_ =	shalt  }
0x51: {  	_ =	shalt  }
0x52: {  	_ =	shalt  }
0x53: {  	_ =	shalt  }
0x54: {  	_ =	shalt  }
0x55: {  	_ =	shalt  }
0x56: {  	_ =	shalt  }
0x57: {  	_ =	shalt  }
0x58: {  	_ =	shalt  }
0x59: {  	_ =	shalt  }
0x5a: {  	_ =	shalt  }
0x5b: {  	_ =	shalt  }
0x5c: {  	_ =	shalt  }
0x5d: {  	_ =	shalt  }
0x5e: {  	_ =	shalt  }
0x5f: {  	_ =	shalt  }
0x60: {  	_ =	shalt  }
0x61: {  	_ =	shalt  }
0x62: {  	_ =	shalt  }
0x63: {  	_ =	shalt  }
0x64: {  	_ =	shalt  }
0x65: {  	_ =	shalt  }
0x66: {  	_ =	shalt  }
0x67: {  	_ =	shalt  }
0x68: {  	_ =	shalt  }
0x69: {  	_ =	shalt  }
0x6a: {  	_ =	shalt  }
0x6b: {  	_ =	shalt  }
0x6c: {  	_ =	shalt  }
0x6d: {  	_ =	shalt  }
0x6e: {  	_ =	shalt  }
0x6f: {  	_ =	shalt  }
0x70: {  	_ =	shalt  }
0x71: {  	_ =	shalt  }
0x72: {  	_ =	shalt  }
0x73: {  	_ =	shalt  }
0x74: {  	_ =	shalt  }
0x75: {  	_ =	shalt  }
0x76: {  	_ =	shalt  }
0x77: {  	_ =	shalt  }
0x78: {  	_ =	shalt  }
0x79: {  	_ =	shalt  }
0x7a: {  	_ =	shalt  }
0x7b: {  	_ =	shalt  }
0x7c: {  	_ =	shalt  }
0x7d: {  	_ =	shalt  }
0x7e: {  	_ =	shalt  }
0x7f: {  	_ =	shalt  }
0x80: {  	_ =	shalt  }
0x81: {  	_ =	shalt  }
0x82: {  	_ =	shalt  }
0x83: {  	_ =	shalt  }
0x84: {  	_ =	shalt  }
0x85: {  	_ =	shalt  }
0x86: {  	_ =	shalt  }
0x87: {  	_ =	shalt  }
.Lfunc_end0:
.L_simem_size_0:
called_computation.3_lowered:
.L_overlay_start_0:
0x88: {  	s2 =	sld [smem:$0x3FD9]  }
0x89: {  	s3 =	sld [smem:$0x3FFE];
	_ =	sdelay $0x1  }
0x8a: {  	s1 =	srdreg.scid  }
0x8b: {  	s0 =	sand.u32 $0x1, s1  }
0x8c: {  	s17 =	sshll.u32 s0, $0xA;
	s2 =	sadd.s32 s3, s2  }
0x8d: {  	s2 =	sadd.s32 s2, s17  }
0x8e: {  	[smem:$0x3FB9] =	sst s2  }
0x8f: {  	_ = 	snop  }
0x90: {  	s2 =	sld [smem:$0x3FD0];
	(tm) =	ssettm $0x1  }
0x91: {  	s18 =	sld [smem:$0x3FFB];
	_ =	sdelay $0x3  }
0x92: {  	_ =	strace s18  }
0x93: {  	s3 =	sld [smem:$0x3FFC];
	_ =	sdelay $0x3  }
0x94: {  	_ =	strace s3  }
0x95: {  	s3 =	sld [smem:$0x3FFD];
	_ =	sdelay $0x3  }
0x96: {  	_ =	strace s3  }
0x97: {  	_ =	strace $0x8FFFFFFF  }
0x98: {  	s19 =	sld [smem:$0x3FDB];
	_ =	sdelay $0x1  }
0x99: {  	s4 =	simm.s32 $_scs_section_size  }
0x9a: {  	s5 =	simm.s32 $_size__tile_overlayer_lowered;
	s6 =	simm.s32 $_tile_overlayer_lowered  }
0x9b: {  	s22 =	simm.s32 $0x1BFF;
	s21 =	sshll.u32 s6, $0x1;
	s3 =	sadd.s32 s4, s19  }
0x9c: {  	s7 =	simm.s32 $0x0;
	s20 =	sshll.u32 s5, $0x1;
	s5 =	sadd.s32 s21, s3  }
0x9d: {  	[timem:s7], [sflag:s22] =	dma.local [hbm:s5], s20  }
0x9e: {  	_ =	swait.ge [sflag:s22], s20  }
0x9f: {  	s4 =	ssub.s32 $0x0, s20;
	[sflag:s22] =	ssyncset.done $0x0  }
0xa0: {  	[sflag:s22] =	ssyncadd.s32 s4;
	_ =	sdelay $0x1  }
0xa1: {  	s23 =	simm.s32 $0x1B8B  }
0xa2: {  	_ =	swait.ge [sflag:s23], $0x1  }
0xa3: {  	[sflag:s23] =	ssyncset.done $0x0  }
0xa4: {  	s25 =	simm.s32 $0x1B8E;
	s24 =	sld [smem:$0x3FFE];
	[sflag:s23] =	ssyncadd.s32 $0xFFFFFFFF  }
0xa5: {  	s26 =	simm.s32 $execute0_lowered;
	[smem:$0x3FD2] =	sst s25  }
0xa6: {  	s5 =	sshll.u32 s26, $0x1;
	_ =	strace $0x8000004F;
	[dreg:$0x1] =	wrdreg $0xFFFFFFFF  }
0xa7: {  	s28 =	simm.s32 $_size_execute0_lowered;
	s3 =	sadd.s32 s3, s5;
	[dreg:$0x0] =	wrdreg $0x0  }
0xa8: {  	s5 =	sshll.u32 s28, $0x1;
	[dreg:$0x2] =	wrdreg s3  }
0xa9: {  	[dreg:$0x3] =	wrdreg s5  }
0xaa: {  	[dreg:$0x4] =	wrdreg $0xC0  }
0xab: {  	_ =	task [dreg:s7], $0x5FFFF  }
0xac: {  	[dreg:$0x1] =	wrdreg $0xFFFFFFFF  }
0xad: {  	[dreg:$0x0] =	wrdreg $0x60  }
0xae: {  	[dreg:$0x2] =	wrdreg s24  }
0xaf: {  	[dreg:$0x3] =	wrdreg s2  }
0xb0: {  	[dreg:$0x4] =	wrdreg $0x84000  }
0xb1: {  	[dreg:$0x5] =	wrdreg $0x9  }
0xb2: {  	_ =	task.clear_ibuf [dreg:s7], $0x6FFFF;
	_ =	strace $0x9000004F  }
0xb3: {  	s29 =	simm.s32 $0x9;
	_ =	strace $0x80000051  }
0xb4: {  	_ =	swait.ge [sflag:s29], $0x1  }
0xb5: {  	[sflag:s29] =	ssyncadd.s32 $0xFFFFFFFF  }
0xb6: {  	_ =	strace $0x90000051  }
0xb7: {  	_ =	sfence  }
0xb8: {  	s30 =	sld [smem:$0x0];
	_ =	sdelay $0x2  }
0xb9: {  	s31 =	sshll.u32 s1, $0xD;
	s1 =	sshrl.u32 s1, $0x2  }
0xba: {  	s3 =	sand.u32 $0x4000, s31;
	s1 =	sadd.s32 s1, s30  }
0xbb: {  	s0 =	sor.u32 s3, s0;
	s1 =	sshll.u32 s1, $0x11  }
0xbc: {  	s0 =	sor.u32 s1, s0  }
0xbd: {  	s0 =	sadd.s32 $0x8F2B, s0  }
0xbe: {  	[sflag:s0] =	ssyncadd.remote.s32 $0x1  }
0xbf: {  	_ =	sfence.sel $0xFFFF  }
0xc0: {  	[dreg:$0x0] =	wrdreg $0xFFFFFFFF;
	(pc) =	sbr.abs _section_cstart, $3  }
0xc1: {  	[dreg:$0x1] =	wrdreg $0xFFFFFFFF  }
0xc2: {  	_ =	task.clear_ibuf [dreg:s7], $0x2FFFF;
	_ =	strace $0x9FFFFFFF  }
0xc3: {  	(tm) =	ssettm $0x7FFFFFFF  }
tec
execute0_lowered:
.L_overlay_start_1:
0x0: {  	(tag) =	ssettag $0x1  }
0x1: {  	s0 =	rddreg [dreg:$0x0]  }
0x2: {  	s1 =	rddreg [dreg:$0x1]  }
0x3: {  	s2 =	rddreg [dreg:$0x2];
	s3 =	srdreg.scid;
	s4 =	simm.s32 $0x0  }
0x4: {  	s12 =	stileid.u32;
	s29 =	simm.s32 $0x9;
	s31 =	simm.s32 $0x40  }
0x5: {  	s3 =	sand.u32 $0x1, s3;
	[smem:$0x7FF] =	sst s4;
	s6 =	sadd.s32 $0x61D400, s0  }
0x6: {  	s8 =	sadd.s32 $0x631400, s0;
	s20 =	sshll.u32 s12, $0x1;
	s9 =	smul.u32 $0x50000, s12  }
0x7: {  	s22 =	sshll.u32 s12, $0x6;
	s16 =	smul.u32 $0x1400, s12;
	s5 =	sshll.u32 s3, $0x4  }
0x8: {  	_ =	strace $0x80000050;
	[dreg:$0x5] =	wrdreg s8;
	s21 =	ssub.s32 $0x2, s3  }
0x9: {  	s8 =	sor.u32 s3, s20;
	s24 =	sor.u32 $0x1C09, s22;
	s3 =	smul.u32 $0xA00, s3  }
0xa: {  	s7 =	sor.u32 s12, s5;
	s5 =	sadd.s32 $0x52C00, s0;
	s11 =	smul.u32 $0xA00, s8  }
0xb: {  	s10 =	sshrl.u32 s21, $0x1;
	s9 =	sshrl.u32 s9, $0x2;
	s8 =	smul.u32 $0x5000, s8  }
0xc: {  	[dreg:$0x7] =	wrdreg s24;
	s7 =	smul.u32 $0x2800, s7;
	s9 =	sadd.s32 s9, s2  }
0xd: {  	s3 =	sadd.s32 s3, s16;
	s16 =	simm.s32 $0x380;
	[dreg:$0x6] =	wrdreg s9  }
0xe: {  	s23 =	sadd.s32 s1, s11;
	s25 =	sor.u32 $0x10, s11;
	[dreg:$0x4] =	wrdreg s3  }
0xf: {  	s26 =	sadd.s32 s6, s11;
	s30 =	sor.u32 $0x20, s11;
	[dreg:$0x8] =	wrdreg s23  }
0x10: {  	s15 =	sor.u32 $0x30, s11;
	[dreg:$0x9] =	wrdreg s26;
	s28 =	sadd.s32 s1, s25  }
0x11: {  	s18 =	sor.u32 $0x40, s11;
	s9 =	sadd.s32 s6, s25;
	[dreg:$0xa] =	wrdreg s28  }
0x12: {  	s8 =	sshrl.u32 s8, $0x3;
	s13 =	sadd.s32 s1, s30;
	[dreg:$0xb] =	wrdreg s9  }
0x13: {  	s0 =	sadd.s32 s7, s0;
	s14 =	sadd.s32 s6, s30;
	[dreg:$0xc] =	wrdreg s13  }
0x14: {  	s7 =	ssub.s32 s21, s10;
	s17 =	sadd.s32 s1, s15;
	[dreg:$0xd] =	wrdreg s14  }
0x15: {  	s19 =	sadd.s32 s1, s18;
	s20 =	sadd.s32 s6, s18;
	[dreg:$0xe] =	wrdreg s17  }
0x16: {  	s21 =	sor.u32 $0x50, s11;
	s23 =	sadd.s32 $0x9E0, s8;
	[dreg:$0x10] =	wrdreg s19  }
0x17: {  	s8 =	sadd.s32 $0x9F0, s8;
	s9 =	sadd.s32 s6, s15;
	[dreg:$0x11] =	wrdreg s20  }
0x18: {  	s10 =	simm.s32 $0x1;
	s22 =	sadd.s32 s1, s21;
	[dreg:$0xf] =	wrdreg s9  }
0x19: {  	s18 =	simm.s32 $0x3;
	s25 =	sadd.s32 s1, s23;
	[dreg:$0x12] =	wrdreg s22  }
0x1a: {  	s3 =	sadd.s32 s6, s23;
	s26 =	sadd.s32 s1, s8;
	[dreg:$0x14] =	wrdreg s25  }
0x1b: {  	s28 =	sadd.s32 s6, s8;
	s0 =	sadd.s32 $0x7AC00, s0;
	[dreg:$0x15] =	wrdreg s3  }
0x1c: {  	s30 =	smax.u32 s7, $0x1;
	s14 =	simm.s32 $0x2;
	[dreg:$0x16] =	wrdreg s26  }
0x1d: {  	s17 =	simm.s32 $0x6400;
	s19 =	simm.s32 $0x5;
	[dreg:$0x17] =	wrdreg s28  }
0x1e: {  	s20 =	simm.s32 $0x4;
	s23 =	simm.s32 $0x8;
	[dreg:$0x18] =	wrdreg s0  }
0x1f: {  	s9 =	sadd.s32 s6, s21;
	[dreg:$0x19] =	wrdreg s30;
	s21 =	simm.s32 $0x6  }
0x20: {  	s22 =	simm.s32 $0x7;
	s3 =	simm.s32 $0x0;
	[dreg:$0x13] =	wrdreg s9  }
.LBB2_1:
0x21: {  	[dreg:$0x1a] =	wrdreg s3  }
0x22: {  	s0 =	rddreg [dreg:$0x6]  }
0x23: {  	s9 =	rddreg [dreg:$0x5];
	s8 =	sshrl.u32 s0, $0x3  }
0x24: {  	[dreg:$0x1b] =	wrdreg s8  }
0x25: {  	[spmem:s8], [sflag:s24] =	dma.local [hbm:s9], $0x2800  }
0x26: {  	_ =	swait.ge [sflag:s29], $0x2800  }
0x27: {  	[sflag:s29] =	ssyncset.done $0x0  }
0x28: {  	[sflag:s29] =	ssyncadd.s32 $0xFFFFD800  }
0x29: {  	[bflag:$0x0] =	sbarrier.arrive $0xFFFF  }
0x2a: {  	s11 =	rddreg [dreg:$0x8]  }
0x2b: {  	[tilespmem:s4], [sflag:$0x9] =	stream.linear.gather [hbm4b:s11+s4], $0x80, $0x38;
	[tilespmem:$0x1C400] =	vst v63  }
0x2c: {  	_ =	swait.ge [sflag:s29], $0x80  }
0x2d: {  	[sflag:s29] =	ssyncset.done $0x0  }
0x2e: {  	s3 =	simm.s32 $0x200;
	s12 =	rddreg [dreg:$0x9];
	[sflag:s29] =	ssyncadd.s32 $0xFFFFFF80  }
0x2f: {  	[tilespmem:s3], [sflag:$0x9] =	stream.linear.gather [hbm4b:s12+s4], $0x80, $0x38;
	[tilespmem:$0x1C400] =	vst v63  }
0x30: {  	_ =	swait.ge [sflag:s29], $0x80  }
0x31: {  	[sflag:s29] =	ssyncset.done $0x0  }
0x32: {  	s7 =	simm.s32 $0x400;
	[sflag:s29] =	ssyncadd.s32 $0xFFFFFF80  }
0x33: {  	[tilespmem:s7], [sflag:$0x1] =	stream.indirect.gather [hbm4b:s5+s31], $0x80, s4, s31, $0xb8;
	[tilespmem:$0x1C400] =	vst v63  }
0x34: {  	s8 =	simm.s32 $0x80;
	s13 =	rddreg [dreg:$0xa]  }
0x35: {  	[tilespmem:s8], [sflag:$0x9] =	stream.linear.gather [hbm4b:s13+s4], $0x80, $0x38;
	[tilespmem:$0x1C400] =	vst v63  }
0x36: {  	_ =	swait.ge [sflag:s29], $0x80  }
0x37: {  	[sflag:s29] =	ssyncset.done $0x0  }
0x38: {  	s11 =	simm.s32 $0x280;
	s15 =	rddreg [dreg:$0xb];
	[sflag:s29] =	ssyncadd.s32 $0xFFFFFF80  }
0x39: {  	[tilespmem:s11], [sflag:$0x9] =	stream.linear.gather [hbm4b:s15+s4], $0x80, $0x38;
	[tilespmem:$0x1C400] =	vst v63  }
0x3a: {  	_ =	swait.ge [sflag:s29], $0x80  }
0x3b: {  	[sflag:s29] =	ssyncset.done $0x0  }
0x3c: {  	s12 =	simm.s32 $0x2400;
	[sflag:s29] =	ssyncadd.s32 $0xFFFFFF80  }
0x3d: {  	[tilespmem:s12], [sflag:$0x2] =	stream.indirect.gather [hbm4b:s5+s31], $0x80, s8, s31, $0xb8;
	[tilespmem:$0x1C400] =	vst v63  }
0x3e: {  	_ =	swait.ge [sflag:s10], $0x2000  }
0x3f: {  	[sflag:s10] =	ssyncset.done $0x0  }
0x40: {  	[sflag:s10] =	ssyncadd.s32 $0xFFFFE000  }
0x41: {  	[spmem:s2] =	stream.indirect.scatter.add.f32 [tilespmem:s7], [sflag:$0x5], $0x80, s3, s31, $0xb8;
	[tilespmem:$0x1C400] =	vst v63  }
0x42: {  	s13 =	simm.s32 $0x100;
	s24 =	rddreg [dreg:$0xc]  }
0x43: {  	[tilespmem:s13], [sflag:$0x9] =	stream.linear.gather [hbm4b:s24+s4], $0x80, $0x38;
	[tilespmem:$0x1C400] =	vst v63  }
0x44: {  	_ =	swait.ge [sflag:s29], $0x80  }
0x45: {  	[sflag:s29] =	ssyncset.done $0x0  }
0x46: {  	s15 =	simm.s32 $0x300;
	s25 =	rddreg [dreg:$0xd];
	[sflag:s29] =	ssyncadd.s32 $0xFFFFFF80  }
0x47: {  	[tilespmem:s15], [sflag:$0x9] =	stream.linear.gather [hbm4b:s25+s4], $0x80, $0x38;
	[tilespmem:$0x1C400] =	vst v63  }
0x48: {  	_ =	swait.ge [sflag:s29], $0x80  }
0x49: {  	[sflag:s29] =	ssyncset.done $0x0  }
0x4a: {  	s24 =	simm.s32 $0x4400;
	[sflag:s29] =	ssyncadd.s32 $0xFFFFFF80  }
0x4b: {  	[tilespmem:s24], [sflag:$0x3] =	stream.indirect.gather [hbm4b:s5+s31], $0x80, s13, s31, $0xb8;
	[tilespmem:$0x1C400] =	vst v63  }
0x4c: {  	_ =	swait.ge [sflag:s14], $0x2000  }
0x4d: {  	[sflag:s14] =	ssyncset.done $0x0  }
0x4e: {  	[sflag:s14] =	ssyncadd.s32 $0xFFFFE000  }
0x4f: {  	[spmem:s2] =	stream.indirect.scatter.add.f32 [tilespmem:s12], [sflag:$0x6], $0x80, s11, s31, $0xb8;
	[tilespmem:$0x1C400] =	vst v63  }
0x50: {  	s30 =	simm.s32 $0x180;
	s26 =	rddreg [dreg:$0xe]  }
0x51: {  	[tilespmem:s30], [sflag:$0x9] =	stream.linear.gather [hbm4b:s26+s4], $0x80, $0x38;
	[tilespmem:$0x1C400] =	vst v63  }
0x52: {  	_ =	swait.ge [sflag:s29], $0x80  }
0x53: {  	[sflag:s29] =	ssyncset.done $0x0  }
0x54: {  	s28 =	rddreg [dreg:$0xf];
	[sflag:s29] =	ssyncadd.s32 $0xFFFFFF80  }
0x55: {  	[tilespmem:s16], [sflag:$0x9] =	stream.linear.gather [hbm4b:s28+s4], $0x80, $0x38;
	[tilespmem:$0x1C400] =	vst v63  }
0x56: {  	_ =	swait.ge [sflag:s29], $0x80  }
0x57: {  	[sflag:s29] =	ssyncset.done $0x0  }
0x58: {  	[sflag:s29] =	ssyncadd.s32 $0xFFFFFF80  }
0x59: {  	[tilespmem:s17], [sflag:$0x4] =	stream.indirect.gather [hbm4b:s5+s31], $0x80, s30, s31, $0xb8;
	[tilespmem:$0x1C400] =	vst v63  }
0x5a: {  	_ =	swait.ge [sflag:s18], $0x2000  }
0x5b: {  	[sflag:s18] =	ssyncset.done $0x0  }
0x5c: {  	[sflag:s18] =	ssyncadd.s32 $0xFFFFE000  }
0x5d: {  	[spmem:s2] =	stream.indirect.scatter.add.f32 [tilespmem:s24], [sflag:$0x7], $0x80, s15, s31, $0xb8;
	[tilespmem:$0x1C400] =	vst v63  }
0x5e: {  	_ =	swait.ge [sflag:s19], $0x2000  }
0x5f: {  	[sflag:s19] =	ssyncset.done $0x0  }
0x60: {  	s9 =	rddreg [dreg:$0x10];
	[sflag:s19] =	ssyncadd.s32 $0xFFFFE000  }
0x61: {  	[tilespmem:s4], [sflag:$0x9] =	stream.linear.gather [hbm4b:s9+s4], $0x80, $0x38;
	[tilespmem:$0x1C400] =	vst v63  }
0x62: {  	_ =	swait.ge [sflag:s29], $0x80  }
0x63: {  	[sflag:s29] =	ssyncset.done $0x0  }
0x64: {  	s25 =	rddreg [dreg:$0x11];
	[sflag:s29] =	ssyncadd.s32 $0xFFFFFF80  }
0x65: {  	[tilespmem:s3], [sflag:$0x9] =	stream.linear.gather [hbm4b:s25+s4], $0x80, $0x38;
	[tilespmem:$0x1C400] =	vst v63  }
0x66: {  	_ =	swait.ge [sflag:s29], $0x80  }
0x67: {  	[sflag:s29] =	ssyncset.done $0x0  }
0x68: {  	[sflag:s29] =	ssyncadd.s32 $0xFFFFFF80  }
0x69: {  	[tilespmem:s7], [sflag:$0x1] =	stream.indirect.gather [hbm4b:s5+s31], $0x80, s4, s31, $0xb8;
	[tilespmem:$0x1C400] =	vst v63  }
0x6a: {  	_ =	swait.ge [sflag:s20], $0x2000  }
0x6b: {  	[sflag:s20] =	ssyncset.done $0x0  }
0x6c: {  	[sflag:s20] =	ssyncadd.s32 $0xFFFFE000  }
0x6d: {  	[spmem:s2] =	stream.indirect.scatter.add.f32 [tilespmem:s17], [sflag:$0x8], $0x80, s16, s31, $0xb8;
	[tilespmem:$0x1C400] =	vst v63  }
0x6e: {  	_ =	swait.ge [sflag:s21], $0x2000  }
0x6f: {  	[sflag:s21] =	ssyncset.done $0x0  }
0x70: {  	s26 =	rddreg [dreg:$0x12];
	[sflag:s21] =	ssyncadd.s32 $0xFFFFE000  }
0x71: {  	[tilespmem:s8], [sflag:$0x9] =	stream.linear.gather [hbm4b:s26+s4], $0x80, $0x38;
	[tilespmem:$0x1C400] =	vst v63  }
0x72: {  	_ =	swait.ge [sflag:s29], $0x80  }
0x73: {  	[sflag:s29] =	ssyncset.done $0x0  }
0x74: {  	s28 =	rddreg [dreg:$0x13];
	[sflag:s29] =	ssyncadd.s32 $0xFFFFFF80  }
0x75: {  	[tilespmem:s11], [sflag:$0x9] =	stream.linear.gather [hbm4b:s28+s4], $0x80, $0x38;
	[tilespmem:$0x1C400] =	vst v63  }
0x76: {  	_ =	swait.ge [sflag:s29], $0x80  }
0x77: {  	[sflag:s29] =	ssyncset.done $0x0  }
0x78: {  	[sflag:s29] =	ssyncadd.s32 $0xFFFFFF80  }
0x79: {  	[tilespmem:s12], [sflag:$0x2] =	stream.indirect.gather [hbm4b:s5+s31], $0x80, s8, s31, $0xb8;
	[tilespmem:$0x1C400] =	vst v63  }
0x7a: {  	_ =	swait.ge [sflag:s10], $0x2000  }
0x7b: {  	[sflag:s10] =	ssyncset.done $0x0  }
0x7c: {  	[sflag:s10] =	ssyncadd.s32 $0xFFFFE000  }
0x7d: {  	[spmem:s2] =	stream.indirect.scatter.add.f32 [tilespmem:s7], [sflag:$0x5], $0x80, s3, s31, $0xb8;
	[tilespmem:$0x1C400] =	vst v63  }
0x7e: {  	_ =	swait.ge [sflag:s22], $0x2000  }
0x7f: {  	s9 =	rddreg [dreg:$0x4]  }
0x80: {  	s9 =	sadd.s32 $0x90, s9  }
0x81: {  	s28 =	simm.s32 $0x40;
	s26 =	sadd.s32 $0xFFFFFFB0, s9  }
0x82: {  	s28 =	sand.u32 $0x40, s28;
	s26 =	sand.u32 $0xFFFFF80, s26  }
0x83: {  	s26 =	sor.u32 s26, s28  }
0x84: {  	[sflag:s22] =	ssyncset.done $0x0;
	s28 =	sor.u32 $0x20, s26  }
0x85: {  	[sflag:s22] =	ssyncadd.s32 $0xFFFFE000;
	s25 =	sadd.s32 s1, s28  }
0x86: {  	[tilespmem:s13], [sflag:$0x9] =	stream.linear.gather [hbm4b:s25+s4], $0x80, $0x38;
	[tilespmem:$0x1C400] =	vst v63  }
0x87: {  	_ =	swait.ge [sflag:s29], $0x80  }
0x88: {  	[sflag:s29] =	ssyncset.done $0x0  }
0x89: {  	s0 =	sadd.s32 s6, s28;
	[sflag:s29] =	ssyncadd.s32 $0xFFFFFF80  }
0x8a: {  	[tilespmem:s15], [sflag:$0x9] =	stream.linear.gather [hbm4b:s0+s4], $0x80, $0x38;
	[tilespmem:$0x1C400] =	vst v63  }
0x8b: {  	_ =	swait.ge [sflag:s29], $0x80  }
0x8c: {  	[sflag:s29] =	ssyncset.done $0x0  }
0x8d: {  	[sflag:s29] =	ssyncadd.s32 $0xFFFFFF80  }
0x8e: {  	[tilespmem:s24], [sflag:$0x3] =	stream.indirect.gather [hbm4b:s5+s31], $0x80, s13, s31, $0xb8;
	[tilespmem:$0x1C400] =	vst v63  }
0x8f: {  	_ =	swait.ge [sflag:s14], $0x2000  }
0x90: {  	[sflag:s14] =	ssyncset.done $0x0  }
0x91: {  	[sflag:s14] =	ssyncadd.s32 $0xFFFFE000  }
0x92: {  	[spmem:s2] =	stream.indirect.scatter.add.f32 [tilespmem:s12], [sflag:$0x6], $0x80, s11, s31, $0xb8;
	[tilespmem:$0x1C400] =	vst v63  }
0x93: {  	_ =	swait.ge [sflag:s23], $0x2000  }
0x94: {  	s12 =	sor.u32 $0x30, s26;
	[sflag:s23] =	ssyncset.done $0x0  }
0x95: {  	s26 =	sadd.s32 s1, s12;
	[sflag:s23] =	ssyncadd.s32 $0xFFFFE000  }
0x96: {  	[tilespmem:s30], [sflag:$0x9] =	stream.linear.gather [hbm4b:s26+s4], $0x80, $0x38;
	[tilespmem:$0x1C400] =	vst v63  }
0x97: {  	_ =	swait.ge [sflag:s29], $0x80  }
0x98: {  	[sflag:s29] =	ssyncset.done $0x0  }
0x99: {  	s25 =	sadd.s32 s6, s12;
	[sflag:s29] =	ssyncadd.s32 $0xFFFFFF80  }
0x9a: {  	[tilespmem:s16], [sflag:$0x9] =	stream.linear.gather [hbm4b:s25+s4], $0x80, $0x38;
	[tilespmem:$0x1C400] =	vst v63  }
0x9b: {  	_ =	swait.ge [sflag:s29], $0x80  }
0x9c: {  	[sflag:s29] =	ssyncset.done $0x0  }
0x9d: {  	[sflag:s29] =	ssyncadd.s32 $0xFFFFFF80  }
0x9e: {  	[tilespmem:s17], [sflag:$0x4] =	stream.indirect.gather [hbm4b:s5+s31], $0x80, s30, s31, $0xb8;
	[tilespmem:$0x1C400] =	vst v63  }
0x9f: {  	_ =	swait.ge [sflag:s18], $0x2000  }
0xa0: {  	[sflag:s18] =	ssyncset.done $0x0  }
0xa1: {  	s28 =	sadd.s32 $0xFFFFFFF0, s9;
	s13 =	simm.s32 $0x80;
	[sflag:s18] =	ssyncadd.s32 $0xFFFFE000  }
0xa2: {  	[spmem:s2] =	stream.indirect.scatter.add.f32 [tilespmem:s24], [sflag:$0x7], $0x80, s15, s31, $0xb8;
	[tilespmem:$0x1C400] =	vst v63  }
0xa3: {  	s26 =	sand.u32 $0xFFFFF80, s28;
	s25 =	sand.u32 $0x40, s13;
	_ =	swait.ge [sflag:s19], $0x2000  }
0xa4: {  	s25 =	sor.u32 s25, s26;
	[sflag:s19] =	ssyncset.done $0x0  }
0xa5: {  	s26 =	sadd.s32 s1, s25;
	[sflag:s19] =	ssyncadd.s32 $0xFFFFE000  }
0xa6: {  	[tilespmem:s4], [sflag:$0x9] =	stream.linear.gather [hbm4b:s26+s4], $0x80, $0x38;
	[tilespmem:$0x1C400] =	vst v63  }
0xa7: {  	_ =	swait.ge [sflag:s29], $0x80  }
0xa8: {  	[sflag:s29] =	ssyncset.done $0x0  }
0xa9: {  	s25 =	sadd.s32 s6, s25;
	[sflag:s29] =	ssyncadd.s32 $0xFFFFFF80  }
0xaa: {  	[tilespmem:s3], [sflag:$0x9] =	stream.linear.gather [hbm4b:s25+s4], $0x80, $0x38;
	[tilespmem:$0x1C400] =	vst v63  }
0xab: {  	_ =	swait.ge [sflag:s29], $0x80  }
0xac: {  	[sflag:s29] =	ssyncset.done $0x0  }
0xad: {  	[sflag:s29] =	ssyncadd.s32 $0xFFFFFF80  }
0xae: {  	[tilespmem:s7], [sflag:$0x1] =	stream.indirect.gather [hbm4b:s5+s31], $0x80, s4, s31, $0xb8;
	[tilespmem:$0x1C400] =	vst v63  }
0xaf: {  	_ =	swait.ge [sflag:s20], $0x2000  }
0xb0: {  	[sflag:s20] =	ssyncset.done $0x0  }
0xb1: {  	s30 =	simm.s32 $0x90;
	[sflag:s20] =	ssyncadd.s32 $0xFFFFE000  }
0xb2: {  	[spmem:s2] =	stream.indirect.scatter.add.f32 [tilespmem:s17], [sflag:$0x8], $0x80, s16, s31, $0xb8;
	[tilespmem:$0x1C400] =	vst v63  }
0xb3: {  	s9 =	sand.u32 $0xFFFFF80, s9;
	s25 =	sand.u32 $0x50, s30;
	_ =	swait.ge [sflag:s21], $0x2000  }
0xb4: {  	s9 =	sor.u32 s25, s9;
	[sflag:s21] =	ssyncset.done $0x0  }
0xb5: {  	s25 =	sadd.s32 s1, s9;
	[sflag:s21] =	ssyncadd.s32 $0xFFFFE000  }
0xb6: {  	[tilespmem:s8], [sflag:$0x9] =	stream.linear.gather [hbm4b:s25+s4], $0x80, $0x38;
	[tilespmem:$0x1C400] =	vst v63  }
0xb7: {  	_ =	swait.ge [sflag:s29], $0x80  }
0xb8: {  	[sflag:s29] =	ssyncset.done $0x0  }
0xb9: {  	s9 =	sadd.s32 s6, s9;
	[sflag:s29] =	ssyncadd.s32 $0xFFFFFF80  }
0xba: {  	[tilespmem:s11], [sflag:$0x9] =	stream.linear.gather [hbm4b:s9+s4], $0x80, $0x38;
	[tilespmem:$0x1C400] =	vst v63  }
0xbb: {  	_ =	swait.ge [sflag:s29], $0x80  }
0xbc: {  	[sflag:s29] =	ssyncset.done $0x0  }
0xbd: {  	s26 =	simm.s32 $0xD0;
	[sflag:s29] =	ssyncadd.s32 $0xFFFFFF80  }
.LBB2_2:
0xbe: {  	s12 =	simm.s32 $0x80;
	s13 =	simm.s32 $0x2400  }
0xbf: {  	[tilespmem:s13], [sflag:$0x2] =	stream.indirect.gather [hbm4b:s5+s31], $0x80, s12, s31, $0xb8;
	[tilespmem:$0x1C400] =	vst v63  }
0xc0: {  	_ =	swait.ge [sflag:s10], $0x2000  }
0xc1: {  	[sflag:s10] =	ssyncset.done $0x0  }
0xc2: {  	s8 =	simm.s32 $0x200;
	s11 =	simm.s32 $0x400;
	[sflag:s10] =	ssyncadd.s32 $0xFFFFE000  }
0xc3: {  	[spmem:s2] =	stream.indirect.scatter.add.f32 [tilespmem:s11], [sflag:$0x5], $0x80, s8, s31, $0xb8;
	[tilespmem:$0x1C400] =	vst v63  }
0xc4: {  	_ =	swait.ge [sflag:s22], $0x2000  }
0xc5: {  	s9 =	smov.u32 s26;
	s25 =	rddreg [dreg:$0x4]  }
0xc6: {  	s28 =	sadd.s32 $0xFFFFFFF0, s9;
	s25 =	sadd.s32 s9, s25  }
0xc7: {  	s24 =	sand.u32 $0x50, s9;
	s9 =	sadd.s32 $0xFFFFFFB0, s9;
	s30 =	sadd.s32 $0xFFFFFFB0, s25  }
0xc8: {  	s9 =	sand.u32 $0x40, s9;
	s30 =	sand.u32 $0xFFFFF80, s30  }
0xc9: {  	s9 =	sor.u32 s30, s9  }
0xca: {  	[sflag:s22] =	ssyncset.done $0x0;
	s30 =	sor.u32 $0x20, s9  }
0xcb: {  	s15 =	simm.s32 $0x100;
	[sflag:s22] =	ssyncadd.s32 $0xFFFFE000;
	s7 =	sadd.s32 s1, s30  }
0xcc: {  	[tilespmem:s15], [sflag:$0x9] =	stream.linear.gather [hbm4b:s7+s4], $0x80, $0x38;
	[tilespmem:$0x1C400] =	vst v63  }
0xcd: {  	_ =	swait.ge [sflag:s29], $0x80  }
0xce: {  	s28 =	sand.u32 $0x40, s28;
	s0 =	sadd.s32 $0xFFFFFFF0, s25;
	[sflag:s29] =	ssyncset.done $0x0  }
0xcf: {  	s30 =	sadd.s32 s6, s30;
	s7 =	simm.s32 $0x300;
	[sflag:s29] =	ssyncadd.s32 $0xFFFFFF80  }
0xd0: {  	[tilespmem:s7], [sflag:$0x9] =	stream.linear.gather [hbm4b:s30+s4], $0x80, $0x38;
	[tilespmem:$0x1C400] =	vst v63  }
0xd1: {  	s25 =	sand.u32 $0xFFFFF80, s25;
	s0 =	sand.u32 $0xFFFFF80, s0;
	_ =	swait.ge [sflag:s29], $0x80  }
0xd2: {  	s3 =	sor.u32 $0x30, s9;
	s9 =	sor.u32 s28, s0;
	[sflag:s29] =	ssyncset.done $0x0  }
0xd3: {  	s28 =	sor.u32 s24, s25;
	s25 =	simm.s32 $0x4400;
	[sflag:s29] =	ssyncadd.s32 $0xFFFFFF80  }
0xd4: {  	[tilespmem:s25], [sflag:$0x3] =	stream.indirect.gather [hbm4b:s5+s31], $0x80, s15, s31, $0xb8;
	[tilespmem:$0x1C400] =	vst v63  }
0xd5: {  	_ =	swait.ge [sflag:s14], $0x2000  }
0xd6: {  	[sflag:s14] =	ssyncset.done $0x0  }
0xd7: {  	s24 =	simm.s32 $0x280;
	[sflag:s14] =	ssyncadd.s32 $0xFFFFE000  }
0xd8: {  	[spmem:s2] =	stream.indirect.scatter.add.f32 [tilespmem:s13], [sflag:$0x6], $0x80, s24, s31, $0xb8;
	[tilespmem:$0x1C400] =	vst v63  }
0xd9: {  	_ =	swait.ge [sflag:s23], $0x2000  }
0xda: {  	[sflag:s23] =	ssyncset.done $0x0  }
0xdb: {  	s30 =	simm.s32 $0x180;
	s15 =	sadd.s32 s1, s3;
	[sflag:s23] =	ssyncadd.s32 $0xFFFFE000  }
0xdc: {  	[tilespmem:s30], [sflag:$0x9] =	stream.linear.gather [hbm4b:s15+s4], $0x80, $0x38;
	[tilespmem:$0x1C400] =	vst v63  }
0xdd: {  	_ =	swait.ge [sflag:s29], $0x80  }
0xde: {  	[sflag:s29] =	ssyncset.done $0x0  }
0xdf: {  	s3 =	sadd.s32 s6, s3;
	[sflag:s29] =	ssyncadd.s32 $0xFFFFFF80  }
0xe0: {  	[tilespmem:s16], [sflag:$0x9] =	stream.linear.gather [hbm4b:s3+s4], $0x80, $0x38;
	[tilespmem:$0x1C400] =	vst v63  }
0xe1: {  	_ =	swait.ge [sflag:s29], $0x80  }
0xe2: {  	[sflag:s29] =	ssyncset.done $0x0  }
0xe3: {  	[sflag:s29] =	ssyncadd.s32 $0xFFFFFF80  }
0xe4: {  	[tilespmem:s17], [sflag:$0x4] =	stream.indirect.gather [hbm4b:s5+s31], $0x80, s30, s31, $0xb8;
	[tilespmem:$0x1C400] =	vst v63  }
0xe5: {  	_ =	swait.ge [sflag:s18], $0x2000  }
0xe6: {  	[sflag:s18] =	ssyncset.done $0x0  }
0xe7: {  	[sflag:s18] =	ssyncadd.s32 $0xFFFFE000  }
0xe8: {  	[spmem:s2] =	stream.indirect.scatter.add.f32 [tilespmem:s25], [sflag:$0x7], $0x80, s7, s31, $0xb8;
	[tilespmem:$0x1C400] =	vst v63  }
0xe9: {  	_ =	swait.ge [sflag:s19], $0x2000  }
0xea: {  	[sflag:s19] =	ssyncset.done $0x0  }
0xeb: {  	s13 =	sadd.s32 s1, s9;
	[sflag:s19] =	ssyncadd.s32 $0xFFFFE000  }
0xec: {  	[tilespmem:s4], [sflag:$0x9] =	stream.linear.gather [hbm4b:s13+s4], $0x80, $0x38;
	[tilespmem:$0x1C400] =	vst v63  }
0xed: {  	_ =	swait.ge [sflag:s29], $0x80  }
0xee: {  	[sflag:s29] =	ssyncset.done $0x0  }
0xef: {  	s15 =	sadd.s32 s6, s9;
	[sflag:s29] =	ssyncadd.s32 $0xFFFFFF80  }
0xf0: {  	[tilespmem:s8], [sflag:$0x9] =	stream.linear.gather [hbm4b:s15+s4], $0x80, $0x38;
	[tilespmem:$0x1C400] =	vst v63  }
0xf1: {  	_ =	swait.ge [sflag:s29], $0x80  }
0xf2: {  	[sflag:s29] =	ssyncset.done $0x0  }
0xf3: {  	[sflag:s29] =	ssyncadd.s32 $0xFFFFFF80  }
0xf4: {  	[tilespmem:s11], [sflag:$0x1] =	stream.indirect.gather [hbm4b:s5+s31], $0x80, s4, s31, $0xb8;
	[tilespmem:$0x1C400] =	vst v63  }
0xf5: {  	_ =	swait.ge [sflag:s20], $0x2000  }
0xf6: {  	[sflag:s20] =	ssyncset.done $0x0  }
0xf7: {  	[sflag:s20] =	ssyncadd.s32 $0xFFFFE000  }
0xf8: {  	[spmem:s2] =	stream.indirect.scatter.add.f32 [tilespmem:s17], [sflag:$0x8], $0x80, s16, s31, $0xb8;
	[tilespmem:$0x1C400] =	vst v63  }
0xf9: {  	_ =	swait.ge [sflag:s21], $0x2000  }
0xfa: {  	[sflag:s21] =	ssyncset.done $0x0  }
0xfb: {  	s25 =	sadd.s32 s1, s28;
	[sflag:s21] =	ssyncadd.s32 $0xFFFFE000  }
0xfc: {  	[tilespmem:s12], [sflag:$0x9] =	stream.linear.gather [hbm4b:s25+s4], $0x80, $0x38;
	[tilespmem:$0x1C400] =	vst v63  }
0xfd: {  	_ =	swait.ge [sflag:s29], $0x80  }
0xfe: {  	p0 =	sne.s32 s26, $0x9D0;
	[sflag:s29] =	ssyncset.done $0x0  }
.Ltmp0:
0xff: {  	s30 =	sadd.s32 s6, s28;
	[sflag:s29] =	ssyncadd.s32 $0xFFFFFF80;
	(pc) =	sbr.rel @p0 .LBB2_2-.Ltmp0, $4  }
0x100: {  	[tilespmem:s24], [sflag:$0x9] =	stream.linear.gather [hbm4b:s30+s4], $0x80, $0x38;
	[tilespmem:$0x1C400] =	vst v63  }
0x101: {  	s26 =	sadd.s32 $0x40, s26;
	_ =	swait.ge [sflag:s29], $0x80  }
0x102: {  	s9 =	simm.s32 $0x280;
	s3 =	simm.s32 $0x200;
	[sflag:s29] =	ssyncset.done $0x0  }
0x103: {  	s7 =	simm.s32 $0x400;
	s8 =	simm.s32 $0x80;
	[sflag:s29] =	ssyncadd.s32 $0xFFFFFF80  }
0x104: {  	s11 =	simm.s32 $0x2400  }
0x105: {  	[tilespmem:s11], [sflag:$0x2] =	stream.indirect.gather [hbm4b:s5+s31], $0x80, s8, s31, $0xb8;
	[tilespmem:$0x1C400] =	vst v63  }
0x106: {  	_ =	swait.ge [sflag:s10], $0x2000  }
0x107: {  	[sflag:s10] =	ssyncset.done $0x0  }
0x108: {  	[sflag:s10] =	ssyncadd.s32 $0xFFFFE000  }
0x109: {  	[spmem:s2] =	stream.indirect.scatter.add.f32 [tilespmem:s7], [sflag:$0x5], $0x80, s3, s31, $0xb8;
	[tilespmem:$0x1C400] =	vst v63  }
0x10a: {  	_ =	swait.ge [sflag:s22], $0x2000  }
0x10b: {  	[sflag:s22] =	ssyncset.done $0x0  }
0x10c: {  	s30 =	simm.s32 $0x100;
	s0 =	rddreg [dreg:$0x14];
	[sflag:s22] =	ssyncadd.s32 $0xFFFFE000  }
0x10d: {  	[tilespmem:s30], [sflag:$0x9] =	stream.linear.gather [hbm4b:s0+s4], $0x80, $0x38;
	[tilespmem:$0x1C400] =	vst v63  }
0x10e: {  	_ =	swait.ge [sflag:s29], $0x80  }
0x10f: {  	[sflag:s29] =	ssyncset.done $0x0  }
0x110: {  	s8 =	simm.s32 $0x300;
	s7 =	rddreg [dreg:$0x15];
	[sflag:s29] =	ssyncadd.s32 $0xFFFFFF80  }
0x111: {  	[tilespmem:s8], [sflag:$0x9] =	stream.linear.gather [hbm4b:s7+s4], $0x80, $0x38;
	[tilespmem:$0x1C400] =	vst v63  }
0x112: {  	_ =	swait.ge [sflag:s29], $0x80  }
0x113: {  	[sflag:s29] =	ssyncset.done $0x0  }
0x114: {  	s12 =	simm.s32 $0x4400;
	[sflag:s29] =	ssyncadd.s32 $0xFFFFFF80  }
0x115: {  	[tilespmem:s12], [sflag:$0x3] =	stream.indirect.gather [hbm4b:s5+s31], $0x80, s30, s31, $0xb8;
	[tilespmem:$0x1C400] =	vst v63  }
0x116: {  	_ =	swait.ge [sflag:s14], $0x2000  }
0x117: {  	[sflag:s14] =	ssyncset.done $0x0  }
0x118: {  	[sflag:s14] =	ssyncadd.s32 $0xFFFFE000  }
0x119: {  	[spmem:s2] =	stream.indirect.scatter.add.f32 [tilespmem:s11], [sflag:$0x6], $0x80, s9, s31, $0xb8;
	[tilespmem:$0x1C400] =	vst v63  }
0x11a: {  	_ =	swait.ge [sflag:s23], $0x2000  }
0x11b: {  	[sflag:s23] =	ssyncset.done $0x0  }
0x11c: {  	s15 =	simm.s32 $0x180;
	s13 =	rddreg [dreg:$0x16];
	[sflag:s23] =	ssyncadd.s32 $0xFFFFE000  }
0x11d: {  	[tilespmem:s15], [sflag:$0x9] =	stream.linear.gather [hbm4b:s13+s4], $0x80, $0x38;
	[tilespmem:$0x1C400] =	vst v63  }
0x11e: {  	_ =	swait.ge [sflag:s29], $0x80  }
0x11f: {  	[sflag:s29] =	ssyncset.done $0x0  }
0x120: {  	s24 =	rddreg [dreg:$0x17];
	[sflag:s29] =	ssyncadd.s32 $0xFFFFFF80  }
0x121: {  	[tilespmem:s16], [sflag:$0x9] =	stream.linear.gather [hbm4b:s24+s4], $0x80, $0x38;
	[tilespmem:$0x1C400] =	vst v63  }
0x122: {  	_ =	swait.ge [sflag:s29], $0x80  }
0x123: {  	[sflag:s29] =	ssyncset.done $0x0  }
0x124: {  	[sflag:s29] =	ssyncadd.s32 $0xFFFFFF80  }
0x125: {  	[tilespmem:s17], [sflag:$0x4] =	stream.indirect.gather [hbm4b:s5+s31], $0x80, s15, s31, $0xb8;
	[tilespmem:$0x1C400] =	vst v63  }
0x126: {  	_ =	swait.ge [sflag:s18], $0x2000  }
0x127: {  	[sflag:s18] =	ssyncset.done $0x0  }
0x128: {  	[sflag:s18] =	ssyncadd.s32 $0xFFFFE000  }
0x129: {  	[spmem:s2] =	stream.indirect.scatter.add.f32 [tilespmem:s12], [sflag:$0x7], $0x80, s8, s31, $0xb8;
	[tilespmem:$0x1C400] =	vst v63  }
0x12a: {  	_ =	swait.ge [sflag:s19], $0x2000  }
0x12b: {  	[sflag:s19] =	ssyncset.done $0x0  }
0x12c: {  	[sflag:s19] =	ssyncadd.s32 $0xFFFFE000  }
0x12d: {  	_ =	swait.ge [sflag:s20], $0x2000  }
0x12e: {  	[sflag:s20] =	ssyncset.done $0x0  }
0x12f: {  	[sflag:s20] =	ssyncadd.s32 $0xFFFFE000  }
0x130: {  	[spmem:s2] =	stream.indirect.scatter.add.f32 [tilespmem:s17], [sflag:$0x8], $0x80, s16, s31, $0xb8;
	[tilespmem:$0x1C400] =	vst v63  }
0x131: {  	_ =	swait.ge [sflag:s21], $0x2000  }
0x132: {  	[sflag:s21] =	ssyncset.done $0x0  }
0x133: {  	[sflag:s21] =	ssyncadd.s32 $0xFFFFE000  }
0x134: {  	_ =	swait.ge [sflag:s22], $0x2000  }
0x135: {  	[sflag:s22] =	ssyncset.done $0x0  }
0x136: {  	[sflag:s22] =	ssyncadd.s32 $0xFFFFE000  }
0x137: {  	_ =	swait.ge [sflag:s23], $0x2000  }
0x138: {  	[sflag:s23] =	ssyncset.done $0x0  }
0x139: {  	[sflag:s23] =	ssyncadd.s32 $0xFFFFE000  }
0x13a: {  	[bflag:$0x0] =	sbarrier.arrive $0xFFFF  }
0x13b: {  	s24 =	rddreg [dreg:$0x7]  }
0x13c: {  	s25 =	rddreg [dreg:$0x18]  }
0x13d: {  	s26 =	rddreg [dreg:$0x1b]  }
0x13e: {  	[hbm:s25], [sflag:s24] =	dma.local [spmem:s26], $0x2800  }
0x13f: {  	_ =	swait.ge [sflag:s29], $0x2800  }
0x140: {  	s28 =	rddreg [dreg:$0x1a]  }
0x141: {  	s30 =	rddreg [dreg:$0x19];
	s3 =	sadd.s32 $0x1, s28  }
0x142: {  	p0 =	sne.s32 s3, s30  }
.Ltmp1:
0x143: {  	_ = 	snop;
	(pc) =	sbr.rel @p0 .LBB2_1-.Ltmp1, $3  }
0x144: {  	_ =	sdelay $0x1  }
0x145: {  	[sflag:s29] =	ssyncset.done $0x0  }
0x146: {  	[sflag:s29] =	ssyncadd.s32 $0xFFFFD800  }
0x147: {  	_ =	sfence.sel $0x180000  }
0x148: {  	[bflag:$0x0] =	sbarrier.arrive $0xFFFF  }
0x149: {  	_ =	strace $0x90000050  }
0x14a: {  	s0 =	stileid.u32;
	[bflag:$0x2] =	sbarrier.arrive $0xFFFF  }
0x14b: {  	p0 =	sne.s32 s0, $0x0;
	s0 =	rddreg [dreg:$0x3]  }
0x14c: {  	s0 =	sadd.s32 @!p0 $0x100000, s0  }
0x14d: {  	[sflag:s0] =	ssyncadd.tile.s32 @!p0 $0x1;
	_ =	shalt  }
.Lfunc_end2:
_tile_overlayer_lowered:
.L_overlay_start_2:
0x14e: {  	(tag) =	ssettag $0x2  }
0x14f: {  	s0 =	rddreg [dreg:$0x0];
	s2 =	stileid.u32  }
0x150: {  	s1 =	rddreg [dreg:$0x1];
	p0 =	sne.s32 s2, $0x0  }
0x151: {  	s3 =	rddreg [dreg:$0x2];
	[bflag:$0x3] =	sbarrier.arrive $0xFFFF;
	s2 =	simm.s32 @!p0 $0x1C09  }
0x152: {  	[timem:s3], [sflag:s2] =	dma.local @!p0 [hbm:s0], s1  }
0x153: {  	s0 =	simm.s32 @!p0 $0x9  }
0x154: {  	_ =	swait.ge @!p0 [sflag:s0], s1  }
0x155: {  	s1 =	ssub.s32 @!p0 $0x0, s1;
	[sflag:s0] =	ssyncset.done @!p0 $0x0  }
0x156: {  	[sflag:s0] =	ssyncadd.s32 @!p0 s1  }
0x157: {  	[bflag:$0x3] =	sbarrier.arrive $0xFFFF  }
0x158: {  	_ =	shalt  }

// kernel: kernel.7.cloned.1.call-start
scs
__scs_entry_jumppad:
0x0: {  	(pc) =	sbr.rel $0x88, $3  }
0x1: {  	(tag) =	ssettag $0x0;
	lr =	simm.s32 $0x1  }
0x2: {  	[smem:$0x3F92] =	sst lr;
	_ =	strace $0xD0000000  }
0x3: {  	_ = 	snop  }
0x4: {  	_ = 	snop  }
0x5: {  	_ = 	snop  }
0x6: {  	_ = 	snop  }
0x7: {  	_ = 	snop  }
__scs_overlays_trampoline_lowered:
0x8: {  	[smem:$0x3FA1] =	sst s0  }
0x9: {  	[smem:$0x3FA2] =	sst s1  }
0xa: {  	[smem:$0x3FA3] =	sst s2  }
0xb: {  	[smem:$0x3FA4] =	sst s3  }
0xc: {  	[smem:$0x3FA5] =	sst s4  }
0xd: {  	[smem:$0x3FA6] =	sst s5  }
0xe: {  	[smem:$0x3FA7] =	sst s6  }
0xf: {  	[smem:$0x3FA8] =	sst s7  }
0x10: {  	[smem:$0x3FA9] =	sst s8  }
0x11: {  	[smem:$0x3FAA] =	sst s9;
	s0 =	simm.s32 @!p0 $0x0  }
0x12: {  	s1 =	sld [smem:$0x3F90];
	s0 =	simm.s32 @p0 $0x1  }
0x13: {  	[smem:$0x3FAB] =	sst s0;
	s0 =	simm.s32 @!p1 $0x0  }
0x14: {  	s2 =	sld [smem:$0x3F8F];
	s0 =	simm.s32 @p1 $0x1  }
0x15: {  	[smem:$0x3FAC] =	sst s0;
	s0 =	simm.s32 @!p2 $0x0  }
0x16: {  	s3 =	sld [smem:$0x3FDB];
	s0 =	simm.s32 @p2 $0x1  }
0x17: {  	s4 =	simm.s32 $0x1BF5;
	[smem:$0x3FAE] =	sst s0  }
0x18: {  	s0 =	sld [smem:$0x3F91];
	_ =	swait.ge [sflag:s4], $0x0  }
0x19: {  	s7 =	sld [smem:$0x3F92]  }
0x1a: {  	s8 =	sadd.s32 $0xFFFFE003, lr  }
0x1b: {  	s9 =	sadd.s32 $0xFFFFFEF7, lr;
	s5 =	simm.s32 $0xFFFFFFFF;
	p2 =	slt.u32 s8, $0xFFFFF086  }
0x1c: {  	p1 =	slt.u32 s9, $0xF7A;
	s5 =	simm.s32 @!p2 $0x0  }
0x1d: {  	s5 =	simm.s32 @p1 $0x1;
	p0 =	seq.s32 s7, s2  }
0x1e: {  	s7 =	smul.u32 @!p0 $0xF7A, s2;
	p2 =	seq.s32 @!p0 s5, $0x0  }
0x1f: {  	s9 =	smul.u32 $0xF7A, s1;
	s8 =	simm.s32 @!p0 $0x1BF5;
	p2 =	por !p2, p0  }
0x20: {  	[sflag:s8] =	ssyncset.s32 @!p0 $0xFFFFF086;
	s6 =	sadd.s32 @!p0 s3, s7;
	s7 =	simm.s32 @!p0 $0x108  }
0x21: {  	s3 =	sadd.s32 s3, s9;
	s6 =	sadd.s32 @!p0 $0x88, s6;
	s7 =	simm.s32 @p2 $0x1082  }
0x22: {  	[simem:s7], [sflag:s8] =	dma.local @!p0 [hbm:s6], $0xF7A  }
0x23: {  	s9 =	sor.u32 $0xD0000000, s2;
	s6 =	simm.s32 $0x108;
	_ =	swait.ge @!p0 [sflag:s8], $0x0  }
0x24: {  	s3 =	sadd.s32 $0x88, s3;
	s6 =	simm.s32 @!p1 $0x1082;
	[sflag:s4] =	ssyncset.s32 $0xFFFFF086  }
0x25: {  	[simem:s6], [sflag:s4] =	dma.local [hbm:s3], $0xF7A  }
0x26: {  	[smem:$0x3F92] =	sst s1;
	(tag) =	ssettag s2;
	_ =	strace s9  }
0x27: {  	s1 =	sld [smem:$0x3FA2]  }
0x28: {  	s2 =	sld [smem:$0x3FA3]  }
0x29: {  	s4 =	sld [smem:$0x3FA5]  }
0x2a: {  	p0 =	seq.s32 s5, $0x0;
	s5 =	sld [smem:$0x3FA6]  }
0x2b: {  	s6 =	sld [smem:$0x3FA7]  }
0x2c: {  	s7 =	sld [smem:$0x3FA8]  }
0x2d: {  	s3 =	simm.s32 $0x108;
	s8 =	sld [smem:$0x3FA9]  }
0x2e: {  	s3 =	simm.s32 @!p0 $0x1082;
	s9 =	sld [smem:$0x3FAA]  }
0x2f: {  	lr =	sadd.s32 s0, s3;
	s0 =	sld [smem:$0x3FA1]  }
0x30: {  	s3 =	sld [smem:$0x3FA4]  }
0x31: {  	[smem:$0x3FAD] =	sst s10  }
0x32: {  	s10 =	sld [smem:$0x3FAB];
	_ =	sdelay $0x3  }
0x33: {  	p0 =	seq.s32 s10, $0x1;
	s10 =	sld [smem:$0x3FAD];
	_ =	sdelay $0x3  }
0x34: {  	[smem:$0x3FAD] =	sst s10  }
0x35: {  	s10 =	sld [smem:$0x3FAC];
	_ =	sdelay $0x3  }
0x36: {  	p1 =	seq.s32 s10, $0x1;
	s10 =	sld [smem:$0x3FAD];
	_ =	sdelay $0x3  }
0x37: {  	[smem:$0x3FAD] =	sst s10  }
0x38: {  	s10 =	sld [smem:$0x3FAE]  }
0x39: {  	_ = 	snop;
	(pc) =	sbr.ind lr, $3  }
0x3a: {  	_ = 	snop  }
0x3b: {  	_ = 	snop  }
0x3c: {  	p2 =	seq.s32 s10, $0x1;
	s10 =	sld [smem:$0x3FAD]  }
0x3d: {  	_ =	shalt  }
0x3e: {  	_ =	shalt  }
0x3f: {  	_ =	shalt  }
0x40: {  	_ =	shalt  }
0x41: {  	_ =	shalt  }
0x42: {  	_ =	shalt  }
0x43: {  	_ =	shalt  }
0x44: {  	_ =	shalt  }
0x45: {  	_ =	shalt  }
0x46: {  	_ =	shalt  }
0x47: {  	_ =	shalt  }
0x48: {  	_ =	shalt  }
0x49: {  	_ =	shalt  }
0x4a: {  	_ =	shalt  }
0x4b: {  	_ =	shalt  }
0x4c: {  	_ =	shalt  }
0x4d: {  	_ =	shalt  }
0x4e: {  	_ =	shalt  }
0x4f: {  	_ =	shalt  }
0x50: {  	_ =	shalt  }
0x51: {  	_ =	shalt  }
0x52: {  	_ =	shalt  }
0x53: {  	_ =	shalt  }
0x54: {  	_ =	shalt  }
0x55: {  	_ =	shalt  }
0x56: {  	_ =	shalt  }
0x57: {  	_ =	shalt  }
0x58: {  	_ =	shalt  }
0x59: {  	_ =	shalt  }
0x5a: {  	_ =	shalt  }
0x5b: {  	_ =	shalt  }
0x5c: {  	_ =	shalt  }
0x5d: {  	_ =	shalt  }
0x5e: {  	_ =	shalt  }
0x5f: {  	_ =	shalt  }
0x60: {  	_ =	shalt  }
0x61: {  	_ =	shalt  }
0x62: {  	_ =	shalt  }
0x63: {  	_ =	shalt  }
0x64: {  	_ =	shalt  }
0x65: {  	_ =	shalt  }
0x66: {  	_ =	shalt  }
0x67: {  	_ =	shalt  }
0x68: {  	_ =	shalt  }
0x69: {  	_ =	shalt  }
0x6a: {  	_ =	shalt  }
0x6b: {  	_ =	shalt  }
0x6c: {  	_ =	shalt  }
0x6d: {  	_ =	shalt  }
0x6e: {  	_ =	shalt  }
0x6f: {  	_ =	shalt  }
0x70: {  	_ =	shalt  }
0x71: {  	_ =	shalt  }
0x72: {  	_ =	shalt  }
0x73: {  	_ =	shalt  }
0x74: {  	_ =	shalt  }
0x75: {  	_ =	shalt  }
0x76: {  	_ =	shalt  }
0x77: {  	_ =	shalt  }
0x78: {  	_ =	shalt  }
0x79: {  	_ =	shalt  }
0x7a: {  	_ =	shalt  }
0x7b: {  	_ =	shalt  }
0x7c: {  	_ =	shalt  }
0x7d: {  	_ =	shalt  }
0x7e: {  	_ =	shalt  }
0x7f: {  	_ =	shalt  }
0x80: {  	_ =	shalt  }
0x81: {  	_ =	shalt  }
0x82: {  	_ =	shalt  }
0x83: {  	_ =	shalt  }
0x84: {  	_ =	shalt  }
0x85: {  	_ =	shalt  }
0x86: {  	_ =	shalt  }
0x87: {  	_ =	shalt  }
.Lfunc_end0:
.L_simem_size_0:
called_computation.1_lowered:
.L_overlay_start_0:
0x88: {  	s2 =	sld [smem:$0x3FD9]  }
0x89: {  	s3 =	sld [smem:$0x3FFE];
	_ =	sdelay $0x1  }
0x8a: {  	s1 =	srdreg.scid  }
0x8b: {  	s0 =	sand.u32 $0x1, s1  }
0x8c: {  	s17 =	sshll.u32 s0, $0xA;
	s2 =	sadd.s32 s3, s2  }
0x8d: {  	s2 =	sadd.s32 s2, s17  }
0x8e: {  	[smem:$0x3FB9] =	sst s2  }
0x8f: {  	_ = 	snop  }
0x90: {  	(tm) =	ssettm $0x1  }
0x91: {  	s18 =	sld [smem:$0x3FFB];
	_ =	sdelay $0x3  }
0x92: {  	_ =	strace s18  }
0x93: {  	s2 =	sld [smem:$0x3FFC];
	_ =	sdelay $0x3  }
0x94: {  	_ =	strace s2  }
0x95: {  	s2 =	sld [smem:$0x3FFD];
	_ =	sdelay $0x3  }
0x96: {  	_ =	strace s2  }
0x97: {  	_ =	strace $0x8FFFFFFF  }
0x98: {  	s19 =	sld [smem:$0x3FDB];
	_ =	sdelay $0x1  }
0x99: {  	s20 =	simm.s32 $_scs_section_size  }
0x9a: {  	s4 =	simm.s32 $_size__tile_overlayer_lowered;
	s5 =	simm.s32 $_tile_overlayer_lowered  }
0x9b: {  	s6 =	simm.s32 $0x1BFF;
	s21 =	sshll.u32 s5, $0x1;
	s3 =	sadd.s32 s20, s19  }
0x9c: {  	s22 =	simm.s32 $0x0;
	s4 =	sshll.u32 s4, $0x1;
	s5 =	sadd.s32 s21, s3  }
0x9d: {  	[timem:s22], [sflag:s6] =	dma.local [hbm:s5], s4  }
0x9e: {  	_ =	swait.ge [sflag:s6], s4  }
0x9f: {  	s4 =	ssub.s32 $0x0, s4;
	[sflag:s6] =	ssyncset.done $0x0  }
0xa0: {  	[sflag:s6] =	ssyncadd.s32 s4;
	_ =	sdelay $0x1  }
0xa1: {  	s23 =	simm.s32 $0x1B8B  }
0xa2: {  	_ =	swait.ge [sflag:s23], $0x1  }
0xa3: {  	[sflag:s23] =	ssyncset.done $0x0  }
0xa4: {  	[sflag:s23] =	ssyncadd.s32 $0xFFFFFFFF  }
0xa5: {  	s4 =	sld [smem:$0x0]  }
0xa6: {  	s5 =	sand.u32 $0xFFFFFFFE, s1  }
0xa7: {  	p0 =	sne.s32 s1, s5  }
0xa8: {  	s5 =	sshll.u32 @p0 s5, $0xE  }
0xa9: {  	s5 =	sadd.s32 @p0 $0x11B8D, s5;
	s6 =	sshll.u32 @p0 s4, $0x11  }
0xaa: {  	s5 =	sor.u32 @p0 s6, s5  }
0xab: {  	[sflag:s5] =	ssyncadd.remote.s32 @p0 $0x1;
	_ =	sdelay $0x1  }
0xac: {  	s5 =	simm.s32 @p0 $0x1B8D  }
0xad: {  	_ =	swait.eq @p0 [sflag:s5], $0x1  }
0xae: {  	[sflag:s5] =	ssyncadd.s32 @p0 $0xFFFFFFFF  }
0xaf: {  	s6 =	sshll.u32 @!p0 s1, $0xE  }
0xb0: {  	s6 =	sor.u32 @!p0 $0x4000, s6;
	s5 =	simm.s32 @!p0 $0x1B8D  }
0xb1: {  	s4 =	sshll.u32 @!p0 s4, $0x11;
	s6 =	sadd.s32 @!p0 $0x11B8D, s6;
	_ =	swait.eq @!p0 [sflag:s5], $0x1  }
0xb2: {  	s4 =	sor.u32 @!p0 s4, s6;
	[sflag:s5] =	ssyncadd.s32 @!p0 $0xFFFFFFFF  }
0xb3: {  	s25 =	simm.s32 $0x1B8E;
	s24 =	sld [smem:$0x3FFE];
	[sflag:s4] =	ssyncadd.remote.s32 @!p0 $0x1  }
0xb4: {  	s26 =	simm.s32 $execute0_lowered;
	[smem:$0x3FD2] =	sst s25  }
0xb5: {  	s5 =	sshll.u32 s26, $0x1;
	_ =	strace $0x8000004C;
	[dreg:$0x1] =	wrdreg $0xFFFFFFFF  }
0xb6: {  	s28 =	simm.s32 $_size_execute0_lowered;
	s3 =	sadd.s32 s3, s5;
	[dreg:$0x0] =	wrdreg $0x0  }
0xb7: {  	s5 =	sshll.u32 s28, $0x1;
	[dreg:$0x2] =	wrdreg s3  }
0xb8: {  	[dreg:$0x3] =	wrdreg s5  }
0xb9: {  	[dreg:$0x4] =	wrdreg $0xC0  }
0xba: {  	_ =	task [dreg:s22], $0x5FFFF  }
0xbb: {  	[dreg:$0x1] =	wrdreg $0xFFFFFFFF  }
0xbc: {  	[dreg:$0x0] =	wrdreg $0x60  }
0xbd: {  	[dreg:$0x2] =	wrdreg s24  }
0xbe: {  	[dreg:$0x3] =	wrdreg $0x40800  }
0xbf: {  	[dreg:$0x4] =	wrdreg $0xA  }
0xc0: {  	_ =	task.clear_ibuf [dreg:s22], $0x5FFFF;
	_ =	strace $0x9000004C  }
0xc1: {  	s29 =	simm.s32 $0xA;
	_ =	strace $0x8000004E  }
0xc2: {  	_ =	swait.ge [sflag:s29], $0x1  }
0xc3: {  	[sflag:s29] =	ssyncadd.s32 $0xFFFFFFFF  }
0xc4: {  	_ =	strace $0x9000004E  }
0xc5: {  	_ =	sfence  }
0xc6: {  	s30 =	sld [smem:$0x0];
	_ =	sdelay $0x2  }
0xc7: {  	s31 =	sshll.u32 s1, $0xD;
	s1 =	sshrl.u32 s1, $0x2  }
0xc8: {  	s4 =	sand.u32 $0x4000, s31;
	s1 =	sadd.s32 s1, s30  }
0xc9: {  	s0 =	sor.u32 s4, s0;
	s1 =	sshll.u32 s1, $0x11  }
0xca: {  	s0 =	sor.u32 s1, s0  }
0xcb: {  	s0 =	sadd.s32 $0x8F2B, s0  }
0xcc: {  	[sflag:s0] =	ssyncadd.remote.s32 $0x1  }
0xcd: {  	_ =	sfence.sel $0xFFFF  }
0xce: {  	[dreg:$0x0] =	wrdreg $0xFFFFFFFF;
	(pc) =	sbr.abs _section_cstart, $3  }
0xcf: {  	[dreg:$0x1] =	wrdreg $0xFFFFFFFF  }
0xd0: {  	_ =	task.clear_ibuf [dreg:s22], $0x2FFFF;
	_ =	strace $0x9FFFFFFF  }
0xd1: {  	(tm) =	ssettm $0x7FFFFFFF  }
tec
execute0_lowered:
.L_overlay_start_1:
0x0: {  	(tag) =	ssettag $0x1  }
0x1: {  	s6 =	rddreg [dreg:$0x0]  }
0x2: {  	s2 =	rddreg [dreg:$0x1];
	s3 =	srdreg.scid  }
0x3: {  	s0 =	rddreg [dreg:$0x2];
	s1 =	stileid.u32  }
0x4: {  	s16 =	simm.s32 $0x0;
	s7 =	sand.u32 $0x1, s3;
	s8 =	smul.u32 $0x50000, s1  }
0x5: {  	s3 =	simm.s32 $0x0;
	s5 =	sadd.s32 $0x631400, s6;
	s13 =	smul.u32 $0x1400, s1  }
0x6: {  	s31 =	sshll.u32 s1, $0x6;
	s4 =	sshll.u32 s7, $0x4;
	s12 =	smul.u32 $0x28000, s7  }
0x7: {  	[smem:$0x7FF] =	sst s3;
	s11 =	ssub.s32 $0x2, s7;
	s15 =	smul.u32 $0xA00, s7  }
0x8: {  	s4 =	sor.u32 s1, s4;
	_ =	strace $0x8000004D;
	s9 =	sadd.s32 s8, s6  }
0x9: {  	s29 =	sshrl.u32 s11, $0x1;
	s30 =	sshrl.u32 s8, $0x2;
	s10 =	smul.u32 $0x2800, s4  }
0xa: {  	s4 =	sadd.s32 $0x61D400, s6;
	s11 =	ssub.s32 s11, s29;
	s14 =	sadd.s32 s30, s2  }
0xb: {  	s9 =	sadd.s32 s12, s9;
	s12 =	simm.s32 $0x1;
	s8 =	smax.u32 s11, $0x1  }
0xc: {  	s9 =	sadd.s32 $0x683C00, s9;
	s11 =	sshrl.u32 s14, $0x3;
	s10 =	sadd.s32 s10, s6  }
0xd: {  	s14 =	simm.s32 $0x80;
	s6 =	sor.u32 $0x1C01, s31;
	s7 =	sadd.s32 $0x2C00, s10  }
0xe: {  	s10 =	sadd.s32 s15, s13;
	s13 =	simm.s32 $0x2080;
	s15 =	simm.s32 $0x40  }
.LBB2_1:
0xf: {  	[spmem:s11], [sflag:s6] =	dma.local [hbm:s5], $0x2800  }
0x10: {  	_ =	swait.ge [sflag:s12], $0x2800  }
0x11: {  	[sflag:s12] =	ssyncset.done $0x0  }
0x12: {  	[sflag:s12] =	ssyncadd.s32 $0xFFFFD800  }
0x13: {  	[tilespmem:s13], [sflag:$0x1] =	stream.linear.gather [hbm4b:s5+s3], $0x2000, $0x38;
	[tilespmem:$0x18080] =	vst v63  }
0x14: {  	_ =	swait.ge [sflag:s12], $0x2000  }
0x15: {  	[sflag:s12] =	ssyncset.done $0x0  }
0x16: {  	[sflag:s12] =	ssyncadd.s32 $0xFFFFE000  }
0x17: {  	s17 =	smov.u32 s9;
	s18 =	simm.s32 $0x0;
	[bflag:$0x0] =	sbarrier.arrive $0xFFFF  }
.LBB2_2:
0x18: {  	s19 =	sadd.s32 s18, s10;
	s20 =	sand.u32 $0x70, s18  }
0x19: {  	s19 =	sand.u32 $0xFFFFF80, s19;
	s20 =	sadd.s32 s4, s20  }
0x1a: {  	s19 =	sadd.s32 s19, s20  }
0x1b: {  	[tilespmem:s3], [sflag:$0x1] =	stream.linear.gather [hbm4b:s19+s3], $0x80, $0x38;
	[tilespmem:$0x18080] =	vst v63  }
0x1c: {  	_ =	swait.ge [sflag:s12], $0x80  }
0x1d: {  	[sflag:s12] =	ssyncset.done $0x0  }
0x1e: {  	[sflag:s12] =	ssyncadd.s32 $0xFFFFFF80  }
0x1f: {  	[tilespmem:s14], [sflag:$0x1] =	stream.linear.gather [hbm4b:s17+s3], $0x2000, $0x38;
	[tilespmem:$0x18080] =	vst v63  }
0x20: {  	_ =	swait.ge [sflag:s12], $0x2000  }
0x21: {  	[sflag:s12] =	ssyncset.done $0x0  }
0x22: {  	[sflag:s12] =	ssyncadd.s32 $0xFFFFE000  }
0x23: {  	v0 =	vld [tilespmem:$0x80]  }
0x24: {  	v1 =	vld [tilespmem:$0x90]  }
0x25: {  	v2 =	vld [tilespmem:$0x100]  }
0x26: {  	v3 =	vld [tilespmem:$0x110]  }
0x27: {  	v4 =	vld [tilespmem:$0x180]  }
0x28: {  	v53 =	vld [tilespmem:$0x190];
	[tilespmem:$0x2080] =	vst v0  }
0x29: {  	v54 =	vld [tilespmem:$0x200];
	[tilespmem:$0x2090] =	vst v1  }
0x2a: {  	v55 =	vld [tilespmem:$0x210];
	[tilespmem:$0x2100] =	vst v2  }
0x2b: {  	v56 =	vld [tilespmem:$0x280];
	[tilespmem:$0x2110] =	vst v3  }
0x2c: {  	v57 =	vld [tilespmem:$0x290];
	[tilespmem:$0x2180] =	vst v4  }
0x2d: {  	v58 =	vld [tilespmem:$0x300];
	[tilespmem:$0x2190] =	vst v53  }
0x2e: {  	v59 =	vld [tilespmem:$0x310];
	[tilespmem:$0x2200] =	vst v54  }
0x2f: {  	v60 =	vld [tilespmem:$0x380];
	[tilespmem:$0x2210] =	vst v55  }
0x30: {  	v61 =	vld [tilespmem:$0x390];
	[tilespmem:$0x2280] =	vst v56  }
0x31: {  	v62 =	vld [tilespmem:$0x400];
	[tilespmem:$0x2290] =	vst v57  }
0x32: {  	v63 =	vld [tilespmem:$0x410];
	[tilespmem:$0x2300] =	vst v58  }
0x33: {  	v8 =	vld [tilespmem:$0x480];
	[tilespmem:$0x2310] =	vst v59  }
0x34: {  	v9 =	vld [tilespmem:$0x490];
	[tilespmem:$0x2380] =	vst v60  }
0x35: {  	v10 =	vld [tilespmem:$0x500];
	[tilespmem:$0x2390] =	vst v61  }
0x36: {  	v11 =	vld [tilespmem:$0x510];
	[tilespmem:$0x2400] =	vst v62  }
0x37: {  	v12 =	vld [tilespmem:$0x580];
	[tilespmem:$0x2410] =	vst v63  }
0x38: {  	v13 =	vld [tilespmem:$0x590];
	[tilespmem:$0x2480] =	vst v8  }
0x39: {  	v14 =	vld [tilespmem:$0x600];
	[tilespmem:$0x2490] =	vst v9  }
0x3a: {  	v15 =	vld [tilespmem:$0x610];
	[tilespmem:$0x2500] =	vst v10  }
0x3b: {  	v16 =	vld [tilespmem:$0x680];
	[tilespmem:$0x2510] =	vst v11  }
0x3c: {  	v17 =	vld [tilespmem:$0x690];
	[tilespmem:$0x2580] =	vst v12  }
0x3d: {  	v18 =	vld [tilespmem:$0x700];
	[tilespmem:$0x2590] =	vst v13  }
0x3e: {  	v19 =	vld [tilespmem:$0x710];
	[tilespmem:$0x2600] =	vst v14  }
0x3f: {  	v20 =	vld [tilespmem:$0x780];
	[tilespmem:$0x2610] =	vst v15  }
0x40: {  	v21 =	vld [tilespmem:$0x790];
	[tilespmem:$0x2680] =	vst v16  }
0x41: {  	v22 =	vld [tilespmem:$0x800];
	[tilespmem:$0x2690] =	vst v17  }
0x42: {  	v23 =	vld [tilespmem:$0x810];
	[tilespmem:$0x2700] =	vst v18  }
0x43: {  	v24 =	vld [tilespmem:$0x880];
	[tilespmem:$0x2710] =	vst v19  }
0x44: {  	v25 =	vld [tilespmem:$0x890];
	[tilespmem:$0x2780] =	vst v20  }
0x45: {  	v26 =	vld [tilespmem:$0x900];
	[tilespmem:$0x2790] =	vst v21  }
0x46: {  	v27 =	vld [tilespmem:$0x910];
	[tilespmem:$0x2800] =	vst v22  }
0x47: {  	v28 =	vld [tilespmem:$0x980];
	[tilespmem:$0x2810] =	vst v23  }
0x48: {  	v29 =	vld [tilespmem:$0x990];
	[tilespmem:$0x2880] =	vst v24  }
0x49: {  	v30 =	vld [tilespmem:$0xA00];
	[tilespmem:$0x2890] =	vst v25  }
0x4a: {  	v31 =	vld [tilespmem:$0xA10];
	[tilespmem:$0x2900] =	vst v26  }
0x4b: {  	v32 =	vld [tilespmem:$0xA80];
	[tilespmem:$0x2910] =	vst v27  }
0x4c: {  	v33 =	vld [tilespmem:$0xA90];
	[tilespmem:$0x2980] =	vst v28  }
0x4d: {  	v34 =	vld [tilespmem:$0xB00];
	[tilespmem:$0x2990] =	vst v29  }
0x4e: {  	v35 =	vld [tilespmem:$0xB10];
	[tilespmem:$0x2A00] =	vst v30  }
0x4f: {  	v36 =	vld [tilespmem:$0xB80];
	[tilespmem:$0x2A10] =	vst v31  }
0x50: {  	v37 =	vld [tilespmem:$0xB90];
	[tilespmem:$0x2A80] =	vst v32  }
0x51: {  	v38 =	vld [tilespmem:$0xC00];
	[tilespmem:$0x2A90] =	vst v33  }
0x52: {  	v39 =	vld [tilespmem:$0xC10];
	[tilespmem:$0x2B00] =	vst v34  }
0x53: {  	v40 =	vld [tilespmem:$0xC80];
	[tilespmem:$0x2B10] =	vst v35  }
0x54: {  	v41 =	vld [tilespmem:$0xC90];
	[tilespmem:$0x2B80] =	vst v36  }
0x55: {  	v42 =	vld [tilespmem:$0xD00];
	[tilespmem:$0x2B90] =	vst v37  }
0x56: {  	v43 =	vld [tilespmem:$0xD10];
	[tilespmem:$0x2C00] =	vst v38  }
0x57: {  	v44 =	vld [tilespmem:$0xD80];
	[tilespmem:$0x2C10] =	vst v39  }
0x58: {  	v45 =	vld [tilespmem:$0xD90];
	[tilespmem:$0x2C80] =	vst v40  }
0x59: {  	v46 =	vld [tilespmem:$0xE00];
	[tilespmem:$0x2C90] =	vst v41  }
0x5a: {  	v47 =	vld [tilespmem:$0xE10];
	[tilespmem:$0x2D00] =	vst v42  }
0x5b: {  	v48 =	vld [tilespmem:$0xE80];
	[tilespmem:$0x2D10] =	vst v43  }
0x5c: {  	v49 =	vld [tilespmem:$0xE90];
	[tilespmem:$0x2D80] =	vst v44  }
0x5d: {  	v50 =	vld [tilespmem:$0xF00];
	[tilespmem:$0x2D90] =	vst v45  }
0x5e: {  	v51 =	vld [tilespmem:$0xF10];
	[tilespmem:$0x2E00] =	vst v46  }
0x5f: {  	v52 =	vld [tilespmem:$0xF80];
	[tilespmem:$0x2E10] =	vst v47  }
0x60: {  	[tilespmem:$0x2E80] =	vst v48;
	v53 =	vld [tilespmem:$0xF90]  }
0x61: {  	[tilespmem:$0x2E90] =	vst v49;
	v54 =	vld [tilespmem:$0x1000]  }
0x62: {  	[tilespmem:$0x2F00] =	vst v50;
	v55 =	vld [tilespmem:$0x1010]  }
0x63: {  	[tilespmem:$0x2F10] =	vst v51;
	v56 =	vld [tilespmem:$0x1080]  }
0x64: {  	[tilespmem:$0x2F80] =	vst v52;
	v57 =	vld [tilespmem:$0x1090]  }
0x65: {  	v58 =	vld [tilespmem:$0x1100];
	[tilespmem:$0x2F90] =	vst v53  }
0x66: {  	v59 =	vld [tilespmem:$0x1110];
	[tilespmem:$0x3000] =	vst v54  }
0x67: {  	v60 =	vld [tilespmem:$0x1180];
	[tilespmem:$0x3010] =	vst v55  }
0x68: {  	v61 =	vld [tilespmem:$0x1190];
	[tilespmem:$0x3080] =	vst v56  }
0x69: {  	v62 =	vld [tilespmem:$0x1200];
	[tilespmem:$0x3090] =	vst v57  }
0x6a: {  	v63 =	vld [tilespmem:$0x1210];
	[tilespmem:$0x3100] =	vst v58  }
0x6b: {  	v8 =	vld [tilespmem:$0x1280];
	[tilespmem:$0x3110] =	vst v59  }
0x6c: {  	v9 =	vld [tilespmem:$0x1290];
	[tilespmem:$0x3180] =	vst v60  }
0x6d: {  	v10 =	vld [tilespmem:$0x1300];
	[tilespmem:$0x3190] =	vst v61  }
0x6e: {  	v11 =	vld [tilespmem:$0x1310];
	[tilespmem:$0x3200] =	vst v62  }
0x6f: {  	v12 =	vld [tilespmem:$0x1380];
	[tilespmem:$0x3210] =	vst v63  }
0x70: {  	v13 =	vld [tilespmem:$0x1390];
	[tilespmem:$0x3280] =	vst v8  }
0x71: {  	v14 =	vld [tilespmem:$0x1400];
	[tilespmem:$0x3290] =	vst v9  }
0x72: {  	v15 =	vld [tilespmem:$0x1410];
	[tilespmem:$0x3300] =	vst v10  }
0x73: {  	v16 =	vld [tilespmem:$0x1480];
	[tilespmem:$0x3310] =	vst v11  }
0x74: {  	v17 =	vld [tilespmem:$0x1490];
	[tilespmem:$0x3380] =	vst v12  }
0x75: {  	v18 =	vld [tilespmem:$0x1500];
	[tilespmem:$0x3390] =	vst v13  }
0x76: {  	v19 =	vld [tilespmem:$0x1510];
	[tilespmem:$0x3400] =	vst v14  }
0x77: {  	v20 =	vld [tilespmem:$0x1580];
	[tilespmem:$0x3410] =	vst v15  }
0x78: {  	v21 =	vld [tilespmem:$0x1590];
	[tilespmem:$0x3480] =	vst v16  }
0x79: {  	v22 =	vld [tilespmem:$0x1600];
	[tilespmem:$0x3490] =	vst v17  }
0x7a: {  	v23 =	vld [tilespmem:$0x1610];
	[tilespmem:$0x3500] =	vst v18  }
0x7b: {  	v24 =	vld [tilespmem:$0x1680];
	[tilespmem:$0x3510] =	vst v19  }
0x7c: {  	v25 =	vld [tilespmem:$0x1690];
	[tilespmem:$0x3580] =	vst v20  }
0x7d: {  	v26 =	vld [tilespmem:$0x1700];
	[tilespmem:$0x3590] =	vst v21  }
0x7e: {  	v27 =	vld [tilespmem:$0x1710];
	[tilespmem:$0x3600] =	vst v22  }
0x7f: {  	v28 =	vld [tilespmem:$0x1780];
	[tilespmem:$0x3610] =	vst v23  }
0x80: {  	v29 =	vld [tilespmem:$0x1790];
	[tilespmem:$0x3680] =	vst v24  }
0x81: {  	v30 =	vld [tilespmem:$0x1800];
	[tilespmem:$0x3690] =	vst v25  }
0x82: {  	v31 =	vld [tilespmem:$0x1810];
	[tilespmem:$0x3700] =	vst v26  }
0x83: {  	v32 =	vld [tilespmem:$0x1880];
	[tilespmem:$0x3710] =	vst v27  }
0x84: {  	v33 =	vld [tilespmem:$0x1890];
	[tilespmem:$0x3780] =	vst v28  }
0x85: {  	v34 =	vld [tilespmem:$0x1900];
	[tilespmem:$0x3790] =	vst v29  }
0x86: {  	v35 =	vld [tilespmem:$0x1910];
	[tilespmem:$0x3800] =	vst v30  }
0x87: {  	v36 =	vld [tilespmem:$0x1980];
	[tilespmem:$0x3810] =	vst v31  }
0x88: {  	v37 =	vld [tilespmem:$0x1990];
	[tilespmem:$0x3880] =	vst v32  }
0x89: {  	v38 =	vld [tilespmem:$0x1A00];
	[tilespmem:$0x3890] =	vst v33  }
0x8a: {  	v39 =	vld [tilespmem:$0x1A10];
	[tilespmem:$0x3900] =	vst v34  }
0x8b: {  	v40 =	vld [tilespmem:$0x1A80];
	[tilespmem:$0x3910] =	vst v35  }
0x8c: {  	v41 =	vld [tilespmem:$0x1A90];
	[tilespmem:$0x3980] =	vst v36  }
0x8d: {  	v42 =	vld [tilespmem:$0x1B00];
	[tilespmem:$0x3990] =	vst v37  }
0x8e: {  	v43 =	vld [tilespmem:$0x1B10];
	[tilespmem:$0x3A00] =	vst v38  }
0x8f: {  	v44 =	vld [tilespmem:$0x1B80];
	[tilespmem:$0x3A10] =	vst v39  }
0x90: {  	v45 =	vld [tilespmem:$0x1B90];
	[tilespmem:$0x3A80] =	vst v40  }
0x91: {  	v46 =	vld [tilespmem:$0x1C00];
	[tilespmem:$0x3A90] =	vst v41  }
0x92: {  	v47 =	vld [tilespmem:$0x1C10];
	[tilespmem:$0x3B00] =	vst v42  }
0x93: {  	v48 =	vld [tilespmem:$0x1C80];
	[tilespmem:$0x3B10] =	vst v43  }
0x94: {  	v49 =	vld [tilespmem:$0x1C90];
	[tilespmem:$0x3B80] =	vst v44  }
0x95: {  	v50 =	vld [tilespmem:$0x1D00];
	[tilespmem:$0x3B90] =	vst v45  }
0x96: {  	v51 =	vld [tilespmem:$0x1D10];
	[tilespmem:$0x3C00] =	vst v46  }
0x97: {  	v52 =	vld [tilespmem:$0x1D80];
	[tilespmem:$0x3C10] =	vst v47  }
0x98: {  	[tilespmem:$0x3C80] =	vst v48;
	v53 =	vld [tilespmem:$0x1D90]  }
0x99: {  	[tilespmem:$0x3C90] =	vst v49;
	v54 =	vld [tilespmem:$0x1E00]  }
0x9a: {  	[tilespmem:$0x3D00] =	vst v50;
	v55 =	vld [tilespmem:$0x1E10]  }
0x9b: {  	[tilespmem:$0x3D10] =	vst v51;
	v56 =	vld [tilespmem:$0x1E80]  }
0x9c: {  	[tilespmem:$0x3D80] =	vst v52;
	v57 =	vld [tilespmem:$0x1E90]  }
0x9d: {  	v58 =	vld [tilespmem:$0x1F00];
	[tilespmem:$0x3D90] =	vst v53  }
0x9e: {  	v59 =	vld [tilespmem:$0x1F10];
	[tilespmem:$0x3E00] =	vst v54  }
0x9f: {  	v60 =	vld [tilespmem:$0x1F80];
	[tilespmem:$0x3E10] =	vst v55  }
0xa0: {  	v61 =	vld [tilespmem:$0x1F90];
	[tilespmem:$0x3E80] =	vst v56  }
0xa1: {  	v62 =	vld [tilespmem:$0x2000];
	[tilespmem:$0x3E90] =	vst v57  }
0xa2: {  	v63 =	vld [tilespmem:$0x2010];
	[tilespmem:$0x3F00] =	vst v58  }
0xa3: {  	[tilespmem:$0x3F10] =	vst v59  }
0xa4: {  	[tilespmem:$0x3F80] =	vst v60  }
0xa5: {  	[tilespmem:$0x3F90] =	vst v61  }
0xa6: {  	p0 =	sne.s32 s18, $0x9F0;
	[tilespmem:$0x4000] =	vst v62  }
.Ltmp0:
0xa7: {  	[tilespmem:$0x4010] =	vst v63;
	(pc) =	sbr.rel @p0 .LBB2_2-.Ltmp0, $4  }
0xa8: {  	[spmem:s2] =	stream.indirect.scatter.add.f32 [tilespmem:s13], [sflag:$0x1], $0x80, s3, s15, $0xb8;
	[tilespmem:$0x18080] =	vst v63  }
0xa9: {  	_ =	swait.ge [sflag:s12], $0x2000  }
0xaa: {  	[sflag:s12] =	ssyncset.done $0x0  }
0xab: {  	s18 =	sadd.s32 $0x10, s18;
	s17 =	sadd.s32 $0x400, s17;
	[sflag:s12] =	ssyncadd.s32 $0xFFFFE000  }
0xac: {  	s16 =	sadd.s32 $0x1, s16  }
0xad: {  	p0 =	sne.s32 s16, s8  }
.Ltmp1:
0xae: {  	[bflag:$0x0] =	sbarrier.arrive $0xFFFF;
	(pc) =	sbr.rel @p0 .LBB2_1-.Ltmp1, $4  }
0xaf: {  	[hbm:s7], [sflag:s6] =	dma.local [spmem:s11], $0x2800  }
0xb0: {  	_ =	swait.ge [sflag:s12], $0x2800  }
0xb1: {  	[sflag:s12] =	ssyncset.done $0x0  }
0xb2: {  	[sflag:s12] =	ssyncadd.s32 $0xFFFFD800  }
0xb3: {  	_ =	sfence.sel $0x180000  }
0xb4: {  	[bflag:$0x0] =	sbarrier.arrive $0xFFFF  }
0xb5: {  	p0 =	sne.s32 s1, $0x0;
	_ =	strace $0x9000004D  }
0xb6: {  	s0 =	sadd.s32 @!p0 $0x100000, s0;
	[bflag:$0x2] =	sbarrier.arrive $0xFFFF  }
0xb7: {  	[sflag:s0] =	ssyncadd.tile.s32 @!p0 $0x1;
	_ =	shalt  }
.Lfunc_end2:
_tile_overlayer_lowered:
.L_overlay_start_2:
0xb8: {  	(tag) =	ssettag $0x2  }
0xb9: {  	s0 =	rddreg [dreg:$0x0];
	s2 =	stileid.u32  }
0xba: {  	s1 =	rddreg [dreg:$0x1];
	p0 =	sne.s32 s2, $0x0  }
0xbb: {  	s3 =	rddreg [dreg:$0x2];
	[bflag:$0x3] =	sbarrier.arrive $0xFFFF;
	s2 =	simm.s32 @!p0 $0x1C01  }
0xbc: {  	[timem:s3], [sflag:s2] =	dma.local @!p0 [hbm:s0], s1  }
0xbd: {  	s0 =	simm.s32 @!p0 $0x1  }
0xbe: {  	_ =	swait.ge @!p0 [sflag:s0], s1  }
0xbf: {  	s1 =	ssub.s32 @!p0 $0x0, s1;
	[sflag:s0] =	ssyncset.done @!p0 $0x0  }
0xc0: {  	[sflag:s0] =	ssyncadd.s32 @!p0 s1  }
0xc1: {  	[bflag:$0x3] =	sbarrier.arrive $0xFFFF  }
0xc2: {  	_ =	shalt  }

// kernel: sparse-core-data-format-call.cloned.1.call-start
scs
called_computation_lowered:
.L_overlay_start_0:
0x0: {  	s1 =	sld [smem:$0x3FD9]  }
0x1: {  	s2 =	sld [smem:$0x3FFE];
	_ =	sdelay $0x1  }
0x2: {  	s3 =	srdreg.scid  }
0x3: {  	s0 =	sand.u32 $0x1, s3  }
0x4: {  	s17 =	sshll.u32 s0, $0xA;
	s1 =	sadd.s32 s2, s1  }
0x5: {  	s1 =	sadd.s32 s1, s17  }
0x6: {  	[smem:$0x3FB9] =	sst s1  }
0x7: {  	_ = 	snop  }
0x8: {  	(tm) =	ssettm $0x1  }
0x9: {  	s18 =	sld [smem:$0x3FFB];
	_ =	sdelay $0x3  }
0xa: {  	_ =	strace s18  }
0xb: {  	s1 =	sld [smem:$0x3FFC];
	_ =	sdelay $0x3  }
0xc: {  	_ =	strace s1  }
0xd: {  	s1 =	sld [smem:$0x3FFD];
	_ =	sdelay $0x3  }
0xe: {  	_ =	strace s1  }
0xf: {  	_ =	strace $0x8FFFFFFF  }
0x10: {  	s19 =	sld [smem:$0x3FDB];
	_ =	sdelay $0x1  }
0x11: {  	s20 =	simm.s32 $_scs_section_size  }
0x12: {  	s4 =	simm.s32 $_size__tile_overlayer_lowered;
	s5 =	simm.s32 $_tile_overlayer_lowered  }
0x13: {  	s23 =	simm.s32 $0x1BFF;
	s22 =	sshll.u32 s5, $0x1;
	s1 =	sadd.s32 s20, s19  }
0x14: {  	s6 =	simm.s32 $0x0;
	s21 =	sshll.u32 s4, $0x1;
	s4 =	sadd.s32 s22, s1  }
0x15: {  	[timem:s6], [sflag:s23] =	dma.local [hbm:s4], s21  }
0x16: {  	_ =	swait.ge [sflag:s23], s21  }
0x17: {  	s2 =	ssub.s32 $0x0, s21;
	[sflag:s23] =	ssyncset.done $0x0  }
0x18: {  	[sflag:s23] =	ssyncadd.s32 s2;
	_ =	sdelay $0x1  }
0x19: {  	s24 =	simm.s32 $0x1B8B  }
0x1a: {  	_ =	swait.ge [sflag:s24], $0x1  }
0x1b: {  	[sflag:s24] =	ssyncset.done $0x0  }
0x1c: {  	s26 =	simm.s32 $0x1B8E;
	s25 =	sld [smem:$0x3FFE];
	[sflag:s24] =	ssyncadd.s32 $0xFFFFFFFF  }
0x1d: {  	s27 =	simm.s32 $execute0_lowered;
	[smem:$0x3FD2] =	sst s26  }
0x1e: {  	s4 =	sshll.u32 s27, $0x1;
	_ =	strace $0x80000046;
	[dreg:$0x1] =	wrdreg $0xFFFFFFFF  }
0x1f: {  	s28 =	simm.s32 $_size_execute0_lowered;
	s1 =	sadd.s32 s1, s4;
	[dreg:$0x0] =	wrdreg $0x0  }
0x20: {  	s4 =	sshll.u32 s28, $0x1;
	[dreg:$0x2] =	wrdreg s1  }
0x21: {  	[dreg:$0x3] =	wrdreg s4  }
0x22: {  	[dreg:$0x4] =	wrdreg $0xC0  }
0x23: {  	_ =	task [dreg:s6], $0x5FFFF  }
0x24: {  	[dreg:$0x1] =	wrdreg $0xFFFFFFFF  }
0x25: {  	[dreg:$0x0] =	wrdreg $0x60  }
0x26: {  	[dreg:$0x2] =	wrdreg s25  }
0x27: {  	[dreg:$0x3] =	wrdreg $0xA  }
0x28: {  	_ =	task.clear_ibuf [dreg:s6], $0x4FFFF;
	_ =	strace $0x90000046  }
0x29: {  	s29 =	simm.s32 $0xA;
	_ =	strace $0x80000048  }
0x2a: {  	_ =	swait.ge [sflag:s29], $0x1  }
0x2b: {  	[sflag:s29] =	ssyncadd.s32 $0xFFFFFFFF  }
0x2c: {  	_ =	strace $0x90000048  }
0x2d: {  	_ =	sfence  }
0x2e: {  	s30 =	sld [smem:$0x0];
	_ =	sdelay $0x2  }
0x2f: {  	s31 =	sshll.u32 s3, $0xD;
	s3 =	sshrl.u32 s3, $0x2  }
0x30: {  	s2 =	sand.u32 $0x4000, s31;
	s1 =	sadd.s32 s3, s30  }
0x31: {  	s0 =	sor.u32 s2, s0;
	s1 =	sshll.u32 s1, $0x11  }
0x32: {  	s0 =	sor.u32 s1, s0  }
0x33: {  	s0 =	sadd.s32 $0x8F2B, s0  }
0x34: {  	[sflag:s0] =	ssyncadd.remote.s32 $0x1  }
0x35: {  	_ =	sfence.sel $0xFFFF  }
0x36: {  	[dreg:$0x0] =	wrdreg $0xFFFFFFFF;
	(pc) =	sbr.abs _section_cstart, $3  }
0x37: {  	[dreg:$0x1] =	wrdreg $0xFFFFFFFF  }
0x38: {  	_ =	task.clear_ibuf [dreg:s6], $0x2FFFF;
	_ =	strace $0x9FFFFFFF  }
0x39: {  	(tm) =	ssettm $0x7FFFFFFF  }
tec
execute0_lowered:
.L_overlay_start_1:
0x0: {  	(tag) =	ssettag $0x1  }
0x1: {  	s0 =	srdreg.scid  }
0x2: {  	s6 =	rddreg [dreg:$0x0];
	s7 =	simm.s32 $0x1;
	s1 =	sshll.u32 s0, $0x4  }
0x3: {  	s8 =	simm.s32 $0x2;
	s0 =	stileid.u32;
	s1 =	sand.u32 $0x10, s1  }
0x4: {  	s13 =	simm.s32 $0x0;
	s12 =	simm.s32 $0x0;
	s1 =	sor.u32 s0, s1  }
0x5: {  	s10 =	simm.s32 $0x0;
	s11 =	simm.s32 $0x0;
	s2 =	sshll.u32 s1, $0x9  }
0x6: {  	s3 =	sadd.s32 $0x2C00, s6;
	s6 =	sadd.s32 $0x13B400, s6;
	s5 =	ssub.s32 $0x4E200, s2  }
.Ltmp0:
0x7: {  	s1 =	rddreg [dreg:$0x1];
	s4 =	sand.u32 $0x3E00, s5;
	(pc) =	sbr.rel .LBB1_1-.Ltmp0, $4  }
0x8: {  	_ =	strace $0x80000047;
	s9 =	smov.u32 s2;
	p0 =	sne.s32 s4, $0x0  }
0x9: {  	s5 =	sshrl.u32 s5, $0xE;
	s4 =	simm.s32 $0x1;
	s7 =	simm.s32 @!p0 $0x0  }
0xa: {  	[sflag:s4] =	ssyncpa.u1 $0x0;
	p0 =	por $0x0, $0x0;
	s5 =	sadd.s32 s7, s5  }
0xb: {  	[sflag:s8] =	ssyncpa.u1 $0x0;
	s8 =	simm.s32 $0x80;
	s7 =	sadd.s32 $0x1, s5  }
.LBB1_4:
0xc: {  	_ = 	snop  }
0xd: {  	[tilespmem:s18+$0x2D60 ss:$0x21] =	vst.msk $0xffff, v7  }
0xe: {  	[tilespmem:s18+$0x2F70 ss:$0x21] =	vst.msk $0xffff, v6  }
0xf: {  	[tilespmem:s18+$0x3390 ss:$0x21] =	vst.msk $0xffff, v3  }
0x10: {  	s21 =	sor.u32 s24, s23;
	v31 =	vld.idx.msk [tilespmem:v0+s16+$0xC70 ss:$0x1], $0xffff;
	[tilespmem:s18+$0x35A0 ss:$0x21] =	vst.msk $0xffff, v1  }
0x11: {  	[tilespmem:s18+$0x37B0 ss:$0x21] =	vst.msk $0xffff, v2;
	v43 =	vld.idx.msk [tilespmem:v0+s21+$0x410 ss:$0x1], $0xffff  }
0x12: {  	[tilespmem:s18+$0x39C0 ss:$0x21] =	vst.msk $0xffff, v4;
	v44 =	vld.idx.msk [tilespmem:v0+s21+$0x420 ss:$0x1], $0xffff  }
0x13: {  	[tilespmem:s18+$0x3BD0 ss:$0x21] =	vst.msk $0xffff, v5;
	s22 =	sand.u32 $0x3200, s21;
	v45 =	vld.idx.msk [tilespmem:v0+s21+$0x430 ss:$0x1], $0xffff  }
0x14: {  	s20 =	sand.u32 $0x180, s20;
	s25 =	sshra.s32 s19, $0x2;
	[tilespmem:s18+$0x3DE0 ss:$0x21] =	vst.msk $0xffff, v8;
	v46 =	vld.idx.msk [tilespmem:v0+s21+$0x440 ss:$0x1], $0xffff;
	s15 =	sadd.s32 s22, s15  }
0x15: {  	v47 =	vld.idx.msk [tilespmem:v0+s21+$0x450 ss:$0x1], $0xffff;
	s24 =	sadd.s32 s20, s15;
	s15 =	sadd.s32 s25, s17;
	[tilespmem:s18+$0x3FF0 ss:$0x21] =	vst.msk $0xffff, v31  }
0x16: {  	v48 =	vld.idx.msk [tilespmem:v0+s21+$0x460 ss:$0x1], $0xffff;
	[tilespmem:s15+$0x1290 ss:$0x21] =	vst.msk $0xffff, v43  }
0x17: {  	v49 =	vld.idx.msk [tilespmem:v0+s21+$0x470 ss:$0x1], $0xffff;
	[tilespmem:s15+$0x14A0 ss:$0x21] =	vst.msk $0xffff, v44  }
0x18: {  	v50 =	vld.idx.msk [tilespmem:v0+s21+$0x810 ss:$0x1], $0xffff;
	[tilespmem:s15+$0x16B0 ss:$0x21] =	vst.msk $0xffff, v45  }
0x19: {  	v51 =	vld.idx.msk [tilespmem:v0+s21+$0x820 ss:$0x1], $0xffff;
	[tilespmem:s15+$0x18C0 ss:$0x21] =	vst.msk $0xffff, v46  }
0x1a: {  	v52 =	vld.idx.msk [tilespmem:v0+s21+$0x830 ss:$0x1], $0xffff;
	[tilespmem:s15+$0x1AD0 ss:$0x21] =	vst.msk $0xffff, v47  }
0x1b: {  	v53 =	vld.idx.msk [tilespmem:v0+s21+$0x840 ss:$0x1], $0xffff;
	[tilespmem:s15+$0x1CE0 ss:$0x21] =	vst.msk $0xffff, v48  }
0x1c: {  	v54 =	vld.idx.msk [tilespmem:v0+s21+$0x850 ss:$0x1], $0xffff;
	[tilespmem:s15+$0x1EF0 ss:$0x21] =	vst.msk $0xffff, v49  }
0x1d: {  	v55 =	vld.idx.msk [tilespmem:v0+s21+$0x860 ss:$0x1], $0xffff;
	[tilespmem:s15+$0x2310 ss:$0x21] =	vst.msk $0xffff, v50  }
0x1e: {  	v56 =	vld.idx.msk [tilespmem:v0+s21+$0x870 ss:$0x1], $0xffff;
	[tilespmem:s15+$0x2520 ss:$0x21] =	vst.msk $0xffff, v51  }
0x1f: {  	v57 =	vld.idx.msk [tilespmem:v0+s21+$0xC10 ss:$0x1], $0xffff;
	[tilespmem:s15+$0x2730 ss:$0x21] =	vst.msk $0xffff, v52  }
0x20: {  	v58 =	vld.idx.msk [tilespmem:v0+s21+$0xC20 ss:$0x1], $0xffff;
	[tilespmem:s15+$0x2940 ss:$0x21] =	vst.msk $0xffff, v53  }
0x21: {  	v59 =	vld.idx.msk [tilespmem:v0+s21+$0xC30 ss:$0x1], $0xffff;
	[tilespmem:s15+$0x2B50 ss:$0x21] =	vst.msk $0xffff, v54  }
0x22: {  	v60 =	vld.idx.msk [tilespmem:v0+s21+$0xC40 ss:$0x1], $0xffff;
	[tilespmem:s15+$0x2D60 ss:$0x21] =	vst.msk $0xffff, v55  }
0x23: {  	v61 =	vld.idx.msk [tilespmem:v0+s21+$0xC50 ss:$0x1], $0xffff;
	[tilespmem:s15+$0x2F70 ss:$0x21] =	vst.msk $0xffff, v56  }
0x24: {  	v62 =	vld.idx.msk [tilespmem:v0+s21+$0xC60 ss:$0x1], $0xffff;
	[tilespmem:s15+$0x3390 ss:$0x21] =	vst.msk $0xffff, v57  }
0x25: {  	v63 =	vld.idx.msk [tilespmem:v0+s21+$0xC70 ss:$0x1], $0xffff;
	[tilespmem:s15+$0x35A0 ss:$0x21] =	vst.msk $0xffff, v58  }
0x26: {  	v32 =	vld [tilespmem:s24+$0xC00];
	[tilespmem:s15+$0x37B0 ss:$0x21] =	vst.msk $0xffff, v59  }
0x27: {  	v33 =	vld [tilespmem:s24+$0x0];
	[tilespmem:s15+$0x39C0 ss:$0x21] =	vst.msk $0xffff, v60  }
0x28: {  	v34 =	vld [tilespmem:s24+$0x10];
	[tilespmem:s15+$0x3BD0 ss:$0x21] =	vst.msk $0xffff, v61  }
0x29: {  	s13 =	sshll.u32 s13, $0x7;
	s26 =	sshll.u32 s12, $0x3;
	v35 =	vld [tilespmem:s24+$0x20];
	[tilespmem:s15+$0x3DE0 ss:$0x21] =	vst.msk $0xffff, v62  }
0x2a: {  	s27 =	sand.u32 $0xFFFFFC00, s13;
	s16 =	sand.u32 $0xFFFFFC00, s26;
	v36 =	vld [tilespmem:s24+$0x30];
	[tilespmem:s15+$0x3FF0 ss:$0x21] =	vst.msk $0xffff, v63  }
0x2b: {  	s13 =	sand.u32 $0x380, s13;
	s16 =	sadd.s32 s16, s27;
	v37 =	vld [tilespmem:s24+$0x40];
	[tilespmem:s15+$0x3180 ss:$0x21] =	vst.msk $0xffff, v32  }
0x2c: {  	s13 =	sor.u32 s13, s16;
	v38 =	vld [tilespmem:s24+$0x50];
	[tilespmem:s15+$0x0 ss:$0x21] =	vst.msk $0xffff, v33  }
0x2d: {  	v39 =	vld [tilespmem:s24+$0x60];
	s13 =	sshrl.u32 s13, $0x7;
	[tilespmem:s15+$0x210 ss:$0x21] =	vst.msk $0xffff, v34  }
0x2e: {  	v40 =	vld [tilespmem:s24+$0x70];
	s28 =	smulhi.u32 $0x1A36E2F, s13;
	[tilespmem:s15+$0x420 ss:$0x21] =	vst.msk $0xffff, v35  }
0x2f: {  	v41 =	vld [tilespmem:s24+$0x400];
	[tilespmem:s15+$0x630 ss:$0x21] =	vst.msk $0xffff, v36  }
0x30: {  	v42 =	vld [tilespmem:s24+$0x800];
	s16 =	sshrl.u32 s28, $0xB;
	[tilespmem:s15+$0x840 ss:$0x21] =	vst.msk $0xffff, v37  }
0x31: {  	s16 =	smul.u32 $0x4E200, s16;
	[tilespmem:s15+$0xA50 ss:$0x21] =	vst.msk $0xffff, v38  }
0x32: {  	s29 =	sshrl.u32 s12, $0x3;
	[tilespmem:s15+$0xC60 ss:$0x21] =	vst.msk $0xffff, v39  }
0x33: {  	s31 =	sand.u32 $0x7, s12;
	s30 =	sand.u32 $0xF, s29;
	[tilespmem:s15+$0xE70 ss:$0x21] =	vst.msk $0xffff, v40;
	s13 =	ssub.s32 s13, s16  }
0x34: {  	s12 =	sshll.u32 s31, $0x12;
	[tilespmem:s15+$0x1080 ss:$0x21] =	vst.msk $0xffff, v41;
	s16 =	sadd.s32 s6, s30;
	s13 =	sshll.u32 s13, $0x4  }
0x35: {  	s12 =	sor.u32 $0x20, s12;
	[tilespmem:s15+$0x2100 ss:$0x21] =	vst.msk $0xffff, v42;
	s13 =	sadd.s32 s13, s16  }
0x36: {  	[hbm4b:s13+s12] =	stream.strided.scatter [tilespmem:s14], [sflag:$0x2], $0x4000, s8, s12, $0x10;
	[tilespmem:$0x10400] =	vst v63  }
.LBB1_5:
0x37: {  	s14 =	sadd.s32 $0x4000, s9  }
0x38: {  	s12 =	sadd.s32 $0x20, s10;
	s16 =	smov.u32 s10;
	p2 =	sgt.s32 s14, $0x4E1FF  }
0x39: {  	s16 =	smov.u32 @p2 s12  }
0x3a: {  	s14 =	smov.u32 @p2 s2;
	p2 =	sgt.s32 s16, $0x1F  }
0x3b: {  	s16 =	simm.s32 @p2 $0x0;
	p2 =	sne.s32 s11, s7  }
.Ltmp1:
0x3c: {  	p1 =	slt.u32 s11, $0x2;
	(pc) =	sbr.rel @!p2 .LBB1_6-.Ltmp1, $4  }
0x3d: {  	s15 =	simm.s32 @!p1 $0x2  }
0x3e: {  	s13 =	smov.u32 s9;
	p0 =	por !p0, !p0;
	_ =	swait.ge @!p1 [sflag:s15], $0x4000  }
0x3f: {  	s12 =	smov.u32 s10;
	[sflag:s15] =	ssyncset.done @!p1 $0x0;
	s9 =	smov.u32 s14  }
0x40: {  	s11 =	sadd.s32 $0x1, s11;
	[sflag:s15] =	ssyncadd.s32 @!p1 $0xFFFFC000;
	s10 =	smov.u32 s16  }
.LBB1_1:
0x41: {  	p1 =	sge.u32 s11, s5  }
0x42: {  	s14 =	sshrl.u32 @!p1 s10, $0x3  }
0x43: {  	s15 =	sshll.u32 @!p1 s9, $0x3;
	s14 =	smul.u32 @!p1 $0x271000, s14  }
0x44: {  	s16 =	sshll.u32 @!p1 s10, $0x7;
	s15 =	sand.u32 @!p1 $0xFFFFFC00, s15  }
0x45: {  	s14 =	sadd.s32 @!p1 s14, s15;
	s15 =	sand.u32 @!p1 $0x380, s16  }
0x46: {  	s16 =	sand.u32 @!p1 $0x7F, s9;
	s14 =	sor.u32 @!p1 s15, s14  }
0x47: {  	s15 =	sor.u32 @!p1 s16, s14  }
0x48: {  	s16 =	smulhi.u32 @!p1 $0xD1B71759, s15;
	_ =	sdelay $0x1  }
0x49: {  	s14 =	smulhi.u32 @!p1 $0xD1B71759, s14;
	s16 =	sshrl.u32 @!p1 s16, $0x12  }
0x4a: {  	s16 =	smul.u32 @!p1 $0x4E200, s16  }
0x4b: {  	s31 =	sadd.s32 $0xFFFFFFFF, s11;
	s17 =	sxor.u32 @!p1 $0xFFFFFFFF, s11;
	s14 =	sshrl.u32 @!p1 s14, $0x12  }
0x4c: {  	s17 =	sshll.u32 @!p1 s17, $0xE;
	s14 =	sand.u32 @!p1 $0x1F, s14;
	s15 =	ssub.s32 @!p1 s15, s16  }
0x4d: {  	s14 =	smul.u32 @!p1 $0x9C40, s14;
	s16 =	sshrl.u32 @!p1 s15, $0x3;
	s15 =	sand.u32 @!p1 $0x7, s15  }
0x4e: {  	s17 =	sand.u32 @!p1 $0x4000, s17;
	s16 =	sadd.s32 @!p1 s3, s16;
	s15 =	sshll.u32 @!p1 s15, $0x12  }
0x4f: {  	s14 =	sadd.s32 @!p1 s14, s16;
	s15 =	sor.u32 @!p1 $0x1000, s15;
	s16 =	simm.s32 @!p1 $0x271000  }
0x50: {  	[tilespmem:s17], [sflag:$0x1] =	stream.strided.gather @!p1 [hbm4b:s14+s15], $0x4000, s16, s15, $0x38;
	[tilespmem:$0x10400] =	vst v63  }
0x51: {  	p1 =	sge.u32 s31, s5  }
.Ltmp2:
0x52: {  	_ = 	snop;
	(pc) =	sbr.rel @p1 .LBB1_5-.Ltmp2, $1  }
0x53: {  	_ =	sdelay $0x3  }
0x54: {  	s17 =	simm.s32 $0x0  }
0x55: {  	s16 =	sand.u32 $0x3000, s17;
	s18 =	sand.u32 $0x380, s17  }
0x56: {  	s14 =	sand.u32 $0x1, s11;
	s16 =	sor.u32 s18, s16  }
0x57: {  	_ =	swait.ge [sflag:s4], $0x4000;
	s15 =	sshll.u32 s14, $0xE;
	s18 =	sand.u32 $0x3200, s16  }
0x58: {  	[sflag:s4] =	ssyncset.done $0x0;
	s17 =	sand.u32 $0x180, s17;
	s18 =	sadd.s32 s18, s15  }
0x59: {  	[sflag:s4] =	ssyncadd.s32 $0xFFFFC000;
	s20 =	sadd.s32 s17, s18  }
0x5a: {  	v4 =	vld [tilespmem:s20+$0xC00]  }
0x5b: {  	s19 =	simm.s32 $0x1;
	v0 =	vmov s15;
	v5 =	vld [tilespmem:s20+$0x0]  }
0x5c: {  	s19 =	simm.s32 @!p0 $0x0;
	v6 =	vld [tilespmem:s20+$0x10]  }
0x5d: {  	s31 =	smul.u32 $0x10800, s19;
	v7 =	vld [tilespmem:s20+$0x20]  }
0x5e: {  	v8 =	vld [tilespmem:s20+$0x30]  }
0x5f: {  	s17 =	sshrl.u32 s31, $0x2;
	v9 =	vld [tilespmem:s20+$0x40]  }
0x60: {  	s17 =	sor.u32 $0x8000, s17;
	v1 =	vld.idx.msk [tilespmem:v0+s16+$0x410 ss:$0x1], $0xffff  }
0x61: {  	v2 =	vld.idx.msk [tilespmem:v0+s16+$0x420 ss:$0x1], $0xffff;
	s18 =	sadd.s32 $0x0, s17  }
0x62: {  	v3 =	vld.idx.msk [tilespmem:v0+s16+$0x430 ss:$0x1], $0xffff;
	[tilespmem:s18+$0x3180 ss:$0x21] =	vst.msk $0xffff, v4  }
0x63: {  	v10 =	vld.idx.msk [tilespmem:v0+s16+$0x820 ss:$0x1], $0xffff;
	[tilespmem:s18+$0x0 ss:$0x21] =	vst.msk $0xffff, v5  }
0x64: {  	v11 =	vld.idx.msk [tilespmem:v0+s16+$0x830 ss:$0x1], $0xffff;
	[tilespmem:s18+$0x210 ss:$0x21] =	vst.msk $0xffff, v6  }
0x65: {  	v12 =	vld.idx.msk [tilespmem:v0+s16+$0x840 ss:$0x1], $0xffff;
	[tilespmem:s18+$0x420 ss:$0x21] =	vst.msk $0xffff, v7  }
0x66: {  	v13 =	vld.idx.msk [tilespmem:v0+s16+$0x850 ss:$0x1], $0xffff;
	[tilespmem:s18+$0x630 ss:$0x21] =	vst.msk $0xffff, v8  }
0x67: {  	v4 =	vld [tilespmem:s20+$0x50];
	[tilespmem:s18+$0x840 ss:$0x21] =	vst.msk $0xffff, v9  }
0x68: {  	v5 =	vld [tilespmem:s20+$0x60];
	[tilespmem:s18+$0x1290 ss:$0x21] =	vst.msk $0xffff, v1  }
0x69: {  	v6 =	vld [tilespmem:s20+$0x70];
	[tilespmem:s18+$0x14A0 ss:$0x21] =	vst.msk $0xffff, v2  }
0x6a: {  	v7 =	vld [tilespmem:s20+$0x400];
	[tilespmem:s18+$0x16B0 ss:$0x21] =	vst.msk $0xffff, v3  }
0x6b: {  	v8 =	vld [tilespmem:s20+$0x800];
	[tilespmem:s18+$0x2520 ss:$0x21] =	vst.msk $0xffff, v10  }
0x6c: {  	v9 =	vld.idx.msk [tilespmem:v0+s16+$0x470 ss:$0x1], $0xffff;
	[tilespmem:s18+$0x2730 ss:$0x21] =	vst.msk $0xffff, v11  }
0x6d: {  	v3 =	vld.idx.msk [tilespmem:v0+s16+$0xC10 ss:$0x1], $0xffff;
	[tilespmem:s18+$0x2940 ss:$0x21] =	vst.msk $0xffff, v12  }
0x6e: {  	v1 =	vld.idx.msk [tilespmem:v0+s16+$0xC20 ss:$0x1], $0xffff;
	[tilespmem:s18+$0x2B50 ss:$0x21] =	vst.msk $0xffff, v13  }
0x6f: {  	v2 =	vld.idx.msk [tilespmem:v0+s16+$0xC30 ss:$0x1], $0xffff;
	[tilespmem:s18+$0xA50 ss:$0x21] =	vst.msk $0xffff, v4  }
0x70: {  	[tilespmem:s18+$0xE70 ss:$0x21] =	vst.msk $0xffff, v6;
	v6 =	vld.idx.msk [tilespmem:v0+s16+$0x460 ss:$0x1], $0xffff  }
0x71: {  	v4 =	vld.idx.msk [tilespmem:v0+s16+$0x440 ss:$0x1], $0xffff;
	[tilespmem:s18+$0xC60 ss:$0x21] =	vst.msk $0xffff, v5  }
0x72: {  	v5 =	vld.idx.msk [tilespmem:v0+s16+$0x450 ss:$0x1], $0xffff;
	[tilespmem:s18+$0x1080 ss:$0x21] =	vst.msk $0xffff, v7  }
0x73: {  	[tilespmem:s18+$0x2100 ss:$0x21] =	vst.msk $0xffff, v8;
	v8 =	vld.idx.msk [tilespmem:v0+s16+$0x810 ss:$0x1], $0xffff  }
0x74: {  	v7 =	vld.idx.msk [tilespmem:v0+s16+$0x860 ss:$0x1], $0xffff;
	[tilespmem:s18+$0x1EF0 ss:$0x21] =	vst.msk $0xffff, v9  }
0x75: {  	s14 =	smul.u32 $0x10800, s14;
	[tilespmem:s18+$0x1CE0 ss:$0x21] =	vst.msk $0xffff, v6;
	v6 =	vld.idx.msk [tilespmem:v0+s16+$0x870 ss:$0x1], $0xffff  }
0x76: {  	s21 =	simm.s32 $0x200;
	s22 =	simm.s32 $0x8;
	[tilespmem:s18+$0x18C0 ss:$0x21] =	vst.msk $0xffff, v4;
	v4 =	vld.idx.msk [tilespmem:v0+s16+$0xC40 ss:$0x1], $0xffff  }
0x77: {  	s23 =	sand.u32 $0x3000, s21;
	s14 =	sshrl.u32 s14, $0x2;
	s20 =	simm.s32 $0x80;
	[tilespmem:s18+$0x1AD0 ss:$0x21] =	vst.msk $0xffff, v5;
	v5 =	vld.idx.msk [tilespmem:v0+s16+$0xC50 ss:$0x1], $0xffff  }
0x78: {  	s19 =	simm.s32 $0x4;
	s14 =	sor.u32 $0x8000, s14;
	s24 =	sand.u32 $0x380, s20;
	[tilespmem:s18+$0x2310 ss:$0x21] =	vst.msk $0xffff, v8;
	v8 =	vld.idx.msk [tilespmem:v0+s16+$0xC60 ss:$0x1], $0xffff  }
.LBB1_3:
0x79: {  	p1 =	sne.s32 s22, $0x7C;
	[tilespmem:s18+$0x2D60 ss:$0x21] =	vst.msk $0xffff, v7;
	v7 =	vld.idx.msk [tilespmem:v0+s16+$0xC70 ss:$0x1], $0xffff;
	s16 =	sor.u32 s24, s23  }
0x7a: {  	s23 =	sand.u32 $0x3200, s16;
	v9 =	vld.idx.msk [tilespmem:v0+s16+$0x410 ss:$0x1], $0xffff;
	[tilespmem:s18+$0x2F70 ss:$0x21] =	vst.msk $0xffff, v6  }
0x7b: {  	s24 =	sand.u32 $0x180, s20;
	s23 =	sadd.s32 s23, s15;
	v6 =	vld.idx.msk [tilespmem:v0+s16+$0x420 ss:$0x1], $0xffff;
	[tilespmem:s18+$0x3390 ss:$0x21] =	vst.msk $0xffff, v3  }
0x7c: {  	s23 =	sadd.s32 s24, s23;
	v3 =	vld.idx.msk [tilespmem:v0+s16+$0x430 ss:$0x1], $0xffff;
	[tilespmem:s18+$0x35A0 ss:$0x21] =	vst.msk $0xffff, v1  }
0x7d: {  	v1 =	vld [tilespmem:s23+$0xC00];
	[tilespmem:s18+$0x37B0 ss:$0x21] =	vst.msk $0xffff, v2  }
0x7e: {  	v2 =	vld [tilespmem:s23+$0x0];
	[tilespmem:s18+$0x39C0 ss:$0x21] =	vst.msk $0xffff, v4  }
0x7f: {  	v4 =	vld [tilespmem:s23+$0x10];
	[tilespmem:s18+$0x3BD0 ss:$0x21] =	vst.msk $0xffff, v5  }
0x80: {  	s24 =	sshra.s32 s19, $0x2;
	s19 =	smov.u32 s22;
	v5 =	vld [tilespmem:s23+$0x20];
	[tilespmem:s18+$0x3DE0 ss:$0x21] =	vst.msk $0xffff, v8  }
0x81: {  	v8 =	vld [tilespmem:s23+$0x30];
	[tilespmem:s18+$0x3FF0 ss:$0x21] =	vst.msk $0xffff, v7;
	s18 =	sadd.s32 s24, s17  }
0x82: {  	v7 =	vld [tilespmem:s23+$0x40];
	[tilespmem:s18+$0x3180 ss:$0x21] =	vst.msk $0xffff, v1  }
0x83: {  	[tilespmem:s18+$0x0 ss:$0x21] =	vst.msk $0xffff, v2;
	v1 =	vld [tilespmem:s23+$0x50]  }
0x84: {  	[tilespmem:s18+$0x210 ss:$0x21] =	vst.msk $0xffff, v4;
	v2 =	vld [tilespmem:s23+$0x60]  }
0x85: {  	[tilespmem:s18+$0x420 ss:$0x21] =	vst.msk $0xffff, v5;
	v4 =	vld [tilespmem:s23+$0x70]  }
0x86: {  	[tilespmem:s18+$0x630 ss:$0x21] =	vst.msk $0xffff, v8;
	v5 =	vld [tilespmem:s23+$0x400]  }
0x87: {  	[tilespmem:s18+$0x840 ss:$0x21] =	vst.msk $0xffff, v7;
	v7 =	vld [tilespmem:s23+$0x800]  }
0x88: {  	[tilespmem:s18+$0xA50 ss:$0x21] =	vst.msk $0xffff, v1;
	v1 =	vld.idx.msk [tilespmem:v0+s16+$0x440 ss:$0x1], $0xffff  }
0x89: {  	[tilespmem:s18+$0xC60 ss:$0x21] =	vst.msk $0xffff, v2;
	v2 =	vld.idx.msk [tilespmem:v0+s16+$0x450 ss:$0x1], $0xffff  }
0x8a: {  	[tilespmem:s18+$0xE70 ss:$0x21] =	vst.msk $0xffff, v4;
	v4 =	vld.idx.msk [tilespmem:v0+s16+$0x460 ss:$0x1], $0xffff  }
0x8b: {  	[tilespmem:s18+$0x1080 ss:$0x21] =	vst.msk $0xffff, v5;
	v5 =	vld.idx.msk [tilespmem:v0+s16+$0x470 ss:$0x1], $0xffff  }
0x8c: {  	[tilespmem:s18+$0x2100 ss:$0x21] =	vst.msk $0xffff, v7;
	v8 =	vld.idx.msk [tilespmem:v0+s16+$0x810 ss:$0x1], $0xffff  }
0x8d: {  	[tilespmem:s18+$0x1290 ss:$0x21] =	vst.msk $0xffff, v9;
	v9 =	vld.idx.msk [tilespmem:v0+s16+$0x820 ss:$0x1], $0xffff  }
0x8e: {  	[tilespmem:s18+$0x14A0 ss:$0x21] =	vst.msk $0xffff, v6;
	v10 =	vld.idx.msk [tilespmem:v0+s16+$0x830 ss:$0x1], $0xffff  }
0x8f: {  	[tilespmem:s18+$0x16B0 ss:$0x21] =	vst.msk $0xffff, v3;
	v11 =	vld.idx.msk [tilespmem:v0+s16+$0x840 ss:$0x1], $0xffff  }
0x90: {  	[tilespmem:s18+$0x18C0 ss:$0x21] =	vst.msk $0xffff, v1;
	v12 =	vld.idx.msk [tilespmem:v0+s16+$0x850 ss:$0x1], $0xffff  }
0x91: {  	[tilespmem:s18+$0x1AD0 ss:$0x21] =	vst.msk $0xffff, v2;
	v7 =	vld.idx.msk [tilespmem:v0+s16+$0x860 ss:$0x1], $0xffff  }
0x92: {  	[tilespmem:s18+$0x1CE0 ss:$0x21] =	vst.msk $0xffff, v4;
	v6 =	vld.idx.msk [tilespmem:v0+s16+$0x870 ss:$0x1], $0xffff  }
0x93: {  	[tilespmem:s18+$0x1EF0 ss:$0x21] =	vst.msk $0xffff, v5;
	v3 =	vld.idx.msk [tilespmem:v0+s16+$0xC10 ss:$0x1], $0xffff  }
.Ltmp3:
0x94: {  	[tilespmem:s18+$0x2310 ss:$0x21] =	vst.msk $0xffff, v8;
	v1 =	vld.idx.msk [tilespmem:v0+s16+$0xC20 ss:$0x1], $0xffff;
	(pc) =	sbr.rel @p1 .LBB1_3-.Ltmp3, $4  }
0x95: {  	[tilespmem:s18+$0x2520 ss:$0x21] =	vst.msk $0xffff, v9;
	v2 =	vld.idx.msk [tilespmem:v0+s16+$0xC30 ss:$0x1], $0xffff  }
0x96: {  	[tilespmem:s18+$0x2730 ss:$0x21] =	vst.msk $0xffff, v10;
	v4 =	vld.idx.msk [tilespmem:v0+s16+$0xC40 ss:$0x1], $0xffff  }
0x97: {  	s20 =	sadd.s32 $0x80, s20;
	s21 =	sadd.s32 $0x200, s21;
	[tilespmem:s18+$0x2940 ss:$0x21] =	vst.msk $0xffff, v11;
	v5 =	vld.idx.msk [tilespmem:v0+s16+$0xC50 ss:$0x1], $0xffff  }
0x98: {  	s22 =	sadd.s32 $0x4, s22;
	s24 =	sand.u32 $0x380, s20;
	s23 =	sand.u32 $0x3000, s21;
	[tilespmem:s18+$0x2B50 ss:$0x21] =	vst.msk $0xffff, v12;
	v8 =	vld.idx.msk [tilespmem:v0+s16+$0xC60 ss:$0x1], $0xffff  }
.Ltmp4:
0x99: {  	_ = 	snop;
	(pc) =	sbr.rel .LBB1_4-.Ltmp4, $1  }
0x9a: {  	_ =	sdelay $0x3  }
.LBB1_6:
0x9b: {  	_ =	sfence.sel $0x180000  }
0x9c: {  	s2 =	simm.s32 $0x1;
	[bflag:$0x0] =	sbarrier.arrive $0xFFFF  }
0x9d: {  	s31 =	simm.s32 $0x2;
	[sflag:s2] =	ssyncpa.u1 $0x1  }
0x9e: {  	[sflag:s31] =	ssyncpa.u1 $0x1  }
0x9f: {  	p0 =	sne.s32 s0, $0x0;
	_ =	strace $0x90000047  }
0xa0: {  	s0 =	sadd.s32 @!p0 $0x100000, s1;
	[bflag:$0x2] =	sbarrier.arrive $0xFFFF  }
0xa1: {  	[sflag:s0] =	ssyncadd.tile.s32 @!p0 $0x1;
	_ =	shalt  }
.Lfunc_end1:
_tile_overlayer_lowered:
.L_overlay_start_2:
0xa2: {  	(tag) =	ssettag $0x2  }
0xa3: {  	s0 =	rddreg [dreg:$0x0];
	s2 =	stileid.u32  }
0xa4: {  	s1 =	rddreg [dreg:$0x1];
	p0 =	sne.s32 s2, $0x0  }
0xa5: {  	s3 =	rddreg [dreg:$0x2];
	[bflag:$0x3] =	sbarrier.arrive $0xFFFF;
	s2 =	simm.s32 @!p0 $0x1C01  }
0xa6: {  	[timem:s3], [sflag:s2] =	dma.local @!p0 [hbm:s0], s1  }
0xa7: {  	s0 =	simm.s32 @!p0 $0x1  }
0xa8: {  	_ =	swait.ge @!p0 [sflag:s0], s1  }
0xa9: {  	s1 =	ssub.s32 @!p0 $0x0, s1;
	[sflag:s0] =	ssyncset.done @!p0 $0x0  }
0xaa: {  	[sflag:s0] =	ssyncadd.s32 @!p0 s1  }
0xab: {  	[bflag:$0x3] =	sbarrier.arrive $0xFFFF  }
0xac: {  	_ =	shalt  }

</sc_bundles>
